<compile_context>
chip_gen: v7x
topology: tpu7x:2x2x1
jax: 0.10.2.dev20260603
libtpu: 0.0.44.dev20260713+nightly
codegen_flags: <defaults>
</compile_context>

<pallas_src>
import functools

import jax
import jax.numpy as jnp
from jax import lax
from jax.experimental import pallas as pl
from jax.experimental.pallas import tpu as pltpu
from jax.experimental.pallas import tpu_sc as plsc

_B = 2
_L = 512
_H = 128
_NT = 4
_TR = 2 * _L
_JB = 128
_NW = 32


def _fuse_tables_body(pe_ref, w_ref, b_ref, out_ref):
    k = pl.program_id(0)
    acc = jnp.dot(pe_ref[...], w_ref[...], preferred_element_type=jnp.float32)
    out_ref[...] = acc + jnp.where(k == 0, b_ref[...], 0.0)


def _build_tables(pe_table, w, b):
    return pl.pallas_call(
        _fuse_tables_body,
        grid=(_NT,),
        in_specs=[
            pl.BlockSpec((_TR, _H), lambda k: (0, 0)),
            pl.BlockSpec((_H, _H), lambda k: (k, 0)),
            pl.BlockSpec((1, _H), lambda k: (0, 0)),
        ],
        out_specs=pl.BlockSpec((_TR, _H), lambda k: (k, 0)),
        out_shape=jax.ShapeDtypeStruct((_NT * _TR, _H), jnp.float32),
    )(pe_table, w, b.reshape(1, _H))


_JPB = _L // _JB
_STEPS = ((_B * _L) // _NW) * _JPB


def _sc_fuse(tcat, pos_sf, pos_ef, asp, esp, out,
             pos_sv, pos_ev, aspv, espv, ix0, ix1, g0, g1, ob0, ob1, tsh,
             gsem0, gsem1, osem0, osem1):
    wid = lax.axis_index("s") * 2 + lax.axis_index("c")

    @pl.when(lax.axis_index("s") == 0)
    def _stage():
        pltpu.sync_copy(tcat, tsh)

    rows_per_w = (_B * _L) // _NW
    r0 = wid * rows_per_w
    pltpu.sync_copy(pos_sf, pos_sv)
    pltpu.sync_copy(pos_ef, pos_ev)
    pltpu.sync_copy(asp.at[pl.ds(r0 * 16, rows_per_w * 16)], aspv)
    pltpu.sync_copy(esp.at[pl.ds(r0 * 16, rows_per_w * 16)], espv)
    plsc.subcore_barrier()

    def build_idx(s, ix):
        r = r0 + s // _JPB
        jb = s % _JPB
        col0 = (r // _L) * _L + jb * _JB
        a_s = aspv[pl.ds((r - r0) * 16, 16)]
        a_e = espv[pl.ds((r - r0) * 16, 16)]
        for t in range(_JB // 16):
            sl = pl.ds(t * 16, 16)
            c_s = pos_sv[pl.ds(col0 + t * 16, 16)]
            c_e = pos_ev[pl.ds(col0 + t * 16, 16)]
            ix[0, sl] = a_s - c_s + _L
            ix[1, sl] = a_s - c_e + (_TR + _L)
            ix[2, sl] = a_e - c_s + (2 * _TR + _L)
            ix[3, sl] = a_e - c_e + (3 * _TR + _L)

    def out_slice(s):
        r = r0 + s // _JPB
        jb = s % _JPB
        return out.at[pl.ds(r * _L + jb * _JB, _JB)]

    zeros16 = jnp.zeros((16,), jnp.float32)

    def zero_buf(g):
        def zrow(j4, _):
            for u in range(4):
                j = j4 * 4 + u
                for h in range(_H // 16):
                    g[j, pl.ds(h * 16, 16)] = zeros16
            return 0

        lax.fori_loop(0, _JB // 4, zrow, 0)

    def fire_gathers(ix, g, gsem):
        for k in range(_NT):
            pltpu.async_copy(tsh.at[ix.at[k]], g, gsem, add=True)

    def drain_gathers(ix, g, gsem):
        for _ in range(_NT):
            pltpu.make_async_copy(tsh.at[ix.at[0]], g, gsem).wait()

    zero_buf(g0)
    zero_buf(g1)
    build_idx(0, ix0)
    fire_gathers(ix0, g0, gsem0)

    def step(s, _):
        par = s % 2

        def run(ix, g, gsem, osem, ob, oth_ix, oth_g, oth_gsem):
            @pl.when(s + 1 < _STEPS)
            def _prefetch():
                build_idx(s + 1, oth_ix)
                fire_gathers(oth_ix, oth_g, oth_gsem)

            drain_gathers(ix, g, gsem)

            @pl.when(s >= 2)
            def _free():
                pltpu.make_async_copy(ob, out_slice(s - 2), osem).wait()

            def jrow(j4, _):
                for u in range(4):
                    j = j4 * 4 + u
                    for h in range(_H // 16):
                        sl = pl.ds(h * 16, 16)
                        ob[j, sl] = jnp.maximum(g[j, sl], 0.0)
                        g[j, sl] = zeros16
                return 0

            lax.fori_loop(0, _JB // 4, jrow, 0)
            pltpu.async_copy(ob, out_slice(s), osem)

        @pl.when(par == 0)
        def _even():
            run(ix0, g0, gsem0, osem0, ob0, ix1, g1, gsem1)

        @pl.when(par == 1)
        def _odd():
            run(ix1, g1, gsem1, osem1, ob1, ix0, g0, gsem0)

        return 0

    lax.fori_loop(0, _STEPS, step, 0)
    pltpu.make_async_copy(ob0, out_slice(_STEPS - 2), osem0).wait()
    pltpu.make_async_copy(ob1, out_slice(_STEPS - 1), osem1).wait()


_sc_call = pl.kernel(
    _sc_fuse,
    mesh=plsc.VectorSubcoreMesh(core_axis_name="c", subcore_axis_name="s"),
    out_type=jax.ShapeDtypeStruct((_B * _L * _L, _H), jnp.float32),
    scratch_types=[
        pltpu.VMEM((_B * _L,), jnp.int32),
        pltpu.VMEM((_B * _L,), jnp.int32),
        pltpu.VMEM(((_B * _L // _NW) * 16,), jnp.int32),
        pltpu.VMEM(((_B * _L // _NW) * 16,), jnp.int32),
        pltpu.VMEM((_NT, _JB), jnp.int32),
        pltpu.VMEM((_NT, _JB), jnp.int32),
        pltpu.VMEM((_JB, _H), jnp.float32),
        pltpu.VMEM((_JB, _H), jnp.float32),
        pltpu.VMEM((_JB, _H), jnp.float32),
        pltpu.VMEM((_JB, _H), jnp.float32),
        pltpu.VMEM_SHARED((_NT * _TR, _H), jnp.float32),
        pltpu.SemaphoreType.DMA,
        pltpu.SemaphoreType.DMA,
        pltpu.SemaphoreType.DMA,
        pltpu.SemaphoreType.DMA,
    ],
)


def kernel(pos_s, pos_e, pe_table, W, b):
    tcat = _build_tables(pe_table, W, b)
    psf = pos_s.reshape(-1).astype(jnp.int32)
    pef = pos_e.reshape(-1).astype(jnp.int32)
    asp = jnp.broadcast_to(psf[:, None], (_B * _L, 16)).reshape(-1)
    esp = jnp.broadcast_to(pef[:, None], (_B * _L, 16)).reshape(-1)
    out = _sc_call(tcat, psf, pef, asp, esp)
    return out.reshape(_B, _L, _L, _H)

# --- scband reference (transcript-rebuilt; emitter-appended) ---
"""Pipeline reference for scband-four-pos-fusion-embedding-66494683677355 (READ-ONLY COPY).

The authoritative reference and input builder live on the scoring server;
editing this copy changes nothing except your own understanding.
"""

import jax, jax.numpy as jnp
import numpy as np

B = 2
L = 512  # max_seq_len
H = 128  # hidden_size


def setup_inputs(seed: int = 0) -> dict:
    key = jax.random.key(seed)
    k0, k1, k2, k3 = jax.random.split(key, 4)
    pos_s = jax.random.randint(k0, (B, L), 0, L, dtype=jnp.int64 if jax.config.jax_enable_x64 else jnp.int32)
    pos_e = jax.random.randint(k1, (B, L), 0, L, dtype=jnp.int64 if jax.config.jax_enable_x64 else jnp.int32)
    # learned params: embedding table pe [2*L, H], fusion linear W [4H, H], b [H]
    pe_table = jax.random.normal(k2, (2 * L, H), dtype=jnp.float32) * 0.02
    W = jax.random.normal(k3, (4 * H, H), dtype=jnp.float32) * 0.02
    b = jnp.zeros((H,), dtype=jnp.float32)
    return {"pos_s": pos_s, "pos_e": pos_e, "pe_table": pe_table, "W": W, "b": b}


def reference(pos_s, pos_e, pe_table, W, b):
    batch_size = pos_s.shape[0]
    max_seq_len = pos_s.shape[1]
    # four relative position grids, offset by max_seq_len to be non-negative
    pos_ss = pos_s[:, :, None] - pos_s[:, None, :] + max_seq_len
    pos_se = pos_s[:, :, None] - pos_e[:, None, :] + max_seq_len
    pos_es = pos_e[:, :, None] - pos_s[:, None, :] + max_seq_len
    pos_ee = pos_e[:, :, None] - pos_e[:, None, :] + max_seq_len
    pe_4 = jnp.stack([pos_ss, pos_se, pos_es, pos_ee], axis=-1).reshape(-1, 4)
    # unique rows (sorted) + inverse indices, like torch.unique(dim=0)
    pe_unique, inverse_indices = jnp.unique(
        pe_4, axis=0, return_inverse=True, size=pe_4.shape[0], fill_value=0
    )
    inverse_indices = inverse_indices.reshape(-1)
    # embedding lookup on unique rows: [U, 4] -> [U, 4, H]
    pos_unique_embedding = jnp.take(pe_table, pe_unique, axis=0)
    pos_unique_embedding = pos_unique_embedding.reshape(pos_unique_embedding.shape[0], -1)  # [U, 4H]
    # fusion: Linear(4H -> H) + ReLU
    fused = jax.nn.relu(pos_unique_embedding @ W + b)  # [U, H]
    # scatter back via inverse gather
    rel_pos_embedding = jnp.take(fused, inverse_indices, axis=0)
    return rel_pos_embedding.reshape(batch_size, max_seq_len, max_seq_len, -1)

if __name__ == "__main__":
    import jax
    _d = setup_inputs()
    print(jax.jit(kernel)(*tuple(_d.values())))

</pallas_src>

<mosaic_0001>
#map = affine_map<(d0, d1) -> (0, 0)>
#map1 = affine_map<(d0, d1) -> (0)>
module attributes {stable_mosaic.version = 14 : i64} {
  func.func @_sc_fuse(%arg0: i32, %arg1: i32, %arg2: memref<4096x128xf32, #tpu.memory_space<hbm>>, %arg3: memref<1024xi32, #tpu.memory_space<hbm>>, %arg4: memref<1024xi32, #tpu.memory_space<hbm>>, %arg5: memref<16384xi32, #tpu.memory_space<hbm>>, %arg6: memref<16384xi32, #tpu.memory_space<hbm>>, %arg7: memref<524288x128xf32, #tpu.memory_space<hbm>>, %arg8: memref<1024xi32, #tpu.memory_space<vmem>>, %arg9: memref<1024xi32, #tpu.memory_space<vmem>>, %arg10: memref<512xi32, #tpu.memory_space<vmem>>, %arg11: memref<512xi32, #tpu.memory_space<vmem>>, %arg12: memref<4x128xi32, #tpu.memory_space<vmem>>, %arg13: memref<4x128xi32, #tpu.memory_space<vmem>>, %arg14: memref<128x128xf32, #tpu.memory_space<vmem>>, %arg15: memref<128x128xf32, #tpu.memory_space<vmem>>, %arg16: memref<128x128xf32, #tpu.memory_space<vmem>>, %arg17: memref<128x128xf32, #tpu.memory_space<vmem>>, %arg18: memref<4096x128xf32, #tpu.memory_space<vmem_shared>>, %arg19: memref<!tpu.dma_semaphore, #tpu.memory_space<semaphore_mem>>, %arg20: memref<!tpu.dma_semaphore, #tpu.memory_space<semaphore_mem>>, %arg21: memref<!tpu.dma_semaphore, #tpu.memory_space<semaphore_mem>>, %arg22: memref<!tpu.dma_semaphore, #tpu.memory_space<semaphore_mem>>) attributes {dimension_semantics = [#tpu.dimension_semantics<core_parallel>, #tpu.dimension_semantics<subcore_parallel>], iteration_bounds = array<i64: 2, 16>, scalar_prefetch = 0 : i64, scratch_operands = 15 : i64, tpu.core_type = #tpu.core_type<sc_vector_subcore>, window_params = [{transform_indices = #map}, {transform_indices = #map1}, {transform_indices = #map1}, {transform_indices = #map1}, {transform_indices = #map1}, {transform_indices = #map}]} {
    %mul3A = arith.constant 2 : i32
    %mul3A_0 = arith.muli %arg1, %mul3A : i32
    %add3A = arith.addi %mul3A_0, %arg0 : i32
    %eq3A = arith.constant 0 : i32
    %eq3A_1 = arith.cmpi eq, %arg1, %eq3A : i32
    %convert_element_type3A = arith.extui %eq3A_1 : i1 to i32
    %cond3A = arith.constant 0 : i32
    %cond3A_2 = arith.cmpi ne, %convert_element_type3A, %cond3A : i32
    scf.if %cond3A_2 {
      "tpu.region"() ({
        %run_scoped3A = tpu.sem_alloc : memref<!tpu.dma_semaphore, #tpu.memory_space<semaphore_mem>>
        tpu.enqueue_dma source(%arg2 : memref<4096x128xf32, #tpu.memory_space<hbm>>) target(%arg18 : memref<4096x128xf32, #tpu.memory_space<vmem_shared>>) target_semaphore(%run_scoped3A : memref<!tpu.dma_semaphore, #tpu.memory_space<semaphore_mem>>)
        tpu.wait_dma2 semaphore(%run_scoped3A : memref<!tpu.dma_semaphore, #tpu.memory_space<semaphore_mem>>) src(%arg2 : memref<4096x128xf32, #tpu.memory_space<hbm>>) dst(%arg18 : memref<4096x128xf32, #tpu.memory_space<vmem_shared>>)
        tpu.yield
      }) : () -> ()
    } else {
    }
    %mul3A_3 = arith.constant 32 : i32
    %mul3A_4 = arith.muli %add3A, %mul3A_3 : i32
    "tpu.region"() ({
      %run_scoped3A = tpu.sem_alloc : memref<!tpu.dma_semaphore, #tpu.memory_space<semaphore_mem>>
      tpu.enqueue_dma source(%arg3 : memref<1024xi32, #tpu.memory_space<hbm>>) target(%arg8 : memref<1024xi32, #tpu.memory_space<vmem>>) target_semaphore(%run_scoped3A : memref<!tpu.dma_semaphore, #tpu.memory_space<semaphore_mem>>)
      tpu.wait_dma2 semaphore(%run_scoped3A : memref<!tpu.dma_semaphore, #tpu.memory_space<semaphore_mem>>) src(%arg3 : memref<1024xi32, #tpu.memory_space<hbm>>) dst(%arg8 : memref<1024xi32, #tpu.memory_space<vmem>>)
      tpu.yield
    }) : () -> ()
    "tpu.region"() ({
      %run_scoped3A = tpu.sem_alloc : memref<!tpu.dma_semaphore, #tpu.memory_space<semaphore_mem>>
      tpu.enqueue_dma source(%arg4 : memref<1024xi32, #tpu.memory_space<hbm>>) target(%arg9 : memref<1024xi32, #tpu.memory_space<vmem>>) target_semaphore(%run_scoped3A : memref<!tpu.dma_semaphore, #tpu.memory_space<semaphore_mem>>)
      tpu.wait_dma2 semaphore(%run_scoped3A : memref<!tpu.dma_semaphore, #tpu.memory_space<semaphore_mem>>) src(%arg4 : memref<1024xi32, #tpu.memory_space<hbm>>) dst(%arg9 : memref<1024xi32, #tpu.memory_space<vmem>>)
      tpu.yield
    }) : () -> ()
    %mul3A_5 = arith.constant 16 : i32
    %mul3A_6 = arith.muli %mul3A_4, %mul3A_5 : i32
    "tpu.region"() ({
      %run_scoped3A = tpu.sem_alloc : memref<!tpu.dma_semaphore, #tpu.memory_space<semaphore_mem>>
      %dma_start3A_508 = tpu.memref_slice %arg5[%mul3A_6] : memref<16384xi32, #tpu.memory_space<hbm>> -> memref<512xi32, #tpu.memory_space<hbm>>
      %dma_start3A_509 = tpu.memref_slice %arg5[%mul3A_6] : memref<16384xi32, #tpu.memory_space<hbm>> -> memref<512xi32, #tpu.memory_space<hbm>>
      tpu.enqueue_dma source(%dma_start3A_509 : memref<512xi32, #tpu.memory_space<hbm>>) target(%arg10 : memref<512xi32, #tpu.memory_space<vmem>>) target_semaphore(%run_scoped3A : memref<!tpu.dma_semaphore, #tpu.memory_space<semaphore_mem>>)
      %dma_wait3A_510 = tpu.memref_slice %arg5[%mul3A_6] : memref<16384xi32, #tpu.memory_space<hbm>> -> memref<512xi32, #tpu.memory_space<hbm>>
      %dma_wait3A_511 = tpu.memref_slice %arg5[%mul3A_6] : memref<16384xi32, #tpu.memory_space<hbm>> -> memref<512xi32, #tpu.memory_space<hbm>>
      tpu.wait_dma2 semaphore(%run_scoped3A : memref<!tpu.dma_semaphore, #tpu.memory_space<semaphore_mem>>) src(%dma_wait3A_511 : memref<512xi32, #tpu.memory_space<hbm>>) dst(%arg10 : memref<512xi32, #tpu.memory_space<vmem>>)
      tpu.yield
    }) : () -> ()
    %mul3A_7 = arith.constant 16 : i32
    %mul3A_8 = arith.muli %mul3A_4, %mul3A_7 : i32
    "tpu.region"() ({
      %run_scoped3A = tpu.sem_alloc : memref<!tpu.dma_semaphore, #tpu.memory_space<semaphore_mem>>
      %dma_start3A_508 = tpu.memref_slice %arg6[%mul3A_8] : memref<16384xi32, #tpu.memory_space<hbm>> -> memref<512xi32, #tpu.memory_space<hbm>>
      %dma_start3A_509 = tpu.memref_slice %arg6[%mul3A_8] : memref<16384xi32, #tpu.memory_space<hbm>> -> memref<512xi32, #tpu.memory_space<hbm>>
      tpu.enqueue_dma source(%dma_start3A_509 : memref<512xi32, #tpu.memory_space<hbm>>) target(%arg11 : memref<512xi32, #tpu.memory_space<vmem>>) target_semaphore(%run_scoped3A : memref<!tpu.dma_semaphore, #tpu.memory_space<semaphore_mem>>)
      %dma_wait3A_510 = tpu.memref_slice %arg6[%mul3A_8] : memref<16384xi32, #tpu.memory_space<hbm>> -> memref<512xi32, #tpu.memory_space<hbm>>
      %dma_wait3A_511 = tpu.memref_slice %arg6[%mul3A_8] : memref<16384xi32, #tpu.memory_space<hbm>> -> memref<512xi32, #tpu.memory_space<hbm>>
      tpu.wait_dma2 semaphore(%run_scoped3A : memref<!tpu.dma_semaphore, #tpu.memory_space<semaphore_mem>>) src(%dma_wait3A_511 : memref<512xi32, #tpu.memory_space<hbm>>) dst(%arg11 : memref<512xi32, #tpu.memory_space<vmem>>)
      tpu.yield
    }) : () -> ()
    %barrier3A = arith.constant 0 : index
    tpu.barrier barrier_id(%barrier3A)
    %broadcast_in_dim3A = arith.constant 0.000000e+00 : f32
    %broadcast_in_dim3A_9 = vector.broadcast %broadcast_in_dim3A : f32 to vector<16xf32>
    %scan3A = arith.constant 0 : i32
    %scan3A_10 = arith.constant 0 : i32
    %scan3A_11 = arith.constant 32 : i32
    %scan3A_12 = arith.addi %scan3A_10, %scan3A_11 : i32
    %scan3A_13 = arith.constant 1 : i32
    %scan3A_14 = scf.for %scan3A_508 = %scan3A_10 to %scan3A_12 step %scan3A_13 iter_args(%scan3A_509 = %scan3A) -> (i32)  : i32 {
      %mul3A_510 = arith.constant 4 : i32
      %mul3A_511 = arith.muli %scan3A_508, %mul3A_510 : i32
      %add3A_512 = arith.constant 0 : i32
      %add3A_513 = arith.addi %mul3A_511, %add3A_512 : i32
      %swap3A_514 = arith.index_cast %add3A_513 : i32 to index
      %swap3A_515 = arith.constant 0 : index
      %swap3A_516 = tpu.vector_load %arg14[%swap3A_514, %swap3A_515] {strides = array<i32>} : memref<128x128xf32, #tpu.memory_space<vmem>>, vector<1x16xf32>,
      %swap3A_517 = vector.shape_cast %swap3A_516 : vector<1x16xf32> to vector<16xf32>
      %swap3A_518 = vector.shape_cast %broadcast_in_dim3A_9 : vector<16xf32> to vector<1x16xf32>
      tpu.vector_store %arg14[%swap3A_514, %swap3A_515], %swap3A_518 {strides = array<i32>} : memref<128x128xf32, #tpu.memory_space<vmem>>, vector<1x16xf32>,
      %swap3A_519 = arith.index_cast %add3A_513 : i32 to index
      %swap3A_520 = arith.constant 16 : index
      %swap3A_521 = tpu.vector_load %arg14[%swap3A_519, %swap3A_520] {strides = array<i32>} : memref<128x128xf32, #tpu.memory_space<vmem>>, vector<1x16xf32>,
      %swap3A_522 = vector.shape_cast %swap3A_521 : vector<1x16xf32> to vector<16xf32>
      %swap3A_523 = vector.shape_cast %broadcast_in_dim3A_9 : vector<16xf32> to vector<1x16xf32>
      tpu.vector_store %arg14[%swap3A_519, %swap3A_520], %swap3A_523 {strides = array<i32>} : memref<128x128xf32, #tpu.memory_space<vmem>>, vector<1x16xf32>,
      %swap3A_524 = arith.index_cast %add3A_513 : i32 to index
      %swap3A_525 = arith.constant 32 : index
      %swap3A_526 = tpu.vector_load %arg14[%swap3A_524, %swap3A_525] {strides = array<i32>} : memref<128x128xf32, #tpu.memory_space<vmem>>, vector<1x16xf32>,
      %swap3A_527 = vector.shape_cast %swap3A_526 : vector<1x16xf32> to vector<16xf32>
      %swap3A_528 = vector.shape_cast %broadcast_in_dim3A_9 : vector<16xf32> to vector<1x16xf32>
      tpu.vector_store %arg14[%swap3A_524, %swap3A_525], %swap3A_528 {strides = array<i32>} : memref<128x128xf32, #tpu.memory_space<vmem>>, vector<1x16xf32>,
      %swap3A_529 = arith.index_cast %add3A_513 : i32 to index
      %swap3A_530 = arith.constant 48 : index
      %swap3A_531 = tpu.vector_load %arg14[%swap3A_529, %swap3A_530] {strides = array<i32>} : memref<128x128xf32, #tpu.memory_space<vmem>>, vector<1x16xf32>,
      %swap3A_532 = vector.shape_cast %swap3A_531 : vector<1x16xf32> to vector<16xf32>
      %swap3A_533 = vector.shape_cast %broadcast_in_dim3A_9 : vector<16xf32> to vector<1x16xf32>
      tpu.vector_store %arg14[%swap3A_529, %swap3A_530], %swap3A_533 {strides = array<i32>} : memref<128x128xf32, #tpu.memory_space<vmem>>, vector<1x16xf32>,
      %swap3A_534 = arith.index_cast %add3A_513 : i32 to index
      %swap3A_535 = arith.constant 64 : index
      %swap3A_536 = tpu.vector_load %arg14[%swap3A_534, %swap3A_535] {strides = array<i32>} : memref<128x128xf32, #tpu.memory_space<vmem>>, vector<1x16xf32>,
      %swap3A_537 = vector.shape_cast %swap3A_536 : vector<1x16xf32> to vector<16xf32>
      %swap3A_538 = vector.shape_cast %broadcast_in_dim3A_9 : vector<16xf32> to vector<1x16xf32>
      tpu.vector_store %arg14[%swap3A_534, %swap3A_535], %swap3A_538 {strides = array<i32>} : memref<128x128xf32, #tpu.memory_space<vmem>>, vector<1x16xf32>,
      %swap3A_539 = arith.index_cast %add3A_513 : i32 to index
      %swap3A_540 = arith.constant 80 : index
      %swap3A_541 = tpu.vector_load %arg14[%swap3A_539, %swap3A_540] {strides = array<i32>} : memref<128x128xf32, #tpu.memory_space<vmem>>, vector<1x16xf32>,
      %swap3A_542 = vector.shape_cast %swap3A_541 : vector<1x16xf32> to vector<16xf32>
      %swap3A_543 = vector.shape_cast %broadcast_in_dim3A_9 : vector<16xf32> to vector<1x16xf32>
      tpu.vector_store %arg14[%swap3A_539, %swap3A_540], %swap3A_543 {strides = array<i32>} : memref<128x128xf32, #tpu.memory_space<vmem>>, vector<1x16xf32>,
      %swap3A_544 = arith.index_cast %add3A_513 : i32 to index
      %swap3A_545 = arith.constant 96 : index
      %swap3A_546 = tpu.vector_load %arg14[%swap3A_544, %swap3A_545] {strides = array<i32>} : memref<128x128xf32, #tpu.memory_space<vmem>>, vector<1x16xf32>,
      %swap3A_547 = vector.shape_cast %swap3A_546 : vector<1x16xf32> to vector<16xf32>
      %swap3A_548 = vector.shape_cast %broadcast_in_dim3A_9 : vector<16xf32> to vector<1x16xf32>
      tpu.vector_store %arg14[%swap3A_544, %swap3A_545], %swap3A_548 {strides = array<i32>} : memref<128x128xf32, #tpu.memory_space<vmem>>, vector<1x16xf32>,
      %swap3A_549 = arith.index_cast %add3A_513 : i32 to index
      %swap3A_550 = arith.constant 112 : index
      %swap3A_551 = tpu.vector_load %arg14[%swap3A_549, %swap3A_550] {strides = array<i32>} : memref<128x128xf32, #tpu.memory_space<vmem>>, vector<1x16xf32>,
      %swap3A_552 = vector.shape_cast %swap3A_551 : vector<1x16xf32> to vector<16xf32>
      %swap3A_553 = vector.shape_cast %broadcast_in_dim3A_9 : vector<16xf32> to vector<1x16xf32>
      tpu.vector_store %arg14[%swap3A_549, %swap3A_550], %swap3A_553 {strides = array<i32>} : memref<128x128xf32, #tpu.memory_space<vmem>>, vector<1x16xf32>,
      %mul3A_554 = arith.constant 4 : i32
      %mul3A_555 = arith.muli %scan3A_508, %mul3A_554 : i32
      %add3A_556 = arith.constant 1 : i32
      %add3A_557 = arith.addi %mul3A_555, %add3A_556 : i32
      %swap3A_558 = arith.index_cast %add3A_557 : i32 to index
      %swap3A_559 = arith.constant 0 : index
      %swap3A_560 = tpu.vector_load %arg14[%swap3A_558, %swap3A_559] {strides = array<i32>} : memref<128x128xf32, #tpu.memory_space<vmem>>, vector<1x16xf32>,
      %swap3A_561 = vector.shape_cast %swap3A_560 : vector<1x16xf32> to vector<16xf32>
      %swap3A_562 = vector.shape_cast %broadcast_in_dim3A_9 : vector<16xf32> to vector<1x16xf32>
      tpu.vector_store %arg14[%swap3A_558, %swap3A_559], %swap3A_562 {strides = array<i32>} : memref<128x128xf32, #tpu.memory_space<vmem>>, vector<1x16xf32>,
      %swap3A_563 = arith.index_cast %add3A_557 : i32 to index
      %swap3A_564 = arith.constant 16 : index
      %swap3A_565 = tpu.vector_load %arg14[%swap3A_563, %swap3A_564] {strides = array<i32>} : memref<128x128xf32, #tpu.memory_space<vmem>>, vector<1x16xf32>,
      %swap3A_566 = vector.shape_cast %swap3A_565 : vector<1x16xf32> to vector<16xf32>
      %swap3A_567 = vector.shape_cast %broadcast_in_dim3A_9 : vector<16xf32> to vector<1x16xf32>
      tpu.vector_store %arg14[%swap3A_563, %swap3A_564], %swap3A_567 {strides = array<i32>} : memref<128x128xf32, #tpu.memory_space<vmem>>, vector<1x16xf32>,
      %swap3A_568 = arith.index_cast %add3A_557 : i32 to index
      %swap3A_569 = arith.constant 32 : index
      %swap3A_570 = tpu.vector_load %arg14[%swap3A_568, %swap3A_569] {strides = array<i32>} : memref<128x128xf32, #tpu.memory_space<vmem>>, vector<1x16xf32>,
      %swap3A_571 = vector.shape_cast %swap3A_570 : vector<1x16xf32> to vector<16xf32>
      %swap3A_572 = vector.shape_cast %broadcast_in_dim3A_9 : vector<16xf32> to vector<1x16xf32>
      tpu.vector_store %arg14[%swap3A_568, %swap3A_569], %swap3A_572 {strides = array<i32>} : memref<128x128xf32, #tpu.memory_space<vmem>>, vector<1x16xf32>,
      %swap3A_573 = arith.index_cast %add3A_557 : i32 to index
      %swap3A_574 = arith.constant 48 : index
      %swap3A_575 = tpu.vector_load %arg14[%swap3A_573, %swap3A_574] {strides = array<i32>} : memref<128x128xf32, #tpu.memory_space<vmem>>, vector<1x16xf32>,
      %swap3A_576 = vector.shape_cast %swap3A_575 : vector<1x16xf32> to vector<16xf32>
      %swap3A_577 = vector.shape_cast %broadcast_in_dim3A_9 : vector<16xf32> to vector<1x16xf32>
      tpu.vector_store %arg14[%swap3A_573, %swap3A_574], %swap3A_577 {strides = array<i32>} : memref<128x128xf32, #tpu.memory_space<vmem>>, vector<1x16xf32>,
      %swap3A_578 = arith.index_cast %add3A_557 : i32 to index
      %swap3A_579 = arith.constant 64 : index
      %swap3A_580 = tpu.vector_load %arg14[%swap3A_578, %swap3A_579] {strides = array<i32>} : memref<128x128xf32, #tpu.memory_space<vmem>>, vector<1x16xf32>,
      %swap3A_581 = vector.shape_cast %swap3A_580 : vector<1x16xf32> to vector<16xf32>
      %swap3A_582 = vector.shape_cast %broadcast_in_dim3A_9 : vector<16xf32> to vector<1x16xf32>
      tpu.vector_store %arg14[%swap3A_578, %swap3A_579], %swap3A_582 {strides = array<i32>} : memref<128x128xf32, #tpu.memory_space<vmem>>, vector<1x16xf32>,
      %swap3A_583 = arith.index_cast %add3A_557 : i32 to index
      %swap3A_584 = arith.constant 80 : index
      %swap3A_585 = tpu.vector_load %arg14[%swap3A_583, %swap3A_584] {strides = array<i32>} : memref<128x128xf32, #tpu.memory_space<vmem>>, vector<1x16xf32>,
      %swap3A_586 = vector.shape_cast %swap3A_585 : vector<1x16xf32> to vector<16xf32>
      %swap3A_587 = vector.shape_cast %broadcast_in_dim3A_9 : vector<16xf32> to vector<1x16xf32>
      tpu.vector_store %arg14[%swap3A_583, %swap3A_584], %swap3A_587 {strides = array<i32>} : memref<128x128xf32, #tpu.memory_space<vmem>>, vector<1x16xf32>,
      %swap3A_588 = arith.index_cast %add3A_557 : i32 to index
      %swap3A_589 = arith.constant 96 : index
      %swap3A_590 = tpu.vector_load %arg14[%swap3A_588, %swap3A_589] {strides = array<i32>} : memref<128x128xf32, #tpu.memory_space<vmem>>, vector<1x16xf32>,
      %swap3A_591 = vector.shape_cast %swap3A_590 : vector<1x16xf32> to vector<16xf32>
      %swap3A_592 = vector.shape_cast %broadcast_in_dim3A_9 : vector<16xf32> to vector<1x16xf32>
      tpu.vector_store %arg14[%swap3A_588, %swap3A_589], %swap3A_592 {strides = array<i32>} : memref<128x128xf32, #tpu.memory_space<vmem>>, vector<1x16xf32>,
      %swap3A_593 = arith.index_cast %add3A_557 : i32 to index
      %swap3A_594 = arith.constant 112 : index
      %swap3A_595 = tpu.vector_load %arg14[%swap3A_593, %swap3A_594] {strides = array<i32>} : memref<128x128xf32, #tpu.memory_space<vmem>>, vector<1x16xf32>,
      %swap3A_596 = vector.shape_cast %swap3A_595 : vector<1x16xf32> to vector<16xf32>
      %swap3A_597 = vector.shape_cast %broadcast_in_dim3A_9 : vector<16xf32> to vector<1x16xf32>
      tpu.vector_store %arg14[%swap3A_593, %swap3A_594], %swap3A_597 {strides = array<i32>} : memref<128x128xf32, #tpu.memory_space<vmem>>, vector<1x16xf32>,
      %mul3A_598 = arith.constant 4 : i32
      %mul3A_599 = arith.muli %scan3A_508, %mul3A_598 : i32
      %add3A_600 = arith.constant 2 : i32
      %add3A_601 = arith.addi %mul3A_599, %add3A_600 : i32
      %swap3A_602 = arith.index_cast %add3A_601 : i32 to index
      %swap3A_603 = arith.constant 0 : index
      %swap3A_604 = tpu.vector_load %arg14[%swap3A_602, %swap3A_603] {strides = array<i32>} : memref<128x128xf32, #tpu.memory_space<vmem>>, vector<1x16xf32>,
      %swap3A_605 = vector.shape_cast %swap3A_604 : vector<1x16xf32> to vector<16xf32>
      %swap3A_606 = vector.shape_cast %broadcast_in_dim3A_9 : vector<16xf32> to vector<1x16xf32>
      tpu.vector_store %arg14[%swap3A_602, %swap3A_603], %swap3A_606 {strides = array<i32>} : memref<128x128xf32, #tpu.memory_space<vmem>>, vector<1x16xf32>,
      %swap3A_607 = arith.index_cast %add3A_601 : i32 to index
      %swap3A_608 = arith.constant 16 : index
      %swap3A_609 = tpu.vector_load %arg14[%swap3A_607, %swap3A_608] {strides = array<i32>} : memref<128x128xf32, #tpu.memory_space<vmem>>, vector<1x16xf32>,
      %swap3A_610 = vector.shape_cast %swap3A_609 : vector<1x16xf32> to vector<16xf32>
      %swap3A_611 = vector.shape_cast %broadcast_in_dim3A_9 : vector<16xf32> to vector<1x16xf32>
      tpu.vector_store %arg14[%swap3A_607, %swap3A_608], %swap3A_611 {strides = array<i32>} : memref<128x128xf32, #tpu.memory_space<vmem>>, vector<1x16xf32>,
      %swap3A_612 = arith.index_cast %add3A_601 : i32 to index
      %swap3A_613 = arith.constant 32 : index
      %swap3A_614 = tpu.vector_load %arg14[%swap3A_612, %swap3A_613] {strides = array<i32>} : memref<128x128xf32, #tpu.memory_space<vmem>>, vector<1x16xf32>,
      %swap3A_615 = vector.shape_cast %swap3A_614 : vector<1x16xf32> to vector<16xf32>
      %swap3A_616 = vector.shape_cast %broadcast_in_dim3A_9 : vector<16xf32> to vector<1x16xf32>
      tpu.vector_store %arg14[%swap3A_612, %swap3A_613], %swap3A_616 {strides = array<i32>} : memref<128x128xf32, #tpu.memory_space<vmem>>, vector<1x16xf32>,
      %swap3A_617 = arith.index_cast %add3A_601 : i32 to index
      %swap3A_618 = arith.constant 48 : index
      %swap3A_619 = tpu.vector_load %arg14[%swap3A_617, %swap3A_618] {strides = array<i32>} : memref<128x128xf32, #tpu.memory_space<vmem>>, vector<1x16xf32>,
      %swap3A_620 = vector.shape_cast %swap3A_619 : vector<1x16xf32> to vector<16xf32>
      %swap3A_621 = vector.shape_cast %broadcast_in_dim3A_9 : vector<16xf32> to vector<1x16xf32>
      tpu.vector_store %arg14[%swap3A_617, %swap3A_618], %swap3A_621 {strides = array<i32>} : memref<128x128xf32, #tpu.memory_space<vmem>>, vector<1x16xf32>,
      %swap3A_622 = arith.index_cast %add3A_601 : i32 to index
      %swap3A_623 = arith.constant 64 : index
      %swap3A_624 = tpu.vector_load %arg14[%swap3A_622, %swap3A_623] {strides = array<i32>} : memref<128x128xf32, #tpu.memory_space<vmem>>, vector<1x16xf32>,
      %swap3A_625 = vector.shape_cast %swap3A_624 : vector<1x16xf32> to vector<16xf32>
      %swap3A_626 = vector.shape_cast %broadcast_in_dim3A_9 : vector<16xf32> to vector<1x16xf32>
      tpu.vector_store %arg14[%swap3A_622, %swap3A_623], %swap3A_626 {strides = array<i32>} : memref<128x128xf32, #tpu.memory_space<vmem>>, vector<1x16xf32>,
      %swap3A_627 = arith.index_cast %add3A_601 : i32 to index
      %swap3A_628 = arith.constant 80 : index
      %swap3A_629 = tpu.vector_load %arg14[%swap3A_627, %swap3A_628] {strides = array<i32>} : memref<128x128xf32, #tpu.memory_space<vmem>>, vector<1x16xf32>,
      %swap3A_630 = vector.shape_cast %swap3A_629 : vector<1x16xf32> to vector<16xf32>
      %swap3A_631 = vector.shape_cast %broadcast_in_dim3A_9 : vector<16xf32> to vector<1x16xf32>
      tpu.vector_store %arg14[%swap3A_627, %swap3A_628], %swap3A_631 {strides = array<i32>} : memref<128x128xf32, #tpu.memory_space<vmem>>, vector<1x16xf32>,
      %swap3A_632 = arith.index_cast %add3A_601 : i32 to index
      %swap3A_633 = arith.constant 96 : index
      %swap3A_634 = tpu.vector_load %arg14[%swap3A_632, %swap3A_633] {strides = array<i32>} : memref<128x128xf32, #tpu.memory_space<vmem>>, vector<1x16xf32>,
      %swap3A_635 = vector.shape_cast %swap3A_634 : vector<1x16xf32> to vector<16xf32>
      %swap3A_636 = vector.shape_cast %broadcast_in_dim3A_9 : vector<16xf32> to vector<1x16xf32>
      tpu.vector_store %arg14[%swap3A_632, %swap3A_633], %swap3A_636 {strides = array<i32>} : memref<128x128xf32, #tpu.memory_space<vmem>>, vector<1x16xf32>,
      %swap3A_637 = arith.index_cast %add3A_601 : i32 to index
      %swap3A_638 = arith.constant 112 : index
      %swap3A_639 = tpu.vector_load %arg14[%swap3A_637, %swap3A_638] {strides = array<i32>} : memref<128x128xf32, #tpu.memory_space<vmem>>, vector<1x16xf32>,
      %swap3A_640 = vector.shape_cast %swap3A_639 : vector<1x16xf32> to vector<16xf32>
      %swap3A_641 = vector.shape_cast %broadcast_in_dim3A_9 : vector<16xf32> to vector<1x16xf32>
      tpu.vector_store %arg14[%swap3A_637, %swap3A_638], %swap3A_641 {strides = array<i32>} : memref<128x128xf32, #tpu.memory_space<vmem>>, vector<1x16xf32>,
      %mul3A_642 = arith.constant 4 : i32
      %mul3A_643 = arith.muli %scan3A_508, %mul3A_642 : i32
      %add3A_644 = arith.constant 3 : i32
      %add3A_645 = arith.addi %mul3A_643, %add3A_644 : i32
      %swap3A_646 = arith.index_cast %add3A_645 : i32 to index
      %swap3A_647 = arith.constant 0 : index
      %swap3A_648 = tpu.vector_load %arg14[%swap3A_646, %swap3A_647] {strides = array<i32>} : memref<128x128xf32, #tpu.memory_space<vmem>>, vector<1x16xf32>,
      %swap3A_649 = vector.shape_cast %swap3A_648 : vector<1x16xf32> to vector<16xf32>
      %swap3A_650 = vector.shape_cast %broadcast_in_dim3A_9 : vector<16xf32> to vector<1x16xf32>
      tpu.vector_store %arg14[%swap3A_646, %swap3A_647], %swap3A_650 {strides = array<i32>} : memref<128x128xf32, #tpu.memory_space<vmem>>, vector<1x16xf32>,
      %swap3A_651 = arith.index_cast %add3A_645 : i32 to index
      %swap3A_652 = arith.constant 16 : index
      %swap3A_653 = tpu.vector_load %arg14[%swap3A_651, %swap3A_652] {strides = array<i32>} : memref<128x128xf32, #tpu.memory_space<vmem>>, vector<1x16xf32>,
      %swap3A_654 = vector.shape_cast %swap3A_653 : vector<1x16xf32> to vector<16xf32>
      %swap3A_655 = vector.shape_cast %broadcast_in_dim3A_9 : vector<16xf32> to vector<1x16xf32>
      tpu.vector_store %arg14[%swap3A_651, %swap3A_652], %swap3A_655 {strides = array<i32>} : memref<128x128xf32, #tpu.memory_space<vmem>>, vector<1x16xf32>,
      %swap3A_656 = arith.index_cast %add3A_645 : i32 to index
      %swap3A_657 = arith.constant 32 : index
      %swap3A_658 = tpu.vector_load %arg14[%swap3A_656, %swap3A_657] {strides = array<i32>} : memref<128x128xf32, #tpu.memory_space<vmem>>, vector<1x16xf32>,
      %swap3A_659 = vector.shape_cast %swap3A_658 : vector<1x16xf32> to vector<16xf32>
      %swap3A_660 = vector.shape_cast %broadcast_in_dim3A_9 : vector<16xf32> to vector<1x16xf32>
      tpu.vector_store %arg14[%swap3A_656, %swap3A_657], %swap3A_660 {strides = array<i32>} : memref<128x128xf32, #tpu.memory_space<vmem>>, vector<1x16xf32>,
      %swap3A_661 = arith.index_cast %add3A_645 : i32 to index
      %swap3A_662 = arith.constant 48 : index
      %swap3A_663 = tpu.vector_load %arg14[%swap3A_661, %swap3A_662] {strides = array<i32>} : memref<128x128xf32, #tpu.memory_space<vmem>>, vector<1x16xf32>,
      %swap3A_664 = vector.shape_cast %swap3A_663 : vector<1x16xf32> to vector<16xf32>
      %swap3A_665 = vector.shape_cast %broadcast_in_dim3A_9 : vector<16xf32> to vector<1x16xf32>
      tpu.vector_store %arg14[%swap3A_661, %swap3A_662], %swap3A_665 {strides = array<i32>} : memref<128x128xf32, #tpu.memory_space<vmem>>, vector<1x16xf32>,
      %swap3A_666 = arith.index_cast %add3A_645 : i32 to index
      %swap3A_667 = arith.constant 64 : index
      %swap3A_668 = tpu.vector_load %arg14[%swap3A_666, %swap3A_667] {strides = array<i32>} : memref<128x128xf32, #tpu.memory_space<vmem>>, vector<1x16xf32>,
      %swap3A_669 = vector.shape_cast %swap3A_668 : vector<1x16xf32> to vector<16xf32>
      %swap3A_670 = vector.shape_cast %broadcast_in_dim3A_9 : vector<16xf32> to vector<1x16xf32>
      tpu.vector_store %arg14[%swap3A_666, %swap3A_667], %swap3A_670 {strides = array<i32>} : memref<128x128xf32, #tpu.memory_space<vmem>>, vector<1x16xf32>,
      %swap3A_671 = arith.index_cast %add3A_645 : i32 to index
      %swap3A_672 = arith.constant 80 : index
      %swap3A_673 = tpu.vector_load %arg14[%swap3A_671, %swap3A_672] {strides = array<i32>} : memref<128x128xf32, #tpu.memory_space<vmem>>, vector<1x16xf32>,
      %swap3A_674 = vector.shape_cast %swap3A_673 : vector<1x16xf32> to vector<16xf32>
      %swap3A_675 = vector.shape_cast %broadcast_in_dim3A_9 : vector<16xf32> to vector<1x16xf32>
      tpu.vector_store %arg14[%swap3A_671, %swap3A_672], %swap3A_675 {strides = array<i32>} : memref<128x128xf32, #tpu.memory_space<vmem>>, vector<1x16xf32>,
      %swap3A_676 = arith.index_cast %add3A_645 : i32 to index
      %swap3A_677 = arith.constant 96 : index
      %swap3A_678 = tpu.vector_load %arg14[%swap3A_676, %swap3A_677] {strides = array<i32>} : memref<128x128xf32, #tpu.memory_space<vmem>>, vector<1x16xf32>,
      %swap3A_679 = vector.shape_cast %swap3A_678 : vector<1x16xf32> to vector<16xf32>
      %swap3A_680 = vector.shape_cast %broadcast_in_dim3A_9 : vector<16xf32> to vector<1x16xf32>
      tpu.vector_store %arg14[%swap3A_676, %swap3A_677], %swap3A_680 {strides = array<i32>} : memref<128x128xf32, #tpu.memory_space<vmem>>, vector<1x16xf32>,
      %swap3A_681 = arith.index_cast %add3A_645 : i32 to index
      %swap3A_682 = arith.constant 112 : index
      %swap3A_683 = tpu.vector_load %arg14[%swap3A_681, %swap3A_682] {strides = array<i32>} : memref<128x128xf32, #tpu.memory_space<vmem>>, vector<1x16xf32>,
      %swap3A_684 = vector.shape_cast %swap3A_683 : vector<1x16xf32> to vector<16xf32>
      %swap3A_685 = vector.shape_cast %broadcast_in_dim3A_9 : vector<16xf32> to vector<1x16xf32>
      tpu.vector_store %arg14[%swap3A_681, %swap3A_682], %swap3A_685 {strides = array<i32>} : memref<128x128xf32, #tpu.memory_space<vmem>>, vector<1x16xf32>,
      %scan3A_686 = arith.constant 0 : i32
      scf.yield %scan3A_686 : i32
    }
    %scan3A_15 = arith.constant 32 : i32
    %scan3A_16 = arith.constant 0 : i32
    %scan3A_17 = arith.constant 0 : i32
    %scan3A_18 = arith.constant 32 : i32
    %scan3A_19 = arith.addi %scan3A_17, %scan3A_18 : i32
    %scan3A_20 = arith.constant 1 : i32
    %scan3A_21 = scf.for %scan3A_508 = %scan3A_17 to %scan3A_19 step %scan3A_20 iter_args(%scan3A_509 = %scan3A_16) -> (i32)  : i32 {
      %mul3A_510 = arith.constant 4 : i32
      %mul3A_511 = arith.muli %scan3A_508, %mul3A_510 : i32
      %add3A_512 = arith.constant 0 : i32
      %add3A_513 = arith.addi %mul3A_511, %add3A_512 : i32
      %swap3A_514 = arith.index_cast %add3A_513 : i32 to index
      %swap3A_515 = arith.constant 0 : index
      %swap3A_516 = tpu.vector_load %arg15[%swap3A_514, %swap3A_515] {strides = array<i32>} : memref<128x128xf32, #tpu.memory_space<vmem>>, vector<1x16xf32>,
      %swap3A_517 = vector.shape_cast %swap3A_516 : vector<1x16xf32> to vector<16xf32>
      %swap3A_518 = vector.shape_cast %broadcast_in_dim3A_9 : vector<16xf32> to vector<1x16xf32>
      tpu.vector_store %arg15[%swap3A_514, %swap3A_515], %swap3A_518 {strides = array<i32>} : memref<128x128xf32, #tpu.memory_space<vmem>>, vector<1x16xf32>,
      %swap3A_519 = arith.index_cast %add3A_513 : i32 to index
      %swap3A_520 = arith.constant 16 : index
      %swap3A_521 = tpu.vector_load %arg15[%swap3A_519, %swap3A_520] {strides = array<i32>} : memref<128x128xf32, #tpu.memory_space<vmem>>, vector<1x16xf32>,
      %swap3A_522 = vector.shape_cast %swap3A_521 : vector<1x16xf32> to vector<16xf32>
      %swap3A_523 = vector.shape_cast %broadcast_in_dim3A_9 : vector<16xf32> to vector<1x16xf32>
      tpu.vector_store %arg15[%swap3A_519, %swap3A_520], %swap3A_523 {strides = array<i32>} : memref<128x128xf32, #tpu.memory_space<vmem>>, vector<1x16xf32>,
      %swap3A_524 = arith.index_cast %add3A_513 : i32 to index
      %swap3A_525 = arith.constant 32 : index
      %swap3A_526 = tpu.vector_load %arg15[%swap3A_524, %swap3A_525] {strides = array<i32>} : memref<128x128xf32, #tpu.memory_space<vmem>>, vector<1x16xf32>,
      %swap3A_527 = vector.shape_cast %swap3A_526 : vector<1x16xf32> to vector<16xf32>
      %swap3A_528 = vector.shape_cast %broadcast_in_dim3A_9 : vector<16xf32> to vector<1x16xf32>
      tpu.vector_store %arg15[%swap3A_524, %swap3A_525], %swap3A_528 {strides = array<i32>} : memref<128x128xf32, #tpu.memory_space<vmem>>, vector<1x16xf32>,
      %swap3A_529 = arith.index_cast %add3A_513 : i32 to index
      %swap3A_530 = arith.constant 48 : index
      %swap3A_531 = tpu.vector_load %arg15[%swap3A_529, %swap3A_530] {strides = array<i32>} : memref<128x128xf32, #tpu.memory_space<vmem>>, vector<1x16xf32>,
      %swap3A_532 = vector.shape_cast %swap3A_531 : vector<1x16xf32> to vector<16xf32>
      %swap3A_533 = vector.shape_cast %broadcast_in_dim3A_9 : vector<16xf32> to vector<1x16xf32>
      tpu.vector_store %arg15[%swap3A_529, %swap3A_530], %swap3A_533 {strides = array<i32>} : memref<128x128xf32, #tpu.memory_space<vmem>>, vector<1x16xf32>,
      %swap3A_534 = arith.index_cast %add3A_513 : i32 to index
      %swap3A_535 = arith.constant 64 : index
      %swap3A_536 = tpu.vector_load %arg15[%swap3A_534, %swap3A_535] {strides = array<i32>} : memref<128x128xf32, #tpu.memory_space<vmem>>, vector<1x16xf32>,
      %swap3A_537 = vector.shape_cast %swap3A_536 : vector<1x16xf32> to vector<16xf32>
      %swap3A_538 = vector.shape_cast %broadcast_in_dim3A_9 : vector<16xf32> to vector<1x16xf32>
      tpu.vector_store %arg15[%swap3A_534, %swap3A_535], %swap3A_538 {strides = array<i32>} : memref<128x128xf32, #tpu.memory_space<vmem>>, vector<1x16xf32>,
      %swap3A_539 = arith.index_cast %add3A_513 : i32 to index
      %swap3A_540 = arith.constant 80 : index
      %swap3A_541 = tpu.vector_load %arg15[%swap3A_539, %swap3A_540] {strides = array<i32>} : memref<128x128xf32, #tpu.memory_space<vmem>>, vector<1x16xf32>,
      %swap3A_542 = vector.shape_cast %swap3A_541 : vector<1x16xf32> to vector<16xf32>
      %swap3A_543 = vector.shape_cast %broadcast_in_dim3A_9 : vector<16xf32> to vector<1x16xf32>
      tpu.vector_store %arg15[%swap3A_539, %swap3A_540], %swap3A_543 {strides = array<i32>} : memref<128x128xf32, #tpu.memory_space<vmem>>, vector<1x16xf32>,
      %swap3A_544 = arith.index_cast %add3A_513 : i32 to index
      %swap3A_545 = arith.constant 96 : index
      %swap3A_546 = tpu.vector_load %arg15[%swap3A_544, %swap3A_545] {strides = array<i32>} : memref<128x128xf32, #tpu.memory_space<vmem>>, vector<1x16xf32>,
      %swap3A_547 = vector.shape_cast %swap3A_546 : vector<1x16xf32> to vector<16xf32>
      %swap3A_548 = vector.shape_cast %broadcast_in_dim3A_9 : vector<16xf32> to vector<1x16xf32>
      tpu.vector_store %arg15[%swap3A_544, %swap3A_545], %swap3A_548 {strides = array<i32>} : memref<128x128xf32, #tpu.memory_space<vmem>>, vector<1x16xf32>,
      %swap3A_549 = arith.index_cast %add3A_513 : i32 to index
      %swap3A_550 = arith.constant 112 : index
      %swap3A_551 = tpu.vector_load %arg15[%swap3A_549, %swap3A_550] {strides = array<i32>} : memref<128x128xf32, #tpu.memory_space<vmem>>, vector<1x16xf32>,
      %swap3A_552 = vector.shape_cast %swap3A_551 : vector<1x16xf32> to vector<16xf32>
      %swap3A_553 = vector.shape_cast %broadcast_in_dim3A_9 : vector<16xf32> to vector<1x16xf32>
      tpu.vector_store %arg15[%swap3A_549, %swap3A_550], %swap3A_553 {strides = array<i32>} : memref<128x128xf32, #tpu.memory_space<vmem>>, vector<1x16xf32>,
      %mul3A_554 = arith.constant 4 : i32
      %mul3A_555 = arith.muli %scan3A_508, %mul3A_554 : i32
      %add3A_556 = arith.constant 1 : i32
      %add3A_557 = arith.addi %mul3A_555, %add3A_556 : i32
      %swap3A_558 = arith.index_cast %add3A_557 : i32 to index
      %swap3A_559 = arith.constant 0 : index
      %swap3A_560 = tpu.vector_load %arg15[%swap3A_558, %swap3A_559] {strides = array<i32>} : memref<128x128xf32, #tpu.memory_space<vmem>>, vector<1x16xf32>,
      %swap3A_561 = vector.shape_cast %swap3A_560 : vector<1x16xf32> to vector<16xf32>
      %swap3A_562 = vector.shape_cast %broadcast_in_dim3A_9 : vector<16xf32> to vector<1x16xf32>
      tpu.vector_store %arg15[%swap3A_558, %swap3A_559], %swap3A_562 {strides = array<i32>} : memref<128x128xf32, #tpu.memory_space<vmem>>, vector<1x16xf32>,
      %swap3A_563 = arith.index_cast %add3A_557 : i32 to index
      %swap3A_564 = arith.constant 16 : index
      %swap3A_565 = tpu.vector_load %arg15[%swap3A_563, %swap3A_564] {strides = array<i32>} : memref<128x128xf32, #tpu.memory_space<vmem>>, vector<1x16xf32>,
      %swap3A_566 = vector.shape_cast %swap3A_565 : vector<1x16xf32> to vector<16xf32>
      %swap3A_567 = vector.shape_cast %broadcast_in_dim3A_9 : vector<16xf32> to vector<1x16xf32>
      tpu.vector_store %arg15[%swap3A_563, %swap3A_564], %swap3A_567 {strides = array<i32>} : memref<128x128xf32, #tpu.memory_space<vmem>>, vector<1x16xf32>,
      %swap3A_568 = arith.index_cast %add3A_557 : i32 to index
      %swap3A_569 = arith.constant 32 : index
      %swap3A_570 = tpu.vector_load %arg15[%swap3A_568, %swap3A_569] {strides = array<i32>} : memref<128x128xf32, #tpu.memory_space<vmem>>, vector<1x16xf32>,
      %swap3A_571 = vector.shape_cast %swap3A_570 : vector<1x16xf32> to vector<16xf32>
      %swap3A_572 = vector.shape_cast %broadcast_in_dim3A_9 : vector<16xf32> to vector<1x16xf32>
      tpu.vector_store %arg15[%swap3A_568, %swap3A_569], %swap3A_572 {strides = array<i32>} : memref<128x128xf32, #tpu.memory_space<vmem>>, vector<1x16xf32>,
      %swap3A_573 = arith.index_cast %add3A_557 : i32 to index
      %swap3A_574 = arith.constant 48 : index
      %swap3A_575 = tpu.vector_load %arg15[%swap3A_573, %swap3A_574] {strides = array<i32>} : memref<128x128xf32, #tpu.memory_space<vmem>>, vector<1x16xf32>,
      %swap3A_576 = vector.shape_cast %swap3A_575 : vector<1x16xf32> to vector<16xf32>
      %swap3A_577 = vector.shape_cast %broadcast_in_dim3A_9 : vector<16xf32> to vector<1x16xf32>
      tpu.vector_store %arg15[%swap3A_573, %swap3A_574], %swap3A_577 {strides = array<i32>} : memref<128x128xf32, #tpu.memory_space<vmem>>, vector<1x16xf32>,
      %swap3A_578 = arith.index_cast %add3A_557 : i32 to index
      %swap3A_579 = arith.constant 64 : index
      %swap3A_580 = tpu.vector_load %arg15[%swap3A_578, %swap3A_579] {strides = array<i32>} : memref<128x128xf32, #tpu.memory_space<vmem>>, vector<1x16xf32>,
      %swap3A_581 = vector.shape_cast %swap3A_580 : vector<1x16xf32> to vector<16xf32>
      %swap3A_582 = vector.shape_cast %broadcast_in_dim3A_9 : vector<16xf32> to vector<1x16xf32>
      tpu.vector_store %arg15[%swap3A_578, %swap3A_579], %swap3A_582 {strides = array<i32>} : memref<128x128xf32, #tpu.memory_space<vmem>>, vector<1x16xf32>,
      %swap3A_583 = arith.index_cast %add3A_557 : i32 to index
      %swap3A_584 = arith.constant 80 : index
      %swap3A_585 = tpu.vector_load %arg15[%swap3A_583, %swap3A_584] {strides = array<i32>} : memref<128x128xf32, #tpu.memory_space<vmem>>, vector<1x16xf32>,
      %swap3A_586 = vector.shape_cast %swap3A_585 : vector<1x16xf32> to vector<16xf32>
      %swap3A_587 = vector.shape_cast %broadcast_in_dim3A_9 : vector<16xf32> to vector<1x16xf32>
      tpu.vector_store %arg15[%swap3A_583, %swap3A_584], %swap3A_587 {strides = array<i32>} : memref<128x128xf32, #tpu.memory_space<vmem>>, vector<1x16xf32>,
      %swap3A_588 = arith.index_cast %add3A_557 : i32 to index
      %swap3A_589 = arith.constant 96 : index
      %swap3A_590 = tpu.vector_load %arg15[%swap3A_588, %swap3A_589] {strides = array<i32>} : memref<128x128xf32, #tpu.memory_space<vmem>>, vector<1x16xf32>,
      %swap3A_591 = vector.shape_cast %swap3A_590 : vector<1x16xf32> to vector<16xf32>
      %swap3A_592 = vector.shape_cast %broadcast_in_dim3A_9 : vector<16xf32> to vector<1x16xf32>
      tpu.vector_store %arg15[%swap3A_588, %swap3A_589], %swap3A_592 {strides = array<i32>} : memref<128x128xf32, #tpu.memory_space<vmem>>, vector<1x16xf32>,
      %swap3A_593 = arith.index_cast %add3A_557 : i32 to index
      %swap3A_594 = arith.constant 112 : index
      %swap3A_595 = tpu.vector_load %arg15[%swap3A_593, %swap3A_594] {strides = array<i32>} : memref<128x128xf32, #tpu.memory_space<vmem>>, vector<1x16xf32>,
      %swap3A_596 = vector.shape_cast %swap3A_595 : vector<1x16xf32> to vector<16xf32>
      %swap3A_597 = vector.shape_cast %broadcast_in_dim3A_9 : vector<16xf32> to vector<1x16xf32>
      tpu.vector_store %arg15[%swap3A_593, %swap3A_594], %swap3A_597 {strides = array<i32>} : memref<128x128xf32, #tpu.memory_space<vmem>>, vector<1x16xf32>,
      %mul3A_598 = arith.constant 4 : i32
      %mul3A_599 = arith.muli %scan3A_508, %mul3A_598 : i32
      %add3A_600 = arith.constant 2 : i32
      %add3A_601 = arith.addi %mul3A_599, %add3A_600 : i32
      %swap3A_602 = arith.index_cast %add3A_601 : i32 to index
      %swap3A_603 = arith.constant 0 : index
      %swap3A_604 = tpu.vector_load %arg15[%swap3A_602, %swap3A_603] {strides = array<i32>} : memref<128x128xf32, #tpu.memory_space<vmem>>, vector<1x16xf32>,
      %swap3A_605 = vector.shape_cast %swap3A_604 : vector<1x16xf32> to vector<16xf32>
      %swap3A_606 = vector.shape_cast %broadcast_in_dim3A_9 : vector<16xf32> to vector<1x16xf32>
      tpu.vector_store %arg15[%swap3A_602, %swap3A_603], %swap3A_606 {strides = array<i32>} : memref<128x128xf32, #tpu.memory_space<vmem>>, vector<1x16xf32>,
      %swap3A_607 = arith.index_cast %add3A_601 : i32 to index
      %swap3A_608 = arith.constant 16 : index
      %swap3A_609 = tpu.vector_load %arg15[%swap3A_607, %swap3A_608] {strides = array<i32>} : memref<128x128xf32, #tpu.memory_space<vmem>>, vector<1x16xf32>,
      %swap3A_610 = vector.shape_cast %swap3A_609 : vector<1x16xf32> to vector<16xf32>
      %swap3A_611 = vector.shape_cast %broadcast_in_dim3A_9 : vector<16xf32> to vector<1x16xf32>
      tpu.vector_store %arg15[%swap3A_607, %swap3A_608], %swap3A_611 {strides = array<i32>} : memref<128x128xf32, #tpu.memory_space<vmem>>, vector<1x16xf32>,
      %swap3A_612 = arith.index_cast %add3A_601 : i32 to index
      %swap3A_613 = arith.constant 32 : index
      %swap3A_614 = tpu.vector_load %arg15[%swap3A_612, %swap3A_613] {strides = array<i32>} : memref<128x128xf32, #tpu.memory_space<vmem>>, vector<1x16xf32>,
      %swap3A_615 = vector.shape_cast %swap3A_614 : vector<1x16xf32> to vector<16xf32>
      %swap3A_616 = vector.shape_cast %broadcast_in_dim3A_9 : vector<16xf32> to vector<1x16xf32>
      tpu.vector_store %arg15[%swap3A_612, %swap3A_613], %swap3A_616 {strides = array<i32>} : memref<128x128xf32, #tpu.memory_space<vmem>>, vector<1x16xf32>,
      %swap3A_617 = arith.index_cast %add3A_601 : i32 to index
      %swap3A_618 = arith.constant 48 : index
      %swap3A_619 = tpu.vector_load %arg15[%swap3A_617, %swap3A_618] {strides = array<i32>} : memref<128x128xf32, #tpu.memory_space<vmem>>, vector<1x16xf32>,
      %swap3A_620 = vector.shape_cast %swap3A_619 : vector<1x16xf32> to vector<16xf32>
      %swap3A_621 = vector.shape_cast %broadcast_in_dim3A_9 : vector<16xf32> to vector<1x16xf32>
      tpu.vector_store %arg15[%swap3A_617, %swap3A_618], %swap3A_621 {strides = array<i32>} : memref<128x128xf32, #tpu.memory_space<vmem>>, vector<1x16xf32>,
      %swap3A_622 = arith.index_cast %add3A_601 : i32 to index
      %swap3A_623 = arith.constant 64 : index
      %swap3A_624 = tpu.vector_load %arg15[%swap3A_622, %swap3A_623] {strides = array<i32>} : memref<128x128xf32, #tpu.memory_space<vmem>>, vector<1x16xf32>,
      %swap3A_625 = vector.shape_cast %swap3A_624 : vector<1x16xf32> to vector<16xf32>
      %swap3A_626 = vector.shape_cast %broadcast_in_dim3A_9 : vector<16xf32> to vector<1x16xf32>
      tpu.vector_store %arg15[%swap3A_622, %swap3A_623], %swap3A_626 {strides = array<i32>} : memref<128x128xf32, #tpu.memory_space<vmem>>, vector<1x16xf32>,
      %swap3A_627 = arith.index_cast %add3A_601 : i32 to index
      %swap3A_628 = arith.constant 80 : index
      %swap3A_629 = tpu.vector_load %arg15[%swap3A_627, %swap3A_628] {strides = array<i32>} : memref<128x128xf32, #tpu.memory_space<vmem>>, vector<1x16xf32>,
      %swap3A_630 = vector.shape_cast %swap3A_629 : vector<1x16xf32> to vector<16xf32>
      %swap3A_631 = vector.shape_cast %broadcast_in_dim3A_9 : vector<16xf32> to vector<1x16xf32>
      tpu.vector_store %arg15[%swap3A_627, %swap3A_628], %swap3A_631 {strides = array<i32>} : memref<128x128xf32, #tpu.memory_space<vmem>>, vector<1x16xf32>,
      %swap3A_632 = arith.index_cast %add3A_601 : i32 to index
      %swap3A_633 = arith.constant 96 : index
      %swap3A_634 = tpu.vector_load %arg15[%swap3A_632, %swap3A_633] {strides = array<i32>} : memref<128x128xf32, #tpu.memory_space<vmem>>, vector<1x16xf32>,
      %swap3A_635 = vector.shape_cast %swap3A_634 : vector<1x16xf32> to vector<16xf32>
      %swap3A_636 = vector.shape_cast %broadcast_in_dim3A_9 : vector<16xf32> to vector<1x16xf32>
      tpu.vector_store %arg15[%swap3A_632, %swap3A_633], %swap3A_636 {strides = array<i32>} : memref<128x128xf32, #tpu.memory_space<vmem>>, vector<1x16xf32>,
      %swap3A_637 = arith.index_cast %add3A_601 : i32 to index
      %swap3A_638 = arith.constant 112 : index
      %swap3A_639 = tpu.vector_load %arg15[%swap3A_637, %swap3A_638] {strides = array<i32>} : memref<128x128xf32, #tpu.memory_space<vmem>>, vector<1x16xf32>,
      %swap3A_640 = vector.shape_cast %swap3A_639 : vector<1x16xf32> to vector<16xf32>
      %swap3A_641 = vector.shape_cast %broadcast_in_dim3A_9 : vector<16xf32> to vector<1x16xf32>
      tpu.vector_store %arg15[%swap3A_637, %swap3A_638], %swap3A_641 {strides = array<i32>} : memref<128x128xf32, #tpu.memory_space<vmem>>, vector<1x16xf32>,
      %mul3A_642 = arith.constant 4 : i32
      %mul3A_643 = arith.muli %scan3A_508, %mul3A_642 : i32
      %add3A_644 = arith.constant 3 : i32
      %add3A_645 = arith.addi %mul3A_643, %add3A_644 : i32
      %swap3A_646 = arith.index_cast %add3A_645 : i32 to index
      %swap3A_647 = arith.constant 0 : index
      %swap3A_648 = tpu.vector_load %arg15[%swap3A_646, %swap3A_647] {strides = array<i32>} : memref<128x128xf32, #tpu.memory_space<vmem>>, vector<1x16xf32>,
      %swap3A_649 = vector.shape_cast %swap3A_648 : vector<1x16xf32> to vector<16xf32>
      %swap3A_650 = vector.shape_cast %broadcast_in_dim3A_9 : vector<16xf32> to vector<1x16xf32>
      tpu.vector_store %arg15[%swap3A_646, %swap3A_647], %swap3A_650 {strides = array<i32>} : memref<128x128xf32, #tpu.memory_space<vmem>>, vector<1x16xf32>,
      %swap3A_651 = arith.index_cast %add3A_645 : i32 to index
      %swap3A_652 = arith.constant 16 : index
      %swap3A_653 = tpu.vector_load %arg15[%swap3A_651, %swap3A_652] {strides = array<i32>} : memref<128x128xf32, #tpu.memory_space<vmem>>, vector<1x16xf32>,
      %swap3A_654 = vector.shape_cast %swap3A_653 : vector<1x16xf32> to vector<16xf32>
      %swap3A_655 = vector.shape_cast %broadcast_in_dim3A_9 : vector<16xf32> to vector<1x16xf32>
      tpu.vector_store %arg15[%swap3A_651, %swap3A_652], %swap3A_655 {strides = array<i32>} : memref<128x128xf32, #tpu.memory_space<vmem>>, vector<1x16xf32>,
      %swap3A_656 = arith.index_cast %add3A_645 : i32 to index
      %swap3A_657 = arith.constant 32 : index
      %swap3A_658 = tpu.vector_load %arg15[%swap3A_656, %swap3A_657] {strides = array<i32>} : memref<128x128xf32, #tpu.memory_space<vmem>>, vector<1x16xf32>,
      %swap3A_659 = vector.shape_cast %swap3A_658 : vector<1x16xf32> to vector<16xf32>
      %swap3A_660 = vector.shape_cast %broadcast_in_dim3A_9 : vector<16xf32> to vector<1x16xf32>
      tpu.vector_store %arg15[%swap3A_656, %swap3A_657], %swap3A_660 {strides = array<i32>} : memref<128x128xf32, #tpu.memory_space<vmem>>, vector<1x16xf32>,
      %swap3A_661 = arith.index_cast %add3A_645 : i32 to index
      %swap3A_662 = arith.constant 48 : index
      %swap3A_663 = tpu.vector_load %arg15[%swap3A_661, %swap3A_662] {strides = array<i32>} : memref<128x128xf32, #tpu.memory_space<vmem>>, vector<1x16xf32>,
      %swap3A_664 = vector.shape_cast %swap3A_663 : vector<1x16xf32> to vector<16xf32>
      %swap3A_665 = vector.shape_cast %broadcast_in_dim3A_9 : vector<16xf32> to vector<1x16xf32>
      tpu.vector_store %arg15[%swap3A_661, %swap3A_662], %swap3A_665 {strides = array<i32>} : memref<128x128xf32, #tpu.memory_space<vmem>>, vector<1x16xf32>,
      %swap3A_666 = arith.index_cast %add3A_645 : i32 to index
      %swap3A_667 = arith.constant 64 : index
      %swap3A_668 = tpu.vector_load %arg15[%swap3A_666, %swap3A_667] {strides = array<i32>} : memref<128x128xf32, #tpu.memory_space<vmem>>, vector<1x16xf32>,
      %swap3A_669 = vector.shape_cast %swap3A_668 : vector<1x16xf32> to vector<16xf32>
      %swap3A_670 = vector.shape_cast %broadcast_in_dim3A_9 : vector<16xf32> to vector<1x16xf32>
      tpu.vector_store %arg15[%swap3A_666, %swap3A_667], %swap3A_670 {strides = array<i32>} : memref<128x128xf32, #tpu.memory_space<vmem>>, vector<1x16xf32>,
      %swap3A_671 = arith.index_cast %add3A_645 : i32 to index
      %swap3A_672 = arith.constant 80 : index
      %swap3A_673 = tpu.vector_load %arg15[%swap3A_671, %swap3A_672] {strides = array<i32>} : memref<128x128xf32, #tpu.memory_space<vmem>>, vector<1x16xf32>,
      %swap3A_674 = vector.shape_cast %swap3A_673 : vector<1x16xf32> to vector<16xf32>
      %swap3A_675 = vector.shape_cast %broadcast_in_dim3A_9 : vector<16xf32> to vector<1x16xf32>
      tpu.vector_store %arg15[%swap3A_671, %swap3A_672], %swap3A_675 {strides = array<i32>} : memref<128x128xf32, #tpu.memory_space<vmem>>, vector<1x16xf32>,
      %swap3A_676 = arith.index_cast %add3A_645 : i32 to index
      %swap3A_677 = arith.constant 96 : index
      %swap3A_678 = tpu.vector_load %arg15[%swap3A_676, %swap3A_677] {strides = array<i32>} : memref<128x128xf32, #tpu.memory_space<vmem>>, vector<1x16xf32>,
      %swap3A_679 = vector.shape_cast %swap3A_678 : vector<1x16xf32> to vector<16xf32>
      %swap3A_680 = vector.shape_cast %broadcast_in_dim3A_9 : vector<16xf32> to vector<1x16xf32>
      tpu.vector_store %arg15[%swap3A_676, %swap3A_677], %swap3A_680 {strides = array<i32>} : memref<128x128xf32, #tpu.memory_space<vmem>>, vector<1x16xf32>,
      %swap3A_681 = arith.index_cast %add3A_645 : i32 to index
      %swap3A_682 = arith.constant 112 : index
      %swap3A_683 = tpu.vector_load %arg15[%swap3A_681, %swap3A_682] {strides = array<i32>} : memref<128x128xf32, #tpu.memory_space<vmem>>, vector<1x16xf32>,
      %swap3A_684 = vector.shape_cast %swap3A_683 : vector<1x16xf32> to vector<16xf32>
      %swap3A_685 = vector.shape_cast %broadcast_in_dim3A_9 : vector<16xf32> to vector<1x16xf32>
      tpu.vector_store %arg15[%swap3A_681, %swap3A_682], %swap3A_685 {strides = array<i32>} : memref<128x128xf32, #tpu.memory_space<vmem>>, vector<1x16xf32>,
      %scan3A_686 = arith.constant 0 : i32
      scf.yield %scan3A_686 : i32
    }
    %scan3A_22 = arith.constant 32 : i32
    %add3A_23 = arith.constant 0 : i32
    %add3A_24 = arith.addi %mul3A_4, %add3A_23 : i32
    %jit3A = arith.constant 512 : i32
    %div3A = arith.divsi %add3A_24, %jit3A : i32
    %sign3A = arith.constant 0 : i32
    %sign3A_25 = arith.cmpi sgt, %add3A_24, %sign3A : i32
    %sign3A_26 = arith.extui %sign3A_25 : i1 to i32
    %sign3A_27 = arith.constant 0 : i32
    %sign3A_28 = arith.cmpi slt, %add3A_24, %sign3A_27 : i32
    %sign3A_29 = arith.extui %sign3A_28 : i1 to i32
    %sign3A_30 = arith.subi %sign3A_26, %sign3A_29 : i32
    %sign3A_31 = arith.constant 0 : i32
    %sign3A_32 = arith.cmpi sgt, %jit3A, %sign3A_31 : i32
    %sign3A_33 = arith.extui %sign3A_32 : i1 to i32
    %sign3A_34 = arith.constant 0 : i32
    %sign3A_35 = arith.cmpi slt, %jit3A, %sign3A_34 : i32
    %sign3A_36 = arith.extui %sign3A_35 : i1 to i32
    %sign3A_37 = arith.subi %sign3A_33, %sign3A_36 : i32
    %ne3A = arith.cmpi ne, %sign3A_30, %sign3A_37 : i32
    %rem3A = arith.remsi %add3A_24, %jit3A : i32
    %ne3A_38 = arith.constant 0 : i32
    %ne3A_39 = arith.cmpi ne, %rem3A, %ne3A_38 : i32
    %and3A = arith.andi %ne3A, %ne3A_39 : i1
    %sub3A = arith.constant 1 : i32
    %sub3A_40 = arith.subi %div3A, %sub3A : i32
    %select_n3A = arith.select %and3A, %sub3A_40, %div3A : i32
    %mul3A_41 = arith.constant 512 : i32
    %mul3A_42 = arith.muli %select_n3A, %mul3A_41 : i32
    %add3A_43 = arith.constant 0 : i32
    %add3A_44 = arith.addi %mul3A_42, %add3A_43 : i32
    %sub3A_45 = arith.subi %add3A_24, %mul3A_4 : i32
    %mul3A_46 = arith.constant 16 : i32
    %mul3A_47 = arith.muli %sub3A_45, %mul3A_46 : i32
    %get3A = arith.index_cast %mul3A_47 : i32 to index
    %get3A_48 = tpu.vector_load %arg10[%get3A] {strides = array<i32>} : memref<512xi32, #tpu.memory_space<vmem>>, vector<16xi32>,
    %get3A_49 = vector.shape_cast %get3A_48 : vector<16xi32> to vector<16xi32>
    %sub3A_50 = arith.subi %add3A_24, %mul3A_4 : i32
    %mul3A_51 = arith.constant 16 : i32
    %mul3A_52 = arith.muli %sub3A_50, %mul3A_51 : i32
    %get3A_53 = arith.index_cast %mul3A_52 : i32 to index
    %get3A_54 = tpu.vector_load %arg11[%get3A_53] {strides = array<i32>} : memref<512xi32, #tpu.memory_space<vmem>>, vector<16xi32>,
    %get3A_55 = vector.shape_cast %get3A_54 : vector<16xi32> to vector<16xi32>
    %add3A_56 = arith.constant 0 : i32
    %add3A_57 = arith.addi %add3A_44, %add3A_56 : i32
    %get3A_58 = arith.index_cast %add3A_57 : i32 to index
    %get3A_59 = tpu.vector_load %arg8[%get3A_58] {strides = array<i32>} : memref<1024xi32, #tpu.memory_space<vmem>>, vector<16xi32>,
    %get3A_60 = vector.shape_cast %get3A_59 : vector<16xi32> to vector<16xi32>
    %add3A_61 = arith.constant 0 : i32
    %add3A_62 = arith.addi %add3A_44, %add3A_61 : i32
    %get3A_63 = arith.index_cast %add3A_62 : i32 to index
    %get3A_64 = tpu.vector_load %arg9[%get3A_63] {strides = array<i32>} : memref<1024xi32, #tpu.memory_space<vmem>>, vector<16xi32>,
    %get3A_65 = vector.shape_cast %get3A_64 : vector<16xi32> to vector<16xi32>
    %sub3A_66 = arith.subi %get3A_49, %get3A_60 : vector<16xi32>
    %add3A_67 = arith.constant 512 : i32
    %add3A_68 = vector.broadcast %add3A_67 : i32 to vector<16xi32>
    %add3A_69 = arith.addi %sub3A_66, %add3A_68 : vector<16xi32>
    %swap3A = arith.constant 0 : i32
    %swap3A_70 = arith.index_cast %swap3A : i32 to index
    %swap3A_71 = arith.constant 0 : index
    %swap3A_72 = tpu.vector_load %arg12[%swap3A_70, %swap3A_71] {strides = array<i32>} : memref<4x128xi32, #tpu.memory_space<vmem>>, vector<1x16xi32>,
    %swap3A_73 = vector.shape_cast %swap3A_72 : vector<1x16xi32> to vector<16xi32>
    %swap3A_74 = vector.shape_cast %add3A_69 : vector<16xi32> to vector<1x16xi32>
    tpu.vector_store %arg12[%swap3A_70, %swap3A_71], %swap3A_74 {strides = array<i32>} : memref<4x128xi32, #tpu.memory_space<vmem>>, vector<1x16xi32>,
    %sub3A_75 = arith.subi %get3A_49, %get3A_65 : vector<16xi32>
    %add3A_76 = arith.constant 1536 : i32
    %add3A_77 = vector.broadcast %add3A_76 : i32 to vector<16xi32>
    %add3A_78 = arith.addi %sub3A_75, %add3A_77 : vector<16xi32>
    %swap3A_79 = arith.constant 1 : i32
    %swap3A_80 = arith.index_cast %swap3A_79 : i32 to index
    %swap3A_81 = arith.constant 0 : index
    %swap3A_82 = tpu.vector_load %arg12[%swap3A_80, %swap3A_81] {strides = array<i32>} : memref<4x128xi32, #tpu.memory_space<vmem>>, vector<1x16xi32>,
    %swap3A_83 = vector.shape_cast %swap3A_82 : vector<1x16xi32> to vector<16xi32>
    %swap3A_84 = vector.shape_cast %add3A_78 : vector<16xi32> to vector<1x16xi32>
    tpu.vector_store %arg12[%swap3A_80, %swap3A_81], %swap3A_84 {strides = array<i32>} : memref<4x128xi32, #tpu.memory_space<vmem>>, vector<1x16xi32>,
    %sub3A_85 = arith.subi %get3A_55, %get3A_60 : vector<16xi32>
    %add3A_86 = arith.constant 2560 : i32
    %add3A_87 = vector.broadcast %add3A_86 : i32 to vector<16xi32>
    %add3A_88 = arith.addi %sub3A_85, %add3A_87 : vector<16xi32>
    %swap3A_89 = arith.constant 2 : i32
    %swap3A_90 = arith.index_cast %swap3A_89 : i32 to index
    %swap3A_91 = arith.constant 0 : index
    %swap3A_92 = tpu.vector_load %arg12[%swap3A_90, %swap3A_91] {strides = array<i32>} : memref<4x128xi32, #tpu.memory_space<vmem>>, vector<1x16xi32>,
    %swap3A_93 = vector.shape_cast %swap3A_92 : vector<1x16xi32> to vector<16xi32>
    %swap3A_94 = vector.shape_cast %add3A_88 : vector<16xi32> to vector<1x16xi32>
    tpu.vector_store %arg12[%swap3A_90, %swap3A_91], %swap3A_94 {strides = array<i32>} : memref<4x128xi32, #tpu.memory_space<vmem>>, vector<1x16xi32>,
    %sub3A_95 = arith.subi %get3A_55, %get3A_65 : vector<16xi32>
    %add3A_96 = arith.constant 3584 : i32
    %add3A_97 = vector.broadcast %add3A_96 : i32 to vector<16xi32>
    %add3A_98 = arith.addi %sub3A_95, %add3A_97 : vector<16xi32>
    %swap3A_99 = arith.constant 3 : i32
    %swap3A_100 = arith.index_cast %swap3A_99 : i32 to index
    %swap3A_101 = arith.constant 0 : index
    %swap3A_102 = tpu.vector_load %arg12[%swap3A_100, %swap3A_101] {strides = array<i32>} : memref<4x128xi32, #tpu.memory_space<vmem>>, vector<1x16xi32>,
    %swap3A_103 = vector.shape_cast %swap3A_102 : vector<1x16xi32> to vector<16xi32>
    %swap3A_104 = vector.shape_cast %add3A_98 : vector<16xi32> to vector<1x16xi32>
    tpu.vector_store %arg12[%swap3A_100, %swap3A_101], %swap3A_104 {strides = array<i32>} : memref<4x128xi32, #tpu.memory_space<vmem>>, vector<1x16xi32>,
    %add3A_105 = arith.constant 16 : i32
    %add3A_106 = arith.addi %add3A_44, %add3A_105 : i32
    %get3A_107 = arith.index_cast %add3A_106 : i32 to index
    %get3A_108 = tpu.vector_load %arg8[%get3A_107] {strides = array<i32>} : memref<1024xi32, #tpu.memory_space<vmem>>, vector<16xi32>,
    %get3A_109 = vector.shape_cast %get3A_108 : vector<16xi32> to vector<16xi32>
    %add3A_110 = arith.constant 16 : i32
    %add3A_111 = arith.addi %add3A_44, %add3A_110 : i32
    %get3A_112 = arith.index_cast %add3A_111 : i32 to index
    %get3A_113 = tpu.vector_load %arg9[%get3A_112] {strides = array<i32>} : memref<1024xi32, #tpu.memory_space<vmem>>, vector<16xi32>,
    %get3A_114 = vector.shape_cast %get3A_113 : vector<16xi32> to vector<16xi32>
    %sub3A_115 = arith.subi %get3A_49, %get3A_109 : vector<16xi32>
    %add3A_116 = arith.constant 512 : i32
    %add3A_117 = vector.broadcast %add3A_116 : i32 to vector<16xi32>
    %add3A_118 = arith.addi %sub3A_115, %add3A_117 : vector<16xi32>
    %swap3A_119 = arith.constant 0 : i32
    %swap3A_120 = arith.index_cast %swap3A_119 : i32 to index
    %swap3A_121 = arith.constant 16 : index
    %swap3A_122 = tpu.vector_load %arg12[%swap3A_120, %swap3A_121] {strides = array<i32>} : memref<4x128xi32, #tpu.memory_space<vmem>>, vector<1x16xi32>,
    %swap3A_123 = vector.shape_cast %swap3A_122 : vector<1x16xi32> to vector<16xi32>
    %swap3A_124 = vector.shape_cast %add3A_118 : vector<16xi32> to vector<1x16xi32>
    tpu.vector_store %arg12[%swap3A_120, %swap3A_121], %swap3A_124 {strides = array<i32>} : memref<4x128xi32, #tpu.memory_space<vmem>>, vector<1x16xi32>,
    %sub3A_125 = arith.subi %get3A_49, %get3A_114 : vector<16xi32>
    %add3A_126 = arith.constant 1536 : i32
    %add3A_127 = vector.broadcast %add3A_126 : i32 to vector<16xi32>
    %add3A_128 = arith.addi %sub3A_125, %add3A_127 : vector<16xi32>
    %swap3A_129 = arith.constant 1 : i32
    %swap3A_130 = arith.index_cast %swap3A_129 : i32 to index
    %swap3A_131 = arith.constant 16 : index
    %swap3A_132 = tpu.vector_load %arg12[%swap3A_130, %swap3A_131] {strides = array<i32>} : memref<4x128xi32, #tpu.memory_space<vmem>>, vector<1x16xi32>,
    %swap3A_133 = vector.shape_cast %swap3A_132 : vector<1x16xi32> to vector<16xi32>
    %swap3A_134 = vector.shape_cast %add3A_128 : vector<16xi32> to vector<1x16xi32>
    tpu.vector_store %arg12[%swap3A_130, %swap3A_131], %swap3A_134 {strides = array<i32>} : memref<4x128xi32, #tpu.memory_space<vmem>>, vector<1x16xi32>,
    %sub3A_135 = arith.subi %get3A_55, %get3A_109 : vector<16xi32>
    %add3A_136 = arith.constant 2560 : i32
    %add3A_137 = vector.broadcast %add3A_136 : i32 to vector<16xi32>
    %add3A_138 = arith.addi %sub3A_135, %add3A_137 : vector<16xi32>
    %swap3A_139 = arith.constant 2 : i32
    %swap3A_140 = arith.index_cast %swap3A_139 : i32 to index
    %swap3A_141 = arith.constant 16 : index
    %swap3A_142 = tpu.vector_load %arg12[%swap3A_140, %swap3A_141] {strides = array<i32>} : memref<4x128xi32, #tpu.memory_space<vmem>>, vector<1x16xi32>,
    %swap3A_143 = vector.shape_cast %swap3A_142 : vector<1x16xi32> to vector<16xi32>
    %swap3A_144 = vector.shape_cast %add3A_138 : vector<16xi32> to vector<1x16xi32>
    tpu.vector_store %arg12[%swap3A_140, %swap3A_141], %swap3A_144 {strides = array<i32>} : memref<4x128xi32, #tpu.memory_space<vmem>>, vector<1x16xi32>,
    %sub3A_145 = arith.subi %get3A_55, %get3A_114 : vector<16xi32>
    %add3A_146 = arith.constant 3584 : i32
    %add3A_147 = vector.broadcast %add3A_146 : i32 to vector<16xi32>
    %add3A_148 = arith.addi %sub3A_145, %add3A_147 : vector<16xi32>
    %swap3A_149 = arith.constant 3 : i32
    %swap3A_150 = arith.index_cast %swap3A_149 : i32 to index
    %swap3A_151 = arith.constant 16 : index
    %swap3A_152 = tpu.vector_load %arg12[%swap3A_150, %swap3A_151] {strides = array<i32>} : memref<4x128xi32, #tpu.memory_space<vmem>>, vector<1x16xi32>,
    %swap3A_153 = vector.shape_cast %swap3A_152 : vector<1x16xi32> to vector<16xi32>
    %swap3A_154 = vector.shape_cast %add3A_148 : vector<16xi32> to vector<1x16xi32>
    tpu.vector_store %arg12[%swap3A_150, %swap3A_151], %swap3A_154 {strides = array<i32>} : memref<4x128xi32, #tpu.memory_space<vmem>>, vector<1x16xi32>,
    %add3A_155 = arith.constant 32 : i32
    %add3A_156 = arith.addi %add3A_44, %add3A_155 : i32
    %get3A_157 = arith.index_cast %add3A_156 : i32 to index
    %get3A_158 = tpu.vector_load %arg8[%get3A_157] {strides = array<i32>} : memref<1024xi32, #tpu.memory_space<vmem>>, vector<16xi32>,
    %get3A_159 = vector.shape_cast %get3A_158 : vector<16xi32> to vector<16xi32>
    %add3A_160 = arith.constant 32 : i32
    %add3A_161 = arith.addi %add3A_44, %add3A_160 : i32
    %get3A_162 = arith.index_cast %add3A_161 : i32 to index
    %get3A_163 = tpu.vector_load %arg9[%get3A_162] {strides = array<i32>} : memref<1024xi32, #tpu.memory_space<vmem>>, vector<16xi32>,
    %get3A_164 = vector.shape_cast %get3A_163 : vector<16xi32> to vector<16xi32>
    %sub3A_165 = arith.subi %get3A_49, %get3A_159 : vector<16xi32>
    %add3A_166 = arith.constant 512 : i32
    %add3A_167 = vector.broadcast %add3A_166 : i32 to vector<16xi32>
    %add3A_168 = arith.addi %sub3A_165, %add3A_167 : vector<16xi32>
    %swap3A_169 = arith.constant 0 : i32
    %swap3A_170 = arith.index_cast %swap3A_169 : i32 to index
    %swap3A_171 = arith.constant 32 : index
    %swap3A_172 = tpu.vector_load %arg12[%swap3A_170, %swap3A_171] {strides = array<i32>} : memref<4x128xi32, #tpu.memory_space<vmem>>, vector<1x16xi32>,
    %swap3A_173 = vector.shape_cast %swap3A_172 : vector<1x16xi32> to vector<16xi32>
    %swap3A_174 = vector.shape_cast %add3A_168 : vector<16xi32> to vector<1x16xi32>
    tpu.vector_store %arg12[%swap3A_170, %swap3A_171], %swap3A_174 {strides = array<i32>} : memref<4x128xi32, #tpu.memory_space<vmem>>, vector<1x16xi32>,
    %sub3A_175 = arith.subi %get3A_49, %get3A_164 : vector<16xi32>
    %add3A_176 = arith.constant 1536 : i32
    %add3A_177 = vector.broadcast %add3A_176 : i32 to vector<16xi32>
    %add3A_178 = arith.addi %sub3A_175, %add3A_177 : vector<16xi32>
    %swap3A_179 = arith.constant 1 : i32
    %swap3A_180 = arith.index_cast %swap3A_179 : i32 to index
    %swap3A_181 = arith.constant 32 : index
    %swap3A_182 = tpu.vector_load %arg12[%swap3A_180, %swap3A_181] {strides = array<i32>} : memref<4x128xi32, #tpu.memory_space<vmem>>, vector<1x16xi32>,
    %swap3A_183 = vector.shape_cast %swap3A_182 : vector<1x16xi32> to vector<16xi32>
    %swap3A_184 = vector.shape_cast %add3A_178 : vector<16xi32> to vector<1x16xi32>
    tpu.vector_store %arg12[%swap3A_180, %swap3A_181], %swap3A_184 {strides = array<i32>} : memref<4x128xi32, #tpu.memory_space<vmem>>, vector<1x16xi32>,
    %sub3A_185 = arith.subi %get3A_55, %get3A_159 : vector<16xi32>
    %add3A_186 = arith.constant 2560 : i32
    %add3A_187 = vector.broadcast %add3A_186 : i32 to vector<16xi32>
    %add3A_188 = arith.addi %sub3A_185, %add3A_187 : vector<16xi32>
    %swap3A_189 = arith.constant 2 : i32
    %swap3A_190 = arith.index_cast %swap3A_189 : i32 to index
    %swap3A_191 = arith.constant 32 : index
    %swap3A_192 = tpu.vector_load %arg12[%swap3A_190, %swap3A_191] {strides = array<i32>} : memref<4x128xi32, #tpu.memory_space<vmem>>, vector<1x16xi32>,
    %swap3A_193 = vector.shape_cast %swap3A_192 : vector<1x16xi32> to vector<16xi32>
    %swap3A_194 = vector.shape_cast %add3A_188 : vector<16xi32> to vector<1x16xi32>
    tpu.vector_store %arg12[%swap3A_190, %swap3A_191], %swap3A_194 {strides = array<i32>} : memref<4x128xi32, #tpu.memory_space<vmem>>, vector<1x16xi32>,
    %sub3A_195 = arith.subi %get3A_55, %get3A_164 : vector<16xi32>
    %add3A_196 = arith.constant 3584 : i32
    %add3A_197 = vector.broadcast %add3A_196 : i32 to vector<16xi32>
    %add3A_198 = arith.addi %sub3A_195, %add3A_197 : vector<16xi32>
    %swap3A_199 = arith.constant 3 : i32
    %swap3A_200 = arith.index_cast %swap3A_199 : i32 to index
    %swap3A_201 = arith.constant 32 : index
    %swap3A_202 = tpu.vector_load %arg12[%swap3A_200, %swap3A_201] {strides = array<i32>} : memref<4x128xi32, #tpu.memory_space<vmem>>, vector<1x16xi32>,
    %swap3A_203 = vector.shape_cast %swap3A_202 : vector<1x16xi32> to vector<16xi32>
    %swap3A_204 = vector.shape_cast %add3A_198 : vector<16xi32> to vector<1x16xi32>
    tpu.vector_store %arg12[%swap3A_200, %swap3A_201], %swap3A_204 {strides = array<i32>} : memref<4x128xi32, #tpu.memory_space<vmem>>, vector<1x16xi32>,
    %add3A_205 = arith.constant 48 : i32
    %add3A_206 = arith.addi %add3A_44, %add3A_205 : i32
    %get3A_207 = arith.index_cast %add3A_206 : i32 to index
    %get3A_208 = tpu.vector_load %arg8[%get3A_207] {strides = array<i32>} : memref<1024xi32, #tpu.memory_space<vmem>>, vector<16xi32>,
    %get3A_209 = vector.shape_cast %get3A_208 : vector<16xi32> to vector<16xi32>
    %add3A_210 = arith.constant 48 : i32
    %add3A_211 = arith.addi %add3A_44, %add3A_210 : i32
    %get3A_212 = arith.index_cast %add3A_211 : i32 to index
    %get3A_213 = tpu.vector_load %arg9[%get3A_212] {strides = array<i32>} : memref<1024xi32, #tpu.memory_space<vmem>>, vector<16xi32>,
    %get3A_214 = vector.shape_cast %get3A_213 : vector<16xi32> to vector<16xi32>
    %sub3A_215 = arith.subi %get3A_49, %get3A_209 : vector<16xi32>
    %add3A_216 = arith.constant 512 : i32
    %add3A_217 = vector.broadcast %add3A_216 : i32 to vector<16xi32>
    %add3A_218 = arith.addi %sub3A_215, %add3A_217 : vector<16xi32>
    %swap3A_219 = arith.constant 0 : i32
    %swap3A_220 = arith.index_cast %swap3A_219 : i32 to index
    %swap3A_221 = arith.constant 48 : index
    %swap3A_222 = tpu.vector_load %arg12[%swap3A_220, %swap3A_221] {strides = array<i32>} : memref<4x128xi32, #tpu.memory_space<vmem>>, vector<1x16xi32>,
    %swap3A_223 = vector.shape_cast %swap3A_222 : vector<1x16xi32> to vector<16xi32>
    %swap3A_224 = vector.shape_cast %add3A_218 : vector<16xi32> to vector<1x16xi32>
    tpu.vector_store %arg12[%swap3A_220, %swap3A_221], %swap3A_224 {strides = array<i32>} : memref<4x128xi32, #tpu.memory_space<vmem>>, vector<1x16xi32>,
    %sub3A_225 = arith.subi %get3A_49, %get3A_214 : vector<16xi32>
    %add3A_226 = arith.constant 1536 : i32
    %add3A_227 = vector.broadcast %add3A_226 : i32 to vector<16xi32>
    %add3A_228 = arith.addi %sub3A_225, %add3A_227 : vector<16xi32>
    %swap3A_229 = arith.constant 1 : i32
    %swap3A_230 = arith.index_cast %swap3A_229 : i32 to index
    %swap3A_231 = arith.constant 48 : index
    %swap3A_232 = tpu.vector_load %arg12[%swap3A_230, %swap3A_231] {strides = array<i32>} : memref<4x128xi32, #tpu.memory_space<vmem>>, vector<1x16xi32>,
    %swap3A_233 = vector.shape_cast %swap3A_232 : vector<1x16xi32> to vector<16xi32>
    %swap3A_234 = vector.shape_cast %add3A_228 : vector<16xi32> to vector<1x16xi32>
    tpu.vector_store %arg12[%swap3A_230, %swap3A_231], %swap3A_234 {strides = array<i32>} : memref<4x128xi32, #tpu.memory_space<vmem>>, vector<1x16xi32>,
    %sub3A_235 = arith.subi %get3A_55, %get3A_209 : vector<16xi32>
    %add3A_236 = arith.constant 2560 : i32
    %add3A_237 = vector.broadcast %add3A_236 : i32 to vector<16xi32>
    %add3A_238 = arith.addi %sub3A_235, %add3A_237 : vector<16xi32>
    %swap3A_239 = arith.constant 2 : i32
    %swap3A_240 = arith.index_cast %swap3A_239 : i32 to index
    %swap3A_241 = arith.constant 48 : index
    %swap3A_242 = tpu.vector_load %arg12[%swap3A_240, %swap3A_241] {strides = array<i32>} : memref<4x128xi32, #tpu.memory_space<vmem>>, vector<1x16xi32>,
    %swap3A_243 = vector.shape_cast %swap3A_242 : vector<1x16xi32> to vector<16xi32>
    %swap3A_244 = vector.shape_cast %add3A_238 : vector<16xi32> to vector<1x16xi32>
    tpu.vector_store %arg12[%swap3A_240, %swap3A_241], %swap3A_244 {strides = array<i32>} : memref<4x128xi32, #tpu.memory_space<vmem>>, vector<1x16xi32>,
    %sub3A_245 = arith.subi %get3A_55, %get3A_214 : vector<16xi32>
    %add3A_246 = arith.constant 3584 : i32
    %add3A_247 = vector.broadcast %add3A_246 : i32 to vector<16xi32>
    %add3A_248 = arith.addi %sub3A_245, %add3A_247 : vector<16xi32>
    %swap3A_249 = arith.constant 3 : i32
    %swap3A_250 = arith.index_cast %swap3A_249 : i32 to index
    %swap3A_251 = arith.constant 48 : index
    %swap3A_252 = tpu.vector_load %arg12[%swap3A_250, %swap3A_251] {strides = array<i32>} : memref<4x128xi32, #tpu.memory_space<vmem>>, vector<1x16xi32>,
    %swap3A_253 = vector.shape_cast %swap3A_252 : vector<1x16xi32> to vector<16xi32>
    %swap3A_254 = vector.shape_cast %add3A_248 : vector<16xi32> to vector<1x16xi32>
    tpu.vector_store %arg12[%swap3A_250, %swap3A_251], %swap3A_254 {strides = array<i32>} : memref<4x128xi32, #tpu.memory_space<vmem>>, vector<1x16xi32>,
    %add3A_255 = arith.constant 64 : i32
    %add3A_256 = arith.addi %add3A_44, %add3A_255 : i32
    %get3A_257 = arith.index_cast %add3A_256 : i32 to index
    %get3A_258 = tpu.vector_load %arg8[%get3A_257] {strides = array<i32>} : memref<1024xi32, #tpu.memory_space<vmem>>, vector<16xi32>,
    %get3A_259 = vector.shape_cast %get3A_258 : vector<16xi32> to vector<16xi32>
    %add3A_260 = arith.constant 64 : i32
    %add3A_261 = arith.addi %add3A_44, %add3A_260 : i32
    %get3A_262 = arith.index_cast %add3A_261 : i32 to index
    %get3A_263 = tpu.vector_load %arg9[%get3A_262] {strides = array<i32>} : memref<1024xi32, #tpu.memory_space<vmem>>, vector<16xi32>,
    %get3A_264 = vector.shape_cast %get3A_263 : vector<16xi32> to vector<16xi32>
    %sub3A_265 = arith.subi %get3A_49, %get3A_259 : vector<16xi32>
    %add3A_266 = arith.constant 512 : i32
    %add3A_267 = vector.broadcast %add3A_266 : i32 to vector<16xi32>
    %add3A_268 = arith.addi %sub3A_265, %add3A_267 : vector<16xi32>
    %swap3A_269 = arith.constant 0 : i32
    %swap3A_270 = arith.index_cast %swap3A_269 : i32 to index
    %swap3A_271 = arith.constant 64 : index
    %swap3A_272 = tpu.vector_load %arg12[%swap3A_270, %swap3A_271] {strides = array<i32>} : memref<4x128xi32, #tpu.memory_space<vmem>>, vector<1x16xi32>,
    %swap3A_273 = vector.shape_cast %swap3A_272 : vector<1x16xi32> to vector<16xi32>
    %swap3A_274 = vector.shape_cast %add3A_268 : vector<16xi32> to vector<1x16xi32>
    tpu.vector_store %arg12[%swap3A_270, %swap3A_271], %swap3A_274 {strides = array<i32>} : memref<4x128xi32, #tpu.memory_space<vmem>>, vector<1x16xi32>,
    %sub3A_275 = arith.subi %get3A_49, %get3A_264 : vector<16xi32>
    %add3A_276 = arith.constant 1536 : i32
    %add3A_277 = vector.broadcast %add3A_276 : i32 to vector<16xi32>
    %add3A_278 = arith.addi %sub3A_275, %add3A_277 : vector<16xi32>
    %swap3A_279 = arith.constant 1 : i32
    %swap3A_280 = arith.index_cast %swap3A_279 : i32 to index
    %swap3A_281 = arith.constant 64 : index
    %swap3A_282 = tpu.vector_load %arg12[%swap3A_280, %swap3A_281] {strides = array<i32>} : memref<4x128xi32, #tpu.memory_space<vmem>>, vector<1x16xi32>,
    %swap3A_283 = vector.shape_cast %swap3A_282 : vector<1x16xi32> to vector<16xi32>
    %swap3A_284 = vector.shape_cast %add3A_278 : vector<16xi32> to vector<1x16xi32>
    tpu.vector_store %arg12[%swap3A_280, %swap3A_281], %swap3A_284 {strides = array<i32>} : memref<4x128xi32, #tpu.memory_space<vmem>>, vector<1x16xi32>,
    %sub3A_285 = arith.subi %get3A_55, %get3A_259 : vector<16xi32>
    %add3A_286 = arith.constant 2560 : i32
    %add3A_287 = vector.broadcast %add3A_286 : i32 to vector<16xi32>
    %add3A_288 = arith.addi %sub3A_285, %add3A_287 : vector<16xi32>
    %swap3A_289 = arith.constant 2 : i32
    %swap3A_290 = arith.index_cast %swap3A_289 : i32 to index
    %swap3A_291 = arith.constant 64 : index
    %swap3A_292 = tpu.vector_load %arg12[%swap3A_290, %swap3A_291] {strides = array<i32>} : memref<4x128xi32, #tpu.memory_space<vmem>>, vector<1x16xi32>,
    %swap3A_293 = vector.shape_cast %swap3A_292 : vector<1x16xi32> to vector<16xi32>
    %swap3A_294 = vector.shape_cast %add3A_288 : vector<16xi32> to vector<1x16xi32>
    tpu.vector_store %arg12[%swap3A_290, %swap3A_291], %swap3A_294 {strides = array<i32>} : memref<4x128xi32, #tpu.memory_space<vmem>>, vector<1x16xi32>,
    %sub3A_295 = arith.subi %get3A_55, %get3A_264 : vector<16xi32>
    %add3A_296 = arith.constant 3584 : i32
    %add3A_297 = vector.broadcast %add3A_296 : i32 to vector<16xi32>
    %add3A_298 = arith.addi %sub3A_295, %add3A_297 : vector<16xi32>
    %swap3A_299 = arith.constant 3 : i32
    %swap3A_300 = arith.index_cast %swap3A_299 : i32 to index
    %swap3A_301 = arith.constant 64 : index
    %swap3A_302 = tpu.vector_load %arg12[%swap3A_300, %swap3A_301] {strides = array<i32>} : memref<4x128xi32, #tpu.memory_space<vmem>>, vector<1x16xi32>,
    %swap3A_303 = vector.shape_cast %swap3A_302 : vector<1x16xi32> to vector<16xi32>
    %swap3A_304 = vector.shape_cast %add3A_298 : vector<16xi32> to vector<1x16xi32>
    tpu.vector_store %arg12[%swap3A_300, %swap3A_301], %swap3A_304 {strides = array<i32>} : memref<4x128xi32, #tpu.memory_space<vmem>>, vector<1x16xi32>,
    %add3A_305 = arith.constant 80 : i32
    %add3A_306 = arith.addi %add3A_44, %add3A_305 : i32
    %get3A_307 = arith.index_cast %add3A_306 : i32 to index
    %get3A_308 = tpu.vector_load %arg8[%get3A_307] {strides = array<i32>} : memref<1024xi32, #tpu.memory_space<vmem>>, vector<16xi32>,
    %get3A_309 = vector.shape_cast %get3A_308 : vector<16xi32> to vector<16xi32>
    %add3A_310 = arith.constant 80 : i32
    %add3A_311 = arith.addi %add3A_44, %add3A_310 : i32
    %get3A_312 = arith.index_cast %add3A_311 : i32 to index
    %get3A_313 = tpu.vector_load %arg9[%get3A_312] {strides = array<i32>} : memref<1024xi32, #tpu.memory_space<vmem>>, vector<16xi32>,
    %get3A_314 = vector.shape_cast %get3A_313 : vector<16xi32> to vector<16xi32>
    %sub3A_315 = arith.subi %get3A_49, %get3A_309 : vector<16xi32>
    %add3A_316 = arith.constant 512 : i32
    %add3A_317 = vector.broadcast %add3A_316 : i32 to vector<16xi32>
    %add3A_318 = arith.addi %sub3A_315, %add3A_317 : vector<16xi32>
    %swap3A_319 = arith.constant 0 : i32
    %swap3A_320 = arith.index_cast %swap3A_319 : i32 to index
    %swap3A_321 = arith.constant 80 : index
    %swap3A_322 = tpu.vector_load %arg12[%swap3A_320, %swap3A_321] {strides = array<i32>} : memref<4x128xi32, #tpu.memory_space<vmem>>, vector<1x16xi32>,
    %swap3A_323 = vector.shape_cast %swap3A_322 : vector<1x16xi32> to vector<16xi32>
    %swap3A_324 = vector.shape_cast %add3A_318 : vector<16xi32> to vector<1x16xi32>
    tpu.vector_store %arg12[%swap3A_320, %swap3A_321], %swap3A_324 {strides = array<i32>} : memref<4x128xi32, #tpu.memory_space<vmem>>, vector<1x16xi32>,
    %sub3A_325 = arith.subi %get3A_49, %get3A_314 : vector<16xi32>
    %add3A_326 = arith.constant 1536 : i32
    %add3A_327 = vector.broadcast %add3A_326 : i32 to vector<16xi32>
    %add3A_328 = arith.addi %sub3A_325, %add3A_327 : vector<16xi32>
    %swap3A_329 = arith.constant 1 : i32
    %swap3A_330 = arith.index_cast %swap3A_329 : i32 to index
    %swap3A_331 = arith.constant 80 : index
    %swap3A_332 = tpu.vector_load %arg12[%swap3A_330, %swap3A_331] {strides = array<i32>} : memref<4x128xi32, #tpu.memory_space<vmem>>, vector<1x16xi32>,
    %swap3A_333 = vector.shape_cast %swap3A_332 : vector<1x16xi32> to vector<16xi32>
    %swap3A_334 = vector.shape_cast %add3A_328 : vector<16xi32> to vector<1x16xi32>
    tpu.vector_store %arg12[%swap3A_330, %swap3A_331], %swap3A_334 {strides = array<i32>} : memref<4x128xi32, #tpu.memory_space<vmem>>, vector<1x16xi32>,
    %sub3A_335 = arith.subi %get3A_55, %get3A_309 : vector<16xi32>
    %add3A_336 = arith.constant 2560 : i32
    %add3A_337 = vector.broadcast %add3A_336 : i32 to vector<16xi32>
    %add3A_338 = arith.addi %sub3A_335, %add3A_337 : vector<16xi32>
    %swap3A_339 = arith.constant 2 : i32
    %swap3A_340 = arith.index_cast %swap3A_339 : i32 to index
    %swap3A_341 = arith.constant 80 : index
    %swap3A_342 = tpu.vector_load %arg12[%swap3A_340, %swap3A_341] {strides = array<i32>} : memref<4x128xi32, #tpu.memory_space<vmem>>, vector<1x16xi32>,
    %swap3A_343 = vector.shape_cast %swap3A_342 : vector<1x16xi32> to vector<16xi32>
    %swap3A_344 = vector.shape_cast %add3A_338 : vector<16xi32> to vector<1x16xi32>
    tpu.vector_store %arg12[%swap3A_340, %swap3A_341], %swap3A_344 {strides = array<i32>} : memref<4x128xi32, #tpu.memory_space<vmem>>, vector<1x16xi32>,
    %sub3A_345 = arith.subi %get3A_55, %get3A_314 : vector<16xi32>
    %add3A_346 = arith.constant 3584 : i32
    %add3A_347 = vector.broadcast %add3A_346 : i32 to vector<16xi32>
    %add3A_348 = arith.addi %sub3A_345, %add3A_347 : vector<16xi32>
    %swap3A_349 = arith.constant 3 : i32
    %swap3A_350 = arith.index_cast %swap3A_349 : i32 to index
    %swap3A_351 = arith.constant 80 : index
    %swap3A_352 = tpu.vector_load %arg12[%swap3A_350, %swap3A_351] {strides = array<i32>} : memref<4x128xi32, #tpu.memory_space<vmem>>, vector<1x16xi32>,
    %swap3A_353 = vector.shape_cast %swap3A_352 : vector<1x16xi32> to vector<16xi32>
    %swap3A_354 = vector.shape_cast %add3A_348 : vector<16xi32> to vector<1x16xi32>
    tpu.vector_store %arg12[%swap3A_350, %swap3A_351], %swap3A_354 {strides = array<i32>} : memref<4x128xi32, #tpu.memory_space<vmem>>, vector<1x16xi32>,
    %add3A_355 = arith.constant 96 : i32
    %add3A_356 = arith.addi %add3A_44, %add3A_355 : i32
    %get3A_357 = arith.index_cast %add3A_356 : i32 to index
    %get3A_358 = tpu.vector_load %arg8[%get3A_357] {strides = array<i32>} : memref<1024xi32, #tpu.memory_space<vmem>>, vector<16xi32>,
    %get3A_359 = vector.shape_cast %get3A_358 : vector<16xi32> to vector<16xi32>
    %add3A_360 = arith.constant 96 : i32
    %add3A_361 = arith.addi %add3A_44, %add3A_360 : i32
    %get3A_362 = arith.index_cast %add3A_361 : i32 to index
    %get3A_363 = tpu.vector_load %arg9[%get3A_362] {strides = array<i32>} : memref<1024xi32, #tpu.memory_space<vmem>>, vector<16xi32>,
    %get3A_364 = vector.shape_cast %get3A_363 : vector<16xi32> to vector<16xi32>
    %sub3A_365 = arith.subi %get3A_49, %get3A_359 : vector<16xi32>
    %add3A_366 = arith.constant 512 : i32
    %add3A_367 = vector.broadcast %add3A_366 : i32 to vector<16xi32>
    %add3A_368 = arith.addi %sub3A_365, %add3A_367 : vector<16xi32>
    %swap3A_369 = arith.constant 0 : i32
    %swap3A_370 = arith.index_cast %swap3A_369 : i32 to index
    %swap3A_371 = arith.constant 96 : index
    %swap3A_372 = tpu.vector_load %arg12[%swap3A_370, %swap3A_371] {strides = array<i32>} : memref<4x128xi32, #tpu.memory_space<vmem>>, vector<1x16xi32>,
    %swap3A_373 = vector.shape_cast %swap3A_372 : vector<1x16xi32> to vector<16xi32>
    %swap3A_374 = vector.shape_cast %add3A_368 : vector<16xi32> to vector<1x16xi32>
    tpu.vector_store %arg12[%swap3A_370, %swap3A_371], %swap3A_374 {strides = array<i32>} : memref<4x128xi32, #tpu.memory_space<vmem>>, vector<1x16xi32>,
    %sub3A_375 = arith.subi %get3A_49, %get3A_364 : vector<16xi32>
    %add3A_376 = arith.constant 1536 : i32
    %add3A_377 = vector.broadcast %add3A_376 : i32 to vector<16xi32>
    %add3A_378 = arith.addi %sub3A_375, %add3A_377 : vector<16xi32>
    %swap3A_379 = arith.constant 1 : i32
    %swap3A_380 = arith.index_cast %swap3A_379 : i32 to index
    %swap3A_381 = arith.constant 96 : index
    %swap3A_382 = tpu.vector_load %arg12[%swap3A_380, %swap3A_381] {strides = array<i32>} : memref<4x128xi32, #tpu.memory_space<vmem>>, vector<1x16xi32>,
    %swap3A_383 = vector.shape_cast %swap3A_382 : vector<1x16xi32> to vector<16xi32>
    %swap3A_384 = vector.shape_cast %add3A_378 : vector<16xi32> to vector<1x16xi32>
    tpu.vector_store %arg12[%swap3A_380, %swap3A_381], %swap3A_384 {strides = array<i32>} : memref<4x128xi32, #tpu.memory_space<vmem>>, vector<1x16xi32>,
    %sub3A_385 = arith.subi %get3A_55, %get3A_359 : vector<16xi32>
    %add3A_386 = arith.constant 2560 : i32
    %add3A_387 = vector.broadcast %add3A_386 : i32 to vector<16xi32>
    %add3A_388 = arith.addi %sub3A_385, %add3A_387 : vector<16xi32>
    %swap3A_389 = arith.constant 2 : i32
    %swap3A_390 = arith.index_cast %swap3A_389 : i32 to index
    %swap3A_391 = arith.constant 96 : index
    %swap3A_392 = tpu.vector_load %arg12[%swap3A_390, %swap3A_391] {strides = array<i32>} : memref<4x128xi32, #tpu.memory_space<vmem>>, vector<1x16xi32>,
    %swap3A_393 = vector.shape_cast %swap3A_392 : vector<1x16xi32> to vector<16xi32>
    %swap3A_394 = vector.shape_cast %add3A_388 : vector<16xi32> to vector<1x16xi32>
    tpu.vector_store %arg12[%swap3A_390, %swap3A_391], %swap3A_394 {strides = array<i32>} : memref<4x128xi32, #tpu.memory_space<vmem>>, vector<1x16xi32>,
    %sub3A_395 = arith.subi %get3A_55, %get3A_364 : vector<16xi32>
    %add3A_396 = arith.constant 3584 : i32
    %add3A_397 = vector.broadcast %add3A_396 : i32 to vector<16xi32>
    %add3A_398 = arith.addi %sub3A_395, %add3A_397 : vector<16xi32>
    %swap3A_399 = arith.constant 3 : i32
    %swap3A_400 = arith.index_cast %swap3A_399 : i32 to index
    %swap3A_401 = arith.constant 96 : index
    %swap3A_402 = tpu.vector_load %arg12[%swap3A_400, %swap3A_401] {strides = array<i32>} : memref<4x128xi32, #tpu.memory_space<vmem>>, vector<1x16xi32>,
    %swap3A_403 = vector.shape_cast %swap3A_402 : vector<1x16xi32> to vector<16xi32>
    %swap3A_404 = vector.shape_cast %add3A_398 : vector<16xi32> to vector<1x16xi32>
    tpu.vector_store %arg12[%swap3A_400, %swap3A_401], %swap3A_404 {strides = array<i32>} : memref<4x128xi32, #tpu.memory_space<vmem>>, vector<1x16xi32>,
    %add3A_405 = arith.constant 112 : i32
    %add3A_406 = arith.addi %add3A_44, %add3A_405 : i32
    %get3A_407 = arith.index_cast %add3A_406 : i32 to index
    %get3A_408 = tpu.vector_load %arg8[%get3A_407] {strides = array<i32>} : memref<1024xi32, #tpu.memory_space<vmem>>, vector<16xi32>,
    %get3A_409 = vector.shape_cast %get3A_408 : vector<16xi32> to vector<16xi32>
    %add3A_410 = arith.constant 112 : i32
    %add3A_411 = arith.addi %add3A_44, %add3A_410 : i32
    %get3A_412 = arith.index_cast %add3A_411 : i32 to index
    %get3A_413 = tpu.vector_load %arg9[%get3A_412] {strides = array<i32>} : memref<1024xi32, #tpu.memory_space<vmem>>, vector<16xi32>,
    %get3A_414 = vector.shape_cast %get3A_413 : vector<16xi32> to vector<16xi32>
    %sub3A_415 = arith.subi %get3A_49, %get3A_409 : vector<16xi32>
    %add3A_416 = arith.constant 512 : i32
    %add3A_417 = vector.broadcast %add3A_416 : i32 to vector<16xi32>
    %add3A_418 = arith.addi %sub3A_415, %add3A_417 : vector<16xi32>
    %swap3A_419 = arith.constant 0 : i32
    %swap3A_420 = arith.index_cast %swap3A_419 : i32 to index
    %swap3A_421 = arith.constant 112 : index
    %swap3A_422 = tpu.vector_load %arg12[%swap3A_420, %swap3A_421] {strides = array<i32>} : memref<4x128xi32, #tpu.memory_space<vmem>>, vector<1x16xi32>,
    %swap3A_423 = vector.shape_cast %swap3A_422 : vector<1x16xi32> to vector<16xi32>
    %swap3A_424 = vector.shape_cast %add3A_418 : vector<16xi32> to vector<1x16xi32>
    tpu.vector_store %arg12[%swap3A_420, %swap3A_421], %swap3A_424 {strides = array<i32>} : memref<4x128xi32, #tpu.memory_space<vmem>>, vector<1x16xi32>,
    %sub3A_425 = arith.subi %get3A_49, %get3A_414 : vector<16xi32>
    %add3A_426 = arith.constant 1536 : i32
    %add3A_427 = vector.broadcast %add3A_426 : i32 to vector<16xi32>
    %add3A_428 = arith.addi %sub3A_425, %add3A_427 : vector<16xi32>
    %swap3A_429 = arith.constant 1 : i32
    %swap3A_430 = arith.index_cast %swap3A_429 : i32 to index
    %swap3A_431 = arith.constant 112 : index
    %swap3A_432 = tpu.vector_load %arg12[%swap3A_430, %swap3A_431] {strides = array<i32>} : memref<4x128xi32, #tpu.memory_space<vmem>>, vector<1x16xi32>,
    %swap3A_433 = vector.shape_cast %swap3A_432 : vector<1x16xi32> to vector<16xi32>
    %swap3A_434 = vector.shape_cast %add3A_428 : vector<16xi32> to vector<1x16xi32>
    tpu.vector_store %arg12[%swap3A_430, %swap3A_431], %swap3A_434 {strides = array<i32>} : memref<4x128xi32, #tpu.memory_space<vmem>>, vector<1x16xi32>,
    %sub3A_435 = arith.subi %get3A_55, %get3A_409 : vector<16xi32>
    %add3A_436 = arith.constant 2560 : i32
    %add3A_437 = vector.broadcast %add3A_436 : i32 to vector<16xi32>
    %add3A_438 = arith.addi %sub3A_435, %add3A_437 : vector<16xi32>
    %swap3A_439 = arith.constant 2 : i32
    %swap3A_440 = arith.index_cast %swap3A_439 : i32 to index
    %swap3A_441 = arith.constant 112 : index
    %swap3A_442 = tpu.vector_load %arg12[%swap3A_440, %swap3A_441] {strides = array<i32>} : memref<4x128xi32, #tpu.memory_space<vmem>>, vector<1x16xi32>,
    %swap3A_443 = vector.shape_cast %swap3A_442 : vector<1x16xi32> to vector<16xi32>
    %swap3A_444 = vector.shape_cast %add3A_438 : vector<16xi32> to vector<1x16xi32>
    tpu.vector_store %arg12[%swap3A_440, %swap3A_441], %swap3A_444 {strides = array<i32>} : memref<4x128xi32, #tpu.memory_space<vmem>>, vector<1x16xi32>,
    %sub3A_445 = arith.subi %get3A_55, %get3A_414 : vector<16xi32>
    %add3A_446 = arith.constant 3584 : i32
    %add3A_447 = vector.broadcast %add3A_446 : i32 to vector<16xi32>
    %add3A_448 = arith.addi %sub3A_445, %add3A_447 : vector<16xi32>
    %swap3A_449 = arith.constant 3 : i32
    %swap3A_450 = arith.index_cast %swap3A_449 : i32 to index
    %swap3A_451 = arith.constant 112 : index
    %swap3A_452 = tpu.vector_load %arg12[%swap3A_450, %swap3A_451] {strides = array<i32>} : memref<4x128xi32, #tpu.memory_space<vmem>>, vector<1x16xi32>,
    %swap3A_453 = vector.shape_cast %swap3A_452 : vector<1x16xi32> to vector<16xi32>
    %swap3A_454 = vector.shape_cast %add3A_448 : vector<16xi32> to vector<1x16xi32>
    tpu.vector_store %arg12[%swap3A_450, %swap3A_451], %swap3A_454 {strides = array<i32>} : memref<4x128xi32, #tpu.memory_space<vmem>>, vector<1x16xi32>,
    %dma_start3A = arith.constant 0 : i32
    %dma_start3A_455 = arith.constant 0 : i32
    %dma_start3A_456 = tpu.memref_slice %arg12[%dma_start3A, %dma_start3A_455] : memref<4x128xi32, #tpu.memory_space<vmem>> -> memref<1x128xi32, #tpu.memory_space<vmem>>
    %dma_start3A_457 = tpu.memref_squeeze %dma_start3A_456 : memref<1x128xi32, #tpu.memory_space<vmem>> -> memref<128xi32, #tpu.memory_space<vmem>>
    %dma_start3A_458 = arith.constant 0 : i32
    %dma_start3A_459 = arith.constant 0 : i32
    %dma_start3A_460 = tpu.memref_slice %arg18[%dma_start3A_458, %dma_start3A_459] : memref<4096x128xf32, #tpu.memory_space<vmem_shared>> -> memref<4096x128xf32, #tpu.memory_space<vmem_shared>>
    tpu.enqueue_indirect_dma source(%dma_start3A_460 : memref<4096x128xf32, #tpu.memory_space<vmem_shared>>) target(%arg14 : memref<128x128xf32, #tpu.memory_space<vmem>>) offsets(%dma_start3A_457 : memref<128xi32, #tpu.memory_space<vmem>>) semaphore(%arg19 : memref<!tpu.dma_semaphore, #tpu.memory_space<semaphore_mem>>) {add = true}
    %dma_start3A_461 = arith.constant 1 : i32
    %dma_start3A_462 = arith.constant 0 : i32
    %dma_start3A_463 = tpu.memref_slice %arg12[%dma_start3A_461, %dma_start3A_462] : memref<4x128xi32, #tpu.memory_space<vmem>> -> memref<1x128xi32, #tpu.memory_space<vmem>>
    %dma_start3A_464 = tpu.memref_squeeze %dma_start3A_463 : memref<1x128xi32, #tpu.memory_space<vmem>> -> memref<128xi32, #tpu.memory_space<vmem>>
    %dma_start3A_465 = arith.constant 0 : i32
    %dma_start3A_466 = arith.constant 0 : i32
    %dma_start3A_467 = tpu.memref_slice %arg18[%dma_start3A_465, %dma_start3A_466] : memref<4096x128xf32, #tpu.memory_space<vmem_shared>> -> memref<4096x128xf32, #tpu.memory_space<vmem_shared>>
    tpu.enqueue_indirect_dma source(%dma_start3A_467 : memref<4096x128xf32, #tpu.memory_space<vmem_shared>>) target(%arg14 : memref<128x128xf32, #tpu.memory_space<vmem>>) offsets(%dma_start3A_464 : memref<128xi32, #tpu.memory_space<vmem>>) semaphore(%arg19 : memref<!tpu.dma_semaphore, #tpu.memory_space<semaphore_mem>>) {add = true}
    %dma_start3A_468 = arith.constant 2 : i32
    %dma_start3A_469 = arith.constant 0 : i32
    %dma_start3A_470 = tpu.memref_slice %arg12[%dma_start3A_468, %dma_start3A_469] : memref<4x128xi32, #tpu.memory_space<vmem>> -> memref<1x128xi32, #tpu.memory_space<vmem>>
    %dma_start3A_471 = tpu.memref_squeeze %dma_start3A_470 : memref<1x128xi32, #tpu.memory_space<vmem>> -> memref<128xi32, #tpu.memory_space<vmem>>
    %dma_start3A_472 = arith.constant 0 : i32
    %dma_start3A_473 = arith.constant 0 : i32
    %dma_start3A_474 = tpu.memref_slice %arg18[%dma_start3A_472, %dma_start3A_473] : memref<4096x128xf32, #tpu.memory_space<vmem_shared>> -> memref<4096x128xf32, #tpu.memory_space<vmem_shared>>
    tpu.enqueue_indirect_dma source(%dma_start3A_474 : memref<4096x128xf32, #tpu.memory_space<vmem_shared>>) target(%arg14 : memref<128x128xf32, #tpu.memory_space<vmem>>) offsets(%dma_start3A_471 : memref<128xi32, #tpu.memory_space<vmem>>) semaphore(%arg19 : memref<!tpu.dma_semaphore, #tpu.memory_space<semaphore_mem>>) {add = true}
    %dma_start3A_475 = arith.constant 3 : i32
    %dma_start3A_476 = arith.constant 0 : i32
    %dma_start3A_477 = tpu.memref_slice %arg12[%dma_start3A_475, %dma_start3A_476] : memref<4x128xi32, #tpu.memory_space<vmem>> -> memref<1x128xi32, #tpu.memory_space<vmem>>
    %dma_start3A_478 = tpu.memref_squeeze %dma_start3A_477 : memref<1x128xi32, #tpu.memory_space<vmem>> -> memref<128xi32, #tpu.memory_space<vmem>>
    %dma_start3A_479 = arith.constant 0 : i32
    %dma_start3A_480 = arith.constant 0 : i32
    %dma_start3A_481 = tpu.memref_slice %arg18[%dma_start3A_479, %dma_start3A_480] : memref<4096x128xf32, #tpu.memory_space<vmem_shared>> -> memref<4096x128xf32, #tpu.memory_space<vmem_shared>>
    tpu.enqueue_indirect_dma source(%dma_start3A_481 : memref<4096x128xf32, #tpu.memory_space<vmem_shared>>) target(%arg14 : memref<128x128xf32, #tpu.memory_space<vmem>>) offsets(%dma_start3A_478 : memref<128xi32, #tpu.memory_space<vmem>>) semaphore(%arg19 : memref<!tpu.dma_semaphore, #tpu.memory_space<semaphore_mem>>) {add = true}
    %scan3A_482 = arith.constant 0 : i32
    %scan3A_483 = arith.constant 0 : i32
    %scan3A_484 = arith.constant 128 : i32
    %scan3A_485 = arith.addi %scan3A_483, %scan3A_484 : i32
    %scan3A_486 = arith.constant 1 : i32
    %scan3A_487 = scf.for %scan3A_508 = %scan3A_483 to %scan3A_485 step %scan3A_486 iter_args(%scan3A_509 = %scan3A_482) -> (i32)  : i32 {
      %jit3A_510 = arith.constant 2 : i32
      %eq3A_511 = arith.constant 0 : i32
      %eq3A_512 = arith.cmpi eq, %jit3A_510, %eq3A_511 : i32
      %jit3A_513 = arith.constant 1 : i32
      %select_n3A_514 = arith.select %eq3A_512, %jit3A_513, %jit3A_510 : i32
      %rem3A_515 = arith.remsi %scan3A_508, %select_n3A_514 : i32
      %ne3A_516 = arith.constant 0 : i32
      %ne3A_517 = arith.cmpi ne, %rem3A_515, %ne3A_516 : i32
      %lt3A = arith.constant 0 : i32
      %lt3A_518 = arith.cmpi slt, %rem3A_515, %lt3A : i32
      %lt3A_519 = arith.constant 0 : i32
      %lt3A_520 = arith.cmpi slt, %select_n3A_514, %lt3A_519 : i32
      %ne3A_521 = arith.xori %lt3A_518, %lt3A_520 : i1
      %and3A_522 = arith.andi %ne3A_521, %ne3A_517 : i1
      %add3A_523 = arith.addi %rem3A_515, %select_n3A_514 : i32
      %select_n3A_524 = arith.select %and3A_522, %add3A_523, %rem3A_515 : i32
      %eq3A_525 = arith.constant 0 : i32
      %eq3A_526 = arith.cmpi eq, %select_n3A_524, %eq3A_525 : i32
      %convert_element_type3A_527 = arith.extui %eq3A_526 : i1 to i32
      %cond3A_528 = arith.constant 0 : i32
      %cond3A_529 = arith.cmpi ne, %convert_element_type3A_527, %cond3A_528 : i32
      scf.if %cond3A_529 {
        %add3A_536 = arith.constant 1 : i32
        %add3A_537 = arith.addi %scan3A_508, %add3A_536 : i32
        %lt3A_538 = arith.constant 128 : i32
        %lt3A_539 = arith.cmpi slt, %add3A_537, %lt3A_538 : i32
        %convert_element_type3A_540 = arith.extui %lt3A_539 : i1 to i32
        %cond3A_541 = arith.constant 0 : i32
        %cond3A_542 = arith.cmpi ne, %convert_element_type3A_540, %cond3A_541 : i32
        scf.if %cond3A_542 {
          %add3A_632 = arith.constant 1 : i32
          %add3A_633 = arith.addi %scan3A_508, %add3A_632 : i32
          %jit3A_634 = arith.constant 4 : i32
          %div3A_635 = arith.divsi %add3A_633, %jit3A_634 : i32
          %sign3A_636 = arith.constant 0 : i32
          %sign3A_637 = arith.cmpi sgt, %add3A_633, %sign3A_636 : i32
          %sign3A_638 = arith.extui %sign3A_637 : i1 to i32
          %sign3A_639 = arith.constant 0 : i32
          %sign3A_640 = arith.cmpi slt, %add3A_633, %sign3A_639 : i32
          %sign3A_641 = arith.extui %sign3A_640 : i1 to i32
          %sign3A_642 = arith.subi %sign3A_638, %sign3A_641 : i32
          %sign3A_643 = arith.constant 0 : i32
          %sign3A_644 = arith.cmpi sgt, %jit3A_634, %sign3A_643 : i32
          %sign3A_645 = arith.extui %sign3A_644 : i1 to i32
          %sign3A_646 = arith.constant 0 : i32
          %sign3A_647 = arith.cmpi slt, %jit3A_634, %sign3A_646 : i32
          %sign3A_648 = arith.extui %sign3A_647 : i1 to i32
          %sign3A_649 = arith.subi %sign3A_645, %sign3A_648 : i32
          %ne3A_650 = arith.cmpi ne, %sign3A_642, %sign3A_649 : i32
          %rem3A_651 = arith.remsi %add3A_633, %jit3A_634 : i32
          %ne3A_652 = arith.constant 0 : i32
          %ne3A_653 = arith.cmpi ne, %rem3A_651, %ne3A_652 : i32
          %and3A_654 = arith.andi %ne3A_650, %ne3A_653 : i1
          %sub3A_655 = arith.constant 1 : i32
          %sub3A_656 = arith.subi %div3A_635, %sub3A_655 : i32
          %select_n3A_657 = arith.select %and3A_654, %sub3A_656, %div3A_635 : i32
          %add3A_658 = arith.addi %mul3A_4, %select_n3A_657 : i32
          %jit3A_659 = arith.constant 4 : i32
          %eq3A_660 = arith.constant 0 : i32
          %eq3A_661 = arith.cmpi eq, %jit3A_659, %eq3A_660 : i32
          %jit3A_662 = arith.constant 1 : i32
          %select_n3A_663 = arith.select %eq3A_661, %jit3A_662, %jit3A_659 : i32
          %rem3A_664 = arith.remsi %add3A_633, %select_n3A_663 : i32
          %ne3A_665 = arith.constant 0 : i32
          %ne3A_666 = arith.cmpi ne, %rem3A_664, %ne3A_665 : i32
          %lt3A_667 = arith.constant 0 : i32
          %lt3A_668 = arith.cmpi slt, %rem3A_664, %lt3A_667 : i32
          %lt3A_669 = arith.constant 0 : i32
          %lt3A_670 = arith.cmpi slt, %select_n3A_663, %lt3A_669 : i32
          %ne3A_671 = arith.xori %lt3A_668, %lt3A_670 : i1
          %and3A_672 = arith.andi %ne3A_671, %ne3A_666 : i1
          %add3A_673 = arith.addi %rem3A_664, %select_n3A_663 : i32
          %select_n3A_674 = arith.select %and3A_672, %add3A_673, %rem3A_664 : i32
          %jit3A_675 = arith.constant 512 : i32
          %div3A_676 = arith.divsi %add3A_658, %jit3A_675 : i32
          %sign3A_677 = arith.constant 0 : i32
          %sign3A_678 = arith.cmpi sgt, %add3A_658, %sign3A_677 : i32
          %sign3A_679 = arith.extui %sign3A_678 : i1 to i32
          %sign3A_680 = arith.constant 0 : i32
          %sign3A_681 = arith.cmpi slt, %add3A_658, %sign3A_680 : i32
          %sign3A_682 = arith.extui %sign3A_681 : i1 to i32
          %sign3A_683 = arith.subi %sign3A_679, %sign3A_682 : i32
          %sign3A_684 = arith.constant 0 : i32
          %sign3A_685 = arith.cmpi sgt, %jit3A_675, %sign3A_684 : i32
          %sign3A_686 = arith.extui %sign3A_685 : i1 to i32
          %sign3A_687 = arith.constant 0 : i32
          %sign3A_688 = arith.cmpi slt, %jit3A_675, %sign3A_687 : i32
          %sign3A_689 = arith.extui %sign3A_688 : i1 to i32
          %sign3A_690 = arith.subi %sign3A_686, %sign3A_689 : i32
          %ne3A_691 = arith.cmpi ne, %sign3A_683, %sign3A_690 : i32
          %rem3A_692 = arith.remsi %add3A_658, %jit3A_675 : i32
          %ne3A_693 = arith.constant 0 : i32
          %ne3A_694 = arith.cmpi ne, %rem3A_692, %ne3A_693 : i32
          %and3A_695 = arith.andi %ne3A_691, %ne3A_694 : i1
          %sub3A_696 = arith.constant 1 : i32
          %sub3A_697 = arith.subi %div3A_676, %sub3A_696 : i32
          %select_n3A_698 = arith.select %and3A_695, %sub3A_697, %div3A_676 : i32
          %mul3A_699 = arith.constant 512 : i32
          %mul3A_700 = arith.muli %select_n3A_698, %mul3A_699 : i32
          %mul3A_701 = arith.constant 128 : i32
          %mul3A_702 = arith.muli %select_n3A_674, %mul3A_701 : i32
          %add3A_703 = arith.addi %mul3A_700, %mul3A_702 : i32
          %sub3A_704 = arith.subi %add3A_658, %mul3A_4 : i32
          %mul3A_705 = arith.constant 16 : i32
          %mul3A_706 = arith.muli %sub3A_704, %mul3A_705 : i32
          %get3A_707 = arith.index_cast %mul3A_706 : i32 to index
          %get3A_708 = tpu.vector_load %arg10[%get3A_707] {strides = array<i32>} : memref<512xi32, #tpu.memory_space<vmem>>, vector<16xi32>,
          %get3A_709 = vector.shape_cast %get3A_708 : vector<16xi32> to vector<16xi32>
          %sub3A_710 = arith.subi %add3A_658, %mul3A_4 : i32
          %mul3A_711 = arith.constant 16 : i32
          %mul3A_712 = arith.muli %sub3A_710, %mul3A_711 : i32
          %get3A_713 = arith.index_cast %mul3A_712 : i32 to index
          %get3A_714 = tpu.vector_load %arg11[%get3A_713] {strides = array<i32>} : memref<512xi32, #tpu.memory_space<vmem>>, vector<16xi32>,
          %get3A_715 = vector.shape_cast %get3A_714 : vector<16xi32> to vector<16xi32>
          %add3A_716 = arith.constant 0 : i32
          %add3A_717 = arith.addi %add3A_703, %add3A_716 : i32
          %get3A_718 = arith.index_cast %add3A_717 : i32 to index
          %get3A_719 = tpu.vector_load %arg8[%get3A_718] {strides = array<i32>} : memref<1024xi32, #tpu.memory_space<vmem>>, vector<16xi32>,
          %get3A_720 = vector.shape_cast %get3A_719 : vector<16xi32> to vector<16xi32>
          %add3A_721 = arith.constant 0 : i32
          %add3A_722 = arith.addi %add3A_703, %add3A_721 : i32
          %get3A_723 = arith.index_cast %add3A_722 : i32 to index
          %get3A_724 = tpu.vector_load %arg9[%get3A_723] {strides = array<i32>} : memref<1024xi32, #tpu.memory_space<vmem>>, vector<16xi32>,
          %get3A_725 = vector.shape_cast %get3A_724 : vector<16xi32> to vector<16xi32>
          %sub3A_726 = arith.subi %get3A_709, %get3A_720 : vector<16xi32>
          %add3A_727 = arith.constant 512 : i32
          %add3A_728 = vector.broadcast %add3A_727 : i32 to vector<16xi32>
          %add3A_729 = arith.addi %sub3A_726, %add3A_728 : vector<16xi32>
          %swap3A_730 = arith.constant 0 : i32
          %swap3A_731 = arith.index_cast %swap3A_730 : i32 to index
          %swap3A_732 = arith.constant 0 : index
          %swap3A_733 = tpu.vector_load %arg13[%swap3A_731, %swap3A_732] {strides = array<i32>} : memref<4x128xi32, #tpu.memory_space<vmem>>, vector<1x16xi32>,
          %swap3A_734 = vector.shape_cast %swap3A_733 : vector<1x16xi32> to vector<16xi32>
          %swap3A_735 = vector.shape_cast %add3A_729 : vector<16xi32> to vector<1x16xi32>
          tpu.vector_store %arg13[%swap3A_731, %swap3A_732], %swap3A_735 {strides = array<i32>} : memref<4x128xi32, #tpu.memory_space<vmem>>, vector<1x16xi32>,
          %sub3A_736 = arith.subi %get3A_709, %get3A_725 : vector<16xi32>
          %add3A_737 = arith.constant 1536 : i32
          %add3A_738 = vector.broadcast %add3A_737 : i32 to vector<16xi32>
          %add3A_739 = arith.addi %sub3A_736, %add3A_738 : vector<16xi32>
          %swap3A_740 = arith.constant 1 : i32
          %swap3A_741 = arith.index_cast %swap3A_740 : i32 to index
          %swap3A_742 = arith.constant 0 : index
          %swap3A_743 = tpu.vector_load %arg13[%swap3A_741, %swap3A_742] {strides = array<i32>} : memref<4x128xi32, #tpu.memory_space<vmem>>, vector<1x16xi32>,
          %swap3A_744 = vector.shape_cast %swap3A_743 : vector<1x16xi32> to vector<16xi32>
          %swap3A_745 = vector.shape_cast %add3A_739 : vector<16xi32> to vector<1x16xi32>
          tpu.vector_store %arg13[%swap3A_741, %swap3A_742], %swap3A_745 {strides = array<i32>} : memref<4x128xi32, #tpu.memory_space<vmem>>, vector<1x16xi32>,
          %sub3A_746 = arith.subi %get3A_715, %get3A_720 : vector<16xi32>
          %add3A_747 = arith.constant 2560 : i32
          %add3A_748 = vector.broadcast %add3A_747 : i32 to vector<16xi32>
          %add3A_749 = arith.addi %sub3A_746, %add3A_748 : vector<16xi32>
          %swap3A_750 = arith.constant 2 : i32
          %swap3A_751 = arith.index_cast %swap3A_750 : i32 to index
          %swap3A_752 = arith.constant 0 : index
          %swap3A_753 = tpu.vector_load %arg13[%swap3A_751, %swap3A_752] {strides = array<i32>} : memref<4x128xi32, #tpu.memory_space<vmem>>, vector<1x16xi32>,
          %swap3A_754 = vector.shape_cast %swap3A_753 : vector<1x16xi32> to vector<16xi32>
          %swap3A_755 = vector.shape_cast %add3A_749 : vector<16xi32> to vector<1x16xi32>
          tpu.vector_store %arg13[%swap3A_751, %swap3A_752], %swap3A_755 {strides = array<i32>} : memref<4x128xi32, #tpu.memory_space<vmem>>, vector<1x16xi32>,
          %sub3A_756 = arith.subi %get3A_715, %get3A_725 : vector<16xi32>
          %add3A_757 = arith.constant 3584 : i32
          %add3A_758 = vector.broadcast %add3A_757 : i32 to vector<16xi32>
          %add3A_759 = arith.addi %sub3A_756, %add3A_758 : vector<16xi32>
          %swap3A_760 = arith.constant 3 : i32
          %swap3A_761 = arith.index_cast %swap3A_760 : i32 to index
          %swap3A_762 = arith.constant 0 : index
          %swap3A_763 = tpu.vector_load %arg13[%swap3A_761, %swap3A_762] {strides = array<i32>} : memref<4x128xi32, #tpu.memory_space<vmem>>, vector<1x16xi32>,
          %swap3A_764 = vector.shape_cast %swap3A_763 : vector<1x16xi32> to vector<16xi32>
          %swap3A_765 = vector.shape_cast %add3A_759 : vector<16xi32> to vector<1x16xi32>
          tpu.vector_store %arg13[%swap3A_761, %swap3A_762], %swap3A_765 {strides = array<i32>} : memref<4x128xi32, #tpu.memory_space<vmem>>, vector<1x16xi32>,
          %add3A_766 = arith.constant 16 : i32
          %add3A_767 = arith.addi %add3A_703, %add3A_766 : i32
          %get3A_768 = arith.index_cast %add3A_767 : i32 to index
          %get3A_769 = tpu.vector_load %arg8[%get3A_768] {strides = array<i32>} : memref<1024xi32, #tpu.memory_space<vmem>>, vector<16xi32>,
          %get3A_770 = vector.shape_cast %get3A_769 : vector<16xi32> to vector<16xi32>
          %add3A_771 = arith.constant 16 : i32
          %add3A_772 = arith.addi %add3A_703, %add3A_771 : i32
          %get3A_773 = arith.index_cast %add3A_772 : i32 to index
          %get3A_774 = tpu.vector_load %arg9[%get3A_773] {strides = array<i32>} : memref<1024xi32, #tpu.memory_space<vmem>>, vector<16xi32>,
          %get3A_775 = vector.shape_cast %get3A_774 : vector<16xi32> to vector<16xi32>
          %sub3A_776 = arith.subi %get3A_709, %get3A_770 : vector<16xi32>
          %add3A_777 = arith.constant 512 : i32
          %add3A_778 = vector.broadcast %add3A_777 : i32 to vector<16xi32>
          %add3A_779 = arith.addi %sub3A_776, %add3A_778 : vector<16xi32>
          %swap3A_780 = arith.constant 0 : i32
          %swap3A_781 = arith.index_cast %swap3A_780 : i32 to index
          %swap3A_782 = arith.constant 16 : index
          %swap3A_783 = tpu.vector_load %arg13[%swap3A_781, %swap3A_782] {strides = array<i32>} : memref<4x128xi32, #tpu.memory_space<vmem>>, vector<1x16xi32>,
          %swap3A_784 = vector.shape_cast %swap3A_783 : vector<1x16xi32> to vector<16xi32>
          %swap3A_785 = vector.shape_cast %add3A_779 : vector<16xi32> to vector<1x16xi32>
          tpu.vector_store %arg13[%swap3A_781, %swap3A_782], %swap3A_785 {strides = array<i32>} : memref<4x128xi32, #tpu.memory_space<vmem>>, vector<1x16xi32>,
          %sub3A_786 = arith.subi %get3A_709, %get3A_775 : vector<16xi32>
          %add3A_787 = arith.constant 1536 : i32
          %add3A_788 = vector.broadcast %add3A_787 : i32 to vector<16xi32>
          %add3A_789 = arith.addi %sub3A_786, %add3A_788 : vector<16xi32>
          %swap3A_790 = arith.constant 1 : i32
          %swap3A_791 = arith.index_cast %swap3A_790 : i32 to index
          %swap3A_792 = arith.constant 16 : index
          %swap3A_793 = tpu.vector_load %arg13[%swap3A_791, %swap3A_792] {strides = array<i32>} : memref<4x128xi32, #tpu.memory_space<vmem>>, vector<1x16xi32>,
          %swap3A_794 = vector.shape_cast %swap3A_793 : vector<1x16xi32> to vector<16xi32>
          %swap3A_795 = vector.shape_cast %add3A_789 : vector<16xi32> to vector<1x16xi32>
          tpu.vector_store %arg13[%swap3A_791, %swap3A_792], %swap3A_795 {strides = array<i32>} : memref<4x128xi32, #tpu.memory_space<vmem>>, vector<1x16xi32>,
          %sub3A_796 = arith.subi %get3A_715, %get3A_770 : vector<16xi32>
          %add3A_797 = arith.constant 2560 : i32
          %add3A_798 = vector.broadcast %add3A_797 : i32 to vector<16xi32>
          %add3A_799 = arith.addi %sub3A_796, %add3A_798 : vector<16xi32>
          %swap3A_800 = arith.constant 2 : i32
          %swap3A_801 = arith.index_cast %swap3A_800 : i32 to index
          %swap3A_802 = arith.constant 16 : index
          %swap3A_803 = tpu.vector_load %arg13[%swap3A_801, %swap3A_802] {strides = array<i32>} : memref<4x128xi32, #tpu.memory_space<vmem>>, vector<1x16xi32>,
          %swap3A_804 = vector.shape_cast %swap3A_803 : vector<1x16xi32> to vector<16xi32>
          %swap3A_805 = vector.shape_cast %add3A_799 : vector<16xi32> to vector<1x16xi32>
          tpu.vector_store %arg13[%swap3A_801, %swap3A_802], %swap3A_805 {strides = array<i32>} : memref<4x128xi32, #tpu.memory_space<vmem>>, vector<1x16xi32>,
          %sub3A_806 = arith.subi %get3A_715, %get3A_775 : vector<16xi32>
          %add3A_807 = arith.constant 3584 : i32
          %add3A_808 = vector.broadcast %add3A_807 : i32 to vector<16xi32>
          %add3A_809 = arith.addi %sub3A_806, %add3A_808 : vector<16xi32>
          %swap3A_810 = arith.constant 3 : i32
          %swap3A_811 = arith.index_cast %swap3A_810 : i32 to index
          %swap3A_812 = arith.constant 16 : index
          %swap3A_813 = tpu.vector_load %arg13[%swap3A_811, %swap3A_812] {strides = array<i32>} : memref<4x128xi32, #tpu.memory_space<vmem>>, vector<1x16xi32>,
          %swap3A_814 = vector.shape_cast %swap3A_813 : vector<1x16xi32> to vector<16xi32>
          %swap3A_815 = vector.shape_cast %add3A_809 : vector<16xi32> to vector<1x16xi32>
          tpu.vector_store %arg13[%swap3A_811, %swap3A_812], %swap3A_815 {strides = array<i32>} : memref<4x128xi32, #tpu.memory_space<vmem>>, vector<1x16xi32>,
          %add3A_816 = arith.constant 32 : i32
          %add3A_817 = arith.addi %add3A_703, %add3A_816 : i32
          %get3A_818 = arith.index_cast %add3A_817 : i32 to index
          %get3A_819 = tpu.vector_load %arg8[%get3A_818] {strides = array<i32>} : memref<1024xi32, #tpu.memory_space<vmem>>, vector<16xi32>,
          %get3A_820 = vector.shape_cast %get3A_819 : vector<16xi32> to vector<16xi32>
          %add3A_821 = arith.constant 32 : i32
          %add3A_822 = arith.addi %add3A_703, %add3A_821 : i32
          %get3A_823 = arith.index_cast %add3A_822 : i32 to index
          %get3A_824 = tpu.vector_load %arg9[%get3A_823] {strides = array<i32>} : memref<1024xi32, #tpu.memory_space<vmem>>, vector<16xi32>,
          %get3A_825 = vector.shape_cast %get3A_824 : vector<16xi32> to vector<16xi32>
          %sub3A_826 = arith.subi %get3A_709, %get3A_820 : vector<16xi32>
          %add3A_827 = arith.constant 512 : i32
          %add3A_828 = vector.broadcast %add3A_827 : i32 to vector<16xi32>
          %add3A_829 = arith.addi %sub3A_826, %add3A_828 : vector<16xi32>
          %swap3A_830 = arith.constant 0 : i32
          %swap3A_831 = arith.index_cast %swap3A_830 : i32 to index
          %swap3A_832 = arith.constant 32 : index
          %swap3A_833 = tpu.vector_load %arg13[%swap3A_831, %swap3A_832] {strides = array<i32>} : memref<4x128xi32, #tpu.memory_space<vmem>>, vector<1x16xi32>,
          %swap3A_834 = vector.shape_cast %swap3A_833 : vector<1x16xi32> to vector<16xi32>
          %swap3A_835 = vector.shape_cast %add3A_829 : vector<16xi32> to vector<1x16xi32>
          tpu.vector_store %arg13[%swap3A_831, %swap3A_832], %swap3A_835 {strides = array<i32>} : memref<4x128xi32, #tpu.memory_space<vmem>>, vector<1x16xi32>,
          %sub3A_836 = arith.subi %get3A_709, %get3A_825 : vector<16xi32>
          %add3A_837 = arith.constant 1536 : i32
          %add3A_838 = vector.broadcast %add3A_837 : i32 to vector<16xi32>
          %add3A_839 = arith.addi %sub3A_836, %add3A_838 : vector<16xi32>
          %swap3A_840 = arith.constant 1 : i32
          %swap3A_841 = arith.index_cast %swap3A_840 : i32 to index
          %swap3A_842 = arith.constant 32 : index
          %swap3A_843 = tpu.vector_load %arg13[%swap3A_841, %swap3A_842] {strides = array<i32>} : memref<4x128xi32, #tpu.memory_space<vmem>>, vector<1x16xi32>,
          %swap3A_844 = vector.shape_cast %swap3A_843 : vector<1x16xi32> to vector<16xi32>
          %swap3A_845 = vector.shape_cast %add3A_839 : vector<16xi32> to vector<1x16xi32>
          tpu.vector_store %arg13[%swap3A_841, %swap3A_842], %swap3A_845 {strides = array<i32>} : memref<4x128xi32, #tpu.memory_space<vmem>>, vector<1x16xi32>,
          %sub3A_846 = arith.subi %get3A_715, %get3A_820 : vector<16xi32>
          %add3A_847 = arith.constant 2560 : i32
          %add3A_848 = vector.broadcast %add3A_847 : i32 to vector<16xi32>
          %add3A_849 = arith.addi %sub3A_846, %add3A_848 : vector<16xi32>
          %swap3A_850 = arith.constant 2 : i32
          %swap3A_851 = arith.index_cast %swap3A_850 : i32 to index
          %swap3A_852 = arith.constant 32 : index
          %swap3A_853 = tpu.vector_load %arg13[%swap3A_851, %swap3A_852] {strides = array<i32>} : memref<4x128xi32, #tpu.memory_space<vmem>>, vector<1x16xi32>,
          %swap3A_854 = vector.shape_cast %swap3A_853 : vector<1x16xi32> to vector<16xi32>
          %swap3A_855 = vector.shape_cast %add3A_849 : vector<16xi32> to vector<1x16xi32>
          tpu.vector_store %arg13[%swap3A_851, %swap3A_852], %swap3A_855 {strides = array<i32>} : memref<4x128xi32, #tpu.memory_space<vmem>>, vector<1x16xi32>,
          %sub3A_856 = arith.subi %get3A_715, %get3A_825 : vector<16xi32>
          %add3A_857 = arith.constant 3584 : i32
          %add3A_858 = vector.broadcast %add3A_857 : i32 to vector<16xi32>
          %add3A_859 = arith.addi %sub3A_856, %add3A_858 : vector<16xi32>
          %swap3A_860 = arith.constant 3 : i32
          %swap3A_861 = arith.index_cast %swap3A_860 : i32 to index
          %swap3A_862 = arith.constant 32 : index
          %swap3A_863 = tpu.vector_load %arg13[%swap3A_861, %swap3A_862] {strides = array<i32>} : memref<4x128xi32, #tpu.memory_space<vmem>>, vector<1x16xi32>,
          %swap3A_864 = vector.shape_cast %swap3A_863 : vector<1x16xi32> to vector<16xi32>
          %swap3A_865 = vector.shape_cast %add3A_859 : vector<16xi32> to vector<1x16xi32>
          tpu.vector_store %arg13[%swap3A_861, %swap3A_862], %swap3A_865 {strides = array<i32>} : memref<4x128xi32, #tpu.memory_space<vmem>>, vector<1x16xi32>,
          %add3A_866 = arith.constant 48 : i32
          %add3A_867 = arith.addi %add3A_703, %add3A_866 : i32
          %get3A_868 = arith.index_cast %add3A_867 : i32 to index
          %get3A_869 = tpu.vector_load %arg8[%get3A_868] {strides = array<i32>} : memref<1024xi32, #tpu.memory_space<vmem>>, vector<16xi32>,
          %get3A_870 = vector.shape_cast %get3A_869 : vector<16xi32> to vector<16xi32>
          %add3A_871 = arith.constant 48 : i32
          %add3A_872 = arith.addi %add3A_703, %add3A_871 : i32
          %get3A_873 = arith.index_cast %add3A_872 : i32 to index
          %get3A_874 = tpu.vector_load %arg9[%get3A_873] {strides = array<i32>} : memref<1024xi32, #tpu.memory_space<vmem>>, vector<16xi32>,
          %get3A_875 = vector.shape_cast %get3A_874 : vector<16xi32> to vector<16xi32>
          %sub3A_876 = arith.subi %get3A_709, %get3A_870 : vector<16xi32>
          %add3A_877 = arith.constant 512 : i32
          %add3A_878 = vector.broadcast %add3A_877 : i32 to vector<16xi32>
          %add3A_879 = arith.addi %sub3A_876, %add3A_878 : vector<16xi32>
          %swap3A_880 = arith.constant 0 : i32
          %swap3A_881 = arith.index_cast %swap3A_880 : i32 to index
          %swap3A_882 = arith.constant 48 : index
          %swap3A_883 = tpu.vector_load %arg13[%swap3A_881, %swap3A_882] {strides = array<i32>} : memref<4x128xi32, #tpu.memory_space<vmem>>, vector<1x16xi32>,
          %swap3A_884 = vector.shape_cast %swap3A_883 : vector<1x16xi32> to vector<16xi32>
          %swap3A_885 = vector.shape_cast %add3A_879 : vector<16xi32> to vector<1x16xi32>
          tpu.vector_store %arg13[%swap3A_881, %swap3A_882], %swap3A_885 {strides = array<i32>} : memref<4x128xi32, #tpu.memory_space<vmem>>, vector<1x16xi32>,
          %sub3A_886 = arith.subi %get3A_709, %get3A_875 : vector<16xi32>
          %add3A_887 = arith.constant 1536 : i32
          %add3A_888 = vector.broadcast %add3A_887 : i32 to vector<16xi32>
          %add3A_889 = arith.addi %sub3A_886, %add3A_888 : vector<16xi32>
          %swap3A_890 = arith.constant 1 : i32
          %swap3A_891 = arith.index_cast %swap3A_890 : i32 to index
          %swap3A_892 = arith.constant 48 : index
          %swap3A_893 = tpu.vector_load %arg13[%swap3A_891, %swap3A_892] {strides = array<i32>} : memref<4x128xi32, #tpu.memory_space<vmem>>, vector<1x16xi32>,
          %swap3A_894 = vector.shape_cast %swap3A_893 : vector<1x16xi32> to vector<16xi32>
          %swap3A_895 = vector.shape_cast %add3A_889 : vector<16xi32> to vector<1x16xi32>
          tpu.vector_store %arg13[%swap3A_891, %swap3A_892], %swap3A_895 {strides = array<i32>} : memref<4x128xi32, #tpu.memory_space<vmem>>, vector<1x16xi32>,
          %sub3A_896 = arith.subi %get3A_715, %get3A_870 : vector<16xi32>
          %add3A_897 = arith.constant 2560 : i32
          %add3A_898 = vector.broadcast %add3A_897 : i32 to vector<16xi32>
          %add3A_899 = arith.addi %sub3A_896, %add3A_898 : vector<16xi32>
          %swap3A_900 = arith.constant 2 : i32
          %swap3A_901 = arith.index_cast %swap3A_900 : i32 to index
          %swap3A_902 = arith.constant 48 : index
          %swap3A_903 = tpu.vector_load %arg13[%swap3A_901, %swap3A_902] {strides = array<i32>} : memref<4x128xi32, #tpu.memory_space<vmem>>, vector<1x16xi32>,
          %swap3A_904 = vector.shape_cast %swap3A_903 : vector<1x16xi32> to vector<16xi32>
          %swap3A_905 = vector.shape_cast %add3A_899 : vector<16xi32> to vector<1x16xi32>
          tpu.vector_store %arg13[%swap3A_901, %swap3A_902], %swap3A_905 {strides = array<i32>} : memref<4x128xi32, #tpu.memory_space<vmem>>, vector<1x16xi32>,
          %sub3A_906 = arith.subi %get3A_715, %get3A_875 : vector<16xi32>
          %add3A_907 = arith.constant 3584 : i32
          %add3A_908 = vector.broadcast %add3A_907 : i32 to vector<16xi32>
          %add3A_909 = arith.addi %sub3A_906, %add3A_908 : vector<16xi32>
          %swap3A_910 = arith.constant 3 : i32
          %swap3A_911 = arith.index_cast %swap3A_910 : i32 to index
          %swap3A_912 = arith.constant 48 : index
          %swap3A_913 = tpu.vector_load %arg13[%swap3A_911, %swap3A_912] {strides = array<i32>} : memref<4x128xi32, #tpu.memory_space<vmem>>, vector<1x16xi32>,
          %swap3A_914 = vector.shape_cast %swap3A_913 : vector<1x16xi32> to vector<16xi32>
          %swap3A_915 = vector.shape_cast %add3A_909 : vector<16xi32> to vector<1x16xi32>
          tpu.vector_store %arg13[%swap3A_911, %swap3A_912], %swap3A_915 {strides = array<i32>} : memref<4x128xi32, #tpu.memory_space<vmem>>, vector<1x16xi32>,
          %add3A_916 = arith.constant 64 : i32
          %add3A_917 = arith.addi %add3A_703, %add3A_916 : i32
          %get3A_918 = arith.index_cast %add3A_917 : i32 to index
          %get3A_919 = tpu.vector_load %arg8[%get3A_918] {strides = array<i32>} : memref<1024xi32, #tpu.memory_space<vmem>>, vector<16xi32>,
          %get3A_920 = vector.shape_cast %get3A_919 : vector<16xi32> to vector<16xi32>
          %add3A_921 = arith.constant 64 : i32
          %add3A_922 = arith.addi %add3A_703, %add3A_921 : i32
          %get3A_923 = arith.index_cast %add3A_922 : i32 to index
          %get3A_924 = tpu.vector_load %arg9[%get3A_923] {strides = array<i32>} : memref<1024xi32, #tpu.memory_space<vmem>>, vector<16xi32>,
          %get3A_925 = vector.shape_cast %get3A_924 : vector<16xi32> to vector<16xi32>
          %sub3A_926 = arith.subi %get3A_709, %get3A_920 : vector<16xi32>
          %add3A_927 = arith.constant 512 : i32
          %add3A_928 = vector.broadcast %add3A_927 : i32 to vector<16xi32>
          %add3A_929 = arith.addi %sub3A_926, %add3A_928 : vector<16xi32>
          %swap3A_930 = arith.constant 0 : i32
          %swap3A_931 = arith.index_cast %swap3A_930 : i32 to index
          %swap3A_932 = arith.constant 64 : index
          %swap3A_933 = tpu.vector_load %arg13[%swap3A_931, %swap3A_932] {strides = array<i32>} : memref<4x128xi32, #tpu.memory_space<vmem>>, vector<1x16xi32>,
          %swap3A_934 = vector.shape_cast %swap3A_933 : vector<1x16xi32> to vector<16xi32>
          %swap3A_935 = vector.shape_cast %add3A_929 : vector<16xi32> to vector<1x16xi32>
          tpu.vector_store %arg13[%swap3A_931, %swap3A_932], %swap3A_935 {strides = array<i32>} : memref<4x128xi32, #tpu.memory_space<vmem>>, vector<1x16xi32>,
          %sub3A_936 = arith.subi %get3A_709, %get3A_925 : vector<16xi32>
          %add3A_937 = arith.constant 1536 : i32
          %add3A_938 = vector.broadcast %add3A_937 : i32 to vector<16xi32>
          %add3A_939 = arith.addi %sub3A_936, %add3A_938 : vector<16xi32>
          %swap3A_940 = arith.constant 1 : i32
          %swap3A_941 = arith.index_cast %swap3A_940 : i32 to index
          %swap3A_942 = arith.constant 64 : index
          %swap3A_943 = tpu.vector_load %arg13[%swap3A_941, %swap3A_942] {strides = array<i32>} : memref<4x128xi32, #tpu.memory_space<vmem>>, vector<1x16xi32>,
          %swap3A_944 = vector.shape_cast %swap3A_943 : vector<1x16xi32> to vector<16xi32>
          %swap3A_945 = vector.shape_cast %add3A_939 : vector<16xi32> to vector<1x16xi32>
          tpu.vector_store %arg13[%swap3A_941, %swap3A_942], %swap3A_945 {strides = array<i32>} : memref<4x128xi32, #tpu.memory_space<vmem>>, vector<1x16xi32>,
          %sub3A_946 = arith.subi %get3A_715, %get3A_920 : vector<16xi32>
          %add3A_947 = arith.constant 2560 : i32
          %add3A_948 = vector.broadcast %add3A_947 : i32 to vector<16xi32>
          %add3A_949 = arith.addi %sub3A_946, %add3A_948 : vector<16xi32>
          %swap3A_950 = arith.constant 2 : i32
          %swap3A_951 = arith.index_cast %swap3A_950 : i32 to index
          %swap3A_952 = arith.constant 64 : index
          %swap3A_953 = tpu.vector_load %arg13[%swap3A_951, %swap3A_952] {strides = array<i32>} : memref<4x128xi32, #tpu.memory_space<vmem>>, vector<1x16xi32>,
          %swap3A_954 = vector.shape_cast %swap3A_953 : vector<1x16xi32> to vector<16xi32>
          %swap3A_955 = vector.shape_cast %add3A_949 : vector<16xi32> to vector<1x16xi32>
          tpu.vector_store %arg13[%swap3A_951, %swap3A_952], %swap3A_955 {strides = array<i32>} : memref<4x128xi32, #tpu.memory_space<vmem>>, vector<1x16xi32>,
          %sub3A_956 = arith.subi %get3A_715, %get3A_925 : vector<16xi32>
          %add3A_957 = arith.constant 3584 : i32
          %add3A_958 = vector.broadcast %add3A_957 : i32 to vector<16xi32>
          %add3A_959 = arith.addi %sub3A_956, %add3A_958 : vector<16xi32>
          %swap3A_960 = arith.constant 3 : i32
          %swap3A_961 = arith.index_cast %swap3A_960 : i32 to index
          %swap3A_962 = arith.constant 64 : index
          %swap3A_963 = tpu.vector_load %arg13[%swap3A_961, %swap3A_962] {strides = array<i32>} : memref<4x128xi32, #tpu.memory_space<vmem>>, vector<1x16xi32>,
          %swap3A_964 = vector.shape_cast %swap3A_963 : vector<1x16xi32> to vector<16xi32>
          %swap3A_965 = vector.shape_cast %add3A_959 : vector<16xi32> to vector<1x16xi32>
          tpu.vector_store %arg13[%swap3A_961, %swap3A_962], %swap3A_965 {strides = array<i32>} : memref<4x128xi32, #tpu.memory_space<vmem>>, vector<1x16xi32>,
          %add3A_966 = arith.constant 80 : i32
          %add3A_967 = arith.addi %add3A_703, %add3A_966 : i32
          %get3A_968 = arith.index_cast %add3A_967 : i32 to index
          %get3A_969 = tpu.vector_load %arg8[%get3A_968] {strides = array<i32>} : memref<1024xi32, #tpu.memory_space<vmem>>, vector<16xi32>,
          %get3A_970 = vector.shape_cast %get3A_969 : vector<16xi32> to vector<16xi32>
          %add3A_971 = arith.constant 80 : i32
          %add3A_972 = arith.addi %add3A_703, %add3A_971 : i32
          %get3A_973 = arith.index_cast %add3A_972 : i32 to index
          %get3A_974 = tpu.vector_load %arg9[%get3A_973] {strides = array<i32>} : memref<1024xi32, #tpu.memory_space<vmem>>, vector<16xi32>,
          %get3A_975 = vector.shape_cast %get3A_974 : vector<16xi32> to vector<16xi32>
          %sub3A_976 = arith.subi %get3A_709, %get3A_970 : vector<16xi32>
          %add3A_977 = arith.constant 512 : i32
          %add3A_978 = vector.broadcast %add3A_977 : i32 to vector<16xi32>
          %add3A_979 = arith.addi %sub3A_976, %add3A_978 : vector<16xi32>
          %swap3A_980 = arith.constant 0 : i32
          %swap3A_981 = arith.index_cast %swap3A_980 : i32 to index
          %swap3A_982 = arith.constant 80 : index
          %swap3A_983 = tpu.vector_load %arg13[%swap3A_981, %swap3A_982] {strides = array<i32>} : memref<4x128xi32, #tpu.memory_space<vmem>>, vector<1x16xi32>,
          %swap3A_984 = vector.shape_cast %swap3A_983 : vector<1x16xi32> to vector<16xi32>
          %swap3A_985 = vector.shape_cast %add3A_979 : vector<16xi32> to vector<1x16xi32>
          tpu.vector_store %arg13[%swap3A_981, %swap3A_982], %swap3A_985 {strides = array<i32>} : memref<4x128xi32, #tpu.memory_space<vmem>>, vector<1x16xi32>,
          %sub3A_986 = arith.subi %get3A_709, %get3A_975 : vector<16xi32>
          %add3A_987 = arith.constant 1536 : i32
          %add3A_988 = vector.broadcast %add3A_987 : i32 to vector<16xi32>
          %add3A_989 = arith.addi %sub3A_986, %add3A_988 : vector<16xi32>
          %swap3A_990 = arith.constant 1 : i32
          %swap3A_991 = arith.index_cast %swap3A_990 : i32 to index
          %swap3A_992 = arith.constant 80 : index
          %swap3A_993 = tpu.vector_load %arg13[%swap3A_991, %swap3A_992] {strides = array<i32>} : memref<4x128xi32, #tpu.memory_space<vmem>>, vector<1x16xi32>,
          %swap3A_994 = vector.shape_cast %swap3A_993 : vector<1x16xi32> to vector<16xi32>
          %swap3A_995 = vector.shape_cast %add3A_989 : vector<16xi32> to vector<1x16xi32>
          tpu.vector_store %arg13[%swap3A_991, %swap3A_992], %swap3A_995 {strides = array<i32>} : memref<4x128xi32, #tpu.memory_space<vmem>>, vector<1x16xi32>,
          %sub3A_996 = arith.subi %get3A_715, %get3A_970 : vector<16xi32>
          %add3A_997 = arith.constant 2560 : i32
          %add3A_998 = vector.broadcast %add3A_997 : i32 to vector<16xi32>
          %add3A_999 = arith.addi %sub3A_996, %add3A_998 : vector<16xi32>
          %swap3A_1000 = arith.constant 2 : i32
          %swap3A_1001 = arith.index_cast %swap3A_1000 : i32 to index
          %swap3A_1002 = arith.constant 80 : index
          %swap3A_1003 = tpu.vector_load %arg13[%swap3A_1001, %swap3A_1002] {strides = array<i32>} : memref<4x128xi32, #tpu.memory_space<vmem>>, vector<1x16xi32>,
          %swap3A_1004 = vector.shape_cast %swap3A_1003 : vector<1x16xi32> to vector<16xi32>
          %swap3A_1005 = vector.shape_cast %add3A_999 : vector<16xi32> to vector<1x16xi32>
          tpu.vector_store %arg13[%swap3A_1001, %swap3A_1002], %swap3A_1005 {strides = array<i32>} : memref<4x128xi32, #tpu.memory_space<vmem>>, vector<1x16xi32>,
          %sub3A_1006 = arith.subi %get3A_715, %get3A_975 : vector<16xi32>
          %add3A_1007 = arith.constant 3584 : i32
          %add3A_1008 = vector.broadcast %add3A_1007 : i32 to vector<16xi32>
          %add3A_1009 = arith.addi %sub3A_1006, %add3A_1008 : vector<16xi32>
          %swap3A_1010 = arith.constant 3 : i32
          %swap3A_1011 = arith.index_cast %swap3A_1010 : i32 to index
          %swap3A_1012 = arith.constant 80 : index
          %swap3A_1013 = tpu.vector_load %arg13[%swap3A_1011, %swap3A_1012] {strides = array<i32>} : memref<4x128xi32, #tpu.memory_space<vmem>>, vector<1x16xi32>,
          %swap3A_1014 = vector.shape_cast %swap3A_1013 : vector<1x16xi32> to vector<16xi32>
          %swap3A_1015 = vector.shape_cast %add3A_1009 : vector<16xi32> to vector<1x16xi32>
          tpu.vector_store %arg13[%swap3A_1011, %swap3A_1012], %swap3A_1015 {strides = array<i32>} : memref<4x128xi32, #tpu.memory_space<vmem>>, vector<1x16xi32>,
          %add3A_1016 = arith.constant 96 : i32
          %add3A_1017 = arith.addi %add3A_703, %add3A_1016 : i32
          %get3A_1018 = arith.index_cast %add3A_1017 : i32 to index
          %get3A_1019 = tpu.vector_load %arg8[%get3A_1018] {strides = array<i32>} : memref<1024xi32, #tpu.memory_space<vmem>>, vector<16xi32>,
          %get3A_1020 = vector.shape_cast %get3A_1019 : vector<16xi32> to vector<16xi32>
          %add3A_1021 = arith.constant 96 : i32
          %add3A_1022 = arith.addi %add3A_703, %add3A_1021 : i32
          %get3A_1023 = arith.index_cast %add3A_1022 : i32 to index
          %get3A_1024 = tpu.vector_load %arg9[%get3A_1023] {strides = array<i32>} : memref<1024xi32, #tpu.memory_space<vmem>>, vector<16xi32>,
          %get3A_1025 = vector.shape_cast %get3A_1024 : vector<16xi32> to vector<16xi32>
          %sub3A_1026 = arith.subi %get3A_709, %get3A_1020 : vector<16xi32>
          %add3A_1027 = arith.constant 512 : i32
          %add3A_1028 = vector.broadcast %add3A_1027 : i32 to vector<16xi32>
          %add3A_1029 = arith.addi %sub3A_1026, %add3A_1028 : vector<16xi32>
          %swap3A_1030 = arith.constant 0 : i32
          %swap3A_1031 = arith.index_cast %swap3A_1030 : i32 to index
          %swap3A_1032 = arith.constant 96 : index
          %swap3A_1033 = tpu.vector_load %arg13[%swap3A_1031, %swap3A_1032] {strides = array<i32>} : memref<4x128xi32, #tpu.memory_space<vmem>>, vector<1x16xi32>,
          %swap3A_1034 = vector.shape_cast %swap3A_1033 : vector<1x16xi32> to vector<16xi32>
          %swap3A_1035 = vector.shape_cast %add3A_1029 : vector<16xi32> to vector<1x16xi32>
          tpu.vector_store %arg13[%swap3A_1031, %swap3A_1032], %swap3A_1035 {strides = array<i32>} : memref<4x128xi32, #tpu.memory_space<vmem>>, vector<1x16xi32>,
          %sub3A_1036 = arith.subi %get3A_709, %get3A_1025 : vector<16xi32>
          %add3A_1037 = arith.constant 1536 : i32
          %add3A_1038 = vector.broadcast %add3A_1037 : i32 to vector<16xi32>
          %add3A_1039 = arith.addi %sub3A_1036, %add3A_1038 : vector<16xi32>
          %swap3A_1040 = arith.constant 1 : i32
          %swap3A_1041 = arith.index_cast %swap3A_1040 : i32 to index
          %swap3A_1042 = arith.constant 96 : index
          %swap3A_1043 = tpu.vector_load %arg13[%swap3A_1041, %swap3A_1042] {strides = array<i32>} : memref<4x128xi32, #tpu.memory_space<vmem>>, vector<1x16xi32>,
          %swap3A_1044 = vector.shape_cast %swap3A_1043 : vector<1x16xi32> to vector<16xi32>
          %swap3A_1045 = vector.shape_cast %add3A_1039 : vector<16xi32> to vector<1x16xi32>
          tpu.vector_store %arg13[%swap3A_1041, %swap3A_1042], %swap3A_1045 {strides = array<i32>} : memref<4x128xi32, #tpu.memory_space<vmem>>, vector<1x16xi32>,
          %sub3A_1046 = arith.subi %get3A_715, %get3A_1020 : vector<16xi32>
          %add3A_1047 = arith.constant 2560 : i32
          %add3A_1048 = vector.broadcast %add3A_1047 : i32 to vector<16xi32>
          %add3A_1049 = arith.addi %sub3A_1046, %add3A_1048 : vector<16xi32>
          %swap3A_1050 = arith.constant 2 : i32
          %swap3A_1051 = arith.index_cast %swap3A_1050 : i32 to index
          %swap3A_1052 = arith.constant 96 : index
          %swap3A_1053 = tpu.vector_load %arg13[%swap3A_1051, %swap3A_1052] {strides = array<i32>} : memref<4x128xi32, #tpu.memory_space<vmem>>, vector<1x16xi32>,
          %swap3A_1054 = vector.shape_cast %swap3A_1053 : vector<1x16xi32> to vector<16xi32>
          %swap3A_1055 = vector.shape_cast %add3A_1049 : vector<16xi32> to vector<1x16xi32>
          tpu.vector_store %arg13[%swap3A_1051, %swap3A_1052], %swap3A_1055 {strides = array<i32>} : memref<4x128xi32, #tpu.memory_space<vmem>>, vector<1x16xi32>,
          %sub3A_1056 = arith.subi %get3A_715, %get3A_1025 : vector<16xi32>
          %add3A_1057 = arith.constant 3584 : i32
          %add3A_1058 = vector.broadcast %add3A_1057 : i32 to vector<16xi32>
          %add3A_1059 = arith.addi %sub3A_1056, %add3A_1058 : vector<16xi32>
          %swap3A_1060 = arith.constant 3 : i32
          %swap3A_1061 = arith.index_cast %swap3A_1060 : i32 to index
          %swap3A_1062 = arith.constant 96 : index
          %swap3A_1063 = tpu.vector_load %arg13[%swap3A_1061, %swap3A_1062] {strides = array<i32>} : memref<4x128xi32, #tpu.memory_space<vmem>>, vector<1x16xi32>,
          %swap3A_1064 = vector.shape_cast %swap3A_1063 : vector<1x16xi32> to vector<16xi32>
          %swap3A_1065 = vector.shape_cast %add3A_1059 : vector<16xi32> to vector<1x16xi32>
          tpu.vector_store %arg13[%swap3A_1061, %swap3A_1062], %swap3A_1065 {strides = array<i32>} : memref<4x128xi32, #tpu.memory_space<vmem>>, vector<1x16xi32>,
          %add3A_1066 = arith.constant 112 : i32
          %add3A_1067 = arith.addi %add3A_703, %add3A_1066 : i32
          %get3A_1068 = arith.index_cast %add3A_1067 : i32 to index
          %get3A_1069 = tpu.vector_load %arg8[%get3A_1068] {strides = array<i32>} : memref<1024xi32, #tpu.memory_space<vmem>>, vector<16xi32>,
          %get3A_1070 = vector.shape_cast %get3A_1069 : vector<16xi32> to vector<16xi32>
          %add3A_1071 = arith.constant 112 : i32
          %add3A_1072 = arith.addi %add3A_703, %add3A_1071 : i32
          %get3A_1073 = arith.index_cast %add3A_1072 : i32 to index
          %get3A_1074 = tpu.vector_load %arg9[%get3A_1073] {strides = array<i32>} : memref<1024xi32, #tpu.memory_space<vmem>>, vector<16xi32>,
          %get3A_1075 = vector.shape_cast %get3A_1074 : vector<16xi32> to vector<16xi32>
          %sub3A_1076 = arith.subi %get3A_709, %get3A_1070 : vector<16xi32>
          %add3A_1077 = arith.constant 512 : i32
          %add3A_1078 = vector.broadcast %add3A_1077 : i32 to vector<16xi32>
          %add3A_1079 = arith.addi %sub3A_1076, %add3A_1078 : vector<16xi32>
          %swap3A_1080 = arith.constant 0 : i32
          %swap3A_1081 = arith.index_cast %swap3A_1080 : i32 to index
          %swap3A_1082 = arith.constant 112 : index
          %swap3A_1083 = tpu.vector_load %arg13[%swap3A_1081, %swap3A_1082] {strides = array<i32>} : memref<4x128xi32, #tpu.memory_space<vmem>>, vector<1x16xi32>,
          %swap3A_1084 = vector.shape_cast %swap3A_1083 : vector<1x16xi32> to vector<16xi32>
          %swap3A_1085 = vector.shape_cast %add3A_1079 : vector<16xi32> to vector<1x16xi32>
          tpu.vector_store %arg13[%swap3A_1081, %swap3A_1082], %swap3A_1085 {strides = array<i32>} : memref<4x128xi32, #tpu.memory_space<vmem>>, vector<1x16xi32>,
          %sub3A_1086 = arith.subi %get3A_709, %get3A_1075 : vector<16xi32>
          %add3A_1087 = arith.constant 1536 : i32
          %add3A_1088 = vector.broadcast %add3A_1087 : i32 to vector<16xi32>
          %add3A_1089 = arith.addi %sub3A_1086, %add3A_1088 : vector<16xi32>
          %swap3A_1090 = arith.constant 1 : i32
          %swap3A_1091 = arith.index_cast %swap3A_1090 : i32 to index
          %swap3A_1092 = arith.constant 112 : index
          %swap3A_1093 = tpu.vector_load %arg13[%swap3A_1091, %swap3A_1092] {strides = array<i32>} : memref<4x128xi32, #tpu.memory_space<vmem>>, vector<1x16xi32>,
          %swap3A_1094 = vector.shape_cast %swap3A_1093 : vector<1x16xi32> to vector<16xi32>
          %swap3A_1095 = vector.shape_cast %add3A_1089 : vector<16xi32> to vector<1x16xi32>
          tpu.vector_store %arg13[%swap3A_1091, %swap3A_1092], %swap3A_1095 {strides = array<i32>} : memref<4x128xi32, #tpu.memory_space<vmem>>, vector<1x16xi32>,
          %sub3A_1096 = arith.subi %get3A_715, %get3A_1070 : vector<16xi32>
          %add3A_1097 = arith.constant 2560 : i32
          %add3A_1098 = vector.broadcast %add3A_1097 : i32 to vector<16xi32>
          %add3A_1099 = arith.addi %sub3A_1096, %add3A_1098 : vector<16xi32>
          %swap3A_1100 = arith.constant 2 : i32
          %swap3A_1101 = arith.index_cast %swap3A_1100 : i32 to index
          %swap3A_1102 = arith.constant 112 : index
          %swap3A_1103 = tpu.vector_load %arg13[%swap3A_1101, %swap3A_1102] {strides = array<i32>} : memref<4x128xi32, #tpu.memory_space<vmem>>, vector<1x16xi32>,
          %swap3A_1104 = vector.shape_cast %swap3A_1103 : vector<1x16xi32> to vector<16xi32>
          %swap3A_1105 = vector.shape_cast %add3A_1099 : vector<16xi32> to vector<1x16xi32>
          tpu.vector_store %arg13[%swap3A_1101, %swap3A_1102], %swap3A_1105 {strides = array<i32>} : memref<4x128xi32, #tpu.memory_space<vmem>>, vector<1x16xi32>,
          %sub3A_1106 = arith.subi %get3A_715, %get3A_1075 : vector<16xi32>
          %add3A_1107 = arith.constant 3584 : i32
          %add3A_1108 = vector.broadcast %add3A_1107 : i32 to vector<16xi32>
          %add3A_1109 = arith.addi %sub3A_1106, %add3A_1108 : vector<16xi32>
          %swap3A_1110 = arith.constant 3 : i32
          %swap3A_1111 = arith.index_cast %swap3A_1110 : i32 to index
          %swap3A_1112 = arith.constant 112 : index
          %swap3A_1113 = tpu.vector_load %arg13[%swap3A_1111, %swap3A_1112] {strides = array<i32>} : memref<4x128xi32, #tpu.memory_space<vmem>>, vector<1x16xi32>,
          %swap3A_1114 = vector.shape_cast %swap3A_1113 : vector<1x16xi32> to vector<16xi32>
          %swap3A_1115 = vector.shape_cast %add3A_1109 : vector<16xi32> to vector<1x16xi32>
          tpu.vector_store %arg13[%swap3A_1111, %swap3A_1112], %swap3A_1115 {strides = array<i32>} : memref<4x128xi32, #tpu.memory_space<vmem>>, vector<1x16xi32>,
          %dma_start3A_1116 = arith.constant 0 : i32
          %dma_start3A_1117 = arith.constant 0 : i32
          %dma_start3A_1118 = tpu.memref_slice %arg13[%dma_start3A_1116, %dma_start3A_1117] : memref<4x128xi32, #tpu.memory_space<vmem>> -> memref<1x128xi32, #tpu.memory_space<vmem>>
          %dma_start3A_1119 = tpu.memref_squeeze %dma_start3A_1118 : memref<1x128xi32, #tpu.memory_space<vmem>> -> memref<128xi32, #tpu.memory_space<vmem>>
          %dma_start3A_1120 = arith.constant 0 : i32
          %dma_start3A_1121 = arith.constant 0 : i32
          %dma_start3A_1122 = tpu.memref_slice %arg18[%dma_start3A_1120, %dma_start3A_1121] : memref<4096x128xf32, #tpu.memory_space<vmem_shared>> -> memref<4096x128xf32, #tpu.memory_space<vmem_shared>>
          tpu.enqueue_indirect_dma source(%dma_start3A_1122 : memref<4096x128xf32, #tpu.memory_space<vmem_shared>>) target(%arg15 : memref<128x128xf32, #tpu.memory_space<vmem>>) offsets(%dma_start3A_1119 : memref<128xi32, #tpu.memory_space<vmem>>) semaphore(%arg20 : memref<!tpu.dma_semaphore, #tpu.memory_space<semaphore_mem>>) {add = true}
          %dma_start3A_1123 = arith.constant 1 : i32
          %dma_start3A_1124 = arith.constant 0 : i32
          %dma_start3A_1125 = tpu.memref_slice %arg13[%dma_start3A_1123, %dma_start3A_1124] : memref<4x128xi32, #tpu.memory_space<vmem>> -> memref<1x128xi32, #tpu.memory_space<vmem>>
          %dma_start3A_1126 = tpu.memref_squeeze %dma_start3A_1125 : memref<1x128xi32, #tpu.memory_space<vmem>> -> memref<128xi32, #tpu.memory_space<vmem>>
          %dma_start3A_1127 = arith.constant 0 : i32
          %dma_start3A_1128 = arith.constant 0 : i32
          %dma_start3A_1129 = tpu.memref_slice %arg18[%dma_start3A_1127, %dma_start3A_1128] : memref<4096x128xf32, #tpu.memory_space<vmem_shared>> -> memref<4096x128xf32, #tpu.memory_space<vmem_shared>>
          tpu.enqueue_indirect_dma source(%dma_start3A_1129 : memref<4096x128xf32, #tpu.memory_space<vmem_shared>>) target(%arg15 : memref<128x128xf32, #tpu.memory_space<vmem>>) offsets(%dma_start3A_1126 : memref<128xi32, #tpu.memory_space<vmem>>) semaphore(%arg20 : memref<!tpu.dma_semaphore, #tpu.memory_space<semaphore_mem>>) {add = true}
          %dma_start3A_1130 = arith.constant 2 : i32
          %dma_start3A_1131 = arith.constant 0 : i32
          %dma_start3A_1132 = tpu.memref_slice %arg13[%dma_start3A_1130, %dma_start3A_1131] : memref<4x128xi32, #tpu.memory_space<vmem>> -> memref<1x128xi32, #tpu.memory_space<vmem>>
          %dma_start3A_1133 = tpu.memref_squeeze %dma_start3A_1132 : memref<1x128xi32, #tpu.memory_space<vmem>> -> memref<128xi32, #tpu.memory_space<vmem>>
          %dma_start3A_1134 = arith.constant 0 : i32
          %dma_start3A_1135 = arith.constant 0 : i32
          %dma_start3A_1136 = tpu.memref_slice %arg18[%dma_start3A_1134, %dma_start3A_1135] : memref<4096x128xf32, #tpu.memory_space<vmem_shared>> -> memref<4096x128xf32, #tpu.memory_space<vmem_shared>>
          tpu.enqueue_indirect_dma source(%dma_start3A_1136 : memref<4096x128xf32, #tpu.memory_space<vmem_shared>>) target(%arg15 : memref<128x128xf32, #tpu.memory_space<vmem>>) offsets(%dma_start3A_1133 : memref<128xi32, #tpu.memory_space<vmem>>) semaphore(%arg20 : memref<!tpu.dma_semaphore, #tpu.memory_space<semaphore_mem>>) {add = true}
          %dma_start3A_1137 = arith.constant 3 : i32
          %dma_start3A_1138 = arith.constant 0 : i32
          %dma_start3A_1139 = tpu.memref_slice %arg13[%dma_start3A_1137, %dma_start3A_1138] : memref<4x128xi32, #tpu.memory_space<vmem>> -> memref<1x128xi32, #tpu.memory_space<vmem>>
          %dma_start3A_1140 = tpu.memref_squeeze %dma_start3A_1139 : memref<1x128xi32, #tpu.memory_space<vmem>> -> memref<128xi32, #tpu.memory_space<vmem>>
          %dma_start3A_1141 = arith.constant 0 : i32
          %dma_start3A_1142 = arith.constant 0 : i32
          %dma_start3A_1143 = tpu.memref_slice %arg18[%dma_start3A_1141, %dma_start3A_1142] : memref<4096x128xf32, #tpu.memory_space<vmem_shared>> -> memref<4096x128xf32, #tpu.memory_space<vmem_shared>>
          tpu.enqueue_indirect_dma source(%dma_start3A_1143 : memref<4096x128xf32, #tpu.memory_space<vmem_shared>>) target(%arg15 : memref<128x128xf32, #tpu.memory_space<vmem>>) offsets(%dma_start3A_1140 : memref<128xi32, #tpu.memory_space<vmem>>) semaphore(%arg20 : memref<!tpu.dma_semaphore, #tpu.memory_space<semaphore_mem>>) {add = true}
        } else {
        }
        %dma_wait3A_543 = arith.constant 0 : i32
        %dma_wait3A_544 = arith.constant 0 : i32
        %dma_wait3A_545 = tpu.memref_slice %arg12[%dma_wait3A_543, %dma_wait3A_544] : memref<4x128xi32, #tpu.memory_space<vmem>> -> memref<1x128xi32, #tpu.memory_space<vmem>>
        %dma_wait3A_546 = tpu.memref_squeeze %dma_wait3A_545 : memref<1x128xi32, #tpu.memory_space<vmem>> -> memref<128xi32, #tpu.memory_space<vmem>>
        %dma_wait3A_547 = arith.constant 0 : i32
        %dma_wait3A_548 = arith.constant 0 : i32
        %dma_wait3A_549 = tpu.memref_slice %arg18[%dma_wait3A_547, %dma_wait3A_548] : memref<4096x128xf32, #tpu.memory_space<vmem_shared>> -> memref<4096x128xf32, #tpu.memory_space<vmem_shared>>
        tpu.wait_indirect_dma semaphore(%arg19 : memref<!tpu.dma_semaphore, #tpu.memory_space<semaphore_mem>>) src(%dma_wait3A_549 : memref<4096x128xf32, #tpu.memory_space<vmem_shared>>) dst(%arg14 : memref<128x128xf32, #tpu.memory_space<vmem>>)
        %dma_wait3A_550 = arith.constant 0 : i32
        %dma_wait3A_551 = arith.constant 0 : i32
        %dma_wait3A_552 = tpu.memref_slice %arg12[%dma_wait3A_550, %dma_wait3A_551] : memref<4x128xi32, #tpu.memory_space<vmem>> -> memref<1x128xi32, #tpu.memory_space<vmem>>
        %dma_wait3A_553 = tpu.memref_squeeze %dma_wait3A_552 : memref<1x128xi32, #tpu.memory_space<vmem>> -> memref<128xi32, #tpu.memory_space<vmem>>
        %dma_wait3A_554 = arith.constant 0 : i32
        %dma_wait3A_555 = arith.constant 0 : i32
        %dma_wait3A_556 = tpu.memref_slice %arg18[%dma_wait3A_554, %dma_wait3A_555] : memref<4096x128xf32, #tpu.memory_space<vmem_shared>> -> memref<4096x128xf32, #tpu.memory_space<vmem_shared>>
        tpu.wait_indirect_dma semaphore(%arg19 : memref<!tpu.dma_semaphore, #tpu.memory_space<semaphore_mem>>) src(%dma_wait3A_556 : memref<4096x128xf32, #tpu.memory_space<vmem_shared>>) dst(%arg14 : memref<128x128xf32, #tpu.memory_space<vmem>>)
        %dma_wait3A_557 = arith.constant 0 : i32
        %dma_wait3A_558 = arith.constant 0 : i32
        %dma_wait3A_559 = tpu.memref_slice %arg12[%dma_wait3A_557, %dma_wait3A_558] : memref<4x128xi32, #tpu.memory_space<vmem>> -> memref<1x128xi32, #tpu.memory_space<vmem>>
        %dma_wait3A_560 = tpu.memref_squeeze %dma_wait3A_559 : memref<1x128xi32, #tpu.memory_space<vmem>> -> memref<128xi32, #tpu.memory_space<vmem>>
        %dma_wait3A_561 = arith.constant 0 : i32
        %dma_wait3A_562 = arith.constant 0 : i32
        %dma_wait3A_563 = tpu.memref_slice %arg18[%dma_wait3A_561, %dma_wait3A_562] : memref<4096x128xf32, #tpu.memory_space<vmem_shared>> -> memref<4096x128xf32, #tpu.memory_space<vmem_shared>>
        tpu.wait_indirect_dma semaphore(%arg19 : memref<!tpu.dma_semaphore, #tpu.memory_space<semaphore_mem>>) src(%dma_wait3A_563 : memref<4096x128xf32, #tpu.memory_space<vmem_shared>>) dst(%arg14 : memref<128x128xf32, #tpu.memory_space<vmem>>)
        %dma_wait3A_564 = arith.constant 0 : i32
        %dma_wait3A_565 = arith.constant 0 : i32
        %dma_wait3A_566 = tpu.memref_slice %arg12[%dma_wait3A_564, %dma_wait3A_565] : memref<4x128xi32, #tpu.memory_space<vmem>> -> memref<1x128xi32, #tpu.memory_space<vmem>>
        %dma_wait3A_567 = tpu.memref_squeeze %dma_wait3A_566 : memref<1x128xi32, #tpu.memory_space<vmem>> -> memref<128xi32, #tpu.memory_space<vmem>>
        %dma_wait3A_568 = arith.constant 0 : i32
        %dma_wait3A_569 = arith.constant 0 : i32
        %dma_wait3A_570 = tpu.memref_slice %arg18[%dma_wait3A_568, %dma_wait3A_569] : memref<4096x128xf32, #tpu.memory_space<vmem_shared>> -> memref<4096x128xf32, #tpu.memory_space<vmem_shared>>
        tpu.wait_indirect_dma semaphore(%arg19 : memref<!tpu.dma_semaphore, #tpu.memory_space<semaphore_mem>>) src(%dma_wait3A_570 : memref<4096x128xf32, #tpu.memory_space<vmem_shared>>) dst(%arg14 : memref<128x128xf32, #tpu.memory_space<vmem>>)
        %ge3A = arith.constant 2 : i32
        %ge3A_571 = arith.cmpi sge, %scan3A_508, %ge3A : i32
        %convert_element_type3A_572 = arith.extui %ge3A_571 : i1 to i32
        %cond3A_573 = arith.constant 0 : i32
        %cond3A_574 = arith.cmpi ne, %convert_element_type3A_572, %cond3A_573 : i32
        scf.if %cond3A_574 {
          %sub3A_632 = arith.constant 2 : i32
          %sub3A_633 = arith.subi %scan3A_508, %sub3A_632 : i32
          %jit3A_634 = arith.constant 4 : i32
          %div3A_635 = arith.divsi %sub3A_633, %jit3A_634 : i32
          %sign3A_636 = arith.constant 0 : i32
          %sign3A_637 = arith.cmpi sgt, %sub3A_633, %sign3A_636 : i32
          %sign3A_638 = arith.extui %sign3A_637 : i1 to i32
          %sign3A_639 = arith.constant 0 : i32
          %sign3A_640 = arith.cmpi slt, %sub3A_633, %sign3A_639 : i32
          %sign3A_641 = arith.extui %sign3A_640 : i1 to i32
          %sign3A_642 = arith.subi %sign3A_638, %sign3A_641 : i32
          %sign3A_643 = arith.constant 0 : i32
          %sign3A_644 = arith.cmpi sgt, %jit3A_634, %sign3A_643 : i32
          %sign3A_645 = arith.extui %sign3A_644 : i1 to i32
          %sign3A_646 = arith.constant 0 : i32
          %sign3A_647 = arith.cmpi slt, %jit3A_634, %sign3A_646 : i32
          %sign3A_648 = arith.extui %sign3A_647 : i1 to i32
          %sign3A_649 = arith.subi %sign3A_645, %sign3A_648 : i32
          %ne3A_650 = arith.cmpi ne, %sign3A_642, %sign3A_649 : i32
          %rem3A_651 = arith.remsi %sub3A_633, %jit3A_634 : i32
          %ne3A_652 = arith.constant 0 : i32
          %ne3A_653 = arith.cmpi ne, %rem3A_651, %ne3A_652 : i32
          %and3A_654 = arith.andi %ne3A_650, %ne3A_653 : i1
          %sub3A_655 = arith.constant 1 : i32
          %sub3A_656 = arith.subi %div3A_635, %sub3A_655 : i32
          %select_n3A_657 = arith.select %and3A_654, %sub3A_656, %div3A_635 : i32
          %add3A_658 = arith.addi %mul3A_4, %select_n3A_657 : i32
          %jit3A_659 = arith.constant 4 : i32
          %eq3A_660 = arith.constant 0 : i32
          %eq3A_661 = arith.cmpi eq, %jit3A_659, %eq3A_660 : i32
          %jit3A_662 = arith.constant 1 : i32
          %select_n3A_663 = arith.select %eq3A_661, %jit3A_662, %jit3A_659 : i32
          %rem3A_664 = arith.remsi %sub3A_633, %select_n3A_663 : i32
          %ne3A_665 = arith.constant 0 : i32
          %ne3A_666 = arith.cmpi ne, %rem3A_664, %ne3A_665 : i32
          %lt3A_667 = arith.constant 0 : i32
          %lt3A_668 = arith.cmpi slt, %rem3A_664, %lt3A_667 : i32
          %lt3A_669 = arith.constant 0 : i32
          %lt3A_670 = arith.cmpi slt, %select_n3A_663, %lt3A_669 : i32
          %ne3A_671 = arith.xori %lt3A_668, %lt3A_670 : i1
          %and3A_672 = arith.andi %ne3A_671, %ne3A_666 : i1
          %add3A_673 = arith.addi %rem3A_664, %select_n3A_663 : i32
          %select_n3A_674 = arith.select %and3A_672, %add3A_673, %rem3A_664 : i32
          %mul3A_675 = arith.constant 512 : i32
          %mul3A_676 = arith.muli %add3A_658, %mul3A_675 : i32
          %mul3A_677 = arith.constant 128 : i32
          %mul3A_678 = arith.muli %select_n3A_674, %mul3A_677 : i32
          %add3A_679 = arith.addi %mul3A_676, %mul3A_678 : i32
          %dma_wait3A_680 = arith.constant 0 : i32
          %dma_wait3A_681 = tpu.memref_slice %arg7[%add3A_679, %dma_wait3A_680] : memref<524288x128xf32, #tpu.memory_space<hbm>> -> memref<128x128xf32, #tpu.memory_space<hbm>>
          %dma_wait3A_682 = arith.constant 0 : i32
          %dma_wait3A_683 = tpu.memref_slice %arg7[%add3A_679, %dma_wait3A_682] : memref<524288x128xf32, #tpu.memory_space<hbm>> -> memref<128x128xf32, #tpu.memory_space<hbm>>
          tpu.wait_dma2 semaphore(%arg21 : memref<!tpu.dma_semaphore, #tpu.memory_space<semaphore_mem>>) src(%arg16 : memref<128x128xf32, #tpu.memory_space<vmem>>) dst(%dma_wait3A_683 : memref<128x128xf32, #tpu.memory_space<hbm>>)
        } else {
        }
        %scan3A_575 = arith.constant 0 : i32
        %scan3A_576 = arith.constant 0 : i32
        %scan3A_577 = arith.constant 32 : i32
        %scan3A_578 = arith.addi %scan3A_576, %scan3A_577 : i32
        %scan3A_579 = arith.constant 1 : i32
        %scan3A_580 = scf.for %scan3A_632 = %scan3A_576 to %scan3A_578 step %scan3A_579 iter_args(%scan3A_633 = %scan3A_575) -> (i32)  : i32 {
          %mul3A_634 = arith.constant 4 : i32
          %mul3A_635 = arith.muli %scan3A_632, %mul3A_634 : i32
          %add3A_636 = arith.constant 0 : i32
          %add3A_637 = arith.addi %mul3A_635, %add3A_636 : i32
          %get3A_638 = arith.index_cast %add3A_637 : i32 to index
          %get3A_639 = arith.constant 0 : index
          %get3A_640 = tpu.vector_load %arg14[%get3A_638, %get3A_639] {strides = array<i32>} : memref<128x128xf32, #tpu.memory_space<vmem>>, vector<1x16xf32>,
          %get3A_641 = vector.shape_cast %get3A_640 : vector<1x16xf32> to vector<16xf32>
          %max3A = arith.constant 0.000000e+00 : f32
          %max3A_642 = vector.broadcast %max3A : f32 to vector<16xf32>
          %max3A_643 = arith.maximumf %get3A_641, %max3A_642 : vector<16xf32>
          %swap3A_644 = arith.index_cast %add3A_637 : i32 to index
          %swap3A_645 = arith.constant 0 : index
          %swap3A_646 = tpu.vector_load %arg16[%swap3A_644, %swap3A_645] {strides = array<i32>} : memref<128x128xf32, #tpu.memory_space<vmem>>, vector<1x16xf32>,
          %swap3A_647 = vector.shape_cast %swap3A_646 : vector<1x16xf32> to vector<16xf32>
          %swap3A_648 = vector.shape_cast %max3A_643 : vector<16xf32> to vector<1x16xf32>
          tpu.vector_store %arg16[%swap3A_644, %swap3A_645], %swap3A_648 {strides = array<i32>} : memref<128x128xf32, #tpu.memory_space<vmem>>, vector<1x16xf32>,
          %swap3A_649 = arith.index_cast %add3A_637 : i32 to index
          %swap3A_650 = arith.constant 0 : index
          %swap3A_651 = tpu.vector_load %arg14[%swap3A_649, %swap3A_650] {strides = array<i32>} : memref<128x128xf32, #tpu.memory_space<vmem>>, vector<1x16xf32>,
          %swap3A_652 = vector.shape_cast %swap3A_651 : vector<1x16xf32> to vector<16xf32>
          %swap3A_653 = vector.shape_cast %broadcast_in_dim3A_9 : vector<16xf32> to vector<1x16xf32>
          tpu.vector_store %arg14[%swap3A_649, %swap3A_650], %swap3A_653 {strides = array<i32>} : memref<128x128xf32, #tpu.memory_space<vmem>>, vector<1x16xf32>,
          %get3A_654 = arith.index_cast %add3A_637 : i32 to index
          %get3A_655 = arith.constant 16 : index
          %get3A_656 = tpu.vector_load %arg14[%get3A_654, %get3A_655] {strides = array<i32>} : memref<128x128xf32, #tpu.memory_space<vmem>>, vector<1x16xf32>,
          %get3A_657 = vector.shape_cast %get3A_656 : vector<1x16xf32> to vector<16xf32>
          %max3A_658 = arith.constant 0.000000e+00 : f32
          %max3A_659 = vector.broadcast %max3A_658 : f32 to vector<16xf32>
          %max3A_660 = arith.maximumf %get3A_657, %max3A_659 : vector<16xf32>
          %swap3A_661 = arith.index_cast %add3A_637 : i32 to index
          %swap3A_662 = arith.constant 16 : index
          %swap3A_663 = tpu.vector_load %arg16[%swap3A_661, %swap3A_662] {strides = array<i32>} : memref<128x128xf32, #tpu.memory_space<vmem>>, vector<1x16xf32>,
          %swap3A_664 = vector.shape_cast %swap3A_663 : vector<1x16xf32> to vector<16xf32>
          %swap3A_665 = vector.shape_cast %max3A_660 : vector<16xf32> to vector<1x16xf32>
          tpu.vector_store %arg16[%swap3A_661, %swap3A_662], %swap3A_665 {strides = array<i32>} : memref<128x128xf32, #tpu.memory_space<vmem>>, vector<1x16xf32>,
          %swap3A_666 = arith.index_cast %add3A_637 : i32 to index
          %swap3A_667 = arith.constant 16 : index
          %swap3A_668 = tpu.vector_load %arg14[%swap3A_666, %swap3A_667] {strides = array<i32>} : memref<128x128xf32, #tpu.memory_space<vmem>>, vector<1x16xf32>,
          %swap3A_669 = vector.shape_cast %swap3A_668 : vector<1x16xf32> to vector<16xf32>
          %swap3A_670 = vector.shape_cast %broadcast_in_dim3A_9 : vector<16xf32> to vector<1x16xf32>
          tpu.vector_store %arg14[%swap3A_666, %swap3A_667], %swap3A_670 {strides = array<i32>} : memref<128x128xf32, #tpu.memory_space<vmem>>, vector<1x16xf32>,
          %get3A_671 = arith.index_cast %add3A_637 : i32 to index
          %get3A_672 = arith.constant 32 : index
          %get3A_673 = tpu.vector_load %arg14[%get3A_671, %get3A_672] {strides = array<i32>} : memref<128x128xf32, #tpu.memory_space<vmem>>, vector<1x16xf32>,
          %get3A_674 = vector.shape_cast %get3A_673 : vector<1x16xf32> to vector<16xf32>
          %max3A_675 = arith.constant 0.000000e+00 : f32
          %max3A_676 = vector.broadcast %max3A_675 : f32 to vector<16xf32>
          %max3A_677 = arith.maximumf %get3A_674, %max3A_676 : vector<16xf32>
          %swap3A_678 = arith.index_cast %add3A_637 : i32 to index
          %swap3A_679 = arith.constant 32 : index
          %swap3A_680 = tpu.vector_load %arg16[%swap3A_678, %swap3A_679] {strides = array<i32>} : memref<128x128xf32, #tpu.memory_space<vmem>>, vector<1x16xf32>,
          %swap3A_681 = vector.shape_cast %swap3A_680 : vector<1x16xf32> to vector<16xf32>
          %swap3A_682 = vector.shape_cast %max3A_677 : vector<16xf32> to vector<1x16xf32>
          tpu.vector_store %arg16[%swap3A_678, %swap3A_679], %swap3A_682 {strides = array<i32>} : memref<128x128xf32, #tpu.memory_space<vmem>>, vector<1x16xf32>,
          %swap3A_683 = arith.index_cast %add3A_637 : i32 to index
          %swap3A_684 = arith.constant 32 : index
          %swap3A_685 = tpu.vector_load %arg14[%swap3A_683, %swap3A_684] {strides = array<i32>} : memref<128x128xf32, #tpu.memory_space<vmem>>, vector<1x16xf32>,
          %swap3A_686 = vector.shape_cast %swap3A_685 : vector<1x16xf32> to vector<16xf32>
          %swap3A_687 = vector.shape_cast %broadcast_in_dim3A_9 : vector<16xf32> to vector<1x16xf32>
          tpu.vector_store %arg14[%swap3A_683, %swap3A_684], %swap3A_687 {strides = array<i32>} : memref<128x128xf32, #tpu.memory_space<vmem>>, vector<1x16xf32>,
          %get3A_688 = arith.index_cast %add3A_637 : i32 to index
          %get3A_689 = arith.constant 48 : index
          %get3A_690 = tpu.vector_load %arg14[%get3A_688, %get3A_689] {strides = array<i32>} : memref<128x128xf32, #tpu.memory_space<vmem>>, vector<1x16xf32>,
          %get3A_691 = vector.shape_cast %get3A_690 : vector<1x16xf32> to vector<16xf32>
          %max3A_692 = arith.constant 0.000000e+00 : f32
          %max3A_693 = vector.broadcast %max3A_692 : f32 to vector<16xf32>
          %max3A_694 = arith.maximumf %get3A_691, %max3A_693 : vector<16xf32>
          %swap3A_695 = arith.index_cast %add3A_637 : i32 to index
          %swap3A_696 = arith.constant 48 : index
          %swap3A_697 = tpu.vector_load %arg16[%swap3A_695, %swap3A_696] {strides = array<i32>} : memref<128x128xf32, #tpu.memory_space<vmem>>, vector<1x16xf32>,
          %swap3A_698 = vector.shape_cast %swap3A_697 : vector<1x16xf32> to vector<16xf32>
          %swap3A_699 = vector.shape_cast %max3A_694 : vector<16xf32> to vector<1x16xf32>
          tpu.vector_store %arg16[%swap3A_695, %swap3A_696], %swap3A_699 {strides = array<i32>} : memref<128x128xf32, #tpu.memory_space<vmem>>, vector<1x16xf32>,
          %swap3A_700 = arith.index_cast %add3A_637 : i32 to index
          %swap3A_701 = arith.constant 48 : index
          %swap3A_702 = tpu.vector_load %arg14[%swap3A_700, %swap3A_701] {strides = array<i32>} : memref<128x128xf32, #tpu.memory_space<vmem>>, vector<1x16xf32>,
          %swap3A_703 = vector.shape_cast %swap3A_702 : vector<1x16xf32> to vector<16xf32>
          %swap3A_704 = vector.shape_cast %broadcast_in_dim3A_9 : vector<16xf32> to vector<1x16xf32>
          tpu.vector_store %arg14[%swap3A_700, %swap3A_701], %swap3A_704 {strides = array<i32>} : memref<128x128xf32, #tpu.memory_space<vmem>>, vector<1x16xf32>,
          %get3A_705 = arith.index_cast %add3A_637 : i32 to index
          %get3A_706 = arith.constant 64 : index
          %get3A_707 = tpu.vector_load %arg14[%get3A_705, %get3A_706] {strides = array<i32>} : memref<128x128xf32, #tpu.memory_space<vmem>>, vector<1x16xf32>,
          %get3A_708 = vector.shape_cast %get3A_707 : vector<1x16xf32> to vector<16xf32>
          %max3A_709 = arith.constant 0.000000e+00 : f32
          %max3A_710 = vector.broadcast %max3A_709 : f32 to vector<16xf32>
          %max3A_711 = arith.maximumf %get3A_708, %max3A_710 : vector<16xf32>
          %swap3A_712 = arith.index_cast %add3A_637 : i32 to index
          %swap3A_713 = arith.constant 64 : index
          %swap3A_714 = tpu.vector_load %arg16[%swap3A_712, %swap3A_713] {strides = array<i32>} : memref<128x128xf32, #tpu.memory_space<vmem>>, vector<1x16xf32>,
          %swap3A_715 = vector.shape_cast %swap3A_714 : vector<1x16xf32> to vector<16xf32>
          %swap3A_716 = vector.shape_cast %max3A_711 : vector<16xf32> to vector<1x16xf32>
          tpu.vector_store %arg16[%swap3A_712, %swap3A_713], %swap3A_716 {strides = array<i32>} : memref<128x128xf32, #tpu.memory_space<vmem>>, vector<1x16xf32>,
          %swap3A_717 = arith.index_cast %add3A_637 : i32 to index
          %swap3A_718 = arith.constant 64 : index
          %swap3A_719 = tpu.vector_load %arg14[%swap3A_717, %swap3A_718] {strides = array<i32>} : memref<128x128xf32, #tpu.memory_space<vmem>>, vector<1x16xf32>,
          %swap3A_720 = vector.shape_cast %swap3A_719 : vector<1x16xf32> to vector<16xf32>
          %swap3A_721 = vector.shape_cast %broadcast_in_dim3A_9 : vector<16xf32> to vector<1x16xf32>
          tpu.vector_store %arg14[%swap3A_717, %swap3A_718], %swap3A_721 {strides = array<i32>} : memref<128x128xf32, #tpu.memory_space<vmem>>, vector<1x16xf32>,
          %get3A_722 = arith.index_cast %add3A_637 : i32 to index
          %get3A_723 = arith.constant 80 : index
          %get3A_724 = tpu.vector_load %arg14[%get3A_722, %get3A_723] {strides = array<i32>} : memref<128x128xf32, #tpu.memory_space<vmem>>, vector<1x16xf32>,
          %get3A_725 = vector.shape_cast %get3A_724 : vector<1x16xf32> to vector<16xf32>
          %max3A_726 = arith.constant 0.000000e+00 : f32
          %max3A_727 = vector.broadcast %max3A_726 : f32 to vector<16xf32>
          %max3A_728 = arith.maximumf %get3A_725, %max3A_727 : vector<16xf32>
          %swap3A_729 = arith.index_cast %add3A_637 : i32 to index
          %swap3A_730 = arith.constant 80 : index
          %swap3A_731 = tpu.vector_load %arg16[%swap3A_729, %swap3A_730] {strides = array<i32>} : memref<128x128xf32, #tpu.memory_space<vmem>>, vector<1x16xf32>,
          %swap3A_732 = vector.shape_cast %swap3A_731 : vector<1x16xf32> to vector<16xf32>
          %swap3A_733 = vector.shape_cast %max3A_728 : vector<16xf32> to vector<1x16xf32>
          tpu.vector_store %arg16[%swap3A_729, %swap3A_730], %swap3A_733 {strides = array<i32>} : memref<128x128xf32, #tpu.memory_space<vmem>>, vector<1x16xf32>,
          %swap3A_734 = arith.index_cast %add3A_637 : i32 to index
          %swap3A_735 = arith.constant 80 : index
          %swap3A_736 = tpu.vector_load %arg14[%swap3A_734, %swap3A_735] {strides = array<i32>} : memref<128x128xf32, #tpu.memory_space<vmem>>, vector<1x16xf32>,
          %swap3A_737 = vector.shape_cast %swap3A_736 : vector<1x16xf32> to vector<16xf32>
          %swap3A_738 = vector.shape_cast %broadcast_in_dim3A_9 : vector<16xf32> to vector<1x16xf32>
          tpu.vector_store %arg14[%swap3A_734, %swap3A_735], %swap3A_738 {strides = array<i32>} : memref<128x128xf32, #tpu.memory_space<vmem>>, vector<1x16xf32>,
          %get3A_739 = arith.index_cast %add3A_637 : i32 to index
          %get3A_740 = arith.constant 96 : index
          %get3A_741 = tpu.vector_load %arg14[%get3A_739, %get3A_740] {strides = array<i32>} : memref<128x128xf32, #tpu.memory_space<vmem>>, vector<1x16xf32>,
          %get3A_742 = vector.shape_cast %get3A_741 : vector<1x16xf32> to vector<16xf32>
          %max3A_743 = arith.constant 0.000000e+00 : f32
          %max3A_744 = vector.broadcast %max3A_743 : f32 to vector<16xf32>
          %max3A_745 = arith.maximumf %get3A_742, %max3A_744 : vector<16xf32>
          %swap3A_746 = arith.index_cast %add3A_637 : i32 to index
          %swap3A_747 = arith.constant 96 : index
          %swap3A_748 = tpu.vector_load %arg16[%swap3A_746, %swap3A_747] {strides = array<i32>} : memref<128x128xf32, #tpu.memory_space<vmem>>, vector<1x16xf32>,
          %swap3A_749 = vector.shape_cast %swap3A_748 : vector<1x16xf32> to vector<16xf32>
          %swap3A_750 = vector.shape_cast %max3A_745 : vector<16xf32> to vector<1x16xf32>
          tpu.vector_store %arg16[%swap3A_746, %swap3A_747], %swap3A_750 {strides = array<i32>} : memref<128x128xf32, #tpu.memory_space<vmem>>, vector<1x16xf32>,
          %swap3A_751 = arith.index_cast %add3A_637 : i32 to index
          %swap3A_752 = arith.constant 96 : index
          %swap3A_753 = tpu.vector_load %arg14[%swap3A_751, %swap3A_752] {strides = array<i32>} : memref<128x128xf32, #tpu.memory_space<vmem>>, vector<1x16xf32>,
          %swap3A_754 = vector.shape_cast %swap3A_753 : vector<1x16xf32> to vector<16xf32>
          %swap3A_755 = vector.shape_cast %broadcast_in_dim3A_9 : vector<16xf32> to vector<1x16xf32>
          tpu.vector_store %arg14[%swap3A_751, %swap3A_752], %swap3A_755 {strides = array<i32>} : memref<128x128xf32, #tpu.memory_space<vmem>>, vector<1x16xf32>,
          %get3A_756 = arith.index_cast %add3A_637 : i32 to index
          %get3A_757 = arith.constant 112 : index
          %get3A_758 = tpu.vector_load %arg14[%get3A_756, %get3A_757] {strides = array<i32>} : memref<128x128xf32, #tpu.memory_space<vmem>>, vector<1x16xf32>,
          %get3A_759 = vector.shape_cast %get3A_758 : vector<1x16xf32> to vector<16xf32>
          %max3A_760 = arith.constant 0.000000e+00 : f32
          %max3A_761 = vector.broadcast %max3A_760 : f32 to vector<16xf32>
          %max3A_762 = arith.maximumf %get3A_759, %max3A_761 : vector<16xf32>
          %swap3A_763 = arith.index_cast %add3A_637 : i32 to index
          %swap3A_764 = arith.constant 112 : index
          %swap3A_765 = tpu.vector_load %arg16[%swap3A_763, %swap3A_764] {strides = array<i32>} : memref<128x128xf32, #tpu.memory_space<vmem>>, vector<1x16xf32>,
          %swap3A_766 = vector.shape_cast %swap3A_765 : vector<1x16xf32> to vector<16xf32>
          %swap3A_767 = vector.shape_cast %max3A_762 : vector<16xf32> to vector<1x16xf32>
          tpu.vector_store %arg16[%swap3A_763, %swap3A_764], %swap3A_767 {strides = array<i32>} : memref<128x128xf32, #tpu.memory_space<vmem>>, vector<1x16xf32>,
          %swap3A_768 = arith.index_cast %add3A_637 : i32 to index
          %swap3A_769 = arith.constant 112 : index
          %swap3A_770 = tpu.vector_load %arg14[%swap3A_768, %swap3A_769] {strides = array<i32>} : memref<128x128xf32, #tpu.memory_space<vmem>>, vector<1x16xf32>,
          %swap3A_771 = vector.shape_cast %swap3A_770 : vector<1x16xf32> to vector<16xf32>
          %swap3A_772 = vector.shape_cast %broadcast_in_dim3A_9 : vector<16xf32> to vector<1x16xf32>
          tpu.vector_store %arg14[%swap3A_768, %swap3A_769], %swap3A_772 {strides = array<i32>} : memref<128x128xf32, #tpu.memory_space<vmem>>, vector<1x16xf32>,
          %mul3A_773 = arith.constant 4 : i32
          %mul3A_774 = arith.muli %scan3A_632, %mul3A_773 : i32
          %add3A_775 = arith.constant 1 : i32
          %add3A_776 = arith.addi %mul3A_774, %add3A_775 : i32
          %get3A_777 = arith.index_cast %add3A_776 : i32 to index
          %get3A_778 = arith.constant 0 : index
          %get3A_779 = tpu.vector_load %arg14[%get3A_777, %get3A_778] {strides = array<i32>} : memref<128x128xf32, #tpu.memory_space<vmem>>, vector<1x16xf32>,
          %get3A_780 = vector.shape_cast %get3A_779 : vector<1x16xf32> to vector<16xf32>
          %max3A_781 = arith.constant 0.000000e+00 : f32
          %max3A_782 = vector.broadcast %max3A_781 : f32 to vector<16xf32>
          %max3A_783 = arith.maximumf %get3A_780, %max3A_782 : vector<16xf32>
          %swap3A_784 = arith.index_cast %add3A_776 : i32 to index
          %swap3A_785 = arith.constant 0 : index
          %swap3A_786 = tpu.vector_load %arg16[%swap3A_784, %swap3A_785] {strides = array<i32>} : memref<128x128xf32, #tpu.memory_space<vmem>>, vector<1x16xf32>,
          %swap3A_787 = vector.shape_cast %swap3A_786 : vector<1x16xf32> to vector<16xf32>
          %swap3A_788 = vector.shape_cast %max3A_783 : vector<16xf32> to vector<1x16xf32>
          tpu.vector_store %arg16[%swap3A_784, %swap3A_785], %swap3A_788 {strides = array<i32>} : memref<128x128xf32, #tpu.memory_space<vmem>>, vector<1x16xf32>,
          %swap3A_789 = arith.index_cast %add3A_776 : i32 to index
          %swap3A_790 = arith.constant 0 : index
          %swap3A_791 = tpu.vector_load %arg14[%swap3A_789, %swap3A_790] {strides = array<i32>} : memref<128x128xf32, #tpu.memory_space<vmem>>, vector<1x16xf32>,
          %swap3A_792 = vector.shape_cast %swap3A_791 : vector<1x16xf32> to vector<16xf32>
          %swap3A_793 = vector.shape_cast %broadcast_in_dim3A_9 : vector<16xf32> to vector<1x16xf32>
          tpu.vector_store %arg14[%swap3A_789, %swap3A_790], %swap3A_793 {strides = array<i32>} : memref<128x128xf32, #tpu.memory_space<vmem>>, vector<1x16xf32>,
          %get3A_794 = arith.index_cast %add3A_776 : i32 to index
          %get3A_795 = arith.constant 16 : index
          %get3A_796 = tpu.vector_load %arg14[%get3A_794, %get3A_795] {strides = array<i32>} : memref<128x128xf32, #tpu.memory_space<vmem>>, vector<1x16xf32>,
          %get3A_797 = vector.shape_cast %get3A_796 : vector<1x16xf32> to vector<16xf32>
          %max3A_798 = arith.constant 0.000000e+00 : f32
          %max3A_799 = vector.broadcast %max3A_798 : f32 to vector<16xf32>
          %max3A_800 = arith.maximumf %get3A_797, %max3A_799 : vector<16xf32>
          %swap3A_801 = arith.index_cast %add3A_776 : i32 to index
          %swap3A_802 = arith.constant 16 : index
          %swap3A_803 = tpu.vector_load %arg16[%swap3A_801, %swap3A_802] {strides = array<i32>} : memref<128x128xf32, #tpu.memory_space<vmem>>, vector<1x16xf32>,
          %swap3A_804 = vector.shape_cast %swap3A_803 : vector<1x16xf32> to vector<16xf32>
          %swap3A_805 = vector.shape_cast %max3A_800 : vector<16xf32> to vector<1x16xf32>
          tpu.vector_store %arg16[%swap3A_801, %swap3A_802], %swap3A_805 {strides = array<i32>} : memref<128x128xf32, #tpu.memory_space<vmem>>, vector<1x16xf32>,
          %swap3A_806 = arith.index_cast %add3A_776 : i32 to index
          %swap3A_807 = arith.constant 16 : index
          %swap3A_808 = tpu.vector_load %arg14[%swap3A_806, %swap3A_807] {strides = array<i32>} : memref<128x128xf32, #tpu.memory_space<vmem>>, vector<1x16xf32>,
          %swap3A_809 = vector.shape_cast %swap3A_808 : vector<1x16xf32> to vector<16xf32>
          %swap3A_810 = vector.shape_cast %broadcast_in_dim3A_9 : vector<16xf32> to vector<1x16xf32>
          tpu.vector_store %arg14[%swap3A_806, %swap3A_807], %swap3A_810 {strides = array<i32>} : memref<128x128xf32, #tpu.memory_space<vmem>>, vector<1x16xf32>,
          %get3A_811 = arith.index_cast %add3A_776 : i32 to index
          %get3A_812 = arith.constant 32 : index
          %get3A_813 = tpu.vector_load %arg14[%get3A_811, %get3A_812] {strides = array<i32>} : memref<128x128xf32, #tpu.memory_space<vmem>>, vector<1x16xf32>,
          %get3A_814 = vector.shape_cast %get3A_813 : vector<1x16xf32> to vector<16xf32>
          %max3A_815 = arith.constant 0.000000e+00 : f32
          %max3A_816 = vector.broadcast %max3A_815 : f32 to vector<16xf32>
          %max3A_817 = arith.maximumf %get3A_814, %max3A_816 : vector<16xf32>
          %swap3A_818 = arith.index_cast %add3A_776 : i32 to index
          %swap3A_819 = arith.constant 32 : index
          %swap3A_820 = tpu.vector_load %arg16[%swap3A_818, %swap3A_819] {strides = array<i32>} : memref<128x128xf32, #tpu.memory_space<vmem>>, vector<1x16xf32>,
          %swap3A_821 = vector.shape_cast %swap3A_820 : vector<1x16xf32> to vector<16xf32>
          %swap3A_822 = vector.shape_cast %max3A_817 : vector<16xf32> to vector<1x16xf32>
          tpu.vector_store %arg16[%swap3A_818, %swap3A_819], %swap3A_822 {strides = array<i32>} : memref<128x128xf32, #tpu.memory_space<vmem>>, vector<1x16xf32>,
          %swap3A_823 = arith.index_cast %add3A_776 : i32 to index
          %swap3A_824 = arith.constant 32 : index
          %swap3A_825 = tpu.vector_load %arg14[%swap3A_823, %swap3A_824] {strides = array<i32>} : memref<128x128xf32, #tpu.memory_space<vmem>>, vector<1x16xf32>,
          %swap3A_826 = vector.shape_cast %swap3A_825 : vector<1x16xf32> to vector<16xf32>
          %swap3A_827 = vector.shape_cast %broadcast_in_dim3A_9 : vector<16xf32> to vector<1x16xf32>
          tpu.vector_store %arg14[%swap3A_823, %swap3A_824], %swap3A_827 {strides = array<i32>} : memref<128x128xf32, #tpu.memory_space<vmem>>, vector<1x16xf32>,
          %get3A_828 = arith.index_cast %add3A_776 : i32 to index
          %get3A_829 = arith.constant 48 : index
          %get3A_830 = tpu.vector_load %arg14[%get3A_828, %get3A_829] {strides = array<i32>} : memref<128x128xf32, #tpu.memory_space<vmem>>, vector<1x16xf32>,
          %get3A_831 = vector.shape_cast %get3A_830 : vector<1x16xf32> to vector<16xf32>
          %max3A_832 = arith.constant 0.000000e+00 : f32
          %max3A_833 = vector.broadcast %max3A_832 : f32 to vector<16xf32>
          %max3A_834 = arith.maximumf %get3A_831, %max3A_833 : vector<16xf32>
          %swap3A_835 = arith.index_cast %add3A_776 : i32 to index
          %swap3A_836 = arith.constant 48 : index
          %swap3A_837 = tpu.vector_load %arg16[%swap3A_835, %swap3A_836] {strides = array<i32>} : memref<128x128xf32, #tpu.memory_space<vmem>>, vector<1x16xf32>,
          %swap3A_838 = vector.shape_cast %swap3A_837 : vector<1x16xf32> to vector<16xf32>
          %swap3A_839 = vector.shape_cast %max3A_834 : vector<16xf32> to vector<1x16xf32>
          tpu.vector_store %arg16[%swap3A_835, %swap3A_836], %swap3A_839 {strides = array<i32>} : memref<128x128xf32, #tpu.memory_space<vmem>>, vector<1x16xf32>,
          %swap3A_840 = arith.index_cast %add3A_776 : i32 to index
          %swap3A_841 = arith.constant 48 : index
          %swap3A_842 = tpu.vector_load %arg14[%swap3A_840, %swap3A_841] {strides = array<i32>} : memref<128x128xf32, #tpu.memory_space<vmem>>, vector<1x16xf32>,
          %swap3A_843 = vector.shape_cast %swap3A_842 : vector<1x16xf32> to vector<16xf32>
          %swap3A_844 = vector.shape_cast %broadcast_in_dim3A_9 : vector<16xf32> to vector<1x16xf32>
          tpu.vector_store %arg14[%swap3A_840, %swap3A_841], %swap3A_844 {strides = array<i32>} : memref<128x128xf32, #tpu.memory_space<vmem>>, vector<1x16xf32>,
          %get3A_845 = arith.index_cast %add3A_776 : i32 to index
          %get3A_846 = arith.constant 64 : index
          %get3A_847 = tpu.vector_load %arg14[%get3A_845, %get3A_846] {strides = array<i32>} : memref<128x128xf32, #tpu.memory_space<vmem>>, vector<1x16xf32>,
          %get3A_848 = vector.shape_cast %get3A_847 : vector<1x16xf32> to vector<16xf32>
          %max3A_849 = arith.constant 0.000000e+00 : f32
          %max3A_850 = vector.broadcast %max3A_849 : f32 to vector<16xf32>
          %max3A_851 = arith.maximumf %get3A_848, %max3A_850 : vector<16xf32>
          %swap3A_852 = arith.index_cast %add3A_776 : i32 to index
          %swap3A_853 = arith.constant 64 : index
          %swap3A_854 = tpu.vector_load %arg16[%swap3A_852, %swap3A_853] {strides = array<i32>} : memref<128x128xf32, #tpu.memory_space<vmem>>, vector<1x16xf32>,
          %swap3A_855 = vector.shape_cast %swap3A_854 : vector<1x16xf32> to vector<16xf32>
          %swap3A_856 = vector.shape_cast %max3A_851 : vector<16xf32> to vector<1x16xf32>
          tpu.vector_store %arg16[%swap3A_852, %swap3A_853], %swap3A_856 {strides = array<i32>} : memref<128x128xf32, #tpu.memory_space<vmem>>, vector<1x16xf32>,
          %swap3A_857 = arith.index_cast %add3A_776 : i32 to index
          %swap3A_858 = arith.constant 64 : index
          %swap3A_859 = tpu.vector_load %arg14[%swap3A_857, %swap3A_858] {strides = array<i32>} : memref<128x128xf32, #tpu.memory_space<vmem>>, vector<1x16xf32>,
          %swap3A_860 = vector.shape_cast %swap3A_859 : vector<1x16xf32> to vector<16xf32>
          %swap3A_861 = vector.shape_cast %broadcast_in_dim3A_9 : vector<16xf32> to vector<1x16xf32>
          tpu.vector_store %arg14[%swap3A_857, %swap3A_858], %swap3A_861 {strides = array<i32>} : memref<128x128xf32, #tpu.memory_space<vmem>>, vector<1x16xf32>,
          %get3A_862 = arith.index_cast %add3A_776 : i32 to index
          %get3A_863 = arith.constant 80 : index
          %get3A_864 = tpu.vector_load %arg14[%get3A_862, %get3A_863] {strides = array<i32>} : memref<128x128xf32, #tpu.memory_space<vmem>>, vector<1x16xf32>,
          %get3A_865 = vector.shape_cast %get3A_864 : vector<1x16xf32> to vector<16xf32>
          %max3A_866 = arith.constant 0.000000e+00 : f32
          %max3A_867 = vector.broadcast %max3A_866 : f32 to vector<16xf32>
          %max3A_868 = arith.maximumf %get3A_865, %max3A_867 : vector<16xf32>
          %swap3A_869 = arith.index_cast %add3A_776 : i32 to index
          %swap3A_870 = arith.constant 80 : index
          %swap3A_871 = tpu.vector_load %arg16[%swap3A_869, %swap3A_870] {strides = array<i32>} : memref<128x128xf32, #tpu.memory_space<vmem>>, vector<1x16xf32>,
          %swap3A_872 = vector.shape_cast %swap3A_871 : vector<1x16xf32> to vector<16xf32>
          %swap3A_873 = vector.shape_cast %max3A_868 : vector<16xf32> to vector<1x16xf32>
          tpu.vector_store %arg16[%swap3A_869, %swap3A_870], %swap3A_873 {strides = array<i32>} : memref<128x128xf32, #tpu.memory_space<vmem>>, vector<1x16xf32>,
          %swap3A_874 = arith.index_cast %add3A_776 : i32 to index
          %swap3A_875 = arith.constant 80 : index
          %swap3A_876 = tpu.vector_load %arg14[%swap3A_874, %swap3A_875] {strides = array<i32>} : memref<128x128xf32, #tpu.memory_space<vmem>>, vector<1x16xf32>,
          %swap3A_877 = vector.shape_cast %swap3A_876 : vector<1x16xf32> to vector<16xf32>
          %swap3A_878 = vector.shape_cast %broadcast_in_dim3A_9 : vector<16xf32> to vector<1x16xf32>
          tpu.vector_store %arg14[%swap3A_874, %swap3A_875], %swap3A_878 {strides = array<i32>} : memref<128x128xf32, #tpu.memory_space<vmem>>, vector<1x16xf32>,
          %get3A_879 = arith.index_cast %add3A_776 : i32 to index
          %get3A_880 = arith.constant 96 : index
          %get3A_881 = tpu.vector_load %arg14[%get3A_879, %get3A_880] {strides = array<i32>} : memref<128x128xf32, #tpu.memory_space<vmem>>, vector<1x16xf32>,
          %get3A_882 = vector.shape_cast %get3A_881 : vector<1x16xf32> to vector<16xf32>
          %max3A_883 = arith.constant 0.000000e+00 : f32
          %max3A_884 = vector.broadcast %max3A_883 : f32 to vector<16xf32>
          %max3A_885 = arith.maximumf %get3A_882, %max3A_884 : vector<16xf32>
          %swap3A_886 = arith.index_cast %add3A_776 : i32 to index
          %swap3A_887 = arith.constant 96 : index
          %swap3A_888 = tpu.vector_load %arg16[%swap3A_886, %swap3A_887] {strides = array<i32>} : memref<128x128xf32, #tpu.memory_space<vmem>>, vector<1x16xf32>,
          %swap3A_889 = vector.shape_cast %swap3A_888 : vector<1x16xf32> to vector<16xf32>
          %swap3A_890 = vector.shape_cast %max3A_885 : vector<16xf32> to vector<1x16xf32>
          tpu.vector_store %arg16[%swap3A_886, %swap3A_887], %swap3A_890 {strides = array<i32>} : memref<128x128xf32, #tpu.memory_space<vmem>>, vector<1x16xf32>,
          %swap3A_891 = arith.index_cast %add3A_776 : i32 to index
          %swap3A_892 = arith.constant 96 : index
          %swap3A_893 = tpu.vector_load %arg14[%swap3A_891, %swap3A_892] {strides = array<i32>} : memref<128x128xf32, #tpu.memory_space<vmem>>, vector<1x16xf32>,
          %swap3A_894 = vector.shape_cast %swap3A_893 : vector<1x16xf32> to vector<16xf32>
          %swap3A_895 = vector.shape_cast %broadcast_in_dim3A_9 : vector<16xf32> to vector<1x16xf32>
          tpu.vector_store %arg14[%swap3A_891, %swap3A_892], %swap3A_895 {strides = array<i32>} : memref<128x128xf32, #tpu.memory_space<vmem>>, vector<1x16xf32>,
          %get3A_896 = arith.index_cast %add3A_776 : i32 to index
          %get3A_897 = arith.constant 112 : index
          %get3A_898 = tpu.vector_load %arg14[%get3A_896, %get3A_897] {strides = array<i32>} : memref<128x128xf32, #tpu.memory_space<vmem>>, vector<1x16xf32>,
          %get3A_899 = vector.shape_cast %get3A_898 : vector<1x16xf32> to vector<16xf32>
          %max3A_900 = arith.constant 0.000000e+00 : f32
          %max3A_901 = vector.broadcast %max3A_900 : f32 to vector<16xf32>
          %max3A_902 = arith.maximumf %get3A_899, %max3A_901 : vector<16xf32>
          %swap3A_903 = arith.index_cast %add3A_776 : i32 to index
          %swap3A_904 = arith.constant 112 : index
          %swap3A_905 = tpu.vector_load %arg16[%swap3A_903, %swap3A_904] {strides = array<i32>} : memref<128x128xf32, #tpu.memory_space<vmem>>, vector<1x16xf32>,
          %swap3A_906 = vector.shape_cast %swap3A_905 : vector<1x16xf32> to vector<16xf32>
          %swap3A_907 = vector.shape_cast %max3A_902 : vector<16xf32> to vector<1x16xf32>
          tpu.vector_store %arg16[%swap3A_903, %swap3A_904], %swap3A_907 {strides = array<i32>} : memref<128x128xf32, #tpu.memory_space<vmem>>, vector<1x16xf32>,
          %swap3A_908 = arith.index_cast %add3A_776 : i32 to index
          %swap3A_909 = arith.constant 112 : index
          %swap3A_910 = tpu.vector_load %arg14[%swap3A_908, %swap3A_909] {strides = array<i32>} : memref<128x128xf32, #tpu.memory_space<vmem>>, vector<1x16xf32>,
          %swap3A_911 = vector.shape_cast %swap3A_910 : vector<1x16xf32> to vector<16xf32>
          %swap3A_912 = vector.shape_cast %broadcast_in_dim3A_9 : vector<16xf32> to vector<1x16xf32>
          tpu.vector_store %arg14[%swap3A_908, %swap3A_909], %swap3A_912 {strides = array<i32>} : memref<128x128xf32, #tpu.memory_space<vmem>>, vector<1x16xf32>,
          %mul3A_913 = arith.constant 4 : i32
          %mul3A_914 = arith.muli %scan3A_632, %mul3A_913 : i32
          %add3A_915 = arith.constant 2 : i32
          %add3A_916 = arith.addi %mul3A_914, %add3A_915 : i32
          %get3A_917 = arith.index_cast %add3A_916 : i32 to index
          %get3A_918 = arith.constant 0 : index
          %get3A_919 = tpu.vector_load %arg14[%get3A_917, %get3A_918] {strides = array<i32>} : memref<128x128xf32, #tpu.memory_space<vmem>>, vector<1x16xf32>,
          %get3A_920 = vector.shape_cast %get3A_919 : vector<1x16xf32> to vector<16xf32>
          %max3A_921 = arith.constant 0.000000e+00 : f32
          %max3A_922 = vector.broadcast %max3A_921 : f32 to vector<16xf32>
          %max3A_923 = arith.maximumf %get3A_920, %max3A_922 : vector<16xf32>
          %swap3A_924 = arith.index_cast %add3A_916 : i32 to index
          %swap3A_925 = arith.constant 0 : index
          %swap3A_926 = tpu.vector_load %arg16[%swap3A_924, %swap3A_925] {strides = array<i32>} : memref<128x128xf32, #tpu.memory_space<vmem>>, vector<1x16xf32>,
          %swap3A_927 = vector.shape_cast %swap3A_926 : vector<1x16xf32> to vector<16xf32>
          %swap3A_928 = vector.shape_cast %max3A_923 : vector<16xf32> to vector<1x16xf32>
          tpu.vector_store %arg16[%swap3A_924, %swap3A_925], %swap3A_928 {strides = array<i32>} : memref<128x128xf32, #tpu.memory_space<vmem>>, vector<1x16xf32>,
          %swap3A_929 = arith.index_cast %add3A_916 : i32 to index
          %swap3A_930 = arith.constant 0 : index
          %swap3A_931 = tpu.vector_load %arg14[%swap3A_929, %swap3A_930] {strides = array<i32>} : memref<128x128xf32, #tpu.memory_space<vmem>>, vector<1x16xf32>,
          %swap3A_932 = vector.shape_cast %swap3A_931 : vector<1x16xf32> to vector<16xf32>
          %swap3A_933 = vector.shape_cast %broadcast_in_dim3A_9 : vector<16xf32> to vector<1x16xf32>
          tpu.vector_store %arg14[%swap3A_929, %swap3A_930], %swap3A_933 {strides = array<i32>} : memref<128x128xf32, #tpu.memory_space<vmem>>, vector<1x16xf32>,
          %get3A_934 = arith.index_cast %add3A_916 : i32 to index
          %get3A_935 = arith.constant 16 : index
          %get3A_936 = tpu.vector_load %arg14[%get3A_934, %get3A_935] {strides = array<i32>} : memref<128x128xf32, #tpu.memory_space<vmem>>, vector<1x16xf32>,
          %get3A_937 = vector.shape_cast %get3A_936 : vector<1x16xf32> to vector<16xf32>
          %max3A_938 = arith.constant 0.000000e+00 : f32
          %max3A_939 = vector.broadcast %max3A_938 : f32 to vector<16xf32>
          %max3A_940 = arith.maximumf %get3A_937, %max3A_939 : vector<16xf32>
          %swap3A_941 = arith.index_cast %add3A_916 : i32 to index
          %swap3A_942 = arith.constant 16 : index
          %swap3A_943 = tpu.vector_load %arg16[%swap3A_941, %swap3A_942] {strides = array<i32>} : memref<128x128xf32, #tpu.memory_space<vmem>>, vector<1x16xf32>,
          %swap3A_944 = vector.shape_cast %swap3A_943 : vector<1x16xf32> to vector<16xf32>
          %swap3A_945 = vector.shape_cast %max3A_940 : vector<16xf32> to vector<1x16xf32>
          tpu.vector_store %arg16[%swap3A_941, %swap3A_942], %swap3A_945 {strides = array<i32>} : memref<128x128xf32, #tpu.memory_space<vmem>>, vector<1x16xf32>,
          %swap3A_946 = arith.index_cast %add3A_916 : i32 to index
          %swap3A_947 = arith.constant 16 : index
          %swap3A_948 = tpu.vector_load %arg14[%swap3A_946, %swap3A_947] {strides = array<i32>} : memref<128x128xf32, #tpu.memory_space<vmem>>, vector<1x16xf32>,
          %swap3A_949 = vector.shape_cast %swap3A_948 : vector<1x16xf32> to vector<16xf32>
          %swap3A_950 = vector.shape_cast %broadcast_in_dim3A_9 : vector<16xf32> to vector<1x16xf32>
          tpu.vector_store %arg14[%swap3A_946, %swap3A_947], %swap3A_950 {strides = array<i32>} : memref<128x128xf32, #tpu.memory_space<vmem>>, vector<1x16xf32>,
          %get3A_951 = arith.index_cast %add3A_916 : i32 to index
          %get3A_952 = arith.constant 32 : index
          %get3A_953 = tpu.vector_load %arg14[%get3A_951, %get3A_952] {strides = array<i32>} : memref<128x128xf32, #tpu.memory_space<vmem>>, vector<1x16xf32>,
          %get3A_954 = vector.shape_cast %get3A_953 : vector<1x16xf32> to vector<16xf32>
          %max3A_955 = arith.constant 0.000000e+00 : f32
          %max3A_956 = vector.broadcast %max3A_955 : f32 to vector<16xf32>
          %max3A_957 = arith.maximumf %get3A_954, %max3A_956 : vector<16xf32>
          %swap3A_958 = arith.index_cast %add3A_916 : i32 to index
          %swap3A_959 = arith.constant 32 : index
          %swap3A_960 = tpu.vector_load %arg16[%swap3A_958, %swap3A_959] {strides = array<i32>} : memref<128x128xf32, #tpu.memory_space<vmem>>, vector<1x16xf32>,
          %swap3A_961 = vector.shape_cast %swap3A_960 : vector<1x16xf32> to vector<16xf32>
          %swap3A_962 = vector.shape_cast %max3A_957 : vector<16xf32> to vector<1x16xf32>
          tpu.vector_store %arg16[%swap3A_958, %swap3A_959], %swap3A_962 {strides = array<i32>} : memref<128x128xf32, #tpu.memory_space<vmem>>, vector<1x16xf32>,
          %swap3A_963 = arith.index_cast %add3A_916 : i32 to index
          %swap3A_964 = arith.constant 32 : index
          %swap3A_965 = tpu.vector_load %arg14[%swap3A_963, %swap3A_964] {strides = array<i32>} : memref<128x128xf32, #tpu.memory_space<vmem>>, vector<1x16xf32>,
          %swap3A_966 = vector.shape_cast %swap3A_965 : vector<1x16xf32> to vector<16xf32>
          %swap3A_967 = vector.shape_cast %broadcast_in_dim3A_9 : vector<16xf32> to vector<1x16xf32>
          tpu.vector_store %arg14[%swap3A_963, %swap3A_964], %swap3A_967 {strides = array<i32>} : memref<128x128xf32, #tpu.memory_space<vmem>>, vector<1x16xf32>,
          %get3A_968 = arith.index_cast %add3A_916 : i32 to index
          %get3A_969 = arith.constant 48 : index
          %get3A_970 = tpu.vector_load %arg14[%get3A_968, %get3A_969] {strides = array<i32>} : memref<128x128xf32, #tpu.memory_space<vmem>>, vector<1x16xf32>,
          %get3A_971 = vector.shape_cast %get3A_970 : vector<1x16xf32> to vector<16xf32>
          %max3A_972 = arith.constant 0.000000e+00 : f32
          %max3A_973 = vector.broadcast %max3A_972 : f32 to vector<16xf32>
          %max3A_974 = arith.maximumf %get3A_971, %max3A_973 : vector<16xf32>
          %swap3A_975 = arith.index_cast %add3A_916 : i32 to index
          %swap3A_976 = arith.constant 48 : index
          %swap3A_977 = tpu.vector_load %arg16[%swap3A_975, %swap3A_976] {strides = array<i32>} : memref<128x128xf32, #tpu.memory_space<vmem>>, vector<1x16xf32>,
          %swap3A_978 = vector.shape_cast %swap3A_977 : vector<1x16xf32> to vector<16xf32>
          %swap3A_979 = vector.shape_cast %max3A_974 : vector<16xf32> to vector<1x16xf32>
          tpu.vector_store %arg16[%swap3A_975, %swap3A_976], %swap3A_979 {strides = array<i32>} : memref<128x128xf32, #tpu.memory_space<vmem>>, vector<1x16xf32>,
          %swap3A_980 = arith.index_cast %add3A_916 : i32 to index
          %swap3A_981 = arith.constant 48 : index
          %swap3A_982 = tpu.vector_load %arg14[%swap3A_980, %swap3A_981] {strides = array<i32>} : memref<128x128xf32, #tpu.memory_space<vmem>>, vector<1x16xf32>,
          %swap3A_983 = vector.shape_cast %swap3A_982 : vector<1x16xf32> to vector<16xf32>
          %swap3A_984 = vector.shape_cast %broadcast_in_dim3A_9 : vector<16xf32> to vector<1x16xf32>
          tpu.vector_store %arg14[%swap3A_980, %swap3A_981], %swap3A_984 {strides = array<i32>} : memref<128x128xf32, #tpu.memory_space<vmem>>, vector<1x16xf32>,
          %get3A_985 = arith.index_cast %add3A_916 : i32 to index
          %get3A_986 = arith.constant 64 : index
          %get3A_987 = tpu.vector_load %arg14[%get3A_985, %get3A_986] {strides = array<i32>} : memref<128x128xf32, #tpu.memory_space<vmem>>, vector<1x16xf32>,
          %get3A_988 = vector.shape_cast %get3A_987 : vector<1x16xf32> to vector<16xf32>
          %max3A_989 = arith.constant 0.000000e+00 : f32
          %max3A_990 = vector.broadcast %max3A_989 : f32 to vector<16xf32>
          %max3A_991 = arith.maximumf %get3A_988, %max3A_990 : vector<16xf32>
          %swap3A_992 = arith.index_cast %add3A_916 : i32 to index
          %swap3A_993 = arith.constant 64 : index
          %swap3A_994 = tpu.vector_load %arg16[%swap3A_992, %swap3A_993] {strides = array<i32>} : memref<128x128xf32, #tpu.memory_space<vmem>>, vector<1x16xf32>,
          %swap3A_995 = vector.shape_cast %swap3A_994 : vector<1x16xf32> to vector<16xf32>
          %swap3A_996 = vector.shape_cast %max3A_991 : vector<16xf32> to vector<1x16xf32>
          tpu.vector_store %arg16[%swap3A_992, %swap3A_993], %swap3A_996 {strides = array<i32>} : memref<128x128xf32, #tpu.memory_space<vmem>>, vector<1x16xf32>,
          %swap3A_997 = arith.index_cast %add3A_916 : i32 to index
          %swap3A_998 = arith.constant 64 : index
          %swap3A_999 = tpu.vector_load %arg14[%swap3A_997, %swap3A_998] {strides = array<i32>} : memref<128x128xf32, #tpu.memory_space<vmem>>, vector<1x16xf32>,
          %swap3A_1000 = vector.shape_cast %swap3A_999 : vector<1x16xf32> to vector<16xf32>
          %swap3A_1001 = vector.shape_cast %broadcast_in_dim3A_9 : vector<16xf32> to vector<1x16xf32>
          tpu.vector_store %arg14[%swap3A_997, %swap3A_998], %swap3A_1001 {strides = array<i32>} : memref<128x128xf32, #tpu.memory_space<vmem>>, vector<1x16xf32>,
          %get3A_1002 = arith.index_cast %add3A_916 : i32 to index
          %get3A_1003 = arith.constant 80 : index
          %get3A_1004 = tpu.vector_load %arg14[%get3A_1002, %get3A_1003] {strides = array<i32>} : memref<128x128xf32, #tpu.memory_space<vmem>>, vector<1x16xf32>,
          %get3A_1005 = vector.shape_cast %get3A_1004 : vector<1x16xf32> to vector<16xf32>
          %max3A_1006 = arith.constant 0.000000e+00 : f32
          %max3A_1007 = vector.broadcast %max3A_1006 : f32 to vector<16xf32>
          %max3A_1008 = arith.maximumf %get3A_1005, %max3A_1007 : vector<16xf32>
          %swap3A_1009 = arith.index_cast %add3A_916 : i32 to index
          %swap3A_1010 = arith.constant 80 : index
          %swap3A_1011 = tpu.vector_load %arg16[%swap3A_1009, %swap3A_1010] {strides = array<i32>} : memref<128x128xf32, #tpu.memory_space<vmem>>, vector<1x16xf32>,
          %swap3A_1012 = vector.shape_cast %swap3A_1011 : vector<1x16xf32> to vector<16xf32>
          %swap3A_1013 = vector.shape_cast %max3A_1008 : vector<16xf32> to vector<1x16xf32>
          tpu.vector_store %arg16[%swap3A_1009, %swap3A_1010], %swap3A_1013 {strides = array<i32>} : memref<128x128xf32, #tpu.memory_space<vmem>>, vector<1x16xf32>,
          %swap3A_1014 = arith.index_cast %add3A_916 : i32 to index
          %swap3A_1015 = arith.constant 80 : index
          %swap3A_1016 = tpu.vector_load %arg14[%swap3A_1014, %swap3A_1015] {strides = array<i32>} : memref<128x128xf32, #tpu.memory_space<vmem>>, vector<1x16xf32>,
          %swap3A_1017 = vector.shape_cast %swap3A_1016 : vector<1x16xf32> to vector<16xf32>
          %swap3A_1018 = vector.shape_cast %broadcast_in_dim3A_9 : vector<16xf32> to vector<1x16xf32>
          tpu.vector_store %arg14[%swap3A_1014, %swap3A_1015], %swap3A_1018 {strides = array<i32>} : memref<128x128xf32, #tpu.memory_space<vmem>>, vector<1x16xf32>,
          %get3A_1019 = arith.index_cast %add3A_916 : i32 to index
          %get3A_1020 = arith.constant 96 : index
          %get3A_1021 = tpu.vector_load %arg14[%get3A_1019, %get3A_1020] {strides = array<i32>} : memref<128x128xf32, #tpu.memory_space<vmem>>, vector<1x16xf32>,
          %get3A_1022 = vector.shape_cast %get3A_1021 : vector<1x16xf32> to vector<16xf32>
          %max3A_1023 = arith.constant 0.000000e+00 : f32
          %max3A_1024 = vector.broadcast %max3A_1023 : f32 to vector<16xf32>
          %max3A_1025 = arith.maximumf %get3A_1022, %max3A_1024 : vector<16xf32>
          %swap3A_1026 = arith.index_cast %add3A_916 : i32 to index
          %swap3A_1027 = arith.constant 96 : index
          %swap3A_1028 = tpu.vector_load %arg16[%swap3A_1026, %swap3A_1027] {strides = array<i32>} : memref<128x128xf32, #tpu.memory_space<vmem>>, vector<1x16xf32>,
          %swap3A_1029 = vector.shape_cast %swap3A_1028 : vector<1x16xf32> to vector<16xf32>
          %swap3A_1030 = vector.shape_cast %max3A_1025 : vector<16xf32> to vector<1x16xf32>
          tpu.vector_store %arg16[%swap3A_1026, %swap3A_1027], %swap3A_1030 {strides = array<i32>} : memref<128x128xf32, #tpu.memory_space<vmem>>, vector<1x16xf32>,
          %swap3A_1031 = arith.index_cast %add3A_916 : i32 to index
          %swap3A_1032 = arith.constant 96 : index
          %swap3A_1033 = tpu.vector_load %arg14[%swap3A_1031, %swap3A_1032] {strides = array<i32>} : memref<128x128xf32, #tpu.memory_space<vmem>>, vector<1x16xf32>,
          %swap3A_1034 = vector.shape_cast %swap3A_1033 : vector<1x16xf32> to vector<16xf32>
          %swap3A_1035 = vector.shape_cast %broadcast_in_dim3A_9 : vector<16xf32> to vector<1x16xf32>
          tpu.vector_store %arg14[%swap3A_1031, %swap3A_1032], %swap3A_1035 {strides = array<i32>} : memref<128x128xf32, #tpu.memory_space<vmem>>, vector<1x16xf32>,
          %get3A_1036 = arith.index_cast %add3A_916 : i32 to index
          %get3A_1037 = arith.constant 112 : index
          %get3A_1038 = tpu.vector_load %arg14[%get3A_1036, %get3A_1037] {strides = array<i32>} : memref<128x128xf32, #tpu.memory_space<vmem>>, vector<1x16xf32>,
          %get3A_1039 = vector.shape_cast %get3A_1038 : vector<1x16xf32> to vector<16xf32>
          %max3A_1040 = arith.constant 0.000000e+00 : f32
          %max3A_1041 = vector.broadcast %max3A_1040 : f32 to vector<16xf32>
          %max3A_1042 = arith.maximumf %get3A_1039, %max3A_1041 : vector<16xf32>
          %swap3A_1043 = arith.index_cast %add3A_916 : i32 to index
          %swap3A_1044 = arith.constant 112 : index
          %swap3A_1045 = tpu.vector_load %arg16[%swap3A_1043, %swap3A_1044] {strides = array<i32>} : memref<128x128xf32, #tpu.memory_space<vmem>>, vector<1x16xf32>,
          %swap3A_1046 = vector.shape_cast %swap3A_1045 : vector<1x16xf32> to vector<16xf32>
          %swap3A_1047 = vector.shape_cast %max3A_1042 : vector<16xf32> to vector<1x16xf32>
          tpu.vector_store %arg16[%swap3A_1043, %swap3A_1044], %swap3A_1047 {strides = array<i32>} : memref<128x128xf32, #tpu.memory_space<vmem>>, vector<1x16xf32>,
          %swap3A_1048 = arith.index_cast %add3A_916 : i32 to index
          %swap3A_1049 = arith.constant 112 : index
          %swap3A_1050 = tpu.vector_load %arg14[%swap3A_1048, %swap3A_1049] {strides = array<i32>} : memref<128x128xf32, #tpu.memory_space<vmem>>, vector<1x16xf32>,
          %swap3A_1051 = vector.shape_cast %swap3A_1050 : vector<1x16xf32> to vector<16xf32>
          %swap3A_1052 = vector.shape_cast %broadcast_in_dim3A_9 : vector<16xf32> to vector<1x16xf32>
          tpu.vector_store %arg14[%swap3A_1048, %swap3A_1049], %swap3A_1052 {strides = array<i32>} : memref<128x128xf32, #tpu.memory_space<vmem>>, vector<1x16xf32>,
          %mul3A_1053 = arith.constant 4 : i32
          %mul3A_1054 = arith.muli %scan3A_632, %mul3A_1053 : i32
          %add3A_1055 = arith.constant 3 : i32
          %add3A_1056 = arith.addi %mul3A_1054, %add3A_1055 : i32
          %get3A_1057 = arith.index_cast %add3A_1056 : i32 to index
          %get3A_1058 = arith.constant 0 : index
          %get3A_1059 = tpu.vector_load %arg14[%get3A_1057, %get3A_1058] {strides = array<i32>} : memref<128x128xf32, #tpu.memory_space<vmem>>, vector<1x16xf32>,
          %get3A_1060 = vector.shape_cast %get3A_1059 : vector<1x16xf32> to vector<16xf32>
          %max3A_1061 = arith.constant 0.000000e+00 : f32
          %max3A_1062 = vector.broadcast %max3A_1061 : f32 to vector<16xf32>
          %max3A_1063 = arith.maximumf %get3A_1060, %max3A_1062 : vector<16xf32>
          %swap3A_1064 = arith.index_cast %add3A_1056 : i32 to index
          %swap3A_1065 = arith.constant 0 : index
          %swap3A_1066 = tpu.vector_load %arg16[%swap3A_1064, %swap3A_1065] {strides = array<i32>} : memref<128x128xf32, #tpu.memory_space<vmem>>, vector<1x16xf32>,
          %swap3A_1067 = vector.shape_cast %swap3A_1066 : vector<1x16xf32> to vector<16xf32>
          %swap3A_1068 = vector.shape_cast %max3A_1063 : vector<16xf32> to vector<1x16xf32>
          tpu.vector_store %arg16[%swap3A_1064, %swap3A_1065], %swap3A_1068 {strides = array<i32>} : memref<128x128xf32, #tpu.memory_space<vmem>>, vector<1x16xf32>,
          %swap3A_1069 = arith.index_cast %add3A_1056 : i32 to index
          %swap3A_1070 = arith.constant 0 : index
          %swap3A_1071 = tpu.vector_load %arg14[%swap3A_1069, %swap3A_1070] {strides = array<i32>} : memref<128x128xf32, #tpu.memory_space<vmem>>, vector<1x16xf32>,
          %swap3A_1072 = vector.shape_cast %swap3A_1071 : vector<1x16xf32> to vector<16xf32>
          %swap3A_1073 = vector.shape_cast %broadcast_in_dim3A_9 : vector<16xf32> to vector<1x16xf32>
          tpu.vector_store %arg14[%swap3A_1069, %swap3A_1070], %swap3A_1073 {strides = array<i32>} : memref<128x128xf32, #tpu.memory_space<vmem>>, vector<1x16xf32>,
          %get3A_1074 = arith.index_cast %add3A_1056 : i32 to index
          %get3A_1075 = arith.constant 16 : index
          %get3A_1076 = tpu.vector_load %arg14[%get3A_1074, %get3A_1075] {strides = array<i32>} : memref<128x128xf32, #tpu.memory_space<vmem>>, vector<1x16xf32>,
          %get3A_1077 = vector.shape_cast %get3A_1076 : vector<1x16xf32> to vector<16xf32>
          %max3A_1078 = arith.constant 0.000000e+00 : f32
          %max3A_1079 = vector.broadcast %max3A_1078 : f32 to vector<16xf32>
          %max3A_1080 = arith.maximumf %get3A_1077, %max3A_1079 : vector<16xf32>
          %swap3A_1081 = arith.index_cast %add3A_1056 : i32 to index
          %swap3A_1082 = arith.constant 16 : index
          %swap3A_1083 = tpu.vector_load %arg16[%swap3A_1081, %swap3A_1082] {strides = array<i32>} : memref<128x128xf32, #tpu.memory_space<vmem>>, vector<1x16xf32>,
          %swap3A_1084 = vector.shape_cast %swap3A_1083 : vector<1x16xf32> to vector<16xf32>
          %swap3A_1085 = vector.shape_cast %max3A_1080 : vector<16xf32> to vector<1x16xf32>
          tpu.vector_store %arg16[%swap3A_1081, %swap3A_1082], %swap3A_1085 {strides = array<i32>} : memref<128x128xf32, #tpu.memory_space<vmem>>, vector<1x16xf32>,
          %swap3A_1086 = arith.index_cast %add3A_1056 : i32 to index
          %swap3A_1087 = arith.constant 16 : index
          %swap3A_1088 = tpu.vector_load %arg14[%swap3A_1086, %swap3A_1087] {strides = array<i32>} : memref<128x128xf32, #tpu.memory_space<vmem>>, vector<1x16xf32>,
          %swap3A_1089 = vector.shape_cast %swap3A_1088 : vector<1x16xf32> to vector<16xf32>
          %swap3A_1090 = vector.shape_cast %broadcast_in_dim3A_9 : vector<16xf32> to vector<1x16xf32>
          tpu.vector_store %arg14[%swap3A_1086, %swap3A_1087], %swap3A_1090 {strides = array<i32>} : memref<128x128xf32, #tpu.memory_space<vmem>>, vector<1x16xf32>,
          %get3A_1091 = arith.index_cast %add3A_1056 : i32 to index
          %get3A_1092 = arith.constant 32 : index
          %get3A_1093 = tpu.vector_load %arg14[%get3A_1091, %get3A_1092] {strides = array<i32>} : memref<128x128xf32, #tpu.memory_space<vmem>>, vector<1x16xf32>,
          %get3A_1094 = vector.shape_cast %get3A_1093 : vector<1x16xf32> to vector<16xf32>
          %max3A_1095 = arith.constant 0.000000e+00 : f32
          %max3A_1096 = vector.broadcast %max3A_1095 : f32 to vector<16xf32>
          %max3A_1097 = arith.maximumf %get3A_1094, %max3A_1096 : vector<16xf32>
          %swap3A_1098 = arith.index_cast %add3A_1056 : i32 to index
          %swap3A_1099 = arith.constant 32 : index
          %swap3A_1100 = tpu.vector_load %arg16[%swap3A_1098, %swap3A_1099] {strides = array<i32>} : memref<128x128xf32, #tpu.memory_space<vmem>>, vector<1x16xf32>,
          %swap3A_1101 = vector.shape_cast %swap3A_1100 : vector<1x16xf32> to vector<16xf32>
          %swap3A_1102 = vector.shape_cast %max3A_1097 : vector<16xf32> to vector<1x16xf32>
          tpu.vector_store %arg16[%swap3A_1098, %swap3A_1099], %swap3A_1102 {strides = array<i32>} : memref<128x128xf32, #tpu.memory_space<vmem>>, vector<1x16xf32>,
          %swap3A_1103 = arith.index_cast %add3A_1056 : i32 to index
          %swap3A_1104 = arith.constant 32 : index
          %swap3A_1105 = tpu.vector_load %arg14[%swap3A_1103, %swap3A_1104] {strides = array<i32>} : memref<128x128xf32, #tpu.memory_space<vmem>>, vector<1x16xf32>,
          %swap3A_1106 = vector.shape_cast %swap3A_1105 : vector<1x16xf32> to vector<16xf32>
          %swap3A_1107 = vector.shape_cast %broadcast_in_dim3A_9 : vector<16xf32> to vector<1x16xf32>
          tpu.vector_store %arg14[%swap3A_1103, %swap3A_1104], %swap3A_1107 {strides = array<i32>} : memref<128x128xf32, #tpu.memory_space<vmem>>, vector<1x16xf32>,
          %get3A_1108 = arith.index_cast %add3A_1056 : i32 to index
          %get3A_1109 = arith.constant 48 : index
          %get3A_1110 = tpu.vector_load %arg14[%get3A_1108, %get3A_1109] {strides = array<i32>} : memref<128x128xf32, #tpu.memory_space<vmem>>, vector<1x16xf32>,
          %get3A_1111 = vector.shape_cast %get3A_1110 : vector<1x16xf32> to vector<16xf32>
          %max3A_1112 = arith.constant 0.000000e+00 : f32
          %max3A_1113 = vector.broadcast %max3A_1112 : f32 to vector<16xf32>
          %max3A_1114 = arith.maximumf %get3A_1111, %max3A_1113 : vector<16xf32>
          %swap3A_1115 = arith.index_cast %add3A_1056 : i32 to index
          %swap3A_1116 = arith.constant 48 : index
          %swap3A_1117 = tpu.vector_load %arg16[%swap3A_1115, %swap3A_1116] {strides = array<i32>} : memref<128x128xf32, #tpu.memory_space<vmem>>, vector<1x16xf32>,
          %swap3A_1118 = vector.shape_cast %swap3A_1117 : vector<1x16xf32> to vector<16xf32>
          %swap3A_1119 = vector.shape_cast %max3A_1114 : vector<16xf32> to vector<1x16xf32>
          tpu.vector_store %arg16[%swap3A_1115, %swap3A_1116], %swap3A_1119 {strides = array<i32>} : memref<128x128xf32, #tpu.memory_space<vmem>>, vector<1x16xf32>,
          %swap3A_1120 = arith.index_cast %add3A_1056 : i32 to index
          %swap3A_1121 = arith.constant 48 : index
          %swap3A_1122 = tpu.vector_load %arg14[%swap3A_1120, %swap3A_1121] {strides = array<i32>} : memref<128x128xf32, #tpu.memory_space<vmem>>, vector<1x16xf32>,
          %swap3A_1123 = vector.shape_cast %swap3A_1122 : vector<1x16xf32> to vector<16xf32>
          %swap3A_1124 = vector.shape_cast %broadcast_in_dim3A_9 : vector<16xf32> to vector<1x16xf32>
          tpu.vector_store %arg14[%swap3A_1120, %swap3A_1121], %swap3A_1124 {strides = array<i32>} : memref<128x128xf32, #tpu.memory_space<vmem>>, vector<1x16xf32>,
          %get3A_1125 = arith.index_cast %add3A_1056 : i32 to index
          %get3A_1126 = arith.constant 64 : index
          %get3A_1127 = tpu.vector_load %arg14[%get3A_1125, %get3A_1126] {strides = array<i32>} : memref<128x128xf32, #tpu.memory_space<vmem>>, vector<1x16xf32>,
          %get3A_1128 = vector.shape_cast %get3A_1127 : vector<1x16xf32> to vector<16xf32>
          %max3A_1129 = arith.constant 0.000000e+00 : f32
          %max3A_1130 = vector.broadcast %max3A_1129 : f32 to vector<16xf32>
          %max3A_1131 = arith.maximumf %get3A_1128, %max3A_1130 : vector<16xf32>
          %swap3A_1132 = arith.index_cast %add3A_1056 : i32 to index
          %swap3A_1133 = arith.constant 64 : index
          %swap3A_1134 = tpu.vector_load %arg16[%swap3A_1132, %swap3A_1133] {strides = array<i32>} : memref<128x128xf32, #tpu.memory_space<vmem>>, vector<1x16xf32>,
          %swap3A_1135 = vector.shape_cast %swap3A_1134 : vector<1x16xf32> to vector<16xf32>
          %swap3A_1136 = vector.shape_cast %max3A_1131 : vector<16xf32> to vector<1x16xf32>
          tpu.vector_store %arg16[%swap3A_1132, %swap3A_1133], %swap3A_1136 {strides = array<i32>} : memref<128x128xf32, #tpu.memory_space<vmem>>, vector<1x16xf32>,
          %swap3A_1137 = arith.index_cast %add3A_1056 : i32 to index
          %swap3A_1138 = arith.constant 64 : index
          %swap3A_1139 = tpu.vector_load %arg14[%swap3A_1137, %swap3A_1138] {strides = array<i32>} : memref<128x128xf32, #tpu.memory_space<vmem>>, vector<1x16xf32>,
          %swap3A_1140 = vector.shape_cast %swap3A_1139 : vector<1x16xf32> to vector<16xf32>
          %swap3A_1141 = vector.shape_cast %broadcast_in_dim3A_9 : vector<16xf32> to vector<1x16xf32>
          tpu.vector_store %arg14[%swap3A_1137, %swap3A_1138], %swap3A_1141 {strides = array<i32>} : memref<128x128xf32, #tpu.memory_space<vmem>>, vector<1x16xf32>,
          %get3A_1142 = arith.index_cast %add3A_1056 : i32 to index
          %get3A_1143 = arith.constant 80 : index
          %get3A_1144 = tpu.vector_load %arg14[%get3A_1142, %get3A_1143] {strides = array<i32>} : memref<128x128xf32, #tpu.memory_space<vmem>>, vector<1x16xf32>,
          %get3A_1145 = vector.shape_cast %get3A_1144 : vector<1x16xf32> to vector<16xf32>
          %max3A_1146 = arith.constant 0.000000e+00 : f32
          %max3A_1147 = vector.broadcast %max3A_1146 : f32 to vector<16xf32>
          %max3A_1148 = arith.maximumf %get3A_1145, %max3A_1147 : vector<16xf32>
          %swap3A_1149 = arith.index_cast %add3A_1056 : i32 to index
          %swap3A_1150 = arith.constant 80 : index
          %swap3A_1151 = tpu.vector_load %arg16[%swap3A_1149, %swap3A_1150] {strides = array<i32>} : memref<128x128xf32, #tpu.memory_space<vmem>>, vector<1x16xf32>,
          %swap3A_1152 = vector.shape_cast %swap3A_1151 : vector<1x16xf32> to vector<16xf32>
          %swap3A_1153 = vector.shape_cast %max3A_1148 : vector<16xf32> to vector<1x16xf32>
          tpu.vector_store %arg16[%swap3A_1149, %swap3A_1150], %swap3A_1153 {strides = array<i32>} : memref<128x128xf32, #tpu.memory_space<vmem>>, vector<1x16xf32>,
          %swap3A_1154 = arith.index_cast %add3A_1056 : i32 to index
          %swap3A_1155 = arith.constant 80 : index
          %swap3A_1156 = tpu.vector_load %arg14[%swap3A_1154, %swap3A_1155] {strides = array<i32>} : memref<128x128xf32, #tpu.memory_space<vmem>>, vector<1x16xf32>,
          %swap3A_1157 = vector.shape_cast %swap3A_1156 : vector<1x16xf32> to vector<16xf32>
          %swap3A_1158 = vector.shape_cast %broadcast_in_dim3A_9 : vector<16xf32> to vector<1x16xf32>
          tpu.vector_store %arg14[%swap3A_1154, %swap3A_1155], %swap3A_1158 {strides = array<i32>} : memref<128x128xf32, #tpu.memory_space<vmem>>, vector<1x16xf32>,
          %get3A_1159 = arith.index_cast %add3A_1056 : i32 to index
          %get3A_1160 = arith.constant 96 : index
          %get3A_1161 = tpu.vector_load %arg14[%get3A_1159, %get3A_1160] {strides = array<i32>} : memref<128x128xf32, #tpu.memory_space<vmem>>, vector<1x16xf32>,
          %get3A_1162 = vector.shape_cast %get3A_1161 : vector<1x16xf32> to vector<16xf32>
          %max3A_1163 = arith.constant 0.000000e+00 : f32
          %max3A_1164 = vector.broadcast %max3A_1163 : f32 to vector<16xf32>
          %max3A_1165 = arith.maximumf %get3A_1162, %max3A_1164 : vector<16xf32>
          %swap3A_1166 = arith.index_cast %add3A_1056 : i32 to index
          %swap3A_1167 = arith.constant 96 : index
          %swap3A_1168 = tpu.vector_load %arg16[%swap3A_1166, %swap3A_1167] {strides = array<i32>} : memref<128x128xf32, #tpu.memory_space<vmem>>, vector<1x16xf32>,
          %swap3A_1169 = vector.shape_cast %swap3A_1168 : vector<1x16xf32> to vector<16xf32>
          %swap3A_1170 = vector.shape_cast %max3A_1165 : vector<16xf32> to vector<1x16xf32>
          tpu.vector_store %arg16[%swap3A_1166, %swap3A_1167], %swap3A_1170 {strides = array<i32>} : memref<128x128xf32, #tpu.memory_space<vmem>>, vector<1x16xf32>,
          %swap3A_1171 = arith.index_cast %add3A_1056 : i32 to index
          %swap3A_1172 = arith.constant 96 : index
          %swap3A_1173 = tpu.vector_load %arg14[%swap3A_1171, %swap3A_1172] {strides = array<i32>} : memref<128x128xf32, #tpu.memory_space<vmem>>, vector<1x16xf32>,
          %swap3A_1174 = vector.shape_cast %swap3A_1173 : vector<1x16xf32> to vector<16xf32>
          %swap3A_1175 = vector.shape_cast %broadcast_in_dim3A_9 : vector<16xf32> to vector<1x16xf32>
          tpu.vector_store %arg14[%swap3A_1171, %swap3A_1172], %swap3A_1175 {strides = array<i32>} : memref<128x128xf32, #tpu.memory_space<vmem>>, vector<1x16xf32>,
          %get3A_1176 = arith.index_cast %add3A_1056 : i32 to index
          %get3A_1177 = arith.constant 112 : index
          %get3A_1178 = tpu.vector_load %arg14[%get3A_1176, %get3A_1177] {strides = array<i32>} : memref<128x128xf32, #tpu.memory_space<vmem>>, vector<1x16xf32>,
          %get3A_1179 = vector.shape_cast %get3A_1178 : vector<1x16xf32> to vector<16xf32>
          %max3A_1180 = arith.constant 0.000000e+00 : f32
          %max3A_1181 = vector.broadcast %max3A_1180 : f32 to vector<16xf32>
          %max3A_1182 = arith.maximumf %get3A_1179, %max3A_1181 : vector<16xf32>
          %swap3A_1183 = arith.index_cast %add3A_1056 : i32 to index
          %swap3A_1184 = arith.constant 112 : index
          %swap3A_1185 = tpu.vector_load %arg16[%swap3A_1183, %swap3A_1184] {strides = array<i32>} : memref<128x128xf32, #tpu.memory_space<vmem>>, vector<1x16xf32>,
          %swap3A_1186 = vector.shape_cast %swap3A_1185 : vector<1x16xf32> to vector<16xf32>
          %swap3A_1187 = vector.shape_cast %max3A_1182 : vector<16xf32> to vector<1x16xf32>
          tpu.vector_store %arg16[%swap3A_1183, %swap3A_1184], %swap3A_1187 {strides = array<i32>} : memref<128x128xf32, #tpu.memory_space<vmem>>, vector<1x16xf32>,
          %swap3A_1188 = arith.index_cast %add3A_1056 : i32 to index
          %swap3A_1189 = arith.constant 112 : index
          %swap3A_1190 = tpu.vector_load %arg14[%swap3A_1188, %swap3A_1189] {strides = array<i32>} : memref<128x128xf32, #tpu.memory_space<vmem>>, vector<1x16xf32>,
          %swap3A_1191 = vector.shape_cast %swap3A_1190 : vector<1x16xf32> to vector<16xf32>
          %swap3A_1192 = vector.shape_cast %broadcast_in_dim3A_9 : vector<16xf32> to vector<1x16xf32>
          tpu.vector_store %arg14[%swap3A_1188, %swap3A_1189], %swap3A_1192 {strides = array<i32>} : memref<128x128xf32, #tpu.memory_space<vmem>>, vector<1x16xf32>,
          %scan3A_1193 = arith.constant 0 : i32
          scf.yield %scan3A_1193 : i32
        }
        %scan3A_581 = arith.constant 32 : i32
        %jit3A_582 = arith.constant 4 : i32
        %div3A_583 = arith.divsi %scan3A_508, %jit3A_582 : i32
        %sign3A_584 = arith.constant 0 : i32
        %sign3A_585 = arith.cmpi sgt, %scan3A_508, %sign3A_584 : i32
        %sign3A_586 = arith.extui %sign3A_585 : i1 to i32
        %sign3A_587 = arith.constant 0 : i32
        %sign3A_588 = arith.cmpi slt, %scan3A_508, %sign3A_587 : i32
        %sign3A_589 = arith.extui %sign3A_588 : i1 to i32
        %sign3A_590 = arith.subi %sign3A_586, %sign3A_589 : i32
        %sign3A_591 = arith.constant 0 : i32
        %sign3A_592 = arith.cmpi sgt, %jit3A_582, %sign3A_591 : i32
        %sign3A_593 = arith.extui %sign3A_592 : i1 to i32
        %sign3A_594 = arith.constant 0 : i32
        %sign3A_595 = arith.cmpi slt, %jit3A_582, %sign3A_594 : i32
        %sign3A_596 = arith.extui %sign3A_595 : i1 to i32
        %sign3A_597 = arith.subi %sign3A_593, %sign3A_596 : i32
        %ne3A_598 = arith.cmpi ne, %sign3A_590, %sign3A_597 : i32
        %rem3A_599 = arith.remsi %scan3A_508, %jit3A_582 : i32
        %ne3A_600 = arith.constant 0 : i32
        %ne3A_601 = arith.cmpi ne, %rem3A_599, %ne3A_600 : i32
        %and3A_602 = arith.andi %ne3A_598, %ne3A_601 : i1
        %sub3A_603 = arith.constant 1 : i32
        %sub3A_604 = arith.subi %div3A_583, %sub3A_603 : i32
        %select_n3A_605 = arith.select %and3A_602, %sub3A_604, %div3A_583 : i32
        %add3A_606 = arith.addi %mul3A_4, %select_n3A_605 : i32
        %jit3A_607 = arith.constant 4 : i32
        %eq3A_608 = arith.constant 0 : i32
        %eq3A_609 = arith.cmpi eq, %jit3A_607, %eq3A_608 : i32
        %jit3A_610 = arith.constant 1 : i32
        %select_n3A_611 = arith.select %eq3A_609, %jit3A_610, %jit3A_607 : i32
        %rem3A_612 = arith.remsi %scan3A_508, %select_n3A_611 : i32
        %ne3A_613 = arith.constant 0 : i32
        %ne3A_614 = arith.cmpi ne, %rem3A_612, %ne3A_613 : i32
        %lt3A_615 = arith.constant 0 : i32
        %lt3A_616 = arith.cmpi slt, %rem3A_612, %lt3A_615 : i32
        %lt3A_617 = arith.constant 0 : i32
        %lt3A_618 = arith.cmpi slt, %select_n3A_611, %lt3A_617 : i32
        %ne3A_619 = arith.xori %lt3A_616, %lt3A_618 : i1
        %and3A_620 = arith.andi %ne3A_619, %ne3A_614 : i1
        %add3A_621 = arith.addi %rem3A_612, %select_n3A_611 : i32
        %select_n3A_622 = arith.select %and3A_620, %add3A_621, %rem3A_612 : i32
        %mul3A_623 = arith.constant 512 : i32
        %mul3A_624 = arith.muli %add3A_606, %mul3A_623 : i32
        %mul3A_625 = arith.constant 128 : i32
        %mul3A_626 = arith.muli %select_n3A_622, %mul3A_625 : i32
        %add3A_627 = arith.addi %mul3A_624, %mul3A_626 : i32
        %dma_start3A_628 = arith.constant 0 : i32
        %dma_start3A_629 = tpu.memref_slice %arg7[%add3A_627, %dma_start3A_628] : memref<524288x128xf32, #tpu.memory_space<hbm>> -> memref<128x128xf32, #tpu.memory_space<hbm>>
        %dma_start3A_630 = arith.constant 0 : i32
        %dma_start3A_631 = tpu.memref_slice %arg7[%add3A_627, %dma_start3A_630] : memref<524288x128xf32, #tpu.memory_space<hbm>> -> memref<128x128xf32, #tpu.memory_space<hbm>>
        tpu.enqueue_dma source(%arg16 : memref<128x128xf32, #tpu.memory_space<vmem>>) target(%dma_start3A_631 : memref<128x128xf32, #tpu.memory_space<hbm>>) target_semaphore(%arg21 : memref<!tpu.dma_semaphore, #tpu.memory_space<semaphore_mem>>)
      } else {
      }
      %eq3A_530 = arith.constant 1 : i32
      %eq3A_531 = arith.cmpi eq, %select_n3A_524, %eq3A_530 : i32
      %convert_element_type3A_532 = arith.extui %eq3A_531 : i1 to i32
      %cond3A_533 = arith.constant 0 : i32
      %cond3A_534 = arith.cmpi ne, %convert_element_type3A_532, %cond3A_533 : i32
      scf.if %cond3A_534 {
        %add3A_536 = arith.constant 1 : i32
        %add3A_537 = arith.addi %scan3A_508, %add3A_536 : i32
        %lt3A_538 = arith.constant 128 : i32
        %lt3A_539 = arith.cmpi slt, %add3A_537, %lt3A_538 : i32
        %convert_element_type3A_540 = arith.extui %lt3A_539 : i1 to i32
        %cond3A_541 = arith.constant 0 : i32
        %cond3A_542 = arith.cmpi ne, %convert_element_type3A_540, %cond3A_541 : i32
        scf.if %cond3A_542 {
          %add3A_632 = arith.constant 1 : i32
          %add3A_633 = arith.addi %scan3A_508, %add3A_632 : i32
          %jit3A_634 = arith.constant 4 : i32
          %div3A_635 = arith.divsi %add3A_633, %jit3A_634 : i32
          %sign3A_636 = arith.constant 0 : i32
          %sign3A_637 = arith.cmpi sgt, %add3A_633, %sign3A_636 : i32
          %sign3A_638 = arith.extui %sign3A_637 : i1 to i32
          %sign3A_639 = arith.constant 0 : i32
          %sign3A_640 = arith.cmpi slt, %add3A_633, %sign3A_639 : i32
          %sign3A_641 = arith.extui %sign3A_640 : i1 to i32
          %sign3A_642 = arith.subi %sign3A_638, %sign3A_641 : i32
          %sign3A_643 = arith.constant 0 : i32
          %sign3A_644 = arith.cmpi sgt, %jit3A_634, %sign3A_643 : i32
          %sign3A_645 = arith.extui %sign3A_644 : i1 to i32
          %sign3A_646 = arith.constant 0 : i32
          %sign3A_647 = arith.cmpi slt, %jit3A_634, %sign3A_646 : i32
          %sign3A_648 = arith.extui %sign3A_647 : i1 to i32
          %sign3A_649 = arith.subi %sign3A_645, %sign3A_648 : i32
          %ne3A_650 = arith.cmpi ne, %sign3A_642, %sign3A_649 : i32
          %rem3A_651 = arith.remsi %add3A_633, %jit3A_634 : i32
          %ne3A_652 = arith.constant 0 : i32
          %ne3A_653 = arith.cmpi ne, %rem3A_651, %ne3A_652 : i32
          %and3A_654 = arith.andi %ne3A_650, %ne3A_653 : i1
          %sub3A_655 = arith.constant 1 : i32
          %sub3A_656 = arith.subi %div3A_635, %sub3A_655 : i32
          %select_n3A_657 = arith.select %and3A_654, %sub3A_656, %div3A_635 : i32
          %add3A_658 = arith.addi %mul3A_4, %select_n3A_657 : i32
          %jit3A_659 = arith.constant 4 : i32
          %eq3A_660 = arith.constant 0 : i32
          %eq3A_661 = arith.cmpi eq, %jit3A_659, %eq3A_660 : i32
          %jit3A_662 = arith.constant 1 : i32
          %select_n3A_663 = arith.select %eq3A_661, %jit3A_662, %jit3A_659 : i32
          %rem3A_664 = arith.remsi %add3A_633, %select_n3A_663 : i32
          %ne3A_665 = arith.constant 0 : i32
          %ne3A_666 = arith.cmpi ne, %rem3A_664, %ne3A_665 : i32
          %lt3A_667 = arith.constant 0 : i32
          %lt3A_668 = arith.cmpi slt, %rem3A_664, %lt3A_667 : i32
          %lt3A_669 = arith.constant 0 : i32
          %lt3A_670 = arith.cmpi slt, %select_n3A_663, %lt3A_669 : i32
          %ne3A_671 = arith.xori %lt3A_668, %lt3A_670 : i1
          %and3A_672 = arith.andi %ne3A_671, %ne3A_666 : i1
          %add3A_673 = arith.addi %rem3A_664, %select_n3A_663 : i32
          %select_n3A_674 = arith.select %and3A_672, %add3A_673, %rem3A_664 : i32
          %jit3A_675 = arith.constant 512 : i32
          %div3A_676 = arith.divsi %add3A_658, %jit3A_675 : i32
          %sign3A_677 = arith.constant 0 : i32
          %sign3A_678 = arith.cmpi sgt, %add3A_658, %sign3A_677 : i32
          %sign3A_679 = arith.extui %sign3A_678 : i1 to i32
          %sign3A_680 = arith.constant 0 : i32
          %sign3A_681 = arith.cmpi slt, %add3A_658, %sign3A_680 : i32
          %sign3A_682 = arith.extui %sign3A_681 : i1 to i32
          %sign3A_683 = arith.subi %sign3A_679, %sign3A_682 : i32
          %sign3A_684 = arith.constant 0 : i32
          %sign3A_685 = arith.cmpi sgt, %jit3A_675, %sign3A_684 : i32
          %sign3A_686 = arith.extui %sign3A_685 : i1 to i32
          %sign3A_687 = arith.constant 0 : i32
          %sign3A_688 = arith.cmpi slt, %jit3A_675, %sign3A_687 : i32
          %sign3A_689 = arith.extui %sign3A_688 : i1 to i32
          %sign3A_690 = arith.subi %sign3A_686, %sign3A_689 : i32
          %ne3A_691 = arith.cmpi ne, %sign3A_683, %sign3A_690 : i32
          %rem3A_692 = arith.remsi %add3A_658, %jit3A_675 : i32
          %ne3A_693 = arith.constant 0 : i32
          %ne3A_694 = arith.cmpi ne, %rem3A_692, %ne3A_693 : i32
          %and3A_695 = arith.andi %ne3A_691, %ne3A_694 : i1
          %sub3A_696 = arith.constant 1 : i32
          %sub3A_697 = arith.subi %div3A_676, %sub3A_696 : i32
          %select_n3A_698 = arith.select %and3A_695, %sub3A_697, %div3A_676 : i32
          %mul3A_699 = arith.constant 512 : i32
          %mul3A_700 = arith.muli %select_n3A_698, %mul3A_699 : i32
          %mul3A_701 = arith.constant 128 : i32
          %mul3A_702 = arith.muli %select_n3A_674, %mul3A_701 : i32
          %add3A_703 = arith.addi %mul3A_700, %mul3A_702 : i32
          %sub3A_704 = arith.subi %add3A_658, %mul3A_4 : i32
          %mul3A_705 = arith.constant 16 : i32
          %mul3A_706 = arith.muli %sub3A_704, %mul3A_705 : i32
          %get3A_707 = arith.index_cast %mul3A_706 : i32 to index
          %get3A_708 = tpu.vector_load %arg10[%get3A_707] {strides = array<i32>} : memref<512xi32, #tpu.memory_space<vmem>>, vector<16xi32>,
          %get3A_709 = vector.shape_cast %get3A_708 : vector<16xi32> to vector<16xi32>
          %sub3A_710 = arith.subi %add3A_658, %mul3A_4 : i32
          %mul3A_711 = arith.constant 16 : i32
          %mul3A_712 = arith.muli %sub3A_710, %mul3A_711 : i32
          %get3A_713 = arith.index_cast %mul3A_712 : i32 to index
          %get3A_714 = tpu.vector_load %arg11[%get3A_713] {strides = array<i32>} : memref<512xi32, #tpu.memory_space<vmem>>, vector<16xi32>,
          %get3A_715 = vector.shape_cast %get3A_714 : vector<16xi32> to vector<16xi32>
          %add3A_716 = arith.constant 0 : i32
          %add3A_717 = arith.addi %add3A_703, %add3A_716 : i32
          %get3A_718 = arith.index_cast %add3A_717 : i32 to index
          %get3A_719 = tpu.vector_load %arg8[%get3A_718] {strides = array<i32>} : memref<1024xi32, #tpu.memory_space<vmem>>, vector<16xi32>,
          %get3A_720 = vector.shape_cast %get3A_719 : vector<16xi32> to vector<16xi32>
          %add3A_721 = arith.constant 0 : i32
          %add3A_722 = arith.addi %add3A_703, %add3A_721 : i32
          %get3A_723 = arith.index_cast %add3A_722 : i32 to index
          %get3A_724 = tpu.vector_load %arg9[%get3A_723] {strides = array<i32>} : memref<1024xi32, #tpu.memory_space<vmem>>, vector<16xi32>,
          %get3A_725 = vector.shape_cast %get3A_724 : vector<16xi32> to vector<16xi32>
          %sub3A_726 = arith.subi %get3A_709, %get3A_720 : vector<16xi32>
          %add3A_727 = arith.constant 512 : i32
          %add3A_728 = vector.broadcast %add3A_727 : i32 to vector<16xi32>
          %add3A_729 = arith.addi %sub3A_726, %add3A_728 : vector<16xi32>
          %swap3A_730 = arith.constant 0 : i32
          %swap3A_731 = arith.index_cast %swap3A_730 : i32 to index
          %swap3A_732 = arith.constant 0 : index
          %swap3A_733 = tpu.vector_load %arg12[%swap3A_731, %swap3A_732] {strides = array<i32>} : memref<4x128xi32, #tpu.memory_space<vmem>>, vector<1x16xi32>,
          %swap3A_734 = vector.shape_cast %swap3A_733 : vector<1x16xi32> to vector<16xi32>
          %swap3A_735 = vector.shape_cast %add3A_729 : vector<16xi32> to vector<1x16xi32>
          tpu.vector_store %arg12[%swap3A_731, %swap3A_732], %swap3A_735 {strides = array<i32>} : memref<4x128xi32, #tpu.memory_space<vmem>>, vector<1x16xi32>,
          %sub3A_736 = arith.subi %get3A_709, %get3A_725 : vector<16xi32>
          %add3A_737 = arith.constant 1536 : i32
          %add3A_738 = vector.broadcast %add3A_737 : i32 to vector<16xi32>
          %add3A_739 = arith.addi %sub3A_736, %add3A_738 : vector<16xi32>
          %swap3A_740 = arith.constant 1 : i32
          %swap3A_741 = arith.index_cast %swap3A_740 : i32 to index
          %swap3A_742 = arith.constant 0 : index
          %swap3A_743 = tpu.vector_load %arg12[%swap3A_741, %swap3A_742] {strides = array<i32>} : memref<4x128xi32, #tpu.memory_space<vmem>>, vector<1x16xi32>,
          %swap3A_744 = vector.shape_cast %swap3A_743 : vector<1x16xi32> to vector<16xi32>
          %swap3A_745 = vector.shape_cast %add3A_739 : vector<16xi32> to vector<1x16xi32>
          tpu.vector_store %arg12[%swap3A_741, %swap3A_742], %swap3A_745 {strides = array<i32>} : memref<4x128xi32, #tpu.memory_space<vmem>>, vector<1x16xi32>,
          %sub3A_746 = arith.subi %get3A_715, %get3A_720 : vector<16xi32>
          %add3A_747 = arith.constant 2560 : i32
          %add3A_748 = vector.broadcast %add3A_747 : i32 to vector<16xi32>
          %add3A_749 = arith.addi %sub3A_746, %add3A_748 : vector<16xi32>
          %swap3A_750 = arith.constant 2 : i32
          %swap3A_751 = arith.index_cast %swap3A_750 : i32 to index
          %swap3A_752 = arith.constant 0 : index
          %swap3A_753 = tpu.vector_load %arg12[%swap3A_751, %swap3A_752] {strides = array<i32>} : memref<4x128xi32, #tpu.memory_space<vmem>>, vector<1x16xi32>,
          %swap3A_754 = vector.shape_cast %swap3A_753 : vector<1x16xi32> to vector<16xi32>
          %swap3A_755 = vector.shape_cast %add3A_749 : vector<16xi32> to vector<1x16xi32>
          tpu.vector_store %arg12[%swap3A_751, %swap3A_752], %swap3A_755 {strides = array<i32>} : memref<4x128xi32, #tpu.memory_space<vmem>>, vector<1x16xi32>,
          %sub3A_756 = arith.subi %get3A_715, %get3A_725 : vector<16xi32>
          %add3A_757 = arith.constant 3584 : i32
          %add3A_758 = vector.broadcast %add3A_757 : i32 to vector<16xi32>
          %add3A_759 = arith.addi %sub3A_756, %add3A_758 : vector<16xi32>
          %swap3A_760 = arith.constant 3 : i32
          %swap3A_761 = arith.index_cast %swap3A_760 : i32 to index
          %swap3A_762 = arith.constant 0 : index
          %swap3A_763 = tpu.vector_load %arg12[%swap3A_761, %swap3A_762] {strides = array<i32>} : memref<4x128xi32, #tpu.memory_space<vmem>>, vector<1x16xi32>,
          %swap3A_764 = vector.shape_cast %swap3A_763 : vector<1x16xi32> to vector<16xi32>
          %swap3A_765 = vector.shape_cast %add3A_759 : vector<16xi32> to vector<1x16xi32>
          tpu.vector_store %arg12[%swap3A_761, %swap3A_762], %swap3A_765 {strides = array<i32>} : memref<4x128xi32, #tpu.memory_space<vmem>>, vector<1x16xi32>,
          %add3A_766 = arith.constant 16 : i32
          %add3A_767 = arith.addi %add3A_703, %add3A_766 : i32
          %get3A_768 = arith.index_cast %add3A_767 : i32 to index
          %get3A_769 = tpu.vector_load %arg8[%get3A_768] {strides = array<i32>} : memref<1024xi32, #tpu.memory_space<vmem>>, vector<16xi32>,
          %get3A_770 = vector.shape_cast %get3A_769 : vector<16xi32> to vector<16xi32>
          %add3A_771 = arith.constant 16 : i32
          %add3A_772 = arith.addi %add3A_703, %add3A_771 : i32
          %get3A_773 = arith.index_cast %add3A_772 : i32 to index
          %get3A_774 = tpu.vector_load %arg9[%get3A_773] {strides = array<i32>} : memref<1024xi32, #tpu.memory_space<vmem>>, vector<16xi32>,
          %get3A_775 = vector.shape_cast %get3A_774 : vector<16xi32> to vector<16xi32>
          %sub3A_776 = arith.subi %get3A_709, %get3A_770 : vector<16xi32>
          %add3A_777 = arith.constant 512 : i32
          %add3A_778 = vector.broadcast %add3A_777 : i32 to vector<16xi32>
          %add3A_779 = arith.addi %sub3A_776, %add3A_778 : vector<16xi32>
          %swap3A_780 = arith.constant 0 : i32
          %swap3A_781 = arith.index_cast %swap3A_780 : i32 to index
          %swap3A_782 = arith.constant 16 : index
          %swap3A_783 = tpu.vector_load %arg12[%swap3A_781, %swap3A_782] {strides = array<i32>} : memref<4x128xi32, #tpu.memory_space<vmem>>, vector<1x16xi32>,
          %swap3A_784 = vector.shape_cast %swap3A_783 : vector<1x16xi32> to vector<16xi32>
          %swap3A_785 = vector.shape_cast %add3A_779 : vector<16xi32> to vector<1x16xi32>
          tpu.vector_store %arg12[%swap3A_781, %swap3A_782], %swap3A_785 {strides = array<i32>} : memref<4x128xi32, #tpu.memory_space<vmem>>, vector<1x16xi32>,
          %sub3A_786 = arith.subi %get3A_709, %get3A_775 : vector<16xi32>
          %add3A_787 = arith.constant 1536 : i32
          %add3A_788 = vector.broadcast %add3A_787 : i32 to vector<16xi32>
          %add3A_789 = arith.addi %sub3A_786, %add3A_788 : vector<16xi32>
          %swap3A_790 = arith.constant 1 : i32
          %swap3A_791 = arith.index_cast %swap3A_790 : i32 to index
          %swap3A_792 = arith.constant 16 : index
          %swap3A_793 = tpu.vector_load %arg12[%swap3A_791, %swap3A_792] {strides = array<i32>} : memref<4x128xi32, #tpu.memory_space<vmem>>, vector<1x16xi32>,
          %swap3A_794 = vector.shape_cast %swap3A_793 : vector<1x16xi32> to vector<16xi32>
          %swap3A_795 = vector.shape_cast %add3A_789 : vector<16xi32> to vector<1x16xi32>
          tpu.vector_store %arg12[%swap3A_791, %swap3A_792], %swap3A_795 {strides = array<i32>} : memref<4x128xi32, #tpu.memory_space<vmem>>, vector<1x16xi32>,
          %sub3A_796 = arith.subi %get3A_715, %get3A_770 : vector<16xi32>
          %add3A_797 = arith.constant 2560 : i32
          %add3A_798 = vector.broadcast %add3A_797 : i32 to vector<16xi32>
          %add3A_799 = arith.addi %sub3A_796, %add3A_798 : vector<16xi32>
          %swap3A_800 = arith.constant 2 : i32
          %swap3A_801 = arith.index_cast %swap3A_800 : i32 to index
          %swap3A_802 = arith.constant 16 : index
          %swap3A_803 = tpu.vector_load %arg12[%swap3A_801, %swap3A_802] {strides = array<i32>} : memref<4x128xi32, #tpu.memory_space<vmem>>, vector<1x16xi32>,
          %swap3A_804 = vector.shape_cast %swap3A_803 : vector<1x16xi32> to vector<16xi32>
          %swap3A_805 = vector.shape_cast %add3A_799 : vector<16xi32> to vector<1x16xi32>
          tpu.vector_store %arg12[%swap3A_801, %swap3A_802], %swap3A_805 {strides = array<i32>} : memref<4x128xi32, #tpu.memory_space<vmem>>, vector<1x16xi32>,
          %sub3A_806 = arith.subi %get3A_715, %get3A_775 : vector<16xi32>
          %add3A_807 = arith.constant 3584 : i32
          %add3A_808 = vector.broadcast %add3A_807 : i32 to vector<16xi32>
          %add3A_809 = arith.addi %sub3A_806, %add3A_808 : vector<16xi32>
          %swap3A_810 = arith.constant 3 : i32
          %swap3A_811 = arith.index_cast %swap3A_810 : i32 to index
          %swap3A_812 = arith.constant 16 : index
          %swap3A_813 = tpu.vector_load %arg12[%swap3A_811, %swap3A_812] {strides = array<i32>} : memref<4x128xi32, #tpu.memory_space<vmem>>, vector<1x16xi32>,
          %swap3A_814 = vector.shape_cast %swap3A_813 : vector<1x16xi32> to vector<16xi32>
          %swap3A_815 = vector.shape_cast %add3A_809 : vector<16xi32> to vector<1x16xi32>
          tpu.vector_store %arg12[%swap3A_811, %swap3A_812], %swap3A_815 {strides = array<i32>} : memref<4x128xi32, #tpu.memory_space<vmem>>, vector<1x16xi32>,
          %add3A_816 = arith.constant 32 : i32
          %add3A_817 = arith.addi %add3A_703, %add3A_816 : i32
          %get3A_818 = arith.index_cast %add3A_817 : i32 to index
          %get3A_819 = tpu.vector_load %arg8[%get3A_818] {strides = array<i32>} : memref<1024xi32, #tpu.memory_space<vmem>>, vector<16xi32>,
          %get3A_820 = vector.shape_cast %get3A_819 : vector<16xi32> to vector<16xi32>
          %add3A_821 = arith.constant 32 : i32
          %add3A_822 = arith.addi %add3A_703, %add3A_821 : i32
          %get3A_823 = arith.index_cast %add3A_822 : i32 to index
          %get3A_824 = tpu.vector_load %arg9[%get3A_823] {strides = array<i32>} : memref<1024xi32, #tpu.memory_space<vmem>>, vector<16xi32>,
          %get3A_825 = vector.shape_cast %get3A_824 : vector<16xi32> to vector<16xi32>
          %sub3A_826 = arith.subi %get3A_709, %get3A_820 : vector<16xi32>
          %add3A_827 = arith.constant 512 : i32
          %add3A_828 = vector.broadcast %add3A_827 : i32 to vector<16xi32>
          %add3A_829 = arith.addi %sub3A_826, %add3A_828 : vector<16xi32>
          %swap3A_830 = arith.constant 0 : i32
          %swap3A_831 = arith.index_cast %swap3A_830 : i32 to index
          %swap3A_832 = arith.constant 32 : index
          %swap3A_833 = tpu.vector_load %arg12[%swap3A_831, %swap3A_832] {strides = array<i32>} : memref<4x128xi32, #tpu.memory_space<vmem>>, vector<1x16xi32>,
          %swap3A_834 = vector.shape_cast %swap3A_833 : vector<1x16xi32> to vector<16xi32>
          %swap3A_835 = vector.shape_cast %add3A_829 : vector<16xi32> to vector<1x16xi32>
          tpu.vector_store %arg12[%swap3A_831, %swap3A_832], %swap3A_835 {strides = array<i32>} : memref<4x128xi32, #tpu.memory_space<vmem>>, vector<1x16xi32>,
          %sub3A_836 = arith.subi %get3A_709, %get3A_825 : vector<16xi32>
          %add3A_837 = arith.constant 1536 : i32
          %add3A_838 = vector.broadcast %add3A_837 : i32 to vector<16xi32>
          %add3A_839 = arith.addi %sub3A_836, %add3A_838 : vector<16xi32>
          %swap3A_840 = arith.constant 1 : i32
          %swap3A_841 = arith.index_cast %swap3A_840 : i32 to index
          %swap3A_842 = arith.constant 32 : index
          %swap3A_843 = tpu.vector_load %arg12[%swap3A_841, %swap3A_842] {strides = array<i32>} : memref<4x128xi32, #tpu.memory_space<vmem>>, vector<1x16xi32>,
          %swap3A_844 = vector.shape_cast %swap3A_843 : vector<1x16xi32> to vector<16xi32>
          %swap3A_845 = vector.shape_cast %add3A_839 : vector<16xi32> to vector<1x16xi32>
          tpu.vector_store %arg12[%swap3A_841, %swap3A_842], %swap3A_845 {strides = array<i32>} : memref<4x128xi32, #tpu.memory_space<vmem>>, vector<1x16xi32>,
          %sub3A_846 = arith.subi %get3A_715, %get3A_820 : vector<16xi32>
          %add3A_847 = arith.constant 2560 : i32
          %add3A_848 = vector.broadcast %add3A_847 : i32 to vector<16xi32>
          %add3A_849 = arith.addi %sub3A_846, %add3A_848 : vector<16xi32>
          %swap3A_850 = arith.constant 2 : i32
          %swap3A_851 = arith.index_cast %swap3A_850 : i32 to index
          %swap3A_852 = arith.constant 32 : index
          %swap3A_853 = tpu.vector_load %arg12[%swap3A_851, %swap3A_852] {strides = array<i32>} : memref<4x128xi32, #tpu.memory_space<vmem>>, vector<1x16xi32>,
          %swap3A_854 = vector.shape_cast %swap3A_853 : vector<1x16xi32> to vector<16xi32>
          %swap3A_855 = vector.shape_cast %add3A_849 : vector<16xi32> to vector<1x16xi32>
          tpu.vector_store %arg12[%swap3A_851, %swap3A_852], %swap3A_855 {strides = array<i32>} : memref<4x128xi32, #tpu.memory_space<vmem>>, vector<1x16xi32>,
          %sub3A_856 = arith.subi %get3A_715, %get3A_825 : vector<16xi32>
          %add3A_857 = arith.constant 3584 : i32
          %add3A_858 = vector.broadcast %add3A_857 : i32 to vector<16xi32>
          %add3A_859 = arith.addi %sub3A_856, %add3A_858 : vector<16xi32>
          %swap3A_860 = arith.constant 3 : i32
          %swap3A_861 = arith.index_cast %swap3A_860 : i32 to index
          %swap3A_862 = arith.constant 32 : index
          %swap3A_863 = tpu.vector_load %arg12[%swap3A_861, %swap3A_862] {strides = array<i32>} : memref<4x128xi32, #tpu.memory_space<vmem>>, vector<1x16xi32>,
          %swap3A_864 = vector.shape_cast %swap3A_863 : vector<1x16xi32> to vector<16xi32>
          %swap3A_865 = vector.shape_cast %add3A_859 : vector<16xi32> to vector<1x16xi32>
          tpu.vector_store %arg12[%swap3A_861, %swap3A_862], %swap3A_865 {strides = array<i32>} : memref<4x128xi32, #tpu.memory_space<vmem>>, vector<1x16xi32>,
          %add3A_866 = arith.constant 48 : i32
          %add3A_867 = arith.addi %add3A_703, %add3A_866 : i32
          %get3A_868 = arith.index_cast %add3A_867 : i32 to index
          %get3A_869 = tpu.vector_load %arg8[%get3A_868] {strides = array<i32>} : memref<1024xi32, #tpu.memory_space<vmem>>, vector<16xi32>,
          %get3A_870 = vector.shape_cast %get3A_869 : vector<16xi32> to vector<16xi32>
          %add3A_871 = arith.constant 48 : i32
          %add3A_872 = arith.addi %add3A_703, %add3A_871 : i32
          %get3A_873 = arith.index_cast %add3A_872 : i32 to index
          %get3A_874 = tpu.vector_load %arg9[%get3A_873] {strides = array<i32>} : memref<1024xi32, #tpu.memory_space<vmem>>, vector<16xi32>,
          %get3A_875 = vector.shape_cast %get3A_874 : vector<16xi32> to vector<16xi32>
          %sub3A_876 = arith.subi %get3A_709, %get3A_870 : vector<16xi32>
          %add3A_877 = arith.constant 512 : i32
          %add3A_878 = vector.broadcast %add3A_877 : i32 to vector<16xi32>
          %add3A_879 = arith.addi %sub3A_876, %add3A_878 : vector<16xi32>
          %swap3A_880 = arith.constant 0 : i32
          %swap3A_881 = arith.index_cast %swap3A_880 : i32 to index
          %swap3A_882 = arith.constant 48 : index
          %swap3A_883 = tpu.vector_load %arg12[%swap3A_881, %swap3A_882] {strides = array<i32>} : memref<4x128xi32, #tpu.memory_space<vmem>>, vector<1x16xi32>,
          %swap3A_884 = vector.shape_cast %swap3A_883 : vector<1x16xi32> to vector<16xi32>
          %swap3A_885 = vector.shape_cast %add3A_879 : vector<16xi32> to vector<1x16xi32>
          tpu.vector_store %arg12[%swap3A_881, %swap3A_882], %swap3A_885 {strides = array<i32>} : memref<4x128xi32, #tpu.memory_space<vmem>>, vector<1x16xi32>,
          %sub3A_886 = arith.subi %get3A_709, %get3A_875 : vector<16xi32>
          %add3A_887 = arith.constant 1536 : i32
          %add3A_888 = vector.broadcast %add3A_887 : i32 to vector<16xi32>
          %add3A_889 = arith.addi %sub3A_886, %add3A_888 : vector<16xi32>
          %swap3A_890 = arith.constant 1 : i32
          %swap3A_891 = arith.index_cast %swap3A_890 : i32 to index
          %swap3A_892 = arith.constant 48 : index
          %swap3A_893 = tpu.vector_load %arg12[%swap3A_891, %swap3A_892] {strides = array<i32>} : memref<4x128xi32, #tpu.memory_space<vmem>>, vector<1x16xi32>,
          %swap3A_894 = vector.shape_cast %swap3A_893 : vector<1x16xi32> to vector<16xi32>
          %swap3A_895 = vector.shape_cast %add3A_889 : vector<16xi32> to vector<1x16xi32>
          tpu.vector_store %arg12[%swap3A_891, %swap3A_892], %swap3A_895 {strides = array<i32>} : memref<4x128xi32, #tpu.memory_space<vmem>>, vector<1x16xi32>,
          %sub3A_896 = arith.subi %get3A_715, %get3A_870 : vector<16xi32>
          %add3A_897 = arith.constant 2560 : i32
          %add3A_898 = vector.broadcast %add3A_897 : i32 to vector<16xi32>
          %add3A_899 = arith.addi %sub3A_896, %add3A_898 : vector<16xi32>
          %swap3A_900 = arith.constant 2 : i32
          %swap3A_901 = arith.index_cast %swap3A_900 : i32 to index
          %swap3A_902 = arith.constant 48 : index
          %swap3A_903 = tpu.vector_load %arg12[%swap3A_901, %swap3A_902] {strides = array<i32>} : memref<4x128xi32, #tpu.memory_space<vmem>>, vector<1x16xi32>,
          %swap3A_904 = vector.shape_cast %swap3A_903 : vector<1x16xi32> to vector<16xi32>
          %swap3A_905 = vector.shape_cast %add3A_899 : vector<16xi32> to vector<1x16xi32>
          tpu.vector_store %arg12[%swap3A_901, %swap3A_902], %swap3A_905 {strides = array<i32>} : memref<4x128xi32, #tpu.memory_space<vmem>>, vector<1x16xi32>,
          %sub3A_906 = arith.subi %get3A_715, %get3A_875 : vector<16xi32>
          %add3A_907 = arith.constant 3584 : i32
          %add3A_908 = vector.broadcast %add3A_907 : i32 to vector<16xi32>
          %add3A_909 = arith.addi %sub3A_906, %add3A_908 : vector<16xi32>
          %swap3A_910 = arith.constant 3 : i32
          %swap3A_911 = arith.index_cast %swap3A_910 : i32 to index
          %swap3A_912 = arith.constant 48 : index
          %swap3A_913 = tpu.vector_load %arg12[%swap3A_911, %swap3A_912] {strides = array<i32>} : memref<4x128xi32, #tpu.memory_space<vmem>>, vector<1x16xi32>,
          %swap3A_914 = vector.shape_cast %swap3A_913 : vector<1x16xi32> to vector<16xi32>
          %swap3A_915 = vector.shape_cast %add3A_909 : vector<16xi32> to vector<1x16xi32>
          tpu.vector_store %arg12[%swap3A_911, %swap3A_912], %swap3A_915 {strides = array<i32>} : memref<4x128xi32, #tpu.memory_space<vmem>>, vector<1x16xi32>,
          %add3A_916 = arith.constant 64 : i32
          %add3A_917 = arith.addi %add3A_703, %add3A_916 : i32
          %get3A_918 = arith.index_cast %add3A_917 : i32 to index
          %get3A_919 = tpu.vector_load %arg8[%get3A_918] {strides = array<i32>} : memref<1024xi32, #tpu.memory_space<vmem>>, vector<16xi32>,
          %get3A_920 = vector.shape_cast %get3A_919 : vector<16xi32> to vector<16xi32>
          %add3A_921 = arith.constant 64 : i32
          %add3A_922 = arith.addi %add3A_703, %add3A_921 : i32
          %get3A_923 = arith.index_cast %add3A_922 : i32 to index
          %get3A_924 = tpu.vector_load %arg9[%get3A_923] {strides = array<i32>} : memref<1024xi32, #tpu.memory_space<vmem>>, vector<16xi32>,
          %get3A_925 = vector.shape_cast %get3A_924 : vector<16xi32> to vector<16xi32>
          %sub3A_926 = arith.subi %get3A_709, %get3A_920 : vector<16xi32>
          %add3A_927 = arith.constant 512 : i32
          %add3A_928 = vector.broadcast %add3A_927 : i32 to vector<16xi32>
          %add3A_929 = arith.addi %sub3A_926, %add3A_928 : vector<16xi32>
          %swap3A_930 = arith.constant 0 : i32
          %swap3A_931 = arith.index_cast %swap3A_930 : i32 to index
          %swap3A_932 = arith.constant 64 : index
          %swap3A_933 = tpu.vector_load %arg12[%swap3A_931, %swap3A_932] {strides = array<i32>} : memref<4x128xi32, #tpu.memory_space<vmem>>, vector<1x16xi32>,
          %swap3A_934 = vector.shape_cast %swap3A_933 : vector<1x16xi32> to vector<16xi32>
          %swap3A_935 = vector.shape_cast %add3A_929 : vector<16xi32> to vector<1x16xi32>
          tpu.vector_store %arg12[%swap3A_931, %swap3A_932], %swap3A_935 {strides = array<i32>} : memref<4x128xi32, #tpu.memory_space<vmem>>, vector<1x16xi32>,
          %sub3A_936 = arith.subi %get3A_709, %get3A_925 : vector<16xi32>
          %add3A_937 = arith.constant 1536 : i32
          %add3A_938 = vector.broadcast %add3A_937 : i32 to vector<16xi32>
          %add3A_939 = arith.addi %sub3A_936, %add3A_938 : vector<16xi32>
          %swap3A_940 = arith.constant 1 : i32
          %swap3A_941 = arith.index_cast %swap3A_940 : i32 to index
          %swap3A_942 = arith.constant 64 : index
          %swap3A_943 = tpu.vector_load %arg12[%swap3A_941, %swap3A_942] {strides = array<i32>} : memref<4x128xi32, #tpu.memory_space<vmem>>, vector<1x16xi32>,
          %swap3A_944 = vector.shape_cast %swap3A_943 : vector<1x16xi32> to vector<16xi32>
          %swap3A_945 = vector.shape_cast %add3A_939 : vector<16xi32> to vector<1x16xi32>
          tpu.vector_store %arg12[%swap3A_941, %swap3A_942], %swap3A_945 {strides = array<i32>} : memref<4x128xi32, #tpu.memory_space<vmem>>, vector<1x16xi32>,
          %sub3A_946 = arith.subi %get3A_715, %get3A_920 : vector<16xi32>
          %add3A_947 = arith.constant 2560 : i32
          %add3A_948 = vector.broadcast %add3A_947 : i32 to vector<16xi32>
          %add3A_949 = arith.addi %sub3A_946, %add3A_948 : vector<16xi32>
          %swap3A_950 = arith.constant 2 : i32
          %swap3A_951 = arith.index_cast %swap3A_950 : i32 to index
          %swap3A_952 = arith.constant 64 : index
          %swap3A_953 = tpu.vector_load %arg12[%swap3A_951, %swap3A_952] {strides = array<i32>} : memref<4x128xi32, #tpu.memory_space<vmem>>, vector<1x16xi32>,
          %swap3A_954 = vector.shape_cast %swap3A_953 : vector<1x16xi32> to vector<16xi32>
          %swap3A_955 = vector.shape_cast %add3A_949 : vector<16xi32> to vector<1x16xi32>
          tpu.vector_store %arg12[%swap3A_951, %swap3A_952], %swap3A_955 {strides = array<i32>} : memref<4x128xi32, #tpu.memory_space<vmem>>, vector<1x16xi32>,
          %sub3A_956 = arith.subi %get3A_715, %get3A_925 : vector<16xi32>
          %add3A_957 = arith.constant 3584 : i32
          %add3A_958 = vector.broadcast %add3A_957 : i32 to vector<16xi32>
          %add3A_959 = arith.addi %sub3A_956, %add3A_958 : vector<16xi32>
          %swap3A_960 = arith.constant 3 : i32
          %swap3A_961 = arith.index_cast %swap3A_960 : i32 to index
          %swap3A_962 = arith.constant 64 : index
          %swap3A_963 = tpu.vector_load %arg12[%swap3A_961, %swap3A_962] {strides = array<i32>} : memref<4x128xi32, #tpu.memory_space<vmem>>, vector<1x16xi32>,
          %swap3A_964 = vector.shape_cast %swap3A_963 : vector<1x16xi32> to vector<16xi32>
          %swap3A_965 = vector.shape_cast %add3A_959 : vector<16xi32> to vector<1x16xi32>
          tpu.vector_store %arg12[%swap3A_961, %swap3A_962], %swap3A_965 {strides = array<i32>} : memref<4x128xi32, #tpu.memory_space<vmem>>, vector<1x16xi32>,
          %add3A_966 = arith.constant 80 : i32
          %add3A_967 = arith.addi %add3A_703, %add3A_966 : i32
          %get3A_968 = arith.index_cast %add3A_967 : i32 to index
          %get3A_969 = tpu.vector_load %arg8[%get3A_968] {strides = array<i32>} : memref<1024xi32, #tpu.memory_space<vmem>>, vector<16xi32>,
          %get3A_970 = vector.shape_cast %get3A_969 : vector<16xi32> to vector<16xi32>
          %add3A_971 = arith.constant 80 : i32
          %add3A_972 = arith.addi %add3A_703, %add3A_971 : i32
          %get3A_973 = arith.index_cast %add3A_972 : i32 to index
          %get3A_974 = tpu.vector_load %arg9[%get3A_973] {strides = array<i32>} : memref<1024xi32, #tpu.memory_space<vmem>>, vector<16xi32>,
          %get3A_975 = vector.shape_cast %get3A_974 : vector<16xi32> to vector<16xi32>
          %sub3A_976 = arith.subi %get3A_709, %get3A_970 : vector<16xi32>
          %add3A_977 = arith.constant 512 : i32
          %add3A_978 = vector.broadcast %add3A_977 : i32 to vector<16xi32>
          %add3A_979 = arith.addi %sub3A_976, %add3A_978 : vector<16xi32>
          %swap3A_980 = arith.constant 0 : i32
          %swap3A_981 = arith.index_cast %swap3A_980 : i32 to index
          %swap3A_982 = arith.constant 80 : index
          %swap3A_983 = tpu.vector_load %arg12[%swap3A_981, %swap3A_982] {strides = array<i32>} : memref<4x128xi32, #tpu.memory_space<vmem>>, vector<1x16xi32>,
          %swap3A_984 = vector.shape_cast %swap3A_983 : vector<1x16xi32> to vector<16xi32>
          %swap3A_985 = vector.shape_cast %add3A_979 : vector<16xi32> to vector<1x16xi32>
          tpu.vector_store %arg12[%swap3A_981, %swap3A_982], %swap3A_985 {strides = array<i32>} : memref<4x128xi32, #tpu.memory_space<vmem>>, vector<1x16xi32>,
          %sub3A_986 = arith.subi %get3A_709, %get3A_975 : vector<16xi32>
          %add3A_987 = arith.constant 1536 : i32
          %add3A_988 = vector.broadcast %add3A_987 : i32 to vector<16xi32>
          %add3A_989 = arith.addi %sub3A_986, %add3A_988 : vector<16xi32>
          %swap3A_990 = arith.constant 1 : i32
          %swap3A_991 = arith.index_cast %swap3A_990 : i32 to index
          %swap3A_992 = arith.constant 80 : index
          %swap3A_993 = tpu.vector_load %arg12[%swap3A_991, %swap3A_992] {strides = array<i32>} : memref<4x128xi32, #tpu.memory_space<vmem>>, vector<1x16xi32>,
          %swap3A_994 = vector.shape_cast %swap3A_993 : vector<1x16xi32> to vector<16xi32>
          %swap3A_995 = vector.shape_cast %add3A_989 : vector<16xi32> to vector<1x16xi32>
          tpu.vector_store %arg12[%swap3A_991, %swap3A_992], %swap3A_995 {strides = array<i32>} : memref<4x128xi32, #tpu.memory_space<vmem>>, vector<1x16xi32>,
          %sub3A_996 = arith.subi %get3A_715, %get3A_970 : vector<16xi32>
          %add3A_997 = arith.constant 2560 : i32
          %add3A_998 = vector.broadcast %add3A_997 : i32 to vector<16xi32>
          %add3A_999 = arith.addi %sub3A_996, %add3A_998 : vector<16xi32>
          %swap3A_1000 = arith.constant 2 : i32
          %swap3A_1001 = arith.index_cast %swap3A_1000 : i32 to index
          %swap3A_1002 = arith.constant 80 : index
          %swap3A_1003 = tpu.vector_load %arg12[%swap3A_1001, %swap3A_1002] {strides = array<i32>} : memref<4x128xi32, #tpu.memory_space<vmem>>, vector<1x16xi32>,
          %swap3A_1004 = vector.shape_cast %swap3A_1003 : vector<1x16xi32> to vector<16xi32>
          %swap3A_1005 = vector.shape_cast %add3A_999 : vector<16xi32> to vector<1x16xi32>
          tpu.vector_store %arg12[%swap3A_1001, %swap3A_1002], %swap3A_1005 {strides = array<i32>} : memref<4x128xi32, #tpu.memory_space<vmem>>, vector<1x16xi32>,
          %sub3A_1006 = arith.subi %get3A_715, %get3A_975 : vector<16xi32>
          %add3A_1007 = arith.constant 3584 : i32
          %add3A_1008 = vector.broadcast %add3A_1007 : i32 to vector<16xi32>
          %add3A_1009 = arith.addi %sub3A_1006, %add3A_1008 : vector<16xi32>
          %swap3A_1010 = arith.constant 3 : i32
          %swap3A_1011 = arith.index_cast %swap3A_1010 : i32 to index
          %swap3A_1012 = arith.constant 80 : index
          %swap3A_1013 = tpu.vector_load %arg12[%swap3A_1011, %swap3A_1012] {strides = array<i32>} : memref<4x128xi32, #tpu.memory_space<vmem>>, vector<1x16xi32>,
          %swap3A_1014 = vector.shape_cast %swap3A_1013 : vector<1x16xi32> to vector<16xi32>
          %swap3A_1015 = vector.shape_cast %add3A_1009 : vector<16xi32> to vector<1x16xi32>
          tpu.vector_store %arg12[%swap3A_1011, %swap3A_1012], %swap3A_1015 {strides = array<i32>} : memref<4x128xi32, #tpu.memory_space<vmem>>, vector<1x16xi32>,
          %add3A_1016 = arith.constant 96 : i32
          %add3A_1017 = arith.addi %add3A_703, %add3A_1016 : i32
          %get3A_1018 = arith.index_cast %add3A_1017 : i32 to index
          %get3A_1019 = tpu.vector_load %arg8[%get3A_1018] {strides = array<i32>} : memref<1024xi32, #tpu.memory_space<vmem>>, vector<16xi32>,
          %get3A_1020 = vector.shape_cast %get3A_1019 : vector<16xi32> to vector<16xi32>
          %add3A_1021 = arith.constant 96 : i32
          %add3A_1022 = arith.addi %add3A_703, %add3A_1021 : i32
          %get3A_1023 = arith.index_cast %add3A_1022 : i32 to index
          %get3A_1024 = tpu.vector_load %arg9[%get3A_1023] {strides = array<i32>} : memref<1024xi32, #tpu.memory_space<vmem>>, vector<16xi32>,
          %get3A_1025 = vector.shape_cast %get3A_1024 : vector<16xi32> to vector<16xi32>
          %sub3A_1026 = arith.subi %get3A_709, %get3A_1020 : vector<16xi32>
          %add3A_1027 = arith.constant 512 : i32
          %add3A_1028 = vector.broadcast %add3A_1027 : i32 to vector<16xi32>
          %add3A_1029 = arith.addi %sub3A_1026, %add3A_1028 : vector<16xi32>
          %swap3A_1030 = arith.constant 0 : i32
          %swap3A_1031 = arith.index_cast %swap3A_1030 : i32 to index
          %swap3A_1032 = arith.constant 96 : index
          %swap3A_1033 = tpu.vector_load %arg12[%swap3A_1031, %swap3A_1032] {strides = array<i32>} : memref<4x128xi32, #tpu.memory_space<vmem>>, vector<1x16xi32>,
          %swap3A_1034 = vector.shape_cast %swap3A_1033 : vector<1x16xi32> to vector<16xi32>
          %swap3A_1035 = vector.shape_cast %add3A_1029 : vector<16xi32> to vector<1x16xi32>
          tpu.vector_store %arg12[%swap3A_1031, %swap3A_1032], %swap3A_1035 {strides = array<i32>} : memref<4x128xi32, #tpu.memory_space<vmem>>, vector<1x16xi32>,
          %sub3A_1036 = arith.subi %get3A_709, %get3A_1025 : vector<16xi32>
          %add3A_1037 = arith.constant 1536 : i32
          %add3A_1038 = vector.broadcast %add3A_1037 : i32 to vector<16xi32>
          %add3A_1039 = arith.addi %sub3A_1036, %add3A_1038 : vector<16xi32>
          %swap3A_1040 = arith.constant 1 : i32
          %swap3A_1041 = arith.index_cast %swap3A_1040 : i32 to index
          %swap3A_1042 = arith.constant 96 : index
          %swap3A_1043 = tpu.vector_load %arg12[%swap3A_1041, %swap3A_1042] {strides = array<i32>} : memref<4x128xi32, #tpu.memory_space<vmem>>, vector<1x16xi32>,
          %swap3A_1044 = vector.shape_cast %swap3A_1043 : vector<1x16xi32> to vector<16xi32>
          %swap3A_1045 = vector.shape_cast %add3A_1039 : vector<16xi32> to vector<1x16xi32>
          tpu.vector_store %arg12[%swap3A_1041, %swap3A_1042], %swap3A_1045 {strides = array<i32>} : memref<4x128xi32, #tpu.memory_space<vmem>>, vector<1x16xi32>,
          %sub3A_1046 = arith.subi %get3A_715, %get3A_1020 : vector<16xi32>
          %add3A_1047 = arith.constant 2560 : i32
          %add3A_1048 = vector.broadcast %add3A_1047 : i32 to vector<16xi32>
          %add3A_1049 = arith.addi %sub3A_1046, %add3A_1048 : vector<16xi32>
          %swap3A_1050 = arith.constant 2 : i32
          %swap3A_1051 = arith.index_cast %swap3A_1050 : i32 to index
          %swap3A_1052 = arith.constant 96 : index
          %swap3A_1053 = tpu.vector_load %arg12[%swap3A_1051, %swap3A_1052] {strides = array<i32>} : memref<4x128xi32, #tpu.memory_space<vmem>>, vector<1x16xi32>,
          %swap3A_1054 = vector.shape_cast %swap3A_1053 : vector<1x16xi32> to vector<16xi32>
          %swap3A_1055 = vector.shape_cast %add3A_1049 : vector<16xi32> to vector<1x16xi32>
          tpu.vector_store %arg12[%swap3A_1051, %swap3A_1052], %swap3A_1055 {strides = array<i32>} : memref<4x128xi32, #tpu.memory_space<vmem>>, vector<1x16xi32>,
          %sub3A_1056 = arith.subi %get3A_715, %get3A_1025 : vector<16xi32>
          %add3A_1057 = arith.constant 3584 : i32
          %add3A_1058 = vector.broadcast %add3A_1057 : i32 to vector<16xi32>
          %add3A_1059 = arith.addi %sub3A_1056, %add3A_1058 : vector<16xi32>
          %swap3A_1060 = arith.constant 3 : i32
          %swap3A_1061 = arith.index_cast %swap3A_1060 : i32 to index
          %swap3A_1062 = arith.constant 96 : index
          %swap3A_1063 = tpu.vector_load %arg12[%swap3A_1061, %swap3A_1062] {strides = array<i32>} : memref<4x128xi32, #tpu.memory_space<vmem>>, vector<1x16xi32>,
          %swap3A_1064 = vector.shape_cast %swap3A_1063 : vector<1x16xi32> to vector<16xi32>
          %swap3A_1065 = vector.shape_cast %add3A_1059 : vector<16xi32> to vector<1x16xi32>
          tpu.vector_store %arg12[%swap3A_1061, %swap3A_1062], %swap3A_1065 {strides = array<i32>} : memref<4x128xi32, #tpu.memory_space<vmem>>, vector<1x16xi32>,
          %add3A_1066 = arith.constant 112 : i32
          %add3A_1067 = arith.addi %add3A_703, %add3A_1066 : i32
          %get3A_1068 = arith.index_cast %add3A_1067 : i32 to index
          %get3A_1069 = tpu.vector_load %arg8[%get3A_1068] {strides = array<i32>} : memref<1024xi32, #tpu.memory_space<vmem>>, vector<16xi32>,
          %get3A_1070 = vector.shape_cast %get3A_1069 : vector<16xi32> to vector<16xi32>
          %add3A_1071 = arith.constant 112 : i32
          %add3A_1072 = arith.addi %add3A_703, %add3A_1071 : i32
          %get3A_1073 = arith.index_cast %add3A_1072 : i32 to index
          %get3A_1074 = tpu.vector_load %arg9[%get3A_1073] {strides = array<i32>} : memref<1024xi32, #tpu.memory_space<vmem>>, vector<16xi32>,
          %get3A_1075 = vector.shape_cast %get3A_1074 : vector<16xi32> to vector<16xi32>
          %sub3A_1076 = arith.subi %get3A_709, %get3A_1070 : vector<16xi32>
          %add3A_1077 = arith.constant 512 : i32
          %add3A_1078 = vector.broadcast %add3A_1077 : i32 to vector<16xi32>
          %add3A_1079 = arith.addi %sub3A_1076, %add3A_1078 : vector<16xi32>
          %swap3A_1080 = arith.constant 0 : i32
          %swap3A_1081 = arith.index_cast %swap3A_1080 : i32 to index
          %swap3A_1082 = arith.constant 112 : index
          %swap3A_1083 = tpu.vector_load %arg12[%swap3A_1081, %swap3A_1082] {strides = array<i32>} : memref<4x128xi32, #tpu.memory_space<vmem>>, vector<1x16xi32>,
          %swap3A_1084 = vector.shape_cast %swap3A_1083 : vector<1x16xi32> to vector<16xi32>
          %swap3A_1085 = vector.shape_cast %add3A_1079 : vector<16xi32> to vector<1x16xi32>
          tpu.vector_store %arg12[%swap3A_1081, %swap3A_1082], %swap3A_1085 {strides = array<i32>} : memref<4x128xi32, #tpu.memory_space<vmem>>, vector<1x16xi32>,
          %sub3A_1086 = arith.subi %get3A_709, %get3A_1075 : vector<16xi32>
          %add3A_1087 = arith.constant 1536 : i32
          %add3A_1088 = vector.broadcast %add3A_1087 : i32 to vector<16xi32>
          %add3A_1089 = arith.addi %sub3A_1086, %add3A_1088 : vector<16xi32>
          %swap3A_1090 = arith.constant 1 : i32
          %swap3A_1091 = arith.index_cast %swap3A_1090 : i32 to index
          %swap3A_1092 = arith.constant 112 : index
          %swap3A_1093 = tpu.vector_load %arg12[%swap3A_1091, %swap3A_1092] {strides = array<i32>} : memref<4x128xi32, #tpu.memory_space<vmem>>, vector<1x16xi32>,
          %swap3A_1094 = vector.shape_cast %swap3A_1093 : vector<1x16xi32> to vector<16xi32>
          %swap3A_1095 = vector.shape_cast %add3A_1089 : vector<16xi32> to vector<1x16xi32>
          tpu.vector_store %arg12[%swap3A_1091, %swap3A_1092], %swap3A_1095 {strides = array<i32>} : memref<4x128xi32, #tpu.memory_space<vmem>>, vector<1x16xi32>,
          %sub3A_1096 = arith.subi %get3A_715, %get3A_1070 : vector<16xi32>
          %add3A_1097 = arith.constant 2560 : i32
          %add3A_1098 = vector.broadcast %add3A_1097 : i32 to vector<16xi32>
          %add3A_1099 = arith.addi %sub3A_1096, %add3A_1098 : vector<16xi32>
          %swap3A_1100 = arith.constant 2 : i32
          %swap3A_1101 = arith.index_cast %swap3A_1100 : i32 to index
          %swap3A_1102 = arith.constant 112 : index
          %swap3A_1103 = tpu.vector_load %arg12[%swap3A_1101, %swap3A_1102] {strides = array<i32>} : memref<4x128xi32, #tpu.memory_space<vmem>>, vector<1x16xi32>,
          %swap3A_1104 = vector.shape_cast %swap3A_1103 : vector<1x16xi32> to vector<16xi32>
          %swap3A_1105 = vector.shape_cast %add3A_1099 : vector<16xi32> to vector<1x16xi32>
          tpu.vector_store %arg12[%swap3A_1101, %swap3A_1102], %swap3A_1105 {strides = array<i32>} : memref<4x128xi32, #tpu.memory_space<vmem>>, vector<1x16xi32>,
          %sub3A_1106 = arith.subi %get3A_715, %get3A_1075 : vector<16xi32>
          %add3A_1107 = arith.constant 3584 : i32
          %add3A_1108 = vector.broadcast %add3A_1107 : i32 to vector<16xi32>
          %add3A_1109 = arith.addi %sub3A_1106, %add3A_1108 : vector<16xi32>
          %swap3A_1110 = arith.constant 3 : i32
          %swap3A_1111 = arith.index_cast %swap3A_1110 : i32 to index
          %swap3A_1112 = arith.constant 112 : index
          %swap3A_1113 = tpu.vector_load %arg12[%swap3A_1111, %swap3A_1112] {strides = array<i32>} : memref<4x128xi32, #tpu.memory_space<vmem>>, vector<1x16xi32>,
          %swap3A_1114 = vector.shape_cast %swap3A_1113 : vector<1x16xi32> to vector<16xi32>
          %swap3A_1115 = vector.shape_cast %add3A_1109 : vector<16xi32> to vector<1x16xi32>
          tpu.vector_store %arg12[%swap3A_1111, %swap3A_1112], %swap3A_1115 {strides = array<i32>} : memref<4x128xi32, #tpu.memory_space<vmem>>, vector<1x16xi32>,
          %dma_start3A_1116 = arith.constant 0 : i32
          %dma_start3A_1117 = arith.constant 0 : i32
          %dma_start3A_1118 = tpu.memref_slice %arg12[%dma_start3A_1116, %dma_start3A_1117] : memref<4x128xi32, #tpu.memory_space<vmem>> -> memref<1x128xi32, #tpu.memory_space<vmem>>
          %dma_start3A_1119 = tpu.memref_squeeze %dma_start3A_1118 : memref<1x128xi32, #tpu.memory_space<vmem>> -> memref<128xi32, #tpu.memory_space<vmem>>
          %dma_start3A_1120 = arith.constant 0 : i32
          %dma_start3A_1121 = arith.constant 0 : i32
          %dma_start3A_1122 = tpu.memref_slice %arg18[%dma_start3A_1120, %dma_start3A_1121] : memref<4096x128xf32, #tpu.memory_space<vmem_shared>> -> memref<4096x128xf32, #tpu.memory_space<vmem_shared>>
          tpu.enqueue_indirect_dma source(%dma_start3A_1122 : memref<4096x128xf32, #tpu.memory_space<vmem_shared>>) target(%arg14 : memref<128x128xf32, #tpu.memory_space<vmem>>) offsets(%dma_start3A_1119 : memref<128xi32, #tpu.memory_space<vmem>>) semaphore(%arg19 : memref<!tpu.dma_semaphore, #tpu.memory_space<semaphore_mem>>) {add = true}
          %dma_start3A_1123 = arith.constant 1 : i32
          %dma_start3A_1124 = arith.constant 0 : i32
          %dma_start3A_1125 = tpu.memref_slice %arg12[%dma_start3A_1123, %dma_start3A_1124] : memref<4x128xi32, #tpu.memory_space<vmem>> -> memref<1x128xi32, #tpu.memory_space<vmem>>
          %dma_start3A_1126 = tpu.memref_squeeze %dma_start3A_1125 : memref<1x128xi32, #tpu.memory_space<vmem>> -> memref<128xi32, #tpu.memory_space<vmem>>
          %dma_start3A_1127 = arith.constant 0 : i32
          %dma_start3A_1128 = arith.constant 0 : i32
          %dma_start3A_1129 = tpu.memref_slice %arg18[%dma_start3A_1127, %dma_start3A_1128] : memref<4096x128xf32, #tpu.memory_space<vmem_shared>> -> memref<4096x128xf32, #tpu.memory_space<vmem_shared>>
          tpu.enqueue_indirect_dma source(%dma_start3A_1129 : memref<4096x128xf32, #tpu.memory_space<vmem_shared>>) target(%arg14 : memref<128x128xf32, #tpu.memory_space<vmem>>) offsets(%dma_start3A_1126 : memref<128xi32, #tpu.memory_space<vmem>>) semaphore(%arg19 : memref<!tpu.dma_semaphore, #tpu.memory_space<semaphore_mem>>) {add = true}
          %dma_start3A_1130 = arith.constant 2 : i32
          %dma_start3A_1131 = arith.constant 0 : i32
          %dma_start3A_1132 = tpu.memref_slice %arg12[%dma_start3A_1130, %dma_start3A_1131] : memref<4x128xi32, #tpu.memory_space<vmem>> -> memref<1x128xi32, #tpu.memory_space<vmem>>
          %dma_start3A_1133 = tpu.memref_squeeze %dma_start3A_1132 : memref<1x128xi32, #tpu.memory_space<vmem>> -> memref<128xi32, #tpu.memory_space<vmem>>
          %dma_start3A_1134 = arith.constant 0 : i32
          %dma_start3A_1135 = arith.constant 0 : i32
          %dma_start3A_1136 = tpu.memref_slice %arg18[%dma_start3A_1134, %dma_start3A_1135] : memref<4096x128xf32, #tpu.memory_space<vmem_shared>> -> memref<4096x128xf32, #tpu.memory_space<vmem_shared>>
          tpu.enqueue_indirect_dma source(%dma_start3A_1136 : memref<4096x128xf32, #tpu.memory_space<vmem_shared>>) target(%arg14 : memref<128x128xf32, #tpu.memory_space<vmem>>) offsets(%dma_start3A_1133 : memref<128xi32, #tpu.memory_space<vmem>>) semaphore(%arg19 : memref<!tpu.dma_semaphore, #tpu.memory_space<semaphore_mem>>) {add = true}
          %dma_start3A_1137 = arith.constant 3 : i32
          %dma_start3A_1138 = arith.constant 0 : i32
          %dma_start3A_1139 = tpu.memref_slice %arg12[%dma_start3A_1137, %dma_start3A_1138] : memref<4x128xi32, #tpu.memory_space<vmem>> -> memref<1x128xi32, #tpu.memory_space<vmem>>
          %dma_start3A_1140 = tpu.memref_squeeze %dma_start3A_1139 : memref<1x128xi32, #tpu.memory_space<vmem>> -> memref<128xi32, #tpu.memory_space<vmem>>
          %dma_start3A_1141 = arith.constant 0 : i32
          %dma_start3A_1142 = arith.constant 0 : i32
          %dma_start3A_1143 = tpu.memref_slice %arg18[%dma_start3A_1141, %dma_start3A_1142] : memref<4096x128xf32, #tpu.memory_space<vmem_shared>> -> memref<4096x128xf32, #tpu.memory_space<vmem_shared>>
          tpu.enqueue_indirect_dma source(%dma_start3A_1143 : memref<4096x128xf32, #tpu.memory_space<vmem_shared>>) target(%arg14 : memref<128x128xf32, #tpu.memory_space<vmem>>) offsets(%dma_start3A_1140 : memref<128xi32, #tpu.memory_space<vmem>>) semaphore(%arg19 : memref<!tpu.dma_semaphore, #tpu.memory_space<semaphore_mem>>) {add = true}
        } else {
        }
        %dma_wait3A_543 = arith.constant 0 : i32
        %dma_wait3A_544 = arith.constant 0 : i32
        %dma_wait3A_545 = tpu.memref_slice %arg13[%dma_wait3A_543, %dma_wait3A_544] : memref<4x128xi32, #tpu.memory_space<vmem>> -> memref<1x128xi32, #tpu.memory_space<vmem>>
        %dma_wait3A_546 = tpu.memref_squeeze %dma_wait3A_545 : memref<1x128xi32, #tpu.memory_space<vmem>> -> memref<128xi32, #tpu.memory_space<vmem>>
        %dma_wait3A_547 = arith.constant 0 : i32
        %dma_wait3A_548 = arith.constant 0 : i32
        %dma_wait3A_549 = tpu.memref_slice %arg18[%dma_wait3A_547, %dma_wait3A_548] : memref<4096x128xf32, #tpu.memory_space<vmem_shared>> -> memref<4096x128xf32, #tpu.memory_space<vmem_shared>>
        tpu.wait_indirect_dma semaphore(%arg20 : memref<!tpu.dma_semaphore, #tpu.memory_space<semaphore_mem>>) src(%dma_wait3A_549 : memref<4096x128xf32, #tpu.memory_space<vmem_shared>>) dst(%arg15 : memref<128x128xf32, #tpu.memory_space<vmem>>)
        %dma_wait3A_550 = arith.constant 0 : i32
        %dma_wait3A_551 = arith.constant 0 : i32
        %dma_wait3A_552 = tpu.memref_slice %arg13[%dma_wait3A_550, %dma_wait3A_551] : memref<4x128xi32, #tpu.memory_space<vmem>> -> memref<1x128xi32, #tpu.memory_space<vmem>>
        %dma_wait3A_553 = tpu.memref_squeeze %dma_wait3A_552 : memref<1x128xi32, #tpu.memory_space<vmem>> -> memref<128xi32, #tpu.memory_space<vmem>>
        %dma_wait3A_554 = arith.constant 0 : i32
        %dma_wait3A_555 = arith.constant 0 : i32
        %dma_wait3A_556 = tpu.memref_slice %arg18[%dma_wait3A_554, %dma_wait3A_555] : memref<4096x128xf32, #tpu.memory_space<vmem_shared>> -> memref<4096x128xf32, #tpu.memory_space<vmem_shared>>
        tpu.wait_indirect_dma semaphore(%arg20 : memref<!tpu.dma_semaphore, #tpu.memory_space<semaphore_mem>>) src(%dma_wait3A_556 : memref<4096x128xf32, #tpu.memory_space<vmem_shared>>) dst(%arg15 : memref<128x128xf32, #tpu.memory_space<vmem>>)
        %dma_wait3A_557 = arith.constant 0 : i32
        %dma_wait3A_558 = arith.constant 0 : i32
        %dma_wait3A_559 = tpu.memref_slice %arg13[%dma_wait3A_557, %dma_wait3A_558] : memref<4x128xi32, #tpu.memory_space<vmem>> -> memref<1x128xi32, #tpu.memory_space<vmem>>
        %dma_wait3A_560 = tpu.memref_squeeze %dma_wait3A_559 : memref<1x128xi32, #tpu.memory_space<vmem>> -> memref<128xi32, #tpu.memory_space<vmem>>
        %dma_wait3A_561 = arith.constant 0 : i32
        %dma_wait3A_562 = arith.constant 0 : i32
        %dma_wait3A_563 = tpu.memref_slice %arg18[%dma_wait3A_561, %dma_wait3A_562] : memref<4096x128xf32, #tpu.memory_space<vmem_shared>> -> memref<4096x128xf32, #tpu.memory_space<vmem_shared>>
        tpu.wait_indirect_dma semaphore(%arg20 : memref<!tpu.dma_semaphore, #tpu.memory_space<semaphore_mem>>) src(%dma_wait3A_563 : memref<4096x128xf32, #tpu.memory_space<vmem_shared>>) dst(%arg15 : memref<128x128xf32, #tpu.memory_space<vmem>>)
        %dma_wait3A_564 = arith.constant 0 : i32
        %dma_wait3A_565 = arith.constant 0 : i32
        %dma_wait3A_566 = tpu.memref_slice %arg13[%dma_wait3A_564, %dma_wait3A_565] : memref<4x128xi32, #tpu.memory_space<vmem>> -> memref<1x128xi32, #tpu.memory_space<vmem>>
        %dma_wait3A_567 = tpu.memref_squeeze %dma_wait3A_566 : memref<1x128xi32, #tpu.memory_space<vmem>> -> memref<128xi32, #tpu.memory_space<vmem>>
        %dma_wait3A_568 = arith.constant 0 : i32
        %dma_wait3A_569 = arith.constant 0 : i32
        %dma_wait3A_570 = tpu.memref_slice %arg18[%dma_wait3A_568, %dma_wait3A_569] : memref<4096x128xf32, #tpu.memory_space<vmem_shared>> -> memref<4096x128xf32, #tpu.memory_space<vmem_shared>>
        tpu.wait_indirect_dma semaphore(%arg20 : memref<!tpu.dma_semaphore, #tpu.memory_space<semaphore_mem>>) src(%dma_wait3A_570 : memref<4096x128xf32, #tpu.memory_space<vmem_shared>>) dst(%arg15 : memref<128x128xf32, #tpu.memory_space<vmem>>)
        %ge3A = arith.constant 2 : i32
        %ge3A_571 = arith.cmpi sge, %scan3A_508, %ge3A : i32
        %convert_element_type3A_572 = arith.extui %ge3A_571 : i1 to i32
        %cond3A_573 = arith.constant 0 : i32
        %cond3A_574 = arith.cmpi ne, %convert_element_type3A_572, %cond3A_573 : i32
        scf.if %cond3A_574 {
          %sub3A_632 = arith.constant 2 : i32
          %sub3A_633 = arith.subi %scan3A_508, %sub3A_632 : i32
          %jit3A_634 = arith.constant 4 : i32
          %div3A_635 = arith.divsi %sub3A_633, %jit3A_634 : i32
          %sign3A_636 = arith.constant 0 : i32
          %sign3A_637 = arith.cmpi sgt, %sub3A_633, %sign3A_636 : i32
          %sign3A_638 = arith.extui %sign3A_637 : i1 to i32
          %sign3A_639 = arith.constant 0 : i32
          %sign3A_640 = arith.cmpi slt, %sub3A_633, %sign3A_639 : i32
          %sign3A_641 = arith.extui %sign3A_640 : i1 to i32
          %sign3A_642 = arith.subi %sign3A_638, %sign3A_641 : i32
          %sign3A_643 = arith.constant 0 : i32
          %sign3A_644 = arith.cmpi sgt, %jit3A_634, %sign3A_643 : i32
          %sign3A_645 = arith.extui %sign3A_644 : i1 to i32
          %sign3A_646 = arith.constant 0 : i32
          %sign3A_647 = arith.cmpi slt, %jit3A_634, %sign3A_646 : i32
          %sign3A_648 = arith.extui %sign3A_647 : i1 to i32
          %sign3A_649 = arith.subi %sign3A_645, %sign3A_648 : i32
          %ne3A_650 = arith.cmpi ne, %sign3A_642, %sign3A_649 : i32
          %rem3A_651 = arith.remsi %sub3A_633, %jit3A_634 : i32
          %ne3A_652 = arith.constant 0 : i32
          %ne3A_653 = arith.cmpi ne, %rem3A_651, %ne3A_652 : i32
          %and3A_654 = arith.andi %ne3A_650, %ne3A_653 : i1
          %sub3A_655 = arith.constant 1 : i32
          %sub3A_656 = arith.subi %div3A_635, %sub3A_655 : i32
          %select_n3A_657 = arith.select %and3A_654, %sub3A_656, %div3A_635 : i32
          %add3A_658 = arith.addi %mul3A_4, %select_n3A_657 : i32
          %jit3A_659 = arith.constant 4 : i32
          %eq3A_660 = arith.constant 0 : i32
          %eq3A_661 = arith.cmpi eq, %jit3A_659, %eq3A_660 : i32
          %jit3A_662 = arith.constant 1 : i32
          %select_n3A_663 = arith.select %eq3A_661, %jit3A_662, %jit3A_659 : i32
          %rem3A_664 = arith.remsi %sub3A_633, %select_n3A_663 : i32
          %ne3A_665 = arith.constant 0 : i32
          %ne3A_666 = arith.cmpi ne, %rem3A_664, %ne3A_665 : i32
          %lt3A_667 = arith.constant 0 : i32
          %lt3A_668 = arith.cmpi slt, %rem3A_664, %lt3A_667 : i32
          %lt3A_669 = arith.constant 0 : i32
          %lt3A_670 = arith.cmpi slt, %select_n3A_663, %lt3A_669 : i32
          %ne3A_671 = arith.xori %lt3A_668, %lt3A_670 : i1
          %and3A_672 = arith.andi %ne3A_671, %ne3A_666 : i1
          %add3A_673 = arith.addi %rem3A_664, %select_n3A_663 : i32
          %select_n3A_674 = arith.select %and3A_672, %add3A_673, %rem3A_664 : i32
          %mul3A_675 = arith.constant 512 : i32
          %mul3A_676 = arith.muli %add3A_658, %mul3A_675 : i32
          %mul3A_677 = arith.constant 128 : i32
          %mul3A_678 = arith.muli %select_n3A_674, %mul3A_677 : i32
          %add3A_679 = arith.addi %mul3A_676, %mul3A_678 : i32
          %dma_wait3A_680 = arith.constant 0 : i32
          %dma_wait3A_681 = tpu.memref_slice %arg7[%add3A_679, %dma_wait3A_680] : memref<524288x128xf32, #tpu.memory_space<hbm>> -> memref<128x128xf32, #tpu.memory_space<hbm>>
          %dma_wait3A_682 = arith.constant 0 : i32
          %dma_wait3A_683 = tpu.memref_slice %arg7[%add3A_679, %dma_wait3A_682] : memref<524288x128xf32, #tpu.memory_space<hbm>> -> memref<128x128xf32, #tpu.memory_space<hbm>>
          tpu.wait_dma2 semaphore(%arg22 : memref<!tpu.dma_semaphore, #tpu.memory_space<semaphore_mem>>) src(%arg17 : memref<128x128xf32, #tpu.memory_space<vmem>>) dst(%dma_wait3A_683 : memref<128x128xf32, #tpu.memory_space<hbm>>)
        } else {
        }
        %scan3A_575 = arith.constant 0 : i32
        %scan3A_576 = arith.constant 0 : i32
        %scan3A_577 = arith.constant 32 : i32
        %scan3A_578 = arith.addi %scan3A_576, %scan3A_577 : i32
        %scan3A_579 = arith.constant 1 : i32
        %scan3A_580 = scf.for %scan3A_632 = %scan3A_576 to %scan3A_578 step %scan3A_579 iter_args(%scan3A_633 = %scan3A_575) -> (i32)  : i32 {
          %mul3A_634 = arith.constant 4 : i32
          %mul3A_635 = arith.muli %scan3A_632, %mul3A_634 : i32
          %add3A_636 = arith.constant 0 : i32
          %add3A_637 = arith.addi %mul3A_635, %add3A_636 : i32
          %get3A_638 = arith.index_cast %add3A_637 : i32 to index
          %get3A_639 = arith.constant 0 : index
          %get3A_640 = tpu.vector_load %arg15[%get3A_638, %get3A_639] {strides = array<i32>} : memref<128x128xf32, #tpu.memory_space<vmem>>, vector<1x16xf32>,
          %get3A_641 = vector.shape_cast %get3A_640 : vector<1x16xf32> to vector<16xf32>
          %max3A = arith.constant 0.000000e+00 : f32
          %max3A_642 = vector.broadcast %max3A : f32 to vector<16xf32>
          %max3A_643 = arith.maximumf %get3A_641, %max3A_642 : vector<16xf32>
          %swap3A_644 = arith.index_cast %add3A_637 : i32 to index
          %swap3A_645 = arith.constant 0 : index
          %swap3A_646 = tpu.vector_load %arg17[%swap3A_644, %swap3A_645] {strides = array<i32>} : memref<128x128xf32, #tpu.memory_space<vmem>>, vector<1x16xf32>,
          %swap3A_647 = vector.shape_cast %swap3A_646 : vector<1x16xf32> to vector<16xf32>
          %swap3A_648 = vector.shape_cast %max3A_643 : vector<16xf32> to vector<1x16xf32>
          tpu.vector_store %arg17[%swap3A_644, %swap3A_645], %swap3A_648 {strides = array<i32>} : memref<128x128xf32, #tpu.memory_space<vmem>>, vector<1x16xf32>,
          %swap3A_649 = arith.index_cast %add3A_637 : i32 to index
          %swap3A_650 = arith.constant 0 : index
          %swap3A_651 = tpu.vector_load %arg15[%swap3A_649, %swap3A_650] {strides = array<i32>} : memref<128x128xf32, #tpu.memory_space<vmem>>, vector<1x16xf32>,
          %swap3A_652 = vector.shape_cast %swap3A_651 : vector<1x16xf32> to vector<16xf32>
          %swap3A_653 = vector.shape_cast %broadcast_in_dim3A_9 : vector<16xf32> to vector<1x16xf32>
          tpu.vector_store %arg15[%swap3A_649, %swap3A_650], %swap3A_653 {strides = array<i32>} : memref<128x128xf32, #tpu.memory_space<vmem>>, vector<1x16xf32>,
          %get3A_654 = arith.index_cast %add3A_637 : i32 to index
          %get3A_655 = arith.constant 16 : index
          %get3A_656 = tpu.vector_load %arg15[%get3A_654, %get3A_655] {strides = array<i32>} : memref<128x128xf32, #tpu.memory_space<vmem>>, vector<1x16xf32>,
          %get3A_657 = vector.shape_cast %get3A_656 : vector<1x16xf32> to vector<16xf32>
          %max3A_658 = arith.constant 0.000000e+00 : f32
          %max3A_659 = vector.broadcast %max3A_658 : f32 to vector<16xf32>
          %max3A_660 = arith.maximumf %get3A_657, %max3A_659 : vector<16xf32>
          %swap3A_661 = arith.index_cast %add3A_637 : i32 to index
          %swap3A_662 = arith.constant 16 : index
          %swap3A_663 = tpu.vector_load %arg17[%swap3A_661, %swap3A_662] {strides = array<i32>} : memref<128x128xf32, #tpu.memory_space<vmem>>, vector<1x16xf32>,
          %swap3A_664 = vector.shape_cast %swap3A_663 : vector<1x16xf32> to vector<16xf32>
          %swap3A_665 = vector.shape_cast %max3A_660 : vector<16xf32> to vector<1x16xf32>
          tpu.vector_store %arg17[%swap3A_661, %swap3A_662], %swap3A_665 {strides = array<i32>} : memref<128x128xf32, #tpu.memory_space<vmem>>, vector<1x16xf32>,
          %swap3A_666 = arith.index_cast %add3A_637 : i32 to index
          %swap3A_667 = arith.constant 16 : index
          %swap3A_668 = tpu.vector_load %arg15[%swap3A_666, %swap3A_667] {strides = array<i32>} : memref<128x128xf32, #tpu.memory_space<vmem>>, vector<1x16xf32>,
          %swap3A_669 = vector.shape_cast %swap3A_668 : vector<1x16xf32> to vector<16xf32>
          %swap3A_670 = vector.shape_cast %broadcast_in_dim3A_9 : vector<16xf32> to vector<1x16xf32>
          tpu.vector_store %arg15[%swap3A_666, %swap3A_667], %swap3A_670 {strides = array<i32>} : memref<128x128xf32, #tpu.memory_space<vmem>>, vector<1x16xf32>,
          %get3A_671 = arith.index_cast %add3A_637 : i32 to index
          %get3A_672 = arith.constant 32 : index
          %get3A_673 = tpu.vector_load %arg15[%get3A_671, %get3A_672] {strides = array<i32>} : memref<128x128xf32, #tpu.memory_space<vmem>>, vector<1x16xf32>,
          %get3A_674 = vector.shape_cast %get3A_673 : vector<1x16xf32> to vector<16xf32>
          %max3A_675 = arith.constant 0.000000e+00 : f32
          %max3A_676 = vector.broadcast %max3A_675 : f32 to vector<16xf32>
          %max3A_677 = arith.maximumf %get3A_674, %max3A_676 : vector<16xf32>
          %swap3A_678 = arith.index_cast %add3A_637 : i32 to index
          %swap3A_679 = arith.constant 32 : index
          %swap3A_680 = tpu.vector_load %arg17[%swap3A_678, %swap3A_679] {strides = array<i32>} : memref<128x128xf32, #tpu.memory_space<vmem>>, vector<1x16xf32>,
          %swap3A_681 = vector.shape_cast %swap3A_680 : vector<1x16xf32> to vector<16xf32>
          %swap3A_682 = vector.shape_cast %max3A_677 : vector<16xf32> to vector<1x16xf32>
          tpu.vector_store %arg17[%swap3A_678, %swap3A_679], %swap3A_682 {strides = array<i32>} : memref<128x128xf32, #tpu.memory_space<vmem>>, vector<1x16xf32>,
          %swap3A_683 = arith.index_cast %add3A_637 : i32 to index
          %swap3A_684 = arith.constant 32 : index
          %swap3A_685 = tpu.vector_load %arg15[%swap3A_683, %swap3A_684] {strides = array<i32>} : memref<128x128xf32, #tpu.memory_space<vmem>>, vector<1x16xf32>,
          %swap3A_686 = vector.shape_cast %swap3A_685 : vector<1x16xf32> to vector<16xf32>
          %swap3A_687 = vector.shape_cast %broadcast_in_dim3A_9 : vector<16xf32> to vector<1x16xf32>
          tpu.vector_store %arg15[%swap3A_683, %swap3A_684], %swap3A_687 {strides = array<i32>} : memref<128x128xf32, #tpu.memory_space<vmem>>, vector<1x16xf32>,
          %get3A_688 = arith.index_cast %add3A_637 : i32 to index
          %get3A_689 = arith.constant 48 : index
          %get3A_690 = tpu.vector_load %arg15[%get3A_688, %get3A_689] {strides = array<i32>} : memref<128x128xf32, #tpu.memory_space<vmem>>, vector<1x16xf32>,
          %get3A_691 = vector.shape_cast %get3A_690 : vector<1x16xf32> to vector<16xf32>
          %max3A_692 = arith.constant 0.000000e+00 : f32
          %max3A_693 = vector.broadcast %max3A_692 : f32 to vector<16xf32>
          %max3A_694 = arith.maximumf %get3A_691, %max3A_693 : vector<16xf32>
          %swap3A_695 = arith.index_cast %add3A_637 : i32 to index
          %swap3A_696 = arith.constant 48 : index
          %swap3A_697 = tpu.vector_load %arg17[%swap3A_695, %swap3A_696] {strides = array<i32>} : memref<128x128xf32, #tpu.memory_space<vmem>>, vector<1x16xf32>,
          %swap3A_698 = vector.shape_cast %swap3A_697 : vector<1x16xf32> to vector<16xf32>
          %swap3A_699 = vector.shape_cast %max3A_694 : vector<16xf32> to vector<1x16xf32>
          tpu.vector_store %arg17[%swap3A_695, %swap3A_696], %swap3A_699 {strides = array<i32>} : memref<128x128xf32, #tpu.memory_space<vmem>>, vector<1x16xf32>,
          %swap3A_700 = arith.index_cast %add3A_637 : i32 to index
          %swap3A_701 = arith.constant 48 : index
          %swap3A_702 = tpu.vector_load %arg15[%swap3A_700, %swap3A_701] {strides = array<i32>} : memref<128x128xf32, #tpu.memory_space<vmem>>, vector<1x16xf32>,
          %swap3A_703 = vector.shape_cast %swap3A_702 : vector<1x16xf32> to vector<16xf32>
          %swap3A_704 = vector.shape_cast %broadcast_in_dim3A_9 : vector<16xf32> to vector<1x16xf32>
          tpu.vector_store %arg15[%swap3A_700, %swap3A_701], %swap3A_704 {strides = array<i32>} : memref<128x128xf32, #tpu.memory_space<vmem>>, vector<1x16xf32>,
          %get3A_705 = arith.index_cast %add3A_637 : i32 to index
          %get3A_706 = arith.constant 64 : index
          %get3A_707 = tpu.vector_load %arg15[%get3A_705, %get3A_706] {strides = array<i32>} : memref<128x128xf32, #tpu.memory_space<vmem>>, vector<1x16xf32>,
          %get3A_708 = vector.shape_cast %get3A_707 : vector<1x16xf32> to vector<16xf32>
          %max3A_709 = arith.constant 0.000000e+00 : f32
          %max3A_710 = vector.broadcast %max3A_709 : f32 to vector<16xf32>
          %max3A_711 = arith.maximumf %get3A_708, %max3A_710 : vector<16xf32>
          %swap3A_712 = arith.index_cast %add3A_637 : i32 to index
          %swap3A_713 = arith.constant 64 : index
          %swap3A_714 = tpu.vector_load %arg17[%swap3A_712, %swap3A_713] {strides = array<i32>} : memref<128x128xf32, #tpu.memory_space<vmem>>, vector<1x16xf32>,
          %swap3A_715 = vector.shape_cast %swap3A_714 : vector<1x16xf32> to vector<16xf32>
          %swap3A_716 = vector.shape_cast %max3A_711 : vector<16xf32> to vector<1x16xf32>
          tpu.vector_store %arg17[%swap3A_712, %swap3A_713], %swap3A_716 {strides = array<i32>} : memref<128x128xf32, #tpu.memory_space<vmem>>, vector<1x16xf32>,
          %swap3A_717 = arith.index_cast %add3A_637 : i32 to index
          %swap3A_718 = arith.constant 64 : index
          %swap3A_719 = tpu.vector_load %arg15[%swap3A_717, %swap3A_718] {strides = array<i32>} : memref<128x128xf32, #tpu.memory_space<vmem>>, vector<1x16xf32>,
          %swap3A_720 = vector.shape_cast %swap3A_719 : vector<1x16xf32> to vector<16xf32>
          %swap3A_721 = vector.shape_cast %broadcast_in_dim3A_9 : vector<16xf32> to vector<1x16xf32>
          tpu.vector_store %arg15[%swap3A_717, %swap3A_718], %swap3A_721 {strides = array<i32>} : memref<128x128xf32, #tpu.memory_space<vmem>>, vector<1x16xf32>,
          %get3A_722 = arith.index_cast %add3A_637 : i32 to index
          %get3A_723 = arith.constant 80 : index
          %get3A_724 = tpu.vector_load %arg15[%get3A_722, %get3A_723] {strides = array<i32>} : memref<128x128xf32, #tpu.memory_space<vmem>>, vector<1x16xf32>,
          %get3A_725 = vector.shape_cast %get3A_724 : vector<1x16xf32> to vector<16xf32>
          %max3A_726 = arith.constant 0.000000e+00 : f32
          %max3A_727 = vector.broadcast %max3A_726 : f32 to vector<16xf32>
          %max3A_728 = arith.maximumf %get3A_725, %max3A_727 : vector<16xf32>
          %swap3A_729 = arith.index_cast %add3A_637 : i32 to index
          %swap3A_730 = arith.constant 80 : index
          %swap3A_731 = tpu.vector_load %arg17[%swap3A_729, %swap3A_730] {strides = array<i32>} : memref<128x128xf32, #tpu.memory_space<vmem>>, vector<1x16xf32>,
          %swap3A_732 = vector.shape_cast %swap3A_731 : vector<1x16xf32> to vector<16xf32>
          %swap3A_733 = vector.shape_cast %max3A_728 : vector<16xf32> to vector<1x16xf32>
          tpu.vector_store %arg17[%swap3A_729, %swap3A_730], %swap3A_733 {strides = array<i32>} : memref<128x128xf32, #tpu.memory_space<vmem>>, vector<1x16xf32>,
          %swap3A_734 = arith.index_cast %add3A_637 : i32 to index
          %swap3A_735 = arith.constant 80 : index
          %swap3A_736 = tpu.vector_load %arg15[%swap3A_734, %swap3A_735] {strides = array<i32>} : memref<128x128xf32, #tpu.memory_space<vmem>>, vector<1x16xf32>,
          %swap3A_737 = vector.shape_cast %swap3A_736 : vector<1x16xf32> to vector<16xf32>
          %swap3A_738 = vector.shape_cast %broadcast_in_dim3A_9 : vector<16xf32> to vector<1x16xf32>
          tpu.vector_store %arg15[%swap3A_734, %swap3A_735], %swap3A_738 {strides = array<i32>} : memref<128x128xf32, #tpu.memory_space<vmem>>, vector<1x16xf32>,
          %get3A_739 = arith.index_cast %add3A_637 : i32 to index
          %get3A_740 = arith.constant 96 : index
          %get3A_741 = tpu.vector_load %arg15[%get3A_739, %get3A_740] {strides = array<i32>} : memref<128x128xf32, #tpu.memory_space<vmem>>, vector<1x16xf32>,
          %get3A_742 = vector.shape_cast %get3A_741 : vector<1x16xf32> to vector<16xf32>
          %max3A_743 = arith.constant 0.000000e+00 : f32
          %max3A_744 = vector.broadcast %max3A_743 : f32 to vector<16xf32>
          %max3A_745 = arith.maximumf %get3A_742, %max3A_744 : vector<16xf32>
          %swap3A_746 = arith.index_cast %add3A_637 : i32 to index
          %swap3A_747 = arith.constant 96 : index
          %swap3A_748 = tpu.vector_load %arg17[%swap3A_746, %swap3A_747] {strides = array<i32>} : memref<128x128xf32, #tpu.memory_space<vmem>>, vector<1x16xf32>,
          %swap3A_749 = vector.shape_cast %swap3A_748 : vector<1x16xf32> to vector<16xf32>
          %swap3A_750 = vector.shape_cast %max3A_745 : vector<16xf32> to vector<1x16xf32>
          tpu.vector_store %arg17[%swap3A_746, %swap3A_747], %swap3A_750 {strides = array<i32>} : memref<128x128xf32, #tpu.memory_space<vmem>>, vector<1x16xf32>,
          %swap3A_751 = arith.index_cast %add3A_637 : i32 to index
          %swap3A_752 = arith.constant 96 : index
          %swap3A_753 = tpu.vector_load %arg15[%swap3A_751, %swap3A_752] {strides = array<i32>} : memref<128x128xf32, #tpu.memory_space<vmem>>, vector<1x16xf32>,
          %swap3A_754 = vector.shape_cast %swap3A_753 : vector<1x16xf32> to vector<16xf32>
          %swap3A_755 = vector.shape_cast %broadcast_in_dim3A_9 : vector<16xf32> to vector<1x16xf32>
          tpu.vector_store %arg15[%swap3A_751, %swap3A_752], %swap3A_755 {strides = array<i32>} : memref<128x128xf32, #tpu.memory_space<vmem>>, vector<1x16xf32>,
          %get3A_756 = arith.index_cast %add3A_637 : i32 to index
          %get3A_757 = arith.constant 112 : index
          %get3A_758 = tpu.vector_load %arg15[%get3A_756, %get3A_757] {strides = array<i32>} : memref<128x128xf32, #tpu.memory_space<vmem>>, vector<1x16xf32>,
          %get3A_759 = vector.shape_cast %get3A_758 : vector<1x16xf32> to vector<16xf32>
          %max3A_760 = arith.constant 0.000000e+00 : f32
          %max3A_761 = vector.broadcast %max3A_760 : f32 to vector<16xf32>
          %max3A_762 = arith.maximumf %get3A_759, %max3A_761 : vector<16xf32>
          %swap3A_763 = arith.index_cast %add3A_637 : i32 to index
          %swap3A_764 = arith.constant 112 : index
          %swap3A_765 = tpu.vector_load %arg17[%swap3A_763, %swap3A_764] {strides = array<i32>} : memref<128x128xf32, #tpu.memory_space<vmem>>, vector<1x16xf32>,
          %swap3A_766 = vector.shape_cast %swap3A_765 : vector<1x16xf32> to vector<16xf32>
          %swap3A_767 = vector.shape_cast %max3A_762 : vector<16xf32> to vector<1x16xf32>
          tpu.vector_store %arg17[%swap3A_763, %swap3A_764], %swap3A_767 {strides = array<i32>} : memref<128x128xf32, #tpu.memory_space<vmem>>, vector<1x16xf32>,
          %swap3A_768 = arith.index_cast %add3A_637 : i32 to index
          %swap3A_769 = arith.constant 112 : index
          %swap3A_770 = tpu.vector_load %arg15[%swap3A_768, %swap3A_769] {strides = array<i32>} : memref<128x128xf32, #tpu.memory_space<vmem>>, vector<1x16xf32>,
          %swap3A_771 = vector.shape_cast %swap3A_770 : vector<1x16xf32> to vector<16xf32>
          %swap3A_772 = vector.shape_cast %broadcast_in_dim3A_9 : vector<16xf32> to vector<1x16xf32>
          tpu.vector_store %arg15[%swap3A_768, %swap3A_769], %swap3A_772 {strides = array<i32>} : memref<128x128xf32, #tpu.memory_space<vmem>>, vector<1x16xf32>,
          %mul3A_773 = arith.constant 4 : i32
          %mul3A_774 = arith.muli %scan3A_632, %mul3A_773 : i32
          %add3A_775 = arith.constant 1 : i32
          %add3A_776 = arith.addi %mul3A_774, %add3A_775 : i32
          %get3A_777 = arith.index_cast %add3A_776 : i32 to index
          %get3A_778 = arith.constant 0 : index
          %get3A_779 = tpu.vector_load %arg15[%get3A_777, %get3A_778] {strides = array<i32>} : memref<128x128xf32, #tpu.memory_space<vmem>>, vector<1x16xf32>,
          %get3A_780 = vector.shape_cast %get3A_779 : vector<1x16xf32> to vector<16xf32>
          %max3A_781 = arith.constant 0.000000e+00 : f32
          %max3A_782 = vector.broadcast %max3A_781 : f32 to vector<16xf32>
          %max3A_783 = arith.maximumf %get3A_780, %max3A_782 : vector<16xf32>
          %swap3A_784 = arith.index_cast %add3A_776 : i32 to index
          %swap3A_785 = arith.constant 0 : index
          %swap3A_786 = tpu.vector_load %arg17[%swap3A_784, %swap3A_785] {strides = array<i32>} : memref<128x128xf32, #tpu.memory_space<vmem>>, vector<1x16xf32>,
          %swap3A_787 = vector.shape_cast %swap3A_786 : vector<1x16xf32> to vector<16xf32>
          %swap3A_788 = vector.shape_cast %max3A_783 : vector<16xf32> to vector<1x16xf32>
          tpu.vector_store %arg17[%swap3A_784, %swap3A_785], %swap3A_788 {strides = array<i32>} : memref<128x128xf32, #tpu.memory_space<vmem>>, vector<1x16xf32>,
          %swap3A_789 = arith.index_cast %add3A_776 : i32 to index
          %swap3A_790 = arith.constant 0 : index
          %swap3A_791 = tpu.vector_load %arg15[%swap3A_789, %swap3A_790] {strides = array<i32>} : memref<128x128xf32, #tpu.memory_space<vmem>>, vector<1x16xf32>,
          %swap3A_792 = vector.shape_cast %swap3A_791 : vector<1x16xf32> to vector<16xf32>
          %swap3A_793 = vector.shape_cast %broadcast_in_dim3A_9 : vector<16xf32> to vector<1x16xf32>
          tpu.vector_store %arg15[%swap3A_789, %swap3A_790], %swap3A_793 {strides = array<i32>} : memref<128x128xf32, #tpu.memory_space<vmem>>, vector<1x16xf32>,
          %get3A_794 = arith.index_cast %add3A_776 : i32 to index
          %get3A_795 = arith.constant 16 : index
          %get3A_796 = tpu.vector_load %arg15[%get3A_794, %get3A_795] {strides = array<i32>} : memref<128x128xf32, #tpu.memory_space<vmem>>, vector<1x16xf32>,
          %get3A_797 = vector.shape_cast %get3A_796 : vector<1x16xf32> to vector<16xf32>
          %max3A_798 = arith.constant 0.000000e+00 : f32
          %max3A_799 = vector.broadcast %max3A_798 : f32 to vector<16xf32>
          %max3A_800 = arith.maximumf %get3A_797, %max3A_799 : vector<16xf32>
          %swap3A_801 = arith.index_cast %add3A_776 : i32 to index
          %swap3A_802 = arith.constant 16 : index
          %swap3A_803 = tpu.vector_load %arg17[%swap3A_801, %swap3A_802] {strides = array<i32>} : memref<128x128xf32, #tpu.memory_space<vmem>>, vector<1x16xf32>,
          %swap3A_804 = vector.shape_cast %swap3A_803 : vector<1x16xf32> to vector<16xf32>
          %swap3A_805 = vector.shape_cast %max3A_800 : vector<16xf32> to vector<1x16xf32>
          tpu.vector_store %arg17[%swap3A_801, %swap3A_802], %swap3A_805 {strides = array<i32>} : memref<128x128xf32, #tpu.memory_space<vmem>>, vector<1x16xf32>,
          %swap3A_806 = arith.index_cast %add3A_776 : i32 to index
          %swap3A_807 = arith.constant 16 : index
          %swap3A_808 = tpu.vector_load %arg15[%swap3A_806, %swap3A_807] {strides = array<i32>} : memref<128x128xf32, #tpu.memory_space<vmem>>, vector<1x16xf32>,
          %swap3A_809 = vector.shape_cast %swap3A_808 : vector<1x16xf32> to vector<16xf32>
          %swap3A_810 = vector.shape_cast %broadcast_in_dim3A_9 : vector<16xf32> to vector<1x16xf32>
          tpu.vector_store %arg15[%swap3A_806, %swap3A_807], %swap3A_810 {strides = array<i32>} : memref<128x128xf32, #tpu.memory_space<vmem>>, vector<1x16xf32>,
          %get3A_811 = arith.index_cast %add3A_776 : i32 to index
          %get3A_812 = arith.constant 32 : index
          %get3A_813 = tpu.vector_load %arg15[%get3A_811, %get3A_812] {strides = array<i32>} : memref<128x128xf32, #tpu.memory_space<vmem>>, vector<1x16xf32>,
          %get3A_814 = vector.shape_cast %get3A_813 : vector<1x16xf32> to vector<16xf32>
          %max3A_815 = arith.constant 0.000000e+00 : f32
          %max3A_816 = vector.broadcast %max3A_815 : f32 to vector<16xf32>
          %max3A_817 = arith.maximumf %get3A_814, %max3A_816 : vector<16xf32>
          %swap3A_818 = arith.index_cast %add3A_776 : i32 to index
          %swap3A_819 = arith.constant 32 : index
          %swap3A_820 = tpu.vector_load %arg17[%swap3A_818, %swap3A_819] {strides = array<i32>} : memref<128x128xf32, #tpu.memory_space<vmem>>, vector<1x16xf32>,
          %swap3A_821 = vector.shape_cast %swap3A_820 : vector<1x16xf32> to vector<16xf32>
          %swap3A_822 = vector.shape_cast %max3A_817 : vector<16xf32> to vector<1x16xf32>
          tpu.vector_store %arg17[%swap3A_818, %swap3A_819], %swap3A_822 {strides = array<i32>} : memref<128x128xf32, #tpu.memory_space<vmem>>, vector<1x16xf32>,
          %swap3A_823 = arith.index_cast %add3A_776 : i32 to index
          %swap3A_824 = arith.constant 32 : index
          %swap3A_825 = tpu.vector_load %arg15[%swap3A_823, %swap3A_824] {strides = array<i32>} : memref<128x128xf32, #tpu.memory_space<vmem>>, vector<1x16xf32>,
          %swap3A_826 = vector.shape_cast %swap3A_825 : vector<1x16xf32> to vector<16xf32>
          %swap3A_827 = vector.shape_cast %broadcast_in_dim3A_9 : vector<16xf32> to vector<1x16xf32>
          tpu.vector_store %arg15[%swap3A_823, %swap3A_824], %swap3A_827 {strides = array<i32>} : memref<128x128xf32, #tpu.memory_space<vmem>>, vector<1x16xf32>,
          %get3A_828 = arith.index_cast %add3A_776 : i32 to index
          %get3A_829 = arith.constant 48 : index
          %get3A_830 = tpu.vector_load %arg15[%get3A_828, %get3A_829] {strides = array<i32>} : memref<128x128xf32, #tpu.memory_space<vmem>>, vector<1x16xf32>,
          %get3A_831 = vector.shape_cast %get3A_830 : vector<1x16xf32> to vector<16xf32>
          %max3A_832 = arith.constant 0.000000e+00 : f32
          %max3A_833 = vector.broadcast %max3A_832 : f32 to vector<16xf32>
          %max3A_834 = arith.maximumf %get3A_831, %max3A_833 : vector<16xf32>
          %swap3A_835 = arith.index_cast %add3A_776 : i32 to index
          %swap3A_836 = arith.constant 48 : index
          %swap3A_837 = tpu.vector_load %arg17[%swap3A_835, %swap3A_836] {strides = array<i32>} : memref<128x128xf32, #tpu.memory_space<vmem>>, vector<1x16xf32>,
          %swap3A_838 = vector.shape_cast %swap3A_837 : vector<1x16xf32> to vector<16xf32>
          %swap3A_839 = vector.shape_cast %max3A_834 : vector<16xf32> to vector<1x16xf32>
          tpu.vector_store %arg17[%swap3A_835, %swap3A_836], %swap3A_839 {strides = array<i32>} : memref<128x128xf32, #tpu.memory_space<vmem>>, vector<1x16xf32>,
          %swap3A_840 = arith.index_cast %add3A_776 : i32 to index
          %swap3A_841 = arith.constant 48 : index
          %swap3A_842 = tpu.vector_load %arg15[%swap3A_840, %swap3A_841] {strides = array<i32>} : memref<128x128xf32, #tpu.memory_space<vmem>>, vector<1x16xf32>,
          %swap3A_843 = vector.shape_cast %swap3A_842 : vector<1x16xf32> to vector<16xf32>
          %swap3A_844 = vector.shape_cast %broadcast_in_dim3A_9 : vector<16xf32> to vector<1x16xf32>
          tpu.vector_store %arg15[%swap3A_840, %swap3A_841], %swap3A_844 {strides = array<i32>} : memref<128x128xf32, #tpu.memory_space<vmem>>, vector<1x16xf32>,
          %get3A_845 = arith.index_cast %add3A_776 : i32 to index
          %get3A_846 = arith.constant 64 : index
          %get3A_847 = tpu.vector_load %arg15[%get3A_845, %get3A_846] {strides = array<i32>} : memref<128x128xf32, #tpu.memory_space<vmem>>, vector<1x16xf32>,
          %get3A_848 = vector.shape_cast %get3A_847 : vector<1x16xf32> to vector<16xf32>
          %max3A_849 = arith.constant 0.000000e+00 : f32
          %max3A_850 = vector.broadcast %max3A_849 : f32 to vector<16xf32>
          %max3A_851 = arith.maximumf %get3A_848, %max3A_850 : vector<16xf32>
          %swap3A_852 = arith.index_cast %add3A_776 : i32 to index
          %swap3A_853 = arith.constant 64 : index
          %swap3A_854 = tpu.vector_load %arg17[%swap3A_852, %swap3A_853] {strides = array<i32>} : memref<128x128xf32, #tpu.memory_space<vmem>>, vector<1x16xf32>,
          %swap3A_855 = vector.shape_cast %swap3A_854 : vector<1x16xf32> to vector<16xf32>
          %swap3A_856 = vector.shape_cast %max3A_851 : vector<16xf32> to vector<1x16xf32>
          tpu.vector_store %arg17[%swap3A_852, %swap3A_853], %swap3A_856 {strides = array<i32>} : memref<128x128xf32, #tpu.memory_space<vmem>>, vector<1x16xf32>,
          %swap3A_857 = arith.index_cast %add3A_776 : i32 to index
          %swap3A_858 = arith.constant 64 : index
          %swap3A_859 = tpu.vector_load %arg15[%swap3A_857, %swap3A_858] {strides = array<i32>} : memref<128x128xf32, #tpu.memory_space<vmem>>, vector<1x16xf32>,
          %swap3A_860 = vector.shape_cast %swap3A_859 : vector<1x16xf32> to vector<16xf32>
          %swap3A_861 = vector.shape_cast %broadcast_in_dim3A_9 : vector<16xf32> to vector<1x16xf32>
          tpu.vector_store %arg15[%swap3A_857, %swap3A_858], %swap3A_861 {strides = array<i32>} : memref<128x128xf32, #tpu.memory_space<vmem>>, vector<1x16xf32>,
          %get3A_862 = arith.index_cast %add3A_776 : i32 to index
          %get3A_863 = arith.constant 80 : index
          %get3A_864 = tpu.vector_load %arg15[%get3A_862, %get3A_863] {strides = array<i32>} : memref<128x128xf32, #tpu.memory_space<vmem>>, vector<1x16xf32>,
          %get3A_865 = vector.shape_cast %get3A_864 : vector<1x16xf32> to vector<16xf32>
          %max3A_866 = arith.constant 0.000000e+00 : f32
          %max3A_867 = vector.broadcast %max3A_866 : f32 to vector<16xf32>
          %max3A_868 = arith.maximumf %get3A_865, %max3A_867 : vector<16xf32>
          %swap3A_869 = arith.index_cast %add3A_776 : i32 to index
          %swap3A_870 = arith.constant 80 : index
          %swap3A_871 = tpu.vector_load %arg17[%swap3A_869, %swap3A_870] {strides = array<i32>} : memref<128x128xf32, #tpu.memory_space<vmem>>, vector<1x16xf32>,
          %swap3A_872 = vector.shape_cast %swap3A_871 : vector<1x16xf32> to vector<16xf32>
          %swap3A_873 = vector.shape_cast %max3A_868 : vector<16xf32> to vector<1x16xf32>
          tpu.vector_store %arg17[%swap3A_869, %swap3A_870], %swap3A_873 {strides = array<i32>} : memref<128x128xf32, #tpu.memory_space<vmem>>, vector<1x16xf32>,
          %swap3A_874 = arith.index_cast %add3A_776 : i32 to index
          %swap3A_875 = arith.constant 80 : index
          %swap3A_876 = tpu.vector_load %arg15[%swap3A_874, %swap3A_875] {strides = array<i32>} : memref<128x128xf32, #tpu.memory_space<vmem>>, vector<1x16xf32>,
          %swap3A_877 = vector.shape_cast %swap3A_876 : vector<1x16xf32> to vector<16xf32>
          %swap3A_878 = vector.shape_cast %broadcast_in_dim3A_9 : vector<16xf32> to vector<1x16xf32>
          tpu.vector_store %arg15[%swap3A_874, %swap3A_875], %swap3A_878 {strides = array<i32>} : memref<128x128xf32, #tpu.memory_space<vmem>>, vector<1x16xf32>,
          %get3A_879 = arith.index_cast %add3A_776 : i32 to index
          %get3A_880 = arith.constant 96 : index
          %get3A_881 = tpu.vector_load %arg15[%get3A_879, %get3A_880] {strides = array<i32>} : memref<128x128xf32, #tpu.memory_space<vmem>>, vector<1x16xf32>,
          %get3A_882 = vector.shape_cast %get3A_881 : vector<1x16xf32> to vector<16xf32>
          %max3A_883 = arith.constant 0.000000e+00 : f32
          %max3A_884 = vector.broadcast %max3A_883 : f32 to vector<16xf32>
          %max3A_885 = arith.maximumf %get3A_882, %max3A_884 : vector<16xf32>
          %swap3A_886 = arith.index_cast %add3A_776 : i32 to index
          %swap3A_887 = arith.constant 96 : index
          %swap3A_888 = tpu.vector_load %arg17[%swap3A_886, %swap3A_887] {strides = array<i32>} : memref<128x128xf32, #tpu.memory_space<vmem>>, vector<1x16xf32>,
          %swap3A_889 = vector.shape_cast %swap3A_888 : vector<1x16xf32> to vector<16xf32>
          %swap3A_890 = vector.shape_cast %max3A_885 : vector<16xf32> to vector<1x16xf32>
          tpu.vector_store %arg17[%swap3A_886, %swap3A_887], %swap3A_890 {strides = array<i32>} : memref<128x128xf32, #tpu.memory_space<vmem>>, vector<1x16xf32>,
          %swap3A_891 = arith.index_cast %add3A_776 : i32 to index
          %swap3A_892 = arith.constant 96 : index
          %swap3A_893 = tpu.vector_load %arg15[%swap3A_891, %swap3A_892] {strides = array<i32>} : memref<128x128xf32, #tpu.memory_space<vmem>>, vector<1x16xf32>,
          %swap3A_894 = vector.shape_cast %swap3A_893 : vector<1x16xf32> to vector<16xf32>
          %swap3A_895 = vector.shape_cast %broadcast_in_dim3A_9 : vector<16xf32> to vector<1x16xf32>
          tpu.vector_store %arg15[%swap3A_891, %swap3A_892], %swap3A_895 {strides = array<i32>} : memref<128x128xf32, #tpu.memory_space<vmem>>, vector<1x16xf32>,
          %get3A_896 = arith.index_cast %add3A_776 : i32 to index
          %get3A_897 = arith.constant 112 : index
          %get3A_898 = tpu.vector_load %arg15[%get3A_896, %get3A_897] {strides = array<i32>} : memref<128x128xf32, #tpu.memory_space<vmem>>, vector<1x16xf32>,
          %get3A_899 = vector.shape_cast %get3A_898 : vector<1x16xf32> to vector<16xf32>
          %max3A_900 = arith.constant 0.000000e+00 : f32
          %max3A_901 = vector.broadcast %max3A_900 : f32 to vector<16xf32>
          %max3A_902 = arith.maximumf %get3A_899, %max3A_901 : vector<16xf32>
          %swap3A_903 = arith.index_cast %add3A_776 : i32 to index
          %swap3A_904 = arith.constant 112 : index
          %swap3A_905 = tpu.vector_load %arg17[%swap3A_903, %swap3A_904] {strides = array<i32>} : memref<128x128xf32, #tpu.memory_space<vmem>>, vector<1x16xf32>,
          %swap3A_906 = vector.shape_cast %swap3A_905 : vector<1x16xf32> to vector<16xf32>
          %swap3A_907 = vector.shape_cast %max3A_902 : vector<16xf32> to vector<1x16xf32>
          tpu.vector_store %arg17[%swap3A_903, %swap3A_904], %swap3A_907 {strides = array<i32>} : memref<128x128xf32, #tpu.memory_space<vmem>>, vector<1x16xf32>,
          %swap3A_908 = arith.index_cast %add3A_776 : i32 to index
          %swap3A_909 = arith.constant 112 : index
          %swap3A_910 = tpu.vector_load %arg15[%swap3A_908, %swap3A_909] {strides = array<i32>} : memref<128x128xf32, #tpu.memory_space<vmem>>, vector<1x16xf32>,
          %swap3A_911 = vector.shape_cast %swap3A_910 : vector<1x16xf32> to vector<16xf32>
          %swap3A_912 = vector.shape_cast %broadcast_in_dim3A_9 : vector<16xf32> to vector<1x16xf32>
          tpu.vector_store %arg15[%swap3A_908, %swap3A_909], %swap3A_912 {strides = array<i32>} : memref<128x128xf32, #tpu.memory_space<vmem>>, vector<1x16xf32>,
          %mul3A_913 = arith.constant 4 : i32
          %mul3A_914 = arith.muli %scan3A_632, %mul3A_913 : i32
          %add3A_915 = arith.constant 2 : i32
          %add3A_916 = arith.addi %mul3A_914, %add3A_915 : i32
          %get3A_917 = arith.index_cast %add3A_916 : i32 to index
          %get3A_918 = arith.constant 0 : index
          %get3A_919 = tpu.vector_load %arg15[%get3A_917, %get3A_918] {strides = array<i32>} : memref<128x128xf32, #tpu.memory_space<vmem>>, vector<1x16xf32>,
          %get3A_920 = vector.shape_cast %get3A_919 : vector<1x16xf32> to vector<16xf32>
          %max3A_921 = arith.constant 0.000000e+00 : f32
          %max3A_922 = vector.broadcast %max3A_921 : f32 to vector<16xf32>
          %max3A_923 = arith.maximumf %get3A_920, %max3A_922 : vector<16xf32>
          %swap3A_924 = arith.index_cast %add3A_916 : i32 to index
          %swap3A_925 = arith.constant 0 : index
          %swap3A_926 = tpu.vector_load %arg17[%swap3A_924, %swap3A_925] {strides = array<i32>} : memref<128x128xf32, #tpu.memory_space<vmem>>, vector<1x16xf32>,
          %swap3A_927 = vector.shape_cast %swap3A_926 : vector<1x16xf32> to vector<16xf32>
          %swap3A_928 = vector.shape_cast %max3A_923 : vector<16xf32> to vector<1x16xf32>
          tpu.vector_store %arg17[%swap3A_924, %swap3A_925], %swap3A_928 {strides = array<i32>} : memref<128x128xf32, #tpu.memory_space<vmem>>, vector<1x16xf32>,
          %swap3A_929 = arith.index_cast %add3A_916 : i32 to index
          %swap3A_930 = arith.constant 0 : index
          %swap3A_931 = tpu.vector_load %arg15[%swap3A_929, %swap3A_930] {strides = array<i32>} : memref<128x128xf32, #tpu.memory_space<vmem>>, vector<1x16xf32>,
          %swap3A_932 = vector.shape_cast %swap3A_931 : vector<1x16xf32> to vector<16xf32>
          %swap3A_933 = vector.shape_cast %broadcast_in_dim3A_9 : vector<16xf32> to vector<1x16xf32>
          tpu.vector_store %arg15[%swap3A_929, %swap3A_930], %swap3A_933 {strides = array<i32>} : memref<128x128xf32, #tpu.memory_space<vmem>>, vector<1x16xf32>,
          %get3A_934 = arith.index_cast %add3A_916 : i32 to index
          %get3A_935 = arith.constant 16 : index
          %get3A_936 = tpu.vector_load %arg15[%get3A_934, %get3A_935] {strides = array<i32>} : memref<128x128xf32, #tpu.memory_space<vmem>>, vector<1x16xf32>,
          %get3A_937 = vector.shape_cast %get3A_936 : vector<1x16xf32> to vector<16xf32>
          %max3A_938 = arith.constant 0.000000e+00 : f32
          %max3A_939 = vector.broadcast %max3A_938 : f32 to vector<16xf32>
          %max3A_940 = arith.maximumf %get3A_937, %max3A_939 : vector<16xf32>
          %swap3A_941 = arith.index_cast %add3A_916 : i32 to index
          %swap3A_942 = arith.constant 16 : index
          %swap3A_943 = tpu.vector_load %arg17[%swap3A_941, %swap3A_942] {strides = array<i32>} : memref<128x128xf32, #tpu.memory_space<vmem>>, vector<1x16xf32>,
          %swap3A_944 = vector.shape_cast %swap3A_943 : vector<1x16xf32> to vector<16xf32>
          %swap3A_945 = vector.shape_cast %max3A_940 : vector<16xf32> to vector<1x16xf32>
          tpu.vector_store %arg17[%swap3A_941, %swap3A_942], %swap3A_945 {strides = array<i32>} : memref<128x128xf32, #tpu.memory_space<vmem>>, vector<1x16xf32>,
          %swap3A_946 = arith.index_cast %add3A_916 : i32 to index
          %swap3A_947 = arith.constant 16 : index
          %swap3A_948 = tpu.vector_load %arg15[%swap3A_946, %swap3A_947] {strides = array<i32>} : memref<128x128xf32, #tpu.memory_space<vmem>>, vector<1x16xf32>,
          %swap3A_949 = vector.shape_cast %swap3A_948 : vector<1x16xf32> to vector<16xf32>
          %swap3A_950 = vector.shape_cast %broadcast_in_dim3A_9 : vector<16xf32> to vector<1x16xf32>
          tpu.vector_store %arg15[%swap3A_946, %swap3A_947], %swap3A_950 {strides = array<i32>} : memref<128x128xf32, #tpu.memory_space<vmem>>, vector<1x16xf32>,
          %get3A_951 = arith.index_cast %add3A_916 : i32 to index
          %get3A_952 = arith.constant 32 : index
          %get3A_953 = tpu.vector_load %arg15[%get3A_951, %get3A_952] {strides = array<i32>} : memref<128x128xf32, #tpu.memory_space<vmem>>, vector<1x16xf32>,
          %get3A_954 = vector.shape_cast %get3A_953 : vector<1x16xf32> to vector<16xf32>
          %max3A_955 = arith.constant 0.000000e+00 : f32
          %max3A_956 = vector.broadcast %max3A_955 : f32 to vector<16xf32>
          %max3A_957 = arith.maximumf %get3A_954, %max3A_956 : vector<16xf32>
          %swap3A_958 = arith.index_cast %add3A_916 : i32 to index
          %swap3A_959 = arith.constant 32 : index
          %swap3A_960 = tpu.vector_load %arg17[%swap3A_958, %swap3A_959] {strides = array<i32>} : memref<128x128xf32, #tpu.memory_space<vmem>>, vector<1x16xf32>,
          %swap3A_961 = vector.shape_cast %swap3A_960 : vector<1x16xf32> to vector<16xf32>
          %swap3A_962 = vector.shape_cast %max3A_957 : vector<16xf32> to vector<1x16xf32>
          tpu.vector_store %arg17[%swap3A_958, %swap3A_959], %swap3A_962 {strides = array<i32>} : memref<128x128xf32, #tpu.memory_space<vmem>>, vector<1x16xf32>,
          %swap3A_963 = arith.index_cast %add3A_916 : i32 to index
          %swap3A_964 = arith.constant 32 : index
          %swap3A_965 = tpu.vector_load %arg15[%swap3A_963, %swap3A_964] {strides = array<i32>} : memref<128x128xf32, #tpu.memory_space<vmem>>, vector<1x16xf32>,
          %swap3A_966 = vector.shape_cast %swap3A_965 : vector<1x16xf32> to vector<16xf32>
          %swap3A_967 = vector.shape_cast %broadcast_in_dim3A_9 : vector<16xf32> to vector<1x16xf32>
          tpu.vector_store %arg15[%swap3A_963, %swap3A_964], %swap3A_967 {strides = array<i32>} : memref<128x128xf32, #tpu.memory_space<vmem>>, vector<1x16xf32>,
          %get3A_968 = arith.index_cast %add3A_916 : i32 to index
          %get3A_969 = arith.constant 48 : index
          %get3A_970 = tpu.vector_load %arg15[%get3A_968, %get3A_969] {strides = array<i32>} : memref<128x128xf32, #tpu.memory_space<vmem>>, vector<1x16xf32>,
          %get3A_971 = vector.shape_cast %get3A_970 : vector<1x16xf32> to vector<16xf32>
          %max3A_972 = arith.constant 0.000000e+00 : f32
          %max3A_973 = vector.broadcast %max3A_972 : f32 to vector<16xf32>
          %max3A_974 = arith.maximumf %get3A_971, %max3A_973 : vector<16xf32>
          %swap3A_975 = arith.index_cast %add3A_916 : i32 to index
          %swap3A_976 = arith.constant 48 : index
          %swap3A_977 = tpu.vector_load %arg17[%swap3A_975, %swap3A_976] {strides = array<i32>} : memref<128x128xf32, #tpu.memory_space<vmem>>, vector<1x16xf32>,
          %swap3A_978 = vector.shape_cast %swap3A_977 : vector<1x16xf32> to vector<16xf32>
          %swap3A_979 = vector.shape_cast %max3A_974 : vector<16xf32> to vector<1x16xf32>
          tpu.vector_store %arg17[%swap3A_975, %swap3A_976], %swap3A_979 {strides = array<i32>} : memref<128x128xf32, #tpu.memory_space<vmem>>, vector<1x16xf32>,
          %swap3A_980 = arith.index_cast %add3A_916 : i32 to index
          %swap3A_981 = arith.constant 48 : index
          %swap3A_982 = tpu.vector_load %arg15[%swap3A_980, %swap3A_981] {strides = array<i32>} : memref<128x128xf32, #tpu.memory_space<vmem>>, vector<1x16xf32>,
          %swap3A_983 = vector.shape_cast %swap3A_982 : vector<1x16xf32> to vector<16xf32>
          %swap3A_984 = vector.shape_cast %broadcast_in_dim3A_9 : vector<16xf32> to vector<1x16xf32>
          tpu.vector_store %arg15[%swap3A_980, %swap3A_981], %swap3A_984 {strides = array<i32>} : memref<128x128xf32, #tpu.memory_space<vmem>>, vector<1x16xf32>,
          %get3A_985 = arith.index_cast %add3A_916 : i32 to index
          %get3A_986 = arith.constant 64 : index
          %get3A_987 = tpu.vector_load %arg15[%get3A_985, %get3A_986] {strides = array<i32>} : memref<128x128xf32, #tpu.memory_space<vmem>>, vector<1x16xf32>,
          %get3A_988 = vector.shape_cast %get3A_987 : vector<1x16xf32> to vector<16xf32>
          %max3A_989 = arith.constant 0.000000e+00 : f32
          %max3A_990 = vector.broadcast %max3A_989 : f32 to vector<16xf32>
          %max3A_991 = arith.maximumf %get3A_988, %max3A_990 : vector<16xf32>
          %swap3A_992 = arith.index_cast %add3A_916 : i32 to index
          %swap3A_993 = arith.constant 64 : index
          %swap3A_994 = tpu.vector_load %arg17[%swap3A_992, %swap3A_993] {strides = array<i32>} : memref<128x128xf32, #tpu.memory_space<vmem>>, vector<1x16xf32>,
          %swap3A_995 = vector.shape_cast %swap3A_994 : vector<1x16xf32> to vector<16xf32>
          %swap3A_996 = vector.shape_cast %max3A_991 : vector<16xf32> to vector<1x16xf32>
          tpu.vector_store %arg17[%swap3A_992, %swap3A_993], %swap3A_996 {strides = array<i32>} : memref<128x128xf32, #tpu.memory_space<vmem>>, vector<1x16xf32>,
          %swap3A_997 = arith.index_cast %add3A_916 : i32 to index
          %swap3A_998 = arith.constant 64 : index
          %swap3A_999 = tpu.vector_load %arg15[%swap3A_997, %swap3A_998] {strides = array<i32>} : memref<128x128xf32, #tpu.memory_space<vmem>>, vector<1x16xf32>,
          %swap3A_1000 = vector.shape_cast %swap3A_999 : vector<1x16xf32> to vector<16xf32>
          %swap3A_1001 = vector.shape_cast %broadcast_in_dim3A_9 : vector<16xf32> to vector<1x16xf32>
          tpu.vector_store %arg15[%swap3A_997, %swap3A_998], %swap3A_1001 {strides = array<i32>} : memref<128x128xf32, #tpu.memory_space<vmem>>, vector<1x16xf32>,
          %get3A_1002 = arith.index_cast %add3A_916 : i32 to index
          %get3A_1003 = arith.constant 80 : index
          %get3A_1004 = tpu.vector_load %arg15[%get3A_1002, %get3A_1003] {strides = array<i32>} : memref<128x128xf32, #tpu.memory_space<vmem>>, vector<1x16xf32>,
          %get3A_1005 = vector.shape_cast %get3A_1004 : vector<1x16xf32> to vector<16xf32>
          %max3A_1006 = arith.constant 0.000000e+00 : f32
          %max3A_1007 = vector.broadcast %max3A_1006 : f32 to vector<16xf32>
          %max3A_1008 = arith.maximumf %get3A_1005, %max3A_1007 : vector<16xf32>
          %swap3A_1009 = arith.index_cast %add3A_916 : i32 to index
          %swap3A_1010 = arith.constant 80 : index
          %swap3A_1011 = tpu.vector_load %arg17[%swap3A_1009, %swap3A_1010] {strides = array<i32>} : memref<128x128xf32, #tpu.memory_space<vmem>>, vector<1x16xf32>,
          %swap3A_1012 = vector.shape_cast %swap3A_1011 : vector<1x16xf32> to vector<16xf32>
          %swap3A_1013 = vector.shape_cast %max3A_1008 : vector<16xf32> to vector<1x16xf32>
          tpu.vector_store %arg17[%swap3A_1009, %swap3A_1010], %swap3A_1013 {strides = array<i32>} : memref<128x128xf32, #tpu.memory_space<vmem>>, vector<1x16xf32>,
          %swap3A_1014 = arith.index_cast %add3A_916 : i32 to index
          %swap3A_1015 = arith.constant 80 : index
          %swap3A_1016 = tpu.vector_load %arg15[%swap3A_1014, %swap3A_1015] {strides = array<i32>} : memref<128x128xf32, #tpu.memory_space<vmem>>, vector<1x16xf32>,
          %swap3A_1017 = vector.shape_cast %swap3A_1016 : vector<1x16xf32> to vector<16xf32>
          %swap3A_1018 = vector.shape_cast %broadcast_in_dim3A_9 : vector<16xf32> to vector<1x16xf32>
          tpu.vector_store %arg15[%swap3A_1014, %swap3A_1015], %swap3A_1018 {strides = array<i32>} : memref<128x128xf32, #tpu.memory_space<vmem>>, vector<1x16xf32>,
          %get3A_1019 = arith.index_cast %add3A_916 : i32 to index
          %get3A_1020 = arith.constant 96 : index
          %get3A_1021 = tpu.vector_load %arg15[%get3A_1019, %get3A_1020] {strides = array<i32>} : memref<128x128xf32, #tpu.memory_space<vmem>>, vector<1x16xf32>,
          %get3A_1022 = vector.shape_cast %get3A_1021 : vector<1x16xf32> to vector<16xf32>
          %max3A_1023 = arith.constant 0.000000e+00 : f32
          %max3A_1024 = vector.broadcast %max3A_1023 : f32 to vector<16xf32>
          %max3A_1025 = arith.maximumf %get3A_1022, %max3A_1024 : vector<16xf32>
          %swap3A_1026 = arith.index_cast %add3A_916 : i32 to index
          %swap3A_1027 = arith.constant 96 : index
          %swap3A_1028 = tpu.vector_load %arg17[%swap3A_1026, %swap3A_1027] {strides = array<i32>} : memref<128x128xf32, #tpu.memory_space<vmem>>, vector<1x16xf32>,
          %swap3A_1029 = vector.shape_cast %swap3A_1028 : vector<1x16xf32> to vector<16xf32>
          %swap3A_1030 = vector.shape_cast %max3A_1025 : vector<16xf32> to vector<1x16xf32>
          tpu.vector_store %arg17[%swap3A_1026, %swap3A_1027], %swap3A_1030 {strides = array<i32>} : memref<128x128xf32, #tpu.memory_space<vmem>>, vector<1x16xf32>,
          %swap3A_1031 = arith.index_cast %add3A_916 : i32 to index
          %swap3A_1032 = arith.constant 96 : index
          %swap3A_1033 = tpu.vector_load %arg15[%swap3A_1031, %swap3A_1032] {strides = array<i32>} : memref<128x128xf32, #tpu.memory_space<vmem>>, vector<1x16xf32>,
          %swap3A_1034 = vector.shape_cast %swap3A_1033 : vector<1x16xf32> to vector<16xf32>
          %swap3A_1035 = vector.shape_cast %broadcast_in_dim3A_9 : vector<16xf32> to vector<1x16xf32>
          tpu.vector_store %arg15[%swap3A_1031, %swap3A_1032], %swap3A_1035 {strides = array<i32>} : memref<128x128xf32, #tpu.memory_space<vmem>>, vector<1x16xf32>,
          %get3A_1036 = arith.index_cast %add3A_916 : i32 to index
          %get3A_1037 = arith.constant 112 : index
          %get3A_1038 = tpu.vector_load %arg15[%get3A_1036, %get3A_1037] {strides = array<i32>} : memref<128x128xf32, #tpu.memory_space<vmem>>, vector<1x16xf32>,
          %get3A_1039 = vector.shape_cast %get3A_1038 : vector<1x16xf32> to vector<16xf32>
          %max3A_1040 = arith.constant 0.000000e+00 : f32
          %max3A_1041 = vector.broadcast %max3A_1040 : f32 to vector<16xf32>
          %max3A_1042 = arith.maximumf %get3A_1039, %max3A_1041 : vector<16xf32>
          %swap3A_1043 = arith.index_cast %add3A_916 : i32 to index
          %swap3A_1044 = arith.constant 112 : index
          %swap3A_1045 = tpu.vector_load %arg17[%swap3A_1043, %swap3A_1044] {strides = array<i32>} : memref<128x128xf32, #tpu.memory_space<vmem>>, vector<1x16xf32>,
          %swap3A_1046 = vector.shape_cast %swap3A_1045 : vector<1x16xf32> to vector<16xf32>
          %swap3A_1047 = vector.shape_cast %max3A_1042 : vector<16xf32> to vector<1x16xf32>
          tpu.vector_store %arg17[%swap3A_1043, %swap3A_1044], %swap3A_1047 {strides = array<i32>} : memref<128x128xf32, #tpu.memory_space<vmem>>, vector<1x16xf32>,
          %swap3A_1048 = arith.index_cast %add3A_916 : i32 to index
          %swap3A_1049 = arith.constant 112 : index
          %swap3A_1050 = tpu.vector_load %arg15[%swap3A_1048, %swap3A_1049] {strides = array<i32>} : memref<128x128xf32, #tpu.memory_space<vmem>>, vector<1x16xf32>,
          %swap3A_1051 = vector.shape_cast %swap3A_1050 : vector<1x16xf32> to vector<16xf32>
          %swap3A_1052 = vector.shape_cast %broadcast_in_dim3A_9 : vector<16xf32> to vector<1x16xf32>
          tpu.vector_store %arg15[%swap3A_1048, %swap3A_1049], %swap3A_1052 {strides = array<i32>} : memref<128x128xf32, #tpu.memory_space<vmem>>, vector<1x16xf32>,
          %mul3A_1053 = arith.constant 4 : i32
          %mul3A_1054 = arith.muli %scan3A_632, %mul3A_1053 : i32
          %add3A_1055 = arith.constant 3 : i32
          %add3A_1056 = arith.addi %mul3A_1054, %add3A_1055 : i32
          %get3A_1057 = arith.index_cast %add3A_1056 : i32 to index
          %get3A_1058 = arith.constant 0 : index
          %get3A_1059 = tpu.vector_load %arg15[%get3A_1057, %get3A_1058] {strides = array<i32>} : memref<128x128xf32, #tpu.memory_space<vmem>>, vector<1x16xf32>,
          %get3A_1060 = vector.shape_cast %get3A_1059 : vector<1x16xf32> to vector<16xf32>
          %max3A_1061 = arith.constant 0.000000e+00 : f32
          %max3A_1062 = vector.broadcast %max3A_1061 : f32 to vector<16xf32>
          %max3A_1063 = arith.maximumf %get3A_1060, %max3A_1062 : vector<16xf32>
          %swap3A_1064 = arith.index_cast %add3A_1056 : i32 to index
          %swap3A_1065 = arith.constant 0 : index
          %swap3A_1066 = tpu.vector_load %arg17[%swap3A_1064, %swap3A_1065] {strides = array<i32>} : memref<128x128xf32, #tpu.memory_space<vmem>>, vector<1x16xf32>,
          %swap3A_1067 = vector.shape_cast %swap3A_1066 : vector<1x16xf32> to vector<16xf32>
          %swap3A_1068 = vector.shape_cast %max3A_1063 : vector<16xf32> to vector<1x16xf32>
          tpu.vector_store %arg17[%swap3A_1064, %swap3A_1065], %swap3A_1068 {strides = array<i32>} : memref<128x128xf32, #tpu.memory_space<vmem>>, vector<1x16xf32>,
          %swap3A_1069 = arith.index_cast %add3A_1056 : i32 to index
          %swap3A_1070 = arith.constant 0 : index
          %swap3A_1071 = tpu.vector_load %arg15[%swap3A_1069, %swap3A_1070] {strides = array<i32>} : memref<128x128xf32, #tpu.memory_space<vmem>>, vector<1x16xf32>,
          %swap3A_1072 = vector.shape_cast %swap3A_1071 : vector<1x16xf32> to vector<16xf32>
          %swap3A_1073 = vector.shape_cast %broadcast_in_dim3A_9 : vector<16xf32> to vector<1x16xf32>
          tpu.vector_store %arg15[%swap3A_1069, %swap3A_1070], %swap3A_1073 {strides = array<i32>} : memref<128x128xf32, #tpu.memory_space<vmem>>, vector<1x16xf32>,
          %get3A_1074 = arith.index_cast %add3A_1056 : i32 to index
          %get3A_1075 = arith.constant 16 : index
          %get3A_1076 = tpu.vector_load %arg15[%get3A_1074, %get3A_1075] {strides = array<i32>} : memref<128x128xf32, #tpu.memory_space<vmem>>, vector<1x16xf32>,
          %get3A_1077 = vector.shape_cast %get3A_1076 : vector<1x16xf32> to vector<16xf32>
          %max3A_1078 = arith.constant 0.000000e+00 : f32
          %max3A_1079 = vector.broadcast %max3A_1078 : f32 to vector<16xf32>
          %max3A_1080 = arith.maximumf %get3A_1077, %max3A_1079 : vector<16xf32>
          %swap3A_1081 = arith.index_cast %add3A_1056 : i32 to index
          %swap3A_1082 = arith.constant 16 : index
          %swap3A_1083 = tpu.vector_load %arg17[%swap3A_1081, %swap3A_1082] {strides = array<i32>} : memref<128x128xf32, #tpu.memory_space<vmem>>, vector<1x16xf32>,
          %swap3A_1084 = vector.shape_cast %swap3A_1083 : vector<1x16xf32> to vector<16xf32>
          %swap3A_1085 = vector.shape_cast %max3A_1080 : vector<16xf32> to vector<1x16xf32>
          tpu.vector_store %arg17[%swap3A_1081, %swap3A_1082], %swap3A_1085 {strides = array<i32>} : memref<128x128xf32, #tpu.memory_space<vmem>>, vector<1x16xf32>,
          %swap3A_1086 = arith.index_cast %add3A_1056 : i32 to index
          %swap3A_1087 = arith.constant 16 : index
          %swap3A_1088 = tpu.vector_load %arg15[%swap3A_1086, %swap3A_1087] {strides = array<i32>} : memref<128x128xf32, #tpu.memory_space<vmem>>, vector<1x16xf32>,
          %swap3A_1089 = vector.shape_cast %swap3A_1088 : vector<1x16xf32> to vector<16xf32>
          %swap3A_1090 = vector.shape_cast %broadcast_in_dim3A_9 : vector<16xf32> to vector<1x16xf32>
          tpu.vector_store %arg15[%swap3A_1086, %swap3A_1087], %swap3A_1090 {strides = array<i32>} : memref<128x128xf32, #tpu.memory_space<vmem>>, vector<1x16xf32>,
          %get3A_1091 = arith.index_cast %add3A_1056 : i32 to index
          %get3A_1092 = arith.constant 32 : index
          %get3A_1093 = tpu.vector_load %arg15[%get3A_1091, %get3A_1092] {strides = array<i32>} : memref<128x128xf32, #tpu.memory_space<vmem>>, vector<1x16xf32>,
          %get3A_1094 = vector.shape_cast %get3A_1093 : vector<1x16xf32> to vector<16xf32>
          %max3A_1095 = arith.constant 0.000000e+00 : f32
          %max3A_1096 = vector.broadcast %max3A_1095 : f32 to vector<16xf32>
          %max3A_1097 = arith.maximumf %get3A_1094, %max3A_1096 : vector<16xf32>
          %swap3A_1098 = arith.index_cast %add3A_1056 : i32 to index
          %swap3A_1099 = arith.constant 32 : index
          %swap3A_1100 = tpu.vector_load %arg17[%swap3A_1098, %swap3A_1099] {strides = array<i32>} : memref<128x128xf32, #tpu.memory_space<vmem>>, vector<1x16xf32>,
          %swap3A_1101 = vector.shape_cast %swap3A_1100 : vector<1x16xf32> to vector<16xf32>
          %swap3A_1102 = vector.shape_cast %max3A_1097 : vector<16xf32> to vector<1x16xf32>
          tpu.vector_store %arg17[%swap3A_1098, %swap3A_1099], %swap3A_1102 {strides = array<i32>} : memref<128x128xf32, #tpu.memory_space<vmem>>, vector<1x16xf32>,
          %swap3A_1103 = arith.index_cast %add3A_1056 : i32 to index
          %swap3A_1104 = arith.constant 32 : index
          %swap3A_1105 = tpu.vector_load %arg15[%swap3A_1103, %swap3A_1104] {strides = array<i32>} : memref<128x128xf32, #tpu.memory_space<vmem>>, vector<1x16xf32>,
          %swap3A_1106 = vector.shape_cast %swap3A_1105 : vector<1x16xf32> to vector<16xf32>
          %swap3A_1107 = vector.shape_cast %broadcast_in_dim3A_9 : vector<16xf32> to vector<1x16xf32>
          tpu.vector_store %arg15[%swap3A_1103, %swap3A_1104], %swap3A_1107 {strides = array<i32>} : memref<128x128xf32, #tpu.memory_space<vmem>>, vector<1x16xf32>,
          %get3A_1108 = arith.index_cast %add3A_1056 : i32 to index
          %get3A_1109 = arith.constant 48 : index
          %get3A_1110 = tpu.vector_load %arg15[%get3A_1108, %get3A_1109] {strides = array<i32>} : memref<128x128xf32, #tpu.memory_space<vmem>>, vector<1x16xf32>,
          %get3A_1111 = vector.shape_cast %get3A_1110 : vector<1x16xf32> to vector<16xf32>
          %max3A_1112 = arith.constant 0.000000e+00 : f32
          %max3A_1113 = vector.broadcast %max3A_1112 : f32 to vector<16xf32>
          %max3A_1114 = arith.maximumf %get3A_1111, %max3A_1113 : vector<16xf32>
          %swap3A_1115 = arith.index_cast %add3A_1056 : i32 to index
          %swap3A_1116 = arith.constant 48 : index
          %swap3A_1117 = tpu.vector_load %arg17[%swap3A_1115, %swap3A_1116] {strides = array<i32>} : memref<128x128xf32, #tpu.memory_space<vmem>>, vector<1x16xf32>,
          %swap3A_1118 = vector.shape_cast %swap3A_1117 : vector<1x16xf32> to vector<16xf32>
          %swap3A_1119 = vector.shape_cast %max3A_1114 : vector<16xf32> to vector<1x16xf32>
          tpu.vector_store %arg17[%swap3A_1115, %swap3A_1116], %swap3A_1119 {strides = array<i32>} : memref<128x128xf32, #tpu.memory_space<vmem>>, vector<1x16xf32>,
          %swap3A_1120 = arith.index_cast %add3A_1056 : i32 to index
          %swap3A_1121 = arith.constant 48 : index
          %swap3A_1122 = tpu.vector_load %arg15[%swap3A_1120, %swap3A_1121] {strides = array<i32>} : memref<128x128xf32, #tpu.memory_space<vmem>>, vector<1x16xf32>,
          %swap3A_1123 = vector.shape_cast %swap3A_1122 : vector<1x16xf32> to vector<16xf32>
          %swap3A_1124 = vector.shape_cast %broadcast_in_dim3A_9 : vector<16xf32> to vector<1x16xf32>
          tpu.vector_store %arg15[%swap3A_1120, %swap3A_1121], %swap3A_1124 {strides = array<i32>} : memref<128x128xf32, #tpu.memory_space<vmem>>, vector<1x16xf32>,
          %get3A_1125 = arith.index_cast %add3A_1056 : i32 to index
          %get3A_1126 = arith.constant 64 : index
          %get3A_1127 = tpu.vector_load %arg15[%get3A_1125, %get3A_1126] {strides = array<i32>} : memref<128x128xf32, #tpu.memory_space<vmem>>, vector<1x16xf32>,
          %get3A_1128 = vector.shape_cast %get3A_1127 : vector<1x16xf32> to vector<16xf32>
          %max3A_1129 = arith.constant 0.000000e+00 : f32
          %max3A_1130 = vector.broadcast %max3A_1129 : f32 to vector<16xf32>
          %max3A_1131 = arith.maximumf %get3A_1128, %max3A_1130 : vector<16xf32>
          %swap3A_1132 = arith.index_cast %add3A_1056 : i32 to index
          %swap3A_1133 = arith.constant 64 : index
          %swap3A_1134 = tpu.vector_load %arg17[%swap3A_1132, %swap3A_1133] {strides = array<i32>} : memref<128x128xf32, #tpu.memory_space<vmem>>, vector<1x16xf32>,
          %swap3A_1135 = vector.shape_cast %swap3A_1134 : vector<1x16xf32> to vector<16xf32>
          %swap3A_1136 = vector.shape_cast %max3A_1131 : vector<16xf32> to vector<1x16xf32>
          tpu.vector_store %arg17[%swap3A_1132, %swap3A_1133], %swap3A_1136 {strides = array<i32>} : memref<128x128xf32, #tpu.memory_space<vmem>>, vector<1x16xf32>,
          %swap3A_1137 = arith.index_cast %add3A_1056 : i32 to index
          %swap3A_1138 = arith.constant 64 : index
          %swap3A_1139 = tpu.vector_load %arg15[%swap3A_1137, %swap3A_1138] {strides = array<i32>} : memref<128x128xf32, #tpu.memory_space<vmem>>, vector<1x16xf32>,
          %swap3A_1140 = vector.shape_cast %swap3A_1139 : vector<1x16xf32> to vector<16xf32>
          %swap3A_1141 = vector.shape_cast %broadcast_in_dim3A_9 : vector<16xf32> to vector<1x16xf32>
          tpu.vector_store %arg15[%swap3A_1137, %swap3A_1138], %swap3A_1141 {strides = array<i32>} : memref<128x128xf32, #tpu.memory_space<vmem>>, vector<1x16xf32>,
          %get3A_1142 = arith.index_cast %add3A_1056 : i32 to index
          %get3A_1143 = arith.constant 80 : index
          %get3A_1144 = tpu.vector_load %arg15[%get3A_1142, %get3A_1143] {strides = array<i32>} : memref<128x128xf32, #tpu.memory_space<vmem>>, vector<1x16xf32>,
          %get3A_1145 = vector.shape_cast %get3A_1144 : vector<1x16xf32> to vector<16xf32>
          %max3A_1146 = arith.constant 0.000000e+00 : f32
          %max3A_1147 = vector.broadcast %max3A_1146 : f32 to vector<16xf32>
          %max3A_1148 = arith.maximumf %get3A_1145, %max3A_1147 : vector<16xf32>
          %swap3A_1149 = arith.index_cast %add3A_1056 : i32 to index
          %swap3A_1150 = arith.constant 80 : index
          %swap3A_1151 = tpu.vector_load %arg17[%swap3A_1149, %swap3A_1150] {strides = array<i32>} : memref<128x128xf32, #tpu.memory_space<vmem>>, vector<1x16xf32>,
          %swap3A_1152 = vector.shape_cast %swap3A_1151 : vector<1x16xf32> to vector<16xf32>
          %swap3A_1153 = vector.shape_cast %max3A_1148 : vector<16xf32> to vector<1x16xf32>
          tpu.vector_store %arg17[%swap3A_1149, %swap3A_1150], %swap3A_1153 {strides = array<i32>} : memref<128x128xf32, #tpu.memory_space<vmem>>, vector<1x16xf32>,
          %swap3A_1154 = arith.index_cast %add3A_1056 : i32 to index
          %swap3A_1155 = arith.constant 80 : index
          %swap3A_1156 = tpu.vector_load %arg15[%swap3A_1154, %swap3A_1155] {strides = array<i32>} : memref<128x128xf32, #tpu.memory_space<vmem>>, vector<1x16xf32>,
          %swap3A_1157 = vector.shape_cast %swap3A_1156 : vector<1x16xf32> to vector<16xf32>
          %swap3A_1158 = vector.shape_cast %broadcast_in_dim3A_9 : vector<16xf32> to vector<1x16xf32>
          tpu.vector_store %arg15[%swap3A_1154, %swap3A_1155], %swap3A_1158 {strides = array<i32>} : memref<128x128xf32, #tpu.memory_space<vmem>>, vector<1x16xf32>,
          %get3A_1159 = arith.index_cast %add3A_1056 : i32 to index
          %get3A_1160 = arith.constant 96 : index
          %get3A_1161 = tpu.vector_load %arg15[%get3A_1159, %get3A_1160] {strides = array<i32>} : memref<128x128xf32, #tpu.memory_space<vmem>>, vector<1x16xf32>,
          %get3A_1162 = vector.shape_cast %get3A_1161 : vector<1x16xf32> to vector<16xf32>
          %max3A_1163 = arith.constant 0.000000e+00 : f32
          %max3A_1164 = vector.broadcast %max3A_1163 : f32 to vector<16xf32>
          %max3A_1165 = arith.maximumf %get3A_1162, %max3A_1164 : vector<16xf32>
          %swap3A_1166 = arith.index_cast %add3A_1056 : i32 to index
          %swap3A_1167 = arith.constant 96 : index
          %swap3A_1168 = tpu.vector_load %arg17[%swap3A_1166, %swap3A_1167] {strides = array<i32>} : memref<128x128xf32, #tpu.memory_space<vmem>>, vector<1x16xf32>,
          %swap3A_1169 = vector.shape_cast %swap3A_1168 : vector<1x16xf32> to vector<16xf32>
          %swap3A_1170 = vector.shape_cast %max3A_1165 : vector<16xf32> to vector<1x16xf32>
          tpu.vector_store %arg17[%swap3A_1166, %swap3A_1167], %swap3A_1170 {strides = array<i32>} : memref<128x128xf32, #tpu.memory_space<vmem>>, vector<1x16xf32>,
          %swap3A_1171 = arith.index_cast %add3A_1056 : i32 to index
          %swap3A_1172 = arith.constant 96 : index
          %swap3A_1173 = tpu.vector_load %arg15[%swap3A_1171, %swap3A_1172] {strides = array<i32>} : memref<128x128xf32, #tpu.memory_space<vmem>>, vector<1x16xf32>,
          %swap3A_1174 = vector.shape_cast %swap3A_1173 : vector<1x16xf32> to vector<16xf32>
          %swap3A_1175 = vector.shape_cast %broadcast_in_dim3A_9 : vector<16xf32> to vector<1x16xf32>
          tpu.vector_store %arg15[%swap3A_1171, %swap3A_1172], %swap3A_1175 {strides = array<i32>} : memref<128x128xf32, #tpu.memory_space<vmem>>, vector<1x16xf32>,
          %get3A_1176 = arith.index_cast %add3A_1056 : i32 to index
          %get3A_1177 = arith.constant 112 : index
          %get3A_1178 = tpu.vector_load %arg15[%get3A_1176, %get3A_1177] {strides = array<i32>} : memref<128x128xf32, #tpu.memory_space<vmem>>, vector<1x16xf32>,
          %get3A_1179 = vector.shape_cast %get3A_1178 : vector<1x16xf32> to vector<16xf32>
          %max3A_1180 = arith.constant 0.000000e+00 : f32
          %max3A_1181 = vector.broadcast %max3A_1180 : f32 to vector<16xf32>
          %max3A_1182 = arith.maximumf %get3A_1179, %max3A_1181 : vector<16xf32>
          %swap3A_1183 = arith.index_cast %add3A_1056 : i32 to index
          %swap3A_1184 = arith.constant 112 : index
          %swap3A_1185 = tpu.vector_load %arg17[%swap3A_1183, %swap3A_1184] {strides = array<i32>} : memref<128x128xf32, #tpu.memory_space<vmem>>, vector<1x16xf32>,
          %swap3A_1186 = vector.shape_cast %swap3A_1185 : vector<1x16xf32> to vector<16xf32>
          %swap3A_1187 = vector.shape_cast %max3A_1182 : vector<16xf32> to vector<1x16xf32>
          tpu.vector_store %arg17[%swap3A_1183, %swap3A_1184], %swap3A_1187 {strides = array<i32>} : memref<128x128xf32, #tpu.memory_space<vmem>>, vector<1x16xf32>,
          %swap3A_1188 = arith.index_cast %add3A_1056 : i32 to index
          %swap3A_1189 = arith.constant 112 : index
          %swap3A_1190 = tpu.vector_load %arg15[%swap3A_1188, %swap3A_1189] {strides = array<i32>} : memref<128x128xf32, #tpu.memory_space<vmem>>, vector<1x16xf32>,
          %swap3A_1191 = vector.shape_cast %swap3A_1190 : vector<1x16xf32> to vector<16xf32>
          %swap3A_1192 = vector.shape_cast %broadcast_in_dim3A_9 : vector<16xf32> to vector<1x16xf32>
          tpu.vector_store %arg15[%swap3A_1188, %swap3A_1189], %swap3A_1192 {strides = array<i32>} : memref<128x128xf32, #tpu.memory_space<vmem>>, vector<1x16xf32>,
          %scan3A_1193 = arith.constant 0 : i32
          scf.yield %scan3A_1193 : i32
        }
        %scan3A_581 = arith.constant 32 : i32
        %jit3A_582 = arith.constant 4 : i32
        %div3A_583 = arith.divsi %scan3A_508, %jit3A_582 : i32
        %sign3A_584 = arith.constant 0 : i32
        %sign3A_585 = arith.cmpi sgt, %scan3A_508, %sign3A_584 : i32
        %sign3A_586 = arith.extui %sign3A_585 : i1 to i32
        %sign3A_587 = arith.constant 0 : i32
        %sign3A_588 = arith.cmpi slt, %scan3A_508, %sign3A_587 : i32
        %sign3A_589 = arith.extui %sign3A_588 : i1 to i32
        %sign3A_590 = arith.subi %sign3A_586, %sign3A_589 : i32
        %sign3A_591 = arith.constant 0 : i32
        %sign3A_592 = arith.cmpi sgt, %jit3A_582, %sign3A_591 : i32
        %sign3A_593 = arith.extui %sign3A_592 : i1 to i32
        %sign3A_594 = arith.constant 0 : i32
        %sign3A_595 = arith.cmpi slt, %jit3A_582, %sign3A_594 : i32
        %sign3A_596 = arith.extui %sign3A_595 : i1 to i32
        %sign3A_597 = arith.subi %sign3A_593, %sign3A_596 : i32
        %ne3A_598 = arith.cmpi ne, %sign3A_590, %sign3A_597 : i32
        %rem3A_599 = arith.remsi %scan3A_508, %jit3A_582 : i32
        %ne3A_600 = arith.constant 0 : i32
        %ne3A_601 = arith.cmpi ne, %rem3A_599, %ne3A_600 : i32
        %and3A_602 = arith.andi %ne3A_598, %ne3A_601 : i1
        %sub3A_603 = arith.constant 1 : i32
        %sub3A_604 = arith.subi %div3A_583, %sub3A_603 : i32
        %select_n3A_605 = arith.select %and3A_602, %sub3A_604, %div3A_583 : i32
        %add3A_606 = arith.addi %mul3A_4, %select_n3A_605 : i32
        %jit3A_607 = arith.constant 4 : i32
        %eq3A_608 = arith.constant 0 : i32
        %eq3A_609 = arith.cmpi eq, %jit3A_607, %eq3A_608 : i32
        %jit3A_610 = arith.constant 1 : i32
        %select_n3A_611 = arith.select %eq3A_609, %jit3A_610, %jit3A_607 : i32
        %rem3A_612 = arith.remsi %scan3A_508, %select_n3A_611 : i32
        %ne3A_613 = arith.constant 0 : i32
        %ne3A_614 = arith.cmpi ne, %rem3A_612, %ne3A_613 : i32
        %lt3A_615 = arith.constant 0 : i32
        %lt3A_616 = arith.cmpi slt, %rem3A_612, %lt3A_615 : i32
        %lt3A_617 = arith.constant 0 : i32
        %lt3A_618 = arith.cmpi slt, %select_n3A_611, %lt3A_617 : i32
        %ne3A_619 = arith.xori %lt3A_616, %lt3A_618 : i1
        %and3A_620 = arith.andi %ne3A_619, %ne3A_614 : i1
        %add3A_621 = arith.addi %rem3A_612, %select_n3A_611 : i32
        %select_n3A_622 = arith.select %and3A_620, %add3A_621, %rem3A_612 : i32
        %mul3A_623 = arith.constant 512 : i32
        %mul3A_624 = arith.muli %add3A_606, %mul3A_623 : i32
        %mul3A_625 = arith.constant 128 : i32
        %mul3A_626 = arith.muli %select_n3A_622, %mul3A_625 : i32
        %add3A_627 = arith.addi %mul3A_624, %mul3A_626 : i32
        %dma_start3A_628 = arith.constant 0 : i32
        %dma_start3A_629 = tpu.memref_slice %arg7[%add3A_627, %dma_start3A_628] : memref<524288x128xf32, #tpu.memory_space<hbm>> -> memref<128x128xf32, #tpu.memory_space<hbm>>
        %dma_start3A_630 = arith.constant 0 : i32
        %dma_start3A_631 = tpu.memref_slice %arg7[%add3A_627, %dma_start3A_630] : memref<524288x128xf32, #tpu.memory_space<hbm>> -> memref<128x128xf32, #tpu.memory_space<hbm>>
        tpu.enqueue_dma source(%arg17 : memref<128x128xf32, #tpu.memory_space<vmem>>) target(%dma_start3A_631 : memref<128x128xf32, #tpu.memory_space<hbm>>) target_semaphore(%arg22 : memref<!tpu.dma_semaphore, #tpu.memory_space<semaphore_mem>>)
      } else {
      }
      %scan3A_535 = arith.constant 0 : i32
      scf.yield %scan3A_535 : i32
    }
    %scan3A_488 = arith.constant 128 : i32
    %add3A_489 = arith.constant 31 : i32
    %add3A_490 = arith.addi %mul3A_4, %add3A_489 : i32
    %mul3A_491 = arith.constant 512 : i32
    %mul3A_492 = arith.muli %add3A_490, %mul3A_491 : i32
    %add3A_493 = arith.constant 256 : i32
    %add3A_494 = arith.addi %mul3A_492, %add3A_493 : i32
    %dma_wait3A = arith.constant 0 : i32
    %dma_wait3A_495 = tpu.memref_slice %arg7[%add3A_494, %dma_wait3A] : memref<524288x128xf32, #tpu.memory_space<hbm>> -> memref<128x128xf32, #tpu.memory_space<hbm>>
    %dma_wait3A_496 = arith.constant 0 : i32
    %dma_wait3A_497 = tpu.memref_slice %arg7[%add3A_494, %dma_wait3A_496] : memref<524288x128xf32, #tpu.memory_space<hbm>> -> memref<128x128xf32, #tpu.memory_space<hbm>>
    tpu.wait_dma2 semaphore(%arg21 : memref<!tpu.dma_semaphore, #tpu.memory_space<semaphore_mem>>) src(%arg16 : memref<128x128xf32, #tpu.memory_space<vmem>>) dst(%dma_wait3A_497 : memref<128x128xf32, #tpu.memory_space<hbm>>)
    %add3A_498 = arith.constant 31 : i32
    %add3A_499 = arith.addi %mul3A_4, %add3A_498 : i32
    %mul3A_500 = arith.constant 512 : i32
    %mul3A_501 = arith.muli %add3A_499, %mul3A_500 : i32
    %add3A_502 = arith.constant 384 : i32
    %add3A_503 = arith.addi %mul3A_501, %add3A_502 : i32
    %dma_wait3A_504 = arith.constant 0 : i32
    %dma_wait3A_505 = tpu.memref_slice %arg7[%add3A_503, %dma_wait3A_504] : memref<524288x128xf32, #tpu.memory_space<hbm>> -> memref<128x128xf32, #tpu.memory_space<hbm>>
    %dma_wait3A_506 = arith.constant 0 : i32
    %dma_wait3A_507 = tpu.memref_slice %arg7[%add3A_503, %dma_wait3A_506] : memref<524288x128xf32, #tpu.memory_space<hbm>> -> memref<128x128xf32, #tpu.memory_space<hbm>>
    tpu.wait_dma2 semaphore(%arg22 : memref<!tpu.dma_semaphore, #tpu.memory_space<semaphore_mem>>) src(%arg17 : memref<128x128xf32, #tpu.memory_space<vmem>>) dst(%dma_wait3A_507 : memref<128x128xf32, #tpu.memory_space<hbm>>)
    return
  }
}

module attributes {stable_mosaic.version = 14 : i64} {
  func.func @_fuse_tables_body(%arg0: i32, %arg1: memref<1024x128xf32, #tpu.memory_space<vmem>>, %arg2: memref<128x128xf32, #tpu.memory_space<vmem>>, %arg3: memref<1x128xf32, #tpu.memory_space<vmem>>, %arg4: memref<1024x128xf32, #tpu.memory_space<vmem>>) attributes {dimension_semantics = [#tpu.dimension_semantics<arbitrary>], iteration_bounds = array<i64: 4>, scalar_prefetch = 0 : i64, scratch_operands = 0 : i64, tpu.core_type = #tpu.core_type<tc>, window_params = [{pipeline_mode = #tpu.pipeline_mode<synchronous>, transform_indices = @transform_0, window_bounds = array<i64: 1024, 128>}, {transform_indices = @transform_1, window_bounds = array<i64: 128, 128>}, {pipeline_mode = #tpu.pipeline_mode<synchronous>, transform_indices = @transform_2, window_bounds = array<i64: 1, 128>}, {transform_indices = @transform_3, window_bounds = array<i64: 1024, 128>}]} {
    %get3A = arith.constant 0 : index
    %get3A_0 = arith.constant 0 : index
    %get3A_1 = vector.load %arg1[%get3A, %get3A_0] : memref<1024x128xf32, #tpu.memory_space<vmem>>, vector<1024x128xf32>
    %get3A_2 = arith.constant 0 : index
    %get3A_3 = arith.constant 0 : index
    %get3A_4 = vector.load %arg2[%get3A_2, %get3A_3] : memref<128x128xf32, #tpu.memory_space<vmem>>, vector<128x128xf32>
    %dot_general3A = arith.constant dense<0.000000e+00> : vector<1024x128xf32>
    %dot_general3A_5 = tpu.matmul %get3A_1, %get3A_4, %dot_general3A {dimension_numbers = #tpu.dot_dimension_numbers<[1], [0], [0], [1], [0, 0, 1, 1], [], []>, transpose_lhs_hint = false} : vector<1024x128xf32>, vector<128x128xf32>, vector<1024x128xf32> -> vector<1024x128xf32>
    %eq3A = arith.constant 0 : i32
    %eq3A_6 = arith.cmpi eq, %arg0, %eq3A : i32
    %get3A_7 = arith.constant 0 : index
    %get3A_8 = arith.constant 0 : index
    %get3A_9 = vector.load %arg3[%get3A_7, %get3A_8] : memref<1x128xf32, #tpu.memory_space<vmem>>, vector<1x128xf32>
    %jit3A = arith.constant 0.000000e+00 : f32
    %broadcast_in_dim3A = vector.broadcast %jit3A : f32 to vector<1x128xf32>
    %select_n3A = arith.select %eq3A_6, %get3A_9, %broadcast_in_dim3A : vector<1x128xf32>
    %add3A = vector.broadcast %select_n3A : vector<1x128xf32> to vector<1024x128xf32>
    %add3A_10 = arith.addf %dot_general3A_5, %add3A : vector<1024x128xf32>
    %swap3A = arith.constant 0 : index
    %swap3A_11 = arith.constant 0 : index
    %swap3A_12 = vector.load %arg4[%swap3A, %swap3A_11] : memref<1024x128xf32, #tpu.memory_space<vmem>>, vector<1024x128xf32>
    tpu.vector_store %arg4[%swap3A, %swap3A_11], %add3A_10 {strides = array<i32>} : memref<1024x128xf32, #tpu.memory_space<vmem>>, vector<1024x128xf32>,
    return
  }
  func.func @transform_0(%arg0: i32) -> (i32, i32) {
    %c0_i32 = arith.constant 0 : i32
    %c0_i32_0 = arith.constant 0 : i32
    %c0_i32_1 = arith.constant 0 : i32
    return %c0_i32, %c0_i32_0 : i32, i32
  }
  func.func @transform_1(%arg0: i32) -> (i32, i32) {
    %c0_i32 = arith.constant 0 : i32
    %c0_i32_0 = arith.constant 0 : i32
    return %arg0, %c0_i32 : i32, i32
  }
  func.func @transform_2(%arg0: i32) -> (i32, i32) {
    %c0_i32 = arith.constant 0 : i32
    %c0_i32_0 = arith.constant 0 : i32
    %c0_i32_1 = arith.constant 0 : i32
    return %c0_i32, %c0_i32_0 : i32, i32
  }
  func.func @transform_3(%arg0: i32) -> (i32, i32) {
    %c0_i32 = arith.constant 0 : i32
    %c0_i32_0 = arith.constant 0 : i32
    return %arg0, %c0_i32 : i32, i32
  }
}

</mosaic_0001>

<sc_bundles>
// kernel: kernel.4.cloned.1.call-start
scs
__scs_entry_jumppad:
0x0: {  	(pc) =	sbr.rel $0x88, $3  }
0x1: {  	(tag) =	ssettag $0x0;
	lr =	simm.s32 $0x1  }
0x2: {  	[smem:$0x3F9C] =	sst lr;
	_ =	strace $0xD0000000  }
0x3: {  	_ = 	snop  }
0x4: {  	_ = 	snop  }
0x5: {  	_ = 	snop  }
0x6: {  	_ = 	snop  }
0x7: {  	_ = 	snop  }
__scs_overlays_trampoline_lowered:
0x8: {  	[smem:$0x3FAB] =	sst s0  }
0x9: {  	[smem:$0x3FAC] =	sst s1  }
0xa: {  	[smem:$0x3FAD] =	sst s2  }
0xb: {  	[smem:$0x3FAE] =	sst s3  }
0xc: {  	[smem:$0x3FAF] =	sst s4  }
0xd: {  	[smem:$0x3FB0] =	sst s5  }
0xe: {  	[smem:$0x3FB1] =	sst s6  }
0xf: {  	[smem:$0x3FB2] =	sst s7  }
0x10: {  	[smem:$0x3FB3] =	sst s8  }
0x11: {  	[smem:$0x3FB4] =	sst s9;
	s0 =	simm.s32 @!p0 $0x0  }
0x12: {  	s1 =	sld [smem:$0x3F9A];
	s0 =	simm.s32 @p0 $0x1  }
0x13: {  	[smem:$0x3FB5] =	sst s0;
	s0 =	simm.s32 @!p1 $0x0  }
0x14: {  	s2 =	sld [smem:$0x3F99];
	s0 =	simm.s32 @p1 $0x1  }
0x15: {  	[smem:$0x3FB6] =	sst s0;
	s0 =	simm.s32 @!p2 $0x0  }
0x16: {  	s3 =	sld [smem:$0x3FDB];
	s0 =	simm.s32 @p2 $0x1  }
0x17: {  	s4 =	simm.s32 $0x1BF5;
	[smem:$0x3FB8] =	sst s0  }
0x18: {  	s0 =	sld [smem:$0x3F9B];
	_ =	swait.ge [sflag:s4], $0x0  }
0x19: {  	s7 =	sld [smem:$0x3F9C]  }
0x1a: {  	s8 =	sadd.s32 $0xFFFFE003, lr  }
0x1b: {  	s9 =	sadd.s32 $0xFFFFFEF7, lr;
	s5 =	simm.s32 $0xFFFFFFFF;
	p2 =	slt.u32 s8, $0xFFFFF086  }
0x1c: {  	p1 =	slt.u32 s9, $0xF7A;
	s5 =	simm.s32 @!p2 $0x0  }
0x1d: {  	s5 =	simm.s32 @p1 $0x1;
	p0 =	seq.s32 s7, s2  }
0x1e: {  	s7 =	smul.u32 @!p0 $0xF7A, s2;
	p2 =	seq.s32 @!p0 s5, $0x0  }
0x1f: {  	s9 =	smul.u32 $0xF7A, s1;
	s8 =	simm.s32 @!p0 $0x1BF5;
	p2 =	por !p2, p0  }
0x20: {  	[sflag:s8] =	ssyncset.s32 @!p0 $0xFFFFF086;
	s6 =	sadd.s32 @!p0 s3, s7;
	s7 =	simm.s32 @!p0 $0x108  }
0x21: {  	s3 =	sadd.s32 s3, s9;
	s6 =	sadd.s32 @!p0 $0x88, s6;
	s7 =	simm.s32 @p2 $0x1082  }
0x22: {  	[simem:s7], [sflag:s8] =	dma.local @!p0 [hbm:s6], $0xF7A  }
0x23: {  	s9 =	sor.u32 $0xD0000000, s2;
	s6 =	simm.s32 $0x108;
	_ =	swait.ge @!p0 [sflag:s8], $0x0  }
0x24: {  	s3 =	sadd.s32 $0x88, s3;
	s6 =	simm.s32 @!p1 $0x1082;
	[sflag:s4] =	ssyncset.s32 $0xFFFFF086  }
0x25: {  	[simem:s6], [sflag:s4] =	dma.local [hbm:s3], $0xF7A  }
0x26: {  	[smem:$0x3F9C] =	sst s1;
	(tag) =	ssettag s2;
	_ =	strace s9  }
0x27: {  	s1 =	sld [smem:$0x3FAC]  }
0x28: {  	s2 =	sld [smem:$0x3FAD]  }
0x29: {  	s4 =	sld [smem:$0x3FAF]  }
0x2a: {  	p0 =	seq.s32 s5, $0x0;
	s5 =	sld [smem:$0x3FB0]  }
0x2b: {  	s6 =	sld [smem:$0x3FB1]  }
0x2c: {  	s7 =	sld [smem:$0x3FB2]  }
0x2d: {  	s3 =	simm.s32 $0x108;
	s8 =	sld [smem:$0x3FB3]  }
0x2e: {  	s3 =	simm.s32 @!p0 $0x1082;
	s9 =	sld [smem:$0x3FB4]  }
0x2f: {  	lr =	sadd.s32 s0, s3;
	s0 =	sld [smem:$0x3FAB]  }
0x30: {  	s3 =	sld [smem:$0x3FAE]  }
0x31: {  	[smem:$0x3FB7] =	sst s10  }
0x32: {  	s10 =	sld [smem:$0x3FB5];
	_ =	sdelay $0x3  }
0x33: {  	p0 =	seq.s32 s10, $0x1;
	s10 =	sld [smem:$0x3FB7];
	_ =	sdelay $0x3  }
0x34: {  	[smem:$0x3FB7] =	sst s10  }
0x35: {  	s10 =	sld [smem:$0x3FB6];
	_ =	sdelay $0x3  }
0x36: {  	p1 =	seq.s32 s10, $0x1;
	s10 =	sld [smem:$0x3FB7];
	_ =	sdelay $0x3  }
0x37: {  	[smem:$0x3FB7] =	sst s10  }
0x38: {  	s10 =	sld [smem:$0x3FB8]  }
0x39: {  	_ = 	snop;
	(pc) =	sbr.ind lr, $3  }
0x3a: {  	_ = 	snop  }
0x3b: {  	_ = 	snop  }
0x3c: {  	p2 =	seq.s32 s10, $0x1;
	s10 =	sld [smem:$0x3FB7]  }
0x3d: {  	_ =	shalt  }
0x3e: {  	_ =	shalt  }
0x3f: {  	_ =	shalt  }
0x40: {  	_ =	shalt  }
0x41: {  	_ =	shalt  }
0x42: {  	_ =	shalt  }
0x43: {  	_ =	shalt  }
0x44: {  	_ =	shalt  }
0x45: {  	_ =	shalt  }
0x46: {  	_ =	shalt  }
0x47: {  	_ =	shalt  }
0x48: {  	_ =	shalt  }
0x49: {  	_ =	shalt  }
0x4a: {  	_ =	shalt  }
0x4b: {  	_ =	shalt  }
0x4c: {  	_ =	shalt  }
0x4d: {  	_ =	shalt  }
0x4e: {  	_ =	shalt  }
0x4f: {  	_ =	shalt  }
0x50: {  	_ =	shalt  }
0x51: {  	_ =	shalt  }
0x52: {  	_ =	shalt  }
0x53: {  	_ =	shalt  }
0x54: {  	_ =	shalt  }
0x55: {  	_ =	shalt  }
0x56: {  	_ =	shalt  }
0x57: {  	_ =	shalt  }
0x58: {  	_ =	shalt  }
0x59: {  	_ =	shalt  }
0x5a: {  	_ =	shalt  }
0x5b: {  	_ =	shalt  }
0x5c: {  	_ =	shalt  }
0x5d: {  	_ =	shalt  }
0x5e: {  	_ =	shalt  }
0x5f: {  	_ =	shalt  }
0x60: {  	_ =	shalt  }
0x61: {  	_ =	shalt  }
0x62: {  	_ =	shalt  }
0x63: {  	_ =	shalt  }
0x64: {  	_ =	shalt  }
0x65: {  	_ =	shalt  }
0x66: {  	_ =	shalt  }
0x67: {  	_ =	shalt  }
0x68: {  	_ =	shalt  }
0x69: {  	_ =	shalt  }
0x6a: {  	_ =	shalt  }
0x6b: {  	_ =	shalt  }
0x6c: {  	_ =	shalt  }
0x6d: {  	_ =	shalt  }
0x6e: {  	_ =	shalt  }
0x6f: {  	_ =	shalt  }
0x70: {  	_ =	shalt  }
0x71: {  	_ =	shalt  }
0x72: {  	_ =	shalt  }
0x73: {  	_ =	shalt  }
0x74: {  	_ =	shalt  }
0x75: {  	_ =	shalt  }
0x76: {  	_ =	shalt  }
0x77: {  	_ =	shalt  }
0x78: {  	_ =	shalt  }
0x79: {  	_ =	shalt  }
0x7a: {  	_ =	shalt  }
0x7b: {  	_ =	shalt  }
0x7c: {  	_ =	shalt  }
0x7d: {  	_ =	shalt  }
0x7e: {  	_ =	shalt  }
0x7f: {  	_ =	shalt  }
0x80: {  	_ =	shalt  }
0x81: {  	_ =	shalt  }
0x82: {  	_ =	shalt  }
0x83: {  	_ =	shalt  }
0x84: {  	_ =	shalt  }
0x85: {  	_ =	shalt  }
0x86: {  	_ =	shalt  }
0x87: {  	_ =	shalt  }
.Lfunc_end0:
.L_simem_size_0:
called_computation_lowered:
.L_overlay_start_0:
0x88: {  	s2 =	sld [smem:$0x3FD9]  }
0x89: {  	s3 =	sld [smem:$0x3FFE];
	_ =	sdelay $0x1  }
0x8a: {  	s1 =	srdreg.scid  }
0x8b: {  	s0 =	sand.u32 $0x1, s1  }
0x8c: {  	s17 =	sshll.u32 s0, $0xA;
	s2 =	sadd.s32 s3, s2  }
0x8d: {  	s2 =	sadd.s32 s2, s17  }
0x8e: {  	[smem:$0x3FC3] =	sst s2  }
0x8f: {  	_ = 	snop  }
0x90: {  	s2 =	sld [smem:$0x3FD0];
	(tm) =	ssettm $0x1  }
0x91: {  	s18 =	sld [smem:$0x3FFB];
	_ =	sdelay $0x3  }
0x92: {  	_ =	strace s18  }
0x93: {  	s3 =	sld [smem:$0x3FFC];
	_ =	sdelay $0x3  }
0x94: {  	_ =	strace s3  }
0x95: {  	s3 =	sld [smem:$0x3FFD];
	_ =	sdelay $0x3  }
0x96: {  	_ =	strace s3  }
0x97: {  	_ =	strace $0x8FFFFFFF  }
0x98: {  	s19 =	sld [smem:$0x3FDB];
	_ =	sdelay $0x1  }
0x99: {  	s4 =	simm.s32 $_scs_section_size  }
0x9a: {  	s5 =	simm.s32 $_size__tile_overlayer_lowered;
	s6 =	simm.s32 $_tile_overlayer_lowered  }
0x9b: {  	s22 =	simm.s32 $0x1BFF;
	s21 =	sshll.u32 s6, $0x1;
	s3 =	sadd.s32 s4, s19  }
0x9c: {  	s7 =	simm.s32 $0x0;
	s20 =	sshll.u32 s5, $0x1;
	s5 =	sadd.s32 s21, s3  }
0x9d: {  	[timem:s7], [sflag:s22] =	dma.local [hbm:s5], s20  }
0x9e: {  	_ =	swait.ge [sflag:s22], s20  }
0x9f: {  	s4 =	ssub.s32 $0x0, s20;
	[sflag:s22] =	ssyncset.done $0x0  }
0xa0: {  	[sflag:s22] =	ssyncadd.s32 s4;
	_ =	sdelay $0x1  }
0xa1: {  	s23 =	simm.s32 $0x1B8B  }
0xa2: {  	_ =	swait.ge [sflag:s23], $0x1  }
0xa3: {  	[sflag:s23] =	ssyncset.done $0x0  }
0xa4: {  	s25 =	simm.s32 $0x1B8E;
	s24 =	sld [smem:$0x3FFE];
	[sflag:s23] =	ssyncadd.s32 $0xFFFFFFFF  }
0xa5: {  	s26 =	simm.s32 $execute0_lowered;
	[smem:$0x3FD2] =	sst s25  }
0xa6: {  	s5 =	sshll.u32 s26, $0x1;
	_ =	strace $0x80000046;
	[dreg:$0x1] =	wrdreg $0xFFFFFFFF  }
0xa7: {  	s28 =	simm.s32 $_size_execute0_lowered;
	s3 =	sadd.s32 s3, s5;
	[dreg:$0x0] =	wrdreg $0x0  }
0xa8: {  	s5 =	sshll.u32 s28, $0x1;
	[dreg:$0x2] =	wrdreg s3  }
0xa9: {  	[dreg:$0x3] =	wrdreg s5  }
0xaa: {  	[dreg:$0x4] =	wrdreg $0xC0  }
0xab: {  	_ =	task [dreg:s7], $0x5FFFF  }
0xac: {  	[dreg:$0x1] =	wrdreg $0xFFFFFFFF  }
0xad: {  	[dreg:$0x0] =	wrdreg $0x60  }
0xae: {  	[dreg:$0x2] =	wrdreg s24  }
0xaf: {  	[dreg:$0x3] =	wrdreg s2  }
0xb0: {  	[dreg:$0x4] =	wrdreg $0x110000  }
0xb1: {  	[dreg:$0x5] =	wrdreg $0x9  }
0xb2: {  	_ =	task.clear_ibuf [dreg:s7], $0x6FFFF;
	_ =	strace $0x90000046  }
0xb3: {  	s29 =	simm.s32 $0x9;
	_ =	strace $0x80000048  }
0xb4: {  	_ =	swait.ge [sflag:s29], $0x1  }
0xb5: {  	[sflag:s29] =	ssyncadd.s32 $0xFFFFFFFF  }
0xb6: {  	_ =	strace $0x90000048  }
0xb7: {  	_ =	sfence  }
0xb8: {  	s30 =	sld [smem:$0x0];
	_ =	sdelay $0x2  }
0xb9: {  	s31 =	sshll.u32 s1, $0xD;
	s1 =	sshrl.u32 s1, $0x2  }
0xba: {  	s3 =	sand.u32 $0x4000, s31;
	s1 =	sadd.s32 s1, s30  }
0xbb: {  	s0 =	sor.u32 s3, s0;
	s1 =	sshll.u32 s1, $0x11  }
0xbc: {  	s0 =	sor.u32 s1, s0  }
0xbd: {  	s0 =	sadd.s32 $0x8F2B, s0  }
0xbe: {  	[sflag:s0] =	ssyncadd.remote.s32 $0x1  }
0xbf: {  	_ =	sfence.sel $0xFFFF  }
0xc0: {  	[dreg:$0x0] =	wrdreg $0xFFFFFFFF;
	(pc) =	sbr.abs _section_cstart, $3  }
0xc1: {  	[dreg:$0x1] =	wrdreg $0xFFFFFFFF  }
0xc2: {  	_ =	task.clear_ibuf [dreg:s7], $0x2FFFF;
	_ =	strace $0x9FFFFFFF  }
0xc3: {  	(tm) =	ssettm $0x7FFFFFFF  }
tec
execute0_lowered:
.L_overlay_start_1:
0x0: {  	(tag) =	ssettag $0x1  }
0x1: {  	s0 =	rddreg [dreg:$0x0]  }
0x2: {  	s1 =	rddreg [dreg:$0x1]  }
0x3: {  	s2 =	rddreg [dreg:$0x2];
	s3 =	simm.s32 $0x0  }
0x4: {  	s4 =	srdreg.scid;
	s5 =	stileid.u32;
	s28 =	simm.s32 $0xC80  }
0x5: {  	s29 =	simm.s32 $0xD00;
	s30 =	simm.s32 $0xD80;
	s31 =	simm.s32 $0x2  }
0x6: {  	s10 =	simm.s32 $0x1;
	s18 =	simm.s32 $0x9000;
	[smem:$0x7FF] =	sst s3  }
0x7: {  	s4 =	sand.u32 $0x1, s4;
	s6 =	sshll.u32 s5, $0x1;
	s7 =	sadd.s32 $0x2400, s0  }
0x8: {  	s19 =	sadd.s32 $0x1000, s0;
	_ =	strace $0x80000047;
	[dreg:$0x4] =	wrdreg s7  }
0x9: {  	s20 =	sadd.s32 $0x1200, s0;
	p0 =	sne.s32 s5, $0x0;
	[dreg:$0x5] =	wrdreg s19  }
0xa: {  	s5 =	simm.s32 $0xE80;
	s6 =	sor.u32 s4, s6;
	[dreg:$0x6] =	wrdreg s20  }
0xb: {  	s4 =	ssub.s32 $0x2, s4;
	s20 =	simm.s32 $0x5;
	s19 =	simm.s32 $0x0  }
0xc: {  	s21 =	sshll.u32 s6, $0x6;
	s8 =	sshrl.u32 s4, $0x1;
	s7 =	sshll.u32 s6, $0x5  }
0xd: {  	s6 =	simm.s32 $0xF00;
	s0 =	sadd.s32 s21, s0;
	s4 =	ssub.s32 s4, s8  }
0xe: {  	s9 =	sand.u32 $0x200, s7;
	s8 =	simm.s32 $0xF80;
	s22 =	sadd.s32 $0x1C00, s0  }
0xf: {  	s0 =	sadd.s32 $0x1400, s0;
	s23 =	sor.u32 $0x10, s9;
	[dreg:$0x7] =	wrdreg s22  }
0x10: {  	s24 =	sor.u32 $0x20, s9;
	s25 =	sor.u32 $0x30, s9;
	[dreg:$0x8] =	wrdreg s0  }
0x11: {  	s14 =	sor.u32 $0x40, s9;
	s15 =	sor.u32 $0x50, s9;
	[dreg:$0x9] =	wrdreg s23  }
.Ltmp0:
0x12: {  	s16 =	sor.u32 $0x60, s9;
	[dreg:$0xa] =	wrdreg s24;
	(pc) =	sbr.rel .LBB2_1-.Ltmp0, $4  }
0x13: {  	s17 =	sor.u32 $0x70, s9;
	s26 =	smax.u32 s4, $0x1;
	[dreg:$0xb] =	wrdreg s25  }
0x14: {  	s4 =	simm.s32 $0x5000;
	[dreg:$0xc] =	wrdreg s26;
	s0 =	sshrl.u32 @!p0 s2, $0x3  }
0x15: {  	s24 =	simm.s32 $0x80;
	s25 =	simm.s32 $0xC00;
	s26 =	simm.s32 $0x1000  }
0x16: {  	v0 =	vimm.f32 $0.0e+00;
	s23 =	simm.s32 $0xE00;
	[dreg:$0xd] =	wrdreg s0;
	s0 =	simm.s32 $0xD000  }
.LBB2_16:
0x17: {  	s11 =	simm.s32 $0x3  }
0x18: {  	_ =	swait.ge [sflag:s11], $0x4000  }
0x19: {  	[sflag:s11] =	ssyncset.done $0x0  }
0x1a: {  	s12 =	simm.s32 $0x4;
	[sflag:s11] =	ssyncadd.s32 $0xFFFFC000  }
0x1b: {  	_ =	swait.ge [sflag:s12], $0x4000  }
0x1c: {  	s19 =	sadd.s32 $0x1, s19;
	s22 =	rddreg [dreg:$0xc]  }
0x1d: {  	p1 =	sne.s32 s19, s22  }
.Ltmp1:
0x1e: {  	_ = 	snop;
	(pc) =	sbr.rel @!p1 .LBB2_17-.Ltmp1, $3  }
0x1f: {  	_ =	sdelay $0x1  }
0x20: {  	[sflag:s12] =	ssyncset.done $0x0  }
0x21: {  	[sflag:s12] =	ssyncadd.s32 $0xFFFFC000  }
.LBB2_1:
0x22: {  	s12 =	rddreg [dreg:$0x4]  }
0x23: {  	s11 =	simm.s32 @!p0 $0x1C05;
	s13 =	rddreg [dreg:$0xd]  }
0x24: {  	[spmem:s13], [sflag:s11] =	dma.local @!p0 [hbm:s12], $0x10000  }
0x25: {  	s11 =	simm.s32 @!p0 $0x5  }
0x26: {  	_ =	swait.ge @!p0 [sflag:s11], $0x10000  }
0x27: {  	[sflag:s11] =	ssyncset.done @!p0 $0x0  }
0x28: {  	s13 =	rddreg [dreg:$0x5];
	[sflag:s11] =	ssyncadd.s32 @!p0 $0xFFFF0000  }
0x29: {  	[tilespmem:s3], [sflag:$0x5] =	stream.linear.gather [hbm4b:s13+s3], $0x400, $0x38;
	[tilespmem:$0x19000] =	vst v63  }
0x2a: {  	_ =	swait.ge [sflag:s20], $0x400  }
0x2b: {  	[sflag:s20] =	ssyncset.done $0x0  }
0x2c: {  	s22 =	simm.s32 $0x400;
	s21 =	rddreg [dreg:$0x6];
	[sflag:s20] =	ssyncadd.s32 $0xFFFFFC00  }
0x2d: {  	[tilespmem:s22], [sflag:$0x5] =	stream.linear.gather [hbm4b:s21+s3], $0x400, $0x38;
	[tilespmem:$0x19000] =	vst v63  }
0x2e: {  	_ =	swait.ge [sflag:s20], $0x400  }
0x2f: {  	[sflag:s20] =	ssyncset.done $0x0  }
0x30: {  	s13 =	simm.s32 $0x800;
	s12 =	rddreg [dreg:$0x7];
	[sflag:s20] =	ssyncadd.s32 $0xFFFFFC00  }
0x31: {  	[tilespmem:s13], [sflag:$0x5] =	stream.linear.gather [hbm4b:s12+s3], $0x200, $0x38;
	[tilespmem:$0x19000] =	vst v63  }
0x32: {  	_ =	swait.ge [sflag:s20], $0x200  }
0x33: {  	[sflag:s20] =	ssyncset.done $0x0  }
0x34: {  	s22 =	simm.s32 $0xA00;
	s21 =	rddreg [dreg:$0x8];
	[sflag:s20] =	ssyncadd.s32 $0xFFFFFE00  }
0x35: {  	[tilespmem:s22], [sflag:$0x5] =	stream.linear.gather [hbm4b:s21+s3], $0x200, $0x38;
	[tilespmem:$0x19000] =	vst v63  }
0x36: {  	_ =	swait.ge [sflag:s20], $0x200  }
0x37: {  	[sflag:s20] =	ssyncset.done $0x0  }
0x38: {  	[sflag:s20] =	ssyncadd.s32 $0xFFFFFE00  }
0x39: {  	s11 =	simm.s32 $0x0;
	s12 =	simm.s32 $0x800;
	[bflag:$0x0] =	sbarrier.arrive $0xFFFF  }
.LBB2_2:
0x3a: {  	p1 =	sne.s32 s12, $0xF800;
	[tilespmem:s11+$0x11F0] =	vst v0  }
0x3b: {  	[tilespmem:s11+$0x1000] =	vst v0  }
0x3c: {  	[tilespmem:s11+$0x1010] =	vst v0  }
0x3d: {  	[tilespmem:s11+$0x1020] =	vst v0  }
0x3e: {  	[tilespmem:s11+$0x1030] =	vst v0  }
0x3f: {  	[tilespmem:s11+$0x1040] =	vst v0  }
0x40: {  	[tilespmem:s11+$0x1050] =	vst v0  }
0x41: {  	[tilespmem:s11+$0x1060] =	vst v0  }
0x42: {  	[tilespmem:s11+$0x1070] =	vst v0  }
0x43: {  	[tilespmem:s11+$0x1080] =	vst v0  }
0x44: {  	[tilespmem:s11+$0x1090] =	vst v0  }
0x45: {  	[tilespmem:s11+$0x10A0] =	vst v0  }
0x46: {  	[tilespmem:s11+$0x10B0] =	vst v0  }
0x47: {  	[tilespmem:s11+$0x10C0] =	vst v0  }
0x48: {  	[tilespmem:s11+$0x10D0] =	vst v0  }
0x49: {  	[tilespmem:s11+$0x10E0] =	vst v0  }
0x4a: {  	[tilespmem:s11+$0x10F0] =	vst v0  }
0x4b: {  	[tilespmem:s11+$0x1100] =	vst v0  }
0x4c: {  	[tilespmem:s11+$0x1110] =	vst v0  }
0x4d: {  	[tilespmem:s11+$0x1120] =	vst v0  }
0x4e: {  	[tilespmem:s11+$0x1130] =	vst v0  }
0x4f: {  	[tilespmem:s11+$0x1140] =	vst v0  }
0x50: {  	[tilespmem:s11+$0x1150] =	vst v0  }
0x51: {  	[tilespmem:s11+$0x1160] =	vst v0  }
0x52: {  	[tilespmem:s11+$0x1170] =	vst v0  }
0x53: {  	[tilespmem:s11+$0x1180] =	vst v0  }
0x54: {  	[tilespmem:s11+$0x1190] =	vst v0  }
.Ltmp2:
0x55: {  	[tilespmem:s11+$0x11A0] =	vst v0;
	(pc) =	sbr.rel @p1 .LBB2_2-.Ltmp2, $4  }
0x56: {  	[tilespmem:s11+$0x11B0] =	vst v0  }
0x57: {  	[tilespmem:s11+$0x11C0] =	vst v0  }
0x58: {  	[tilespmem:s11+$0x11D0] =	vst v0  }
0x59: {  	[tilespmem:s11+$0x11E0] =	vst v0;
	s11 =	sshra.s32 s12, $0x2;
	s12 =	sadd.s32 $0x800, s12  }
0x5a: {  	[tilespmem:s11+$0x11F0] =	vst v0  }
0x5b: {  	[tilespmem:s11+$0x1000] =	vst v0  }
0x5c: {  	[tilespmem:s11+$0x1010] =	vst v0  }
0x5d: {  	[tilespmem:s11+$0x1020] =	vst v0  }
0x5e: {  	[tilespmem:s11+$0x1030] =	vst v0  }
0x5f: {  	[tilespmem:s11+$0x1040] =	vst v0  }
0x60: {  	[tilespmem:s11+$0x1050] =	vst v0  }
0x61: {  	[tilespmem:s11+$0x1060] =	vst v0  }
0x62: {  	[tilespmem:s11+$0x1070] =	vst v0  }
0x63: {  	[tilespmem:s11+$0x1080] =	vst v0  }
0x64: {  	[tilespmem:s11+$0x1090] =	vst v0  }
0x65: {  	[tilespmem:s11+$0x10A0] =	vst v0  }
0x66: {  	[tilespmem:s11+$0x10B0] =	vst v0  }
0x67: {  	[tilespmem:s11+$0x10C0] =	vst v0  }
0x68: {  	[tilespmem:s11+$0x10D0] =	vst v0  }
0x69: {  	[tilespmem:s11+$0x10E0] =	vst v0  }
0x6a: {  	[tilespmem:s11+$0x10F0] =	vst v0  }
0x6b: {  	[tilespmem:s11+$0x1100] =	vst v0  }
0x6c: {  	[tilespmem:s11+$0x1110] =	vst v0  }
0x6d: {  	[tilespmem:s11+$0x1120] =	vst v0  }
0x6e: {  	[tilespmem:s11+$0x1130] =	vst v0  }
0x6f: {  	[tilespmem:s11+$0x1140] =	vst v0  }
0x70: {  	[tilespmem:s11+$0x1150] =	vst v0  }
0x71: {  	[tilespmem:s11+$0x1160] =	vst v0  }
0x72: {  	[tilespmem:s11+$0x1170] =	vst v0  }
0x73: {  	[tilespmem:s11+$0x1180] =	vst v0  }
0x74: {  	[tilespmem:s11+$0x1190] =	vst v0  }
0x75: {  	[tilespmem:s11+$0x11A0] =	vst v0  }
0x76: {  	[tilespmem:s11+$0x11B0] =	vst v0  }
0x77: {  	[tilespmem:s11+$0x11C0] =	vst v0  }
0x78: {  	[tilespmem:s11+$0x11D0] =	vst v0  }
0x79: {  	[tilespmem:s11+$0x11E0] =	vst v0;
	s11 =	simm.s32 $0x0;
	s12 =	simm.s32 $0x800  }
.LBB2_4:
0x7a: {  	p1 =	sne.s32 s12, $0xF800;
	[tilespmem:s11+$0x51F0] =	vst v0  }
0x7b: {  	[tilespmem:s11+$0x5000] =	vst v0  }
0x7c: {  	[tilespmem:s11+$0x5010] =	vst v0  }
0x7d: {  	[tilespmem:s11+$0x5020] =	vst v0  }
0x7e: {  	[tilespmem:s11+$0x5030] =	vst v0  }
0x7f: {  	[tilespmem:s11+$0x5040] =	vst v0  }
0x80: {  	[tilespmem:s11+$0x5050] =	vst v0  }
0x81: {  	[tilespmem:s11+$0x5060] =	vst v0  }
0x82: {  	[tilespmem:s11+$0x5070] =	vst v0  }
0x83: {  	[tilespmem:s11+$0x5080] =	vst v0  }
0x84: {  	[tilespmem:s11+$0x5090] =	vst v0  }
0x85: {  	[tilespmem:s11+$0x50A0] =	vst v0  }
0x86: {  	[tilespmem:s11+$0x50B0] =	vst v0  }
0x87: {  	[tilespmem:s11+$0x50C0] =	vst v0  }
0x88: {  	[tilespmem:s11+$0x50D0] =	vst v0  }
0x89: {  	[tilespmem:s11+$0x50E0] =	vst v0  }
0x8a: {  	[tilespmem:s11+$0x50F0] =	vst v0  }
0x8b: {  	[tilespmem:s11+$0x5100] =	vst v0  }
0x8c: {  	[tilespmem:s11+$0x5110] =	vst v0  }
0x8d: {  	[tilespmem:s11+$0x5120] =	vst v0  }
0x8e: {  	[tilespmem:s11+$0x5130] =	vst v0  }
0x8f: {  	[tilespmem:s11+$0x5140] =	vst v0  }
0x90: {  	[tilespmem:s11+$0x5150] =	vst v0  }
0x91: {  	[tilespmem:s11+$0x5160] =	vst v0  }
0x92: {  	[tilespmem:s11+$0x5170] =	vst v0  }
0x93: {  	[tilespmem:s11+$0x5180] =	vst v0  }
0x94: {  	[tilespmem:s11+$0x5190] =	vst v0  }
.Ltmp3:
0x95: {  	[tilespmem:s11+$0x51A0] =	vst v0;
	(pc) =	sbr.rel @p1 .LBB2_4-.Ltmp3, $4  }
0x96: {  	[tilespmem:s11+$0x51B0] =	vst v0  }
0x97: {  	[tilespmem:s11+$0x51C0] =	vst v0  }
0x98: {  	[tilespmem:s11+$0x51D0] =	vst v0  }
0x99: {  	[tilespmem:s11+$0x51E0] =	vst v0;
	s11 =	sshra.s32 s12, $0x2;
	s12 =	sadd.s32 $0x800, s12  }
0x9a: {  	[tilespmem:s11+$0x51F0] =	vst v0  }
0x9b: {  	[tilespmem:s11+$0x5000] =	vst v0  }
0x9c: {  	[tilespmem:s11+$0x5010] =	vst v0  }
0x9d: {  	[tilespmem:s11+$0x5020] =	vst v0  }
0x9e: {  	[tilespmem:s11+$0x5030] =	vst v0  }
0x9f: {  	[tilespmem:s11+$0x5040] =	vst v0  }
0xa0: {  	[tilespmem:s11+$0x5050] =	vst v0  }
0xa1: {  	[tilespmem:s11+$0x5060] =	vst v0  }
0xa2: {  	[tilespmem:s11+$0x5070] =	vst v0  }
0xa3: {  	[tilespmem:s11+$0x5080] =	vst v0  }
0xa4: {  	[tilespmem:s11+$0x5090] =	vst v0  }
0xa5: {  	[tilespmem:s11+$0x50A0] =	vst v0  }
0xa6: {  	[tilespmem:s11+$0x50B0] =	vst v0  }
0xa7: {  	[tilespmem:s11+$0x50C0] =	vst v0  }
0xa8: {  	[tilespmem:s11+$0x50D0] =	vst v0  }
0xa9: {  	[tilespmem:s11+$0x50E0] =	vst v0  }
0xaa: {  	[tilespmem:s11+$0x50F0] =	vst v0  }
0xab: {  	[tilespmem:s11+$0x5100] =	vst v0  }
0xac: {  	[tilespmem:s11+$0x5110] =	vst v0  }
0xad: {  	[tilespmem:s11+$0x5120] =	vst v0  }
0xae: {  	[tilespmem:s11+$0x5130] =	vst v0  }
0xaf: {  	[tilespmem:s11+$0x5140] =	vst v0  }
0xb0: {  	[tilespmem:s11+$0x5150] =	vst v0  }
0xb1: {  	[tilespmem:s11+$0x5160] =	vst v0  }
0xb2: {  	[tilespmem:s11+$0x5170] =	vst v0  }
0xb3: {  	[tilespmem:s11+$0x5180] =	vst v0  }
0xb4: {  	[tilespmem:s11+$0x5190] =	vst v0  }
0xb5: {  	[tilespmem:s11+$0x51A0] =	vst v0  }
0xb6: {  	[tilespmem:s11+$0x51B0] =	vst v0  }
0xb7: {  	[tilespmem:s11+$0x51C0] =	vst v0  }
0xb8: {  	[tilespmem:s11+$0x51D0] =	vst v0  }
0xb9: {  	[tilespmem:s11+$0x51E0] =	vst v0  }
0xba: {  	v1 =	vld [tilespmem:$0x800]  }
0xbb: {  	v2 =	vld [tilespmem:$0xA00]  }
0xbc: {  	v3 =	vld [tilespmem:s9+$0x0]  }
0xbd: {  	v4 =	vld [tilespmem:s9+$0x400];
	_ =	sdelay $0x2  }
0xbe: {  	v5 =	vadd.s32 $0x200, v1  }
0xbf: {  	v1 =	vadd.s32 $0x600, v1;
	v6 =	vsub.s32 v5, v3  }
0xc0: {  	v7 =	vadd.s32 $0xA00, v2;
	v44 =	vsub.s32 v1, v4;
	[tilespmem:$0xC00] =	vst v6  }
0xc1: {  	v2 =	vadd.s32 $0xE00, v2;
	v3 =	vsub.s32 v7, v3;
	[tilespmem:$0xC80] =	vst v44  }
0xc2: {  	[tilespmem:$0xD00] =	vst v3;
	v3 =	vsub.s32 v2, v4  }
0xc3: {  	s13 =	rddreg [dreg:$0x9];
	[tilespmem:$0xD80] =	vst v3  }
0xc4: {  	v3 =	vld [tilespmem:s13+$0x0]  }
0xc5: {  	v45 =	vld [tilespmem:s13+$0x400];
	_ =	sdelay $0x3  }
0xc6: {  	v46 =	vsub.s32 v5, v3  }
0xc7: {  	v47 =	vsub.s32 v1, v45;
	[tilespmem:$0xC10] =	vst v46  }
0xc8: {  	v3 =	vsub.s32 v7, v3;
	[tilespmem:$0xC90] =	vst v47  }
0xc9: {  	[tilespmem:$0xD10] =	vst v3;
	v3 =	vsub.s32 v2, v45  }
0xca: {  	s21 =	rddreg [dreg:$0xa];
	[tilespmem:$0xD90] =	vst v3  }
0xcb: {  	v3 =	vld [tilespmem:s21+$0x0]  }
0xcc: {  	v48 =	vld [tilespmem:s21+$0x400];
	_ =	sdelay $0x3  }
0xcd: {  	v49 =	vsub.s32 v5, v3  }
0xce: {  	v50 =	vsub.s32 v1, v48;
	[tilespmem:$0xC20] =	vst v49  }
0xcf: {  	v3 =	vsub.s32 v7, v3;
	[tilespmem:$0xCA0] =	vst v50  }
0xd0: {  	[tilespmem:$0xD20] =	vst v3;
	v3 =	vsub.s32 v2, v48  }
0xd1: {  	s22 =	rddreg [dreg:$0xb];
	[tilespmem:$0xDA0] =	vst v3  }
0xd2: {  	v3 =	vld [tilespmem:s22+$0x0]  }
0xd3: {  	v51 =	vld [tilespmem:s22+$0x400];
	_ =	sdelay $0x3  }
0xd4: {  	v52 =	vsub.s32 v5, v3  }
0xd5: {  	v53 =	vsub.s32 v1, v51;
	[tilespmem:$0xC30] =	vst v52  }
0xd6: {  	v3 =	vsub.s32 v7, v3;
	[tilespmem:$0xCB0] =	vst v53  }
0xd7: {  	[tilespmem:$0xD30] =	vst v3;
	v3 =	vsub.s32 v2, v51  }
0xd8: {  	[tilespmem:$0xDB0] =	vst v3  }
0xd9: {  	v3 =	vld [tilespmem:s14+$0x0]  }
0xda: {  	v54 =	vld [tilespmem:s14+$0x400];
	_ =	sdelay $0x3  }
0xdb: {  	v55 =	vsub.s32 v5, v3  }
0xdc: {  	v56 =	vsub.s32 v1, v54;
	[tilespmem:$0xC40] =	vst v55  }
0xdd: {  	v3 =	vsub.s32 v7, v3;
	[tilespmem:$0xCC0] =	vst v56  }
0xde: {  	[tilespmem:$0xD40] =	vst v3;
	v3 =	vsub.s32 v2, v54  }
0xdf: {  	[tilespmem:$0xDC0] =	vst v3  }
0xe0: {  	v3 =	vld [tilespmem:s15+$0x0]  }
0xe1: {  	v57 =	vld [tilespmem:s15+$0x400];
	_ =	sdelay $0x3  }
0xe2: {  	v58 =	vsub.s32 v5, v3  }
0xe3: {  	v59 =	vsub.s32 v1, v57;
	[tilespmem:$0xC50] =	vst v58  }
0xe4: {  	v3 =	vsub.s32 v7, v3;
	[tilespmem:$0xCD0] =	vst v59  }
0xe5: {  	[tilespmem:$0xD50] =	vst v3;
	v3 =	vsub.s32 v2, v57  }
0xe6: {  	[tilespmem:$0xDD0] =	vst v3  }
0xe7: {  	v3 =	vld [tilespmem:s16+$0x0]  }
0xe8: {  	v60 =	vld [tilespmem:s16+$0x400];
	_ =	sdelay $0x3  }
0xe9: {  	v61 =	vsub.s32 v5, v3  }
0xea: {  	v62 =	vsub.s32 v1, v60;
	[tilespmem:$0xC60] =	vst v61  }
0xeb: {  	v3 =	vsub.s32 v7, v3;
	[tilespmem:$0xCE0] =	vst v62  }
0xec: {  	[tilespmem:$0xD60] =	vst v3;
	v3 =	vsub.s32 v2, v60  }
0xed: {  	[tilespmem:$0xDE0] =	vst v3  }
0xee: {  	v3 =	vld [tilespmem:s17+$0x0]  }
0xef: {  	v63 =	vld [tilespmem:s17+$0x400];
	_ =	sdelay $0x3  }
0xf0: {  	v5 =	vsub.s32 v5, v3  }
0xf1: {  	v1 =	vsub.s32 v1, v63;
	[tilespmem:$0xC70] =	vst v5  }
0xf2: {  	[tilespmem:$0xCF0] =	vst v1;
	v1 =	vsub.s32 v7, v3  }
0xf3: {  	[tilespmem:$0xD70] =	vst v1;
	v1 =	vsub.s32 v2, v63  }
0xf4: {  	[tilespmem:$0xDF0] =	vst v1  }
0xf5: {  	[tilespmem:s26], [sflag:$0x1] =	stream.indirect.gather.add.f32 [spmem:s2], $0x80, s25, s24, $0xb8;
	[tilespmem:$0x19000] =	vst v63  }
0xf6: {  	_ = 	snop  }
0xf7: {  	[tilespmem:s26], [sflag:$0x1] =	stream.indirect.gather.add.f32 [spmem:s2], $0x80, s28, s24, $0xb8;
	[tilespmem:$0x19000] =	vst v63  }
.Ltmp4:
0xf8: {  	_ = 	snop;
	(pc) =	sbr.rel .LBB2_6-.Ltmp4, $4  }
0xf9: {  	_ = 	snop  }
0xfa: {  	[tilespmem:s26], [sflag:$0x1] =	stream.indirect.gather.add.f32 [spmem:s2], $0x80, s29, s24, $0xb8;
	[tilespmem:$0x19000] =	vst v63  }
0xfb: {  	s21 =	simm.s32 $0x0  }
0xfc: {  	[tilespmem:s26], [sflag:$0x1] =	stream.indirect.gather.add.f32 [spmem:s2], $0x80, s30, s24, $0xb8;
	[tilespmem:$0x19000] =	vst v63  }
.LBB2_15:
0xfd: {  	s21 =	sadd.s32 $0x1, s21  }
0xfe: {  	p1 =	sne.s32 s21, $0x80  }
.Ltmp5:
0xff: {  	_ = 	snop;
	(pc) =	sbr.rel @!p1 .LBB2_16-.Ltmp5, $1  }
0x100: {  	_ =	sdelay $0x3  }
.LBB2_6:
0x101: {  	s22 =	sand.u32 $0x1, s21  }
0x102: {  	p1 =	seq.s32 s22, $0x1  }
.Ltmp6:
0x103: {  	_ = 	snop;
	(pc) =	sbr.rel @p1 .LBB2_10-.Ltmp6, $1  }
0x104: {  	_ =	sdelay $0x3  }
0x105: {  	s11 =	sshll.u32 s21, $0x7;
	s12 =	sshll.u32 s21, $0x2  }
0x106: {  	s11 =	sand.u32 $0x100, s11;
	s12 =	sand.u32 $0x1F0, s12  }
0x107: {  	s11 =	sor.u32 s11, s9;
	v1 =	vld [tilespmem:s12+$0x800]  }
0x108: {  	v2 =	vld [tilespmem:s12+$0xA00];
	s13 =	sor.u32 $0x80, s11  }
0x109: {  	v3 =	vld [tilespmem:s13+$0x0]  }
0x10a: {  	s13 =	sor.u32 $0x480, s11  }
0x10b: {  	v4 =	vld [tilespmem:s13+$0x0];
	_ =	sdelay $0x1  }
0x10c: {  	v5 =	vadd.s32 $0x200, v1  }
0x10d: {  	v7 =	vadd.s32 $0xA00, v2;
	v6 =	vsub.s32 v5, v3  }
0x10e: {  	v1 =	vadd.s32 $0x600, v1;
	v3 =	vsub.s32 v7, v3;
	[tilespmem:$0xE00] =	vst v6  }
0x10f: {  	v2 =	vadd.s32 $0xE00, v2;
	v6 =	vsub.s32 v1, v4;
	[tilespmem:$0xF00] =	vst v3  }
0x110: {  	v3 =	vsub.s32 v2, v4;
	[tilespmem:$0xE80] =	vst v6  }
0x111: {  	s13 =	sor.u32 $0x90, s11;
	[tilespmem:$0xF80] =	vst v3  }
0x112: {  	v3 =	vld [tilespmem:s13+$0x0]  }
0x113: {  	s13 =	sor.u32 $0x490, s11  }
0x114: {  	v4 =	vld [tilespmem:s13+$0x0];
	_ =	sdelay $0x2  }
0x115: {  	v6 =	vsub.s32 v5, v3  }
0x116: {  	v3 =	vsub.s32 v7, v3;
	[tilespmem:$0xE10] =	vst v6  }
0x117: {  	v6 =	vsub.s32 v1, v4;
	[tilespmem:$0xF10] =	vst v3  }
0x118: {  	v3 =	vsub.s32 v2, v4;
	[tilespmem:$0xE90] =	vst v6  }
0x119: {  	s13 =	sor.u32 $0xA0, s11;
	[tilespmem:$0xF90] =	vst v3  }
0x11a: {  	v3 =	vld [tilespmem:s13+$0x0]  }
0x11b: {  	s13 =	sor.u32 $0x4A0, s11  }
0x11c: {  	v4 =	vld [tilespmem:s13+$0x0];
	_ =	sdelay $0x2  }
0x11d: {  	v6 =	vsub.s32 v5, v3  }
0x11e: {  	v3 =	vsub.s32 v7, v3;
	[tilespmem:$0xE20] =	vst v6  }
0x11f: {  	v6 =	vsub.s32 v1, v4;
	[tilespmem:$0xF20] =	vst v3  }
0x120: {  	v3 =	vsub.s32 v2, v4;
	[tilespmem:$0xEA0] =	vst v6  }
0x121: {  	s13 =	sor.u32 $0xB0, s11;
	[tilespmem:$0xFA0] =	vst v3  }
0x122: {  	v3 =	vld [tilespmem:s13+$0x0]  }
0x123: {  	s13 =	sor.u32 $0x4B0, s11  }
0x124: {  	v4 =	vld [tilespmem:s13+$0x0];
	_ =	sdelay $0x2  }
0x125: {  	v6 =	vsub.s32 v5, v3  }
0x126: {  	v3 =	vsub.s32 v7, v3;
	[tilespmem:$0xE30] =	vst v6  }
0x127: {  	v6 =	vsub.s32 v1, v4;
	[tilespmem:$0xF30] =	vst v3  }
0x128: {  	v3 =	vsub.s32 v2, v4;
	[tilespmem:$0xEB0] =	vst v6  }
0x129: {  	s13 =	sor.u32 $0xC0, s11;
	[tilespmem:$0xFB0] =	vst v3  }
0x12a: {  	v3 =	vld [tilespmem:s13+$0x0]  }
0x12b: {  	s13 =	sor.u32 $0x4C0, s11  }
0x12c: {  	v4 =	vld [tilespmem:s13+$0x0];
	_ =	sdelay $0x2  }
0x12d: {  	v6 =	vsub.s32 v5, v3  }
0x12e: {  	v3 =	vsub.s32 v7, v3;
	[tilespmem:$0xE40] =	vst v6  }
0x12f: {  	v6 =	vsub.s32 v1, v4;
	[tilespmem:$0xF40] =	vst v3  }
0x130: {  	v3 =	vsub.s32 v2, v4;
	[tilespmem:$0xEC0] =	vst v6  }
0x131: {  	s13 =	sor.u32 $0xD0, s11;
	[tilespmem:$0xFC0] =	vst v3  }
0x132: {  	v3 =	vld [tilespmem:s13+$0x0]  }
0x133: {  	s13 =	sor.u32 $0x4D0, s11  }
0x134: {  	v4 =	vld [tilespmem:s13+$0x0];
	_ =	sdelay $0x2  }
0x135: {  	v6 =	vsub.s32 v5, v3  }
0x136: {  	v3 =	vsub.s32 v7, v3;
	[tilespmem:$0xE50] =	vst v6  }
0x137: {  	v6 =	vsub.s32 v1, v4;
	[tilespmem:$0xF50] =	vst v3  }
0x138: {  	v3 =	vsub.s32 v2, v4;
	[tilespmem:$0xED0] =	vst v6  }
0x139: {  	s13 =	sor.u32 $0xE0, s11;
	[tilespmem:$0xFD0] =	vst v3  }
0x13a: {  	v3 =	vld [tilespmem:s13+$0x0]  }
0x13b: {  	s13 =	sor.u32 $0x4E0, s11  }
0x13c: {  	v4 =	vld [tilespmem:s13+$0x0];
	_ =	sdelay $0x2  }
0x13d: {  	v6 =	vsub.s32 v5, v3  }
0x13e: {  	v3 =	vsub.s32 v7, v3;
	[tilespmem:$0xE60] =	vst v6  }
0x13f: {  	v6 =	vsub.s32 v1, v4;
	[tilespmem:$0xF60] =	vst v3  }
0x140: {  	v3 =	vsub.s32 v2, v4;
	[tilespmem:$0xEE0] =	vst v6  }
0x141: {  	s13 =	sor.u32 $0xF0, s11;
	[tilespmem:$0xFE0] =	vst v3  }
0x142: {  	s11 =	sor.u32 $0x4F0, s11;
	v3 =	vld [tilespmem:s13+$0x0]  }
0x143: {  	v4 =	vld [tilespmem:s11+$0x0];
	_ =	sdelay $0x3  }
0x144: {  	v5 =	vsub.s32 v5, v3  }
0x145: {  	v1 =	vsub.s32 v1, v4;
	[tilespmem:$0xE70] =	vst v5  }
0x146: {  	[tilespmem:$0xEF0] =	vst v1;
	v1 =	vsub.s32 v7, v3  }
0x147: {  	[tilespmem:$0xF70] =	vst v1;
	v1 =	vsub.s32 v2, v4  }
0x148: {  	[tilespmem:$0xFF0] =	vst v1  }
0x149: {  	[tilespmem:s4], [sflag:$0x2] =	stream.indirect.gather.add.f32 [spmem:s2], $0x80, s23, s24, $0xb8;
	[tilespmem:$0x19000] =	vst v63  }
0x14a: {  	_ = 	snop  }
0x14b: {  	[tilespmem:s4], [sflag:$0x2] =	stream.indirect.gather.add.f32 [spmem:s2], $0x80, s5, s24, $0xb8;
	[tilespmem:$0x19000] =	vst v63  }
0x14c: {  	_ = 	snop  }
0x14d: {  	[tilespmem:s4], [sflag:$0x2] =	stream.indirect.gather.add.f32 [spmem:s2], $0x80, s6, s24, $0xb8;
	[tilespmem:$0x19000] =	vst v63  }
0x14e: {  	_ = 	snop  }
0x14f: {  	[tilespmem:s4], [sflag:$0x2] =	stream.indirect.gather.add.f32 [spmem:s2], $0x80, s8, s24, $0xb8;
	[tilespmem:$0x19000] =	vst v63  }
0x150: {  	_ =	swait.ge [sflag:s10], $0x4000  }
0x151: {  	[sflag:s10] =	ssyncset.done $0x0  }
0x152: {  	[sflag:s10] =	ssyncadd.s32 $0xFFFFC000  }
0x153: {  	_ =	swait.ge [sflag:s10], $0x4000  }
0x154: {  	[sflag:s10] =	ssyncset.done $0x0  }
0x155: {  	[sflag:s10] =	ssyncadd.s32 $0xFFFFC000  }
0x156: {  	_ =	swait.ge [sflag:s10], $0x4000  }
0x157: {  	[sflag:s10] =	ssyncset.done $0x0  }
0x158: {  	[sflag:s10] =	ssyncadd.s32 $0xFFFFC000  }
0x159: {  	_ =	swait.ge [sflag:s10], $0x4000  }
0x15a: {  	p1 =	slt.u32 s21, $0x2;
	[sflag:s10] =	ssyncset.done $0x0  }
0x15b: {  	s11 =	simm.s32 @!p1 $0x3;
	[sflag:s10] =	ssyncadd.s32 $0xFFFFC000  }
0x15c: {  	_ =	swait.ge @!p1 [sflag:s11], $0x4000  }
0x15d: {  	[sflag:s11] =	ssyncset.done @!p1 $0x0  }
0x15e: {  	[sflag:s11] =	ssyncadd.s32 @!p1 $0xFFFFC000;
	s11 =	simm.s32 $0x0  }
0x15f: {  	v1 =	vld [tilespmem:s11+$0x1000];
	[tilespmem:s11+$0x1000] =	vst v0  }
0x160: {  	v2 =	vld [tilespmem:s11+$0x1010];
	[tilespmem:s11+$0x1010] =	vst v0  }
0x161: {  	v3 =	vld [tilespmem:s11+$0x1020];
	[tilespmem:s11+$0x1020] =	vst v0  }
0x162: {  	v4 =	vld [tilespmem:s11+$0x1030];
	[tilespmem:s11+$0x1030] =	vst v0  }
0x163: {  	v5 =	vld [tilespmem:s11+$0x1040];
	[tilespmem:s11+$0x1040] =	vst v0  }
0x164: {  	v6 =	vld [tilespmem:s11+$0x1050];
	[tilespmem:s11+$0x1050] =	vst v0  }
0x165: {  	v7 =	vld [tilespmem:s11+$0x1060];
	[tilespmem:s11+$0x1060] =	vst v0  }
0x166: {  	v8 =	vld [tilespmem:s11+$0x1070];
	[tilespmem:s11+$0x1070] =	vst v0  }
0x167: {  	v9 =	vld [tilespmem:s11+$0x1080];
	[tilespmem:s11+$0x1080] =	vst v0  }
0x168: {  	v10 =	vld [tilespmem:s11+$0x1090];
	[tilespmem:s11+$0x1090] =	vst v0  }
0x169: {  	v11 =	vld [tilespmem:s11+$0x10A0];
	[tilespmem:s11+$0x10A0] =	vst v0  }
0x16a: {  	v12 =	vld [tilespmem:s11+$0x10B0];
	[tilespmem:s11+$0x10B0] =	vst v0  }
0x16b: {  	v13 =	vld [tilespmem:s11+$0x10C0];
	[tilespmem:s11+$0x10C0] =	vst v0  }
0x16c: {  	v14 =	vld [tilespmem:s11+$0x10D0];
	[tilespmem:s11+$0x10D0] =	vst v0  }
0x16d: {  	v15 =	vld [tilespmem:s11+$0x10E0];
	[tilespmem:s11+$0x10E0] =	vst v0  }
0x16e: {  	v16 =	vld [tilespmem:s11+$0x10F0];
	[tilespmem:s11+$0x10F0] =	vst v0  }
0x16f: {  	v17 =	vld [tilespmem:s11+$0x1100];
	[tilespmem:s11+$0x1100] =	vst v0  }
0x170: {  	v18 =	vld [tilespmem:s11+$0x1110];
	[tilespmem:s11+$0x1110] =	vst v0  }
0x171: {  	v19 =	vld [tilespmem:s11+$0x1120];
	[tilespmem:s11+$0x1120] =	vst v0;
	v1 =	vmax.f32 v1, $0.0e+00;
	v2 =	vmax.f32 v2, $0.0e+00  }
0x172: {  	v20 =	vld [tilespmem:s11+$0x1130];
	[tilespmem:s11+$0x1130] =	vst v0;
	v3 =	vmax.f32 v3, $0.0e+00;
	v4 =	vmax.f32 v4, $0.0e+00;
	v5 =	vmax.f32 v5, $0.0e+00  }
0x173: {  	v21 =	vld [tilespmem:s11+$0x1140];
	[tilespmem:s11+$0x1140] =	vst v0;
	v6 =	vmax.f32 v6, $0.0e+00;
	v7 =	vmax.f32 v7, $0.0e+00;
	v8 =	vmax.f32 v8, $0.0e+00  }
0x174: {  	v22 =	vld [tilespmem:s11+$0x1150];
	[tilespmem:s11+$0x1150] =	vst v0;
	v9 =	vmax.f32 v9, $0.0e+00;
	v10 =	vmax.f32 v10, $0.0e+00;
	v11 =	vmax.f32 v11, $0.0e+00  }
0x175: {  	v23 =	vld [tilespmem:s11+$0x1160];
	[tilespmem:s11+$0x1160] =	vst v0;
	v12 =	vmax.f32 v12, $0.0e+00;
	v13 =	vmax.f32 v13, $0.0e+00;
	v14 =	vmax.f32 v14, $0.0e+00  }
0x176: {  	v24 =	vld [tilespmem:s11+$0x1170];
	[tilespmem:s11+$0x1170] =	vst v0;
	v15 =	vmax.f32 v15, $0.0e+00;
	v16 =	vmax.f32 v16, $0.0e+00;
	v17 =	vmax.f32 v17, $0.0e+00  }
0x177: {  	s12 =	simm.s32 $0x800;
	v25 =	vld [tilespmem:s11+$0x1180];
	[tilespmem:s11+$0x1180] =	vst v0;
	v18 =	vmax.f32 v18, $0.0e+00;
	v19 =	vmax.f32 v19, $0.0e+00;
	v20 =	vmax.f32 v20, $0.0e+00  }
.LBB2_8:
0x178: {  	p1 =	sne.s32 s12, $0xF800;
	v21 =	vmax.f32 v21, $0.0e+00;
	v26 =	vld [tilespmem:s11+$0x1190];
	[tilespmem:s11+$0x1190] =	vst v0  }
0x179: {  	v22 =	vmax.f32 v22, $0.0e+00;
	v27 =	vld [tilespmem:s11+$0x11A0];
	[tilespmem:s11+$0x11A0] =	vst v0  }
0x17a: {  	v23 =	vmax.f32 v23, $0.0e+00;
	v28 =	vld [tilespmem:s11+$0x11B0];
	[tilespmem:s11+$0x11B0] =	vst v0  }
0x17b: {  	v24 =	vmax.f32 v24, $0.0e+00;
	v29 =	vld [tilespmem:s11+$0x11C0];
	[tilespmem:s11+$0x11C0] =	vst v0  }
0x17c: {  	v25 =	vmax.f32 v25, $0.0e+00;
	v30 =	vld [tilespmem:s11+$0x11D0];
	[tilespmem:s11+$0x11D0] =	vst v0  }
0x17d: {  	v26 =	vmax.f32 v26, $0.0e+00;
	v31 =	vld [tilespmem:s11+$0x11E0];
	[tilespmem:s11+$0x11E0] =	vst v0  }
0x17e: {  	v27 =	vmax.f32 v27, $0.0e+00;
	v32 =	vld [tilespmem:s11+$0x11F0];
	[tilespmem:s11+$0x11F0] =	vst v0  }
0x17f: {  	[tilespmem:s11+$0x9000] =	vst v1;
	v1 =	vmax.f32 v28, $0.0e+00  }
0x180: {  	[tilespmem:s11+$0x9010] =	vst v2;
	v2 =	vmax.f32 v29, $0.0e+00  }
0x181: {  	[tilespmem:s11+$0x9020] =	vst v3;
	v3 =	vmax.f32 v30, $0.0e+00  }
0x182: {  	[tilespmem:s11+$0x9030] =	vst v4;
	v4 =	vmax.f32 v31, $0.0e+00  }
0x183: {  	[tilespmem:s11+$0x9040] =	vst v5;
	v5 =	vmax.f32 v32, $0.0e+00  }
0x184: {  	[tilespmem:s11+$0x9050] =	vst v6  }
0x185: {  	[tilespmem:s11+$0x9060] =	vst v7  }
0x186: {  	[tilespmem:s11+$0x9070] =	vst v8  }
0x187: {  	[tilespmem:s11+$0x9080] =	vst v9  }
0x188: {  	[tilespmem:s11+$0x9090] =	vst v10  }
0x189: {  	[tilespmem:s11+$0x90A0] =	vst v11  }
0x18a: {  	[tilespmem:s11+$0x90B0] =	vst v12  }
0x18b: {  	[tilespmem:s11+$0x90C0] =	vst v13  }
0x18c: {  	[tilespmem:s11+$0x90D0] =	vst v14  }
0x18d: {  	[tilespmem:s11+$0x90E0] =	vst v15  }
0x18e: {  	[tilespmem:s11+$0x90F0] =	vst v16  }
0x18f: {  	[tilespmem:s11+$0x9100] =	vst v17  }
0x190: {  	[tilespmem:s11+$0x9110] =	vst v18  }
0x191: {  	[tilespmem:s11+$0x9120] =	vst v19  }
0x192: {  	[tilespmem:s11+$0x9130] =	vst v20  }
0x193: {  	[tilespmem:s11+$0x9140] =	vst v21  }
0x194: {  	[tilespmem:s11+$0x9150] =	vst v22  }
0x195: {  	[tilespmem:s11+$0x9160] =	vst v23  }
0x196: {  	[tilespmem:s11+$0x9170] =	vst v24  }
0x197: {  	[tilespmem:s11+$0x9180] =	vst v25  }
0x198: {  	[tilespmem:s11+$0x9190] =	vst v26  }
0x199: {  	[tilespmem:s11+$0x91A0] =	vst v27  }
0x19a: {  	[tilespmem:s11+$0x91B0] =	vst v1  }
0x19b: {  	[tilespmem:s11+$0x91C0] =	vst v2  }
0x19c: {  	[tilespmem:s11+$0x91D0] =	vst v3  }
0x19d: {  	[tilespmem:s11+$0x91E0] =	vst v4  }
0x19e: {  	[tilespmem:s11+$0x91F0] =	vst v5;
	s11 =	sshra.s32 s12, $0x2  }
0x19f: {  	v1 =	vld [tilespmem:s11+$0x1000];
	[tilespmem:s11+$0x1000] =	vst v0  }
0x1a0: {  	v2 =	vld [tilespmem:s11+$0x1010];
	[tilespmem:s11+$0x1010] =	vst v0  }
0x1a1: {  	v3 =	vld [tilespmem:s11+$0x1020];
	[tilespmem:s11+$0x1020] =	vst v0  }
0x1a2: {  	v4 =	vld [tilespmem:s11+$0x1030];
	[tilespmem:s11+$0x1030] =	vst v0  }
0x1a3: {  	v5 =	vld [tilespmem:s11+$0x1040];
	[tilespmem:s11+$0x1040] =	vst v0  }
0x1a4: {  	v1 =	vmax.f32 v1, $0.0e+00;
	v6 =	vld [tilespmem:s11+$0x1050];
	[tilespmem:s11+$0x1050] =	vst v0  }
0x1a5: {  	v2 =	vmax.f32 v2, $0.0e+00;
	v7 =	vld [tilespmem:s11+$0x1060];
	[tilespmem:s11+$0x1060] =	vst v0  }
0x1a6: {  	v3 =	vmax.f32 v3, $0.0e+00;
	v8 =	vld [tilespmem:s11+$0x1070];
	[tilespmem:s11+$0x1070] =	vst v0  }
0x1a7: {  	v4 =	vmax.f32 v4, $0.0e+00;
	v9 =	vld [tilespmem:s11+$0x1080];
	[tilespmem:s11+$0x1080] =	vst v0  }
0x1a8: {  	v5 =	vmax.f32 v5, $0.0e+00;
	v10 =	vld [tilespmem:s11+$0x1090];
	[tilespmem:s11+$0x1090] =	vst v0  }
0x1a9: {  	v6 =	vmax.f32 v6, $0.0e+00;
	v11 =	vld [tilespmem:s11+$0x10A0];
	[tilespmem:s11+$0x10A0] =	vst v0  }
0x1aa: {  	v7 =	vmax.f32 v7, $0.0e+00;
	v12 =	vld [tilespmem:s11+$0x10B0];
	[tilespmem:s11+$0x10B0] =	vst v0  }
0x1ab: {  	v8 =	vmax.f32 v8, $0.0e+00;
	v13 =	vld [tilespmem:s11+$0x10C0];
	[tilespmem:s11+$0x10C0] =	vst v0  }
0x1ac: {  	v9 =	vmax.f32 v9, $0.0e+00;
	v14 =	vld [tilespmem:s11+$0x10D0];
	[tilespmem:s11+$0x10D0] =	vst v0  }
0x1ad: {  	v10 =	vmax.f32 v10, $0.0e+00;
	v15 =	vld [tilespmem:s11+$0x10E0];
	[tilespmem:s11+$0x10E0] =	vst v0  }
0x1ae: {  	v11 =	vmax.f32 v11, $0.0e+00;
	v16 =	vld [tilespmem:s11+$0x10F0];
	[tilespmem:s11+$0x10F0] =	vst v0  }
0x1af: {  	v12 =	vmax.f32 v12, $0.0e+00;
	v17 =	vld [tilespmem:s11+$0x1100];
	[tilespmem:s11+$0x1100] =	vst v0  }
0x1b0: {  	v13 =	vmax.f32 v13, $0.0e+00;
	v18 =	vld [tilespmem:s11+$0x1110];
	[tilespmem:s11+$0x1110] =	vst v0  }
0x1b1: {  	v14 =	vmax.f32 v14, $0.0e+00;
	v19 =	vld [tilespmem:s11+$0x1120];
	[tilespmem:s11+$0x1120] =	vst v0  }
0x1b2: {  	v15 =	vmax.f32 v15, $0.0e+00;
	v20 =	vld [tilespmem:s11+$0x1130];
	[tilespmem:s11+$0x1130] =	vst v0  }
.Ltmp7:
0x1b3: {  	v16 =	vmax.f32 v16, $0.0e+00;
	v21 =	vld [tilespmem:s11+$0x1140];
	[tilespmem:s11+$0x1140] =	vst v0;
	(pc) =	sbr.rel @p1 .LBB2_8-.Ltmp7, $4  }
0x1b4: {  	v17 =	vmax.f32 v17, $0.0e+00;
	v22 =	vld [tilespmem:s11+$0x1150];
	[tilespmem:s11+$0x1150] =	vst v0  }
0x1b5: {  	v18 =	vmax.f32 v18, $0.0e+00;
	v23 =	vld [tilespmem:s11+$0x1160];
	[tilespmem:s11+$0x1160] =	vst v0  }
0x1b6: {  	v19 =	vmax.f32 v19, $0.0e+00;
	v24 =	vld [tilespmem:s11+$0x1170];
	[tilespmem:s11+$0x1170] =	vst v0  }
0x1b7: {  	s12 =	sadd.s32 $0x800, s12;
	v20 =	vmax.f32 v20, $0.0e+00;
	v25 =	vld [tilespmem:s11+$0x1180];
	[tilespmem:s11+$0x1180] =	vst v0  }
0x1b8: {  	v26 =	vld [tilespmem:s11+$0x1190];
	[tilespmem:s11+$0x1190] =	vst v0  }
0x1b9: {  	v27 =	vld [tilespmem:s11+$0x11A0];
	[tilespmem:s11+$0x11A0] =	vst v0  }
0x1ba: {  	v28 =	vld [tilespmem:s11+$0x11B0];
	[tilespmem:s11+$0x11B0] =	vst v0  }
0x1bb: {  	v29 =	vld [tilespmem:s11+$0x11C0];
	[tilespmem:s11+$0x11C0] =	vst v0  }
0x1bc: {  	v30 =	vld [tilespmem:s11+$0x11D0];
	[tilespmem:s11+$0x11D0] =	vst v0  }
0x1bd: {  	v31 =	vld [tilespmem:s11+$0x11E0];
	[tilespmem:s11+$0x11E0] =	vst v0  }
0x1be: {  	v32 =	vld [tilespmem:s11+$0x11F0];
	[tilespmem:s11+$0x11F0] =	vst v0  }
0x1bf: {  	[tilespmem:s11+$0x9000] =	vst v1  }
0x1c0: {  	[tilespmem:s11+$0x9010] =	vst v2  }
0x1c1: {  	[tilespmem:s11+$0x9020] =	vst v3  }
0x1c2: {  	[tilespmem:s11+$0x9030] =	vst v4  }
0x1c3: {  	[tilespmem:s11+$0x9040] =	vst v5  }
0x1c4: {  	[tilespmem:s11+$0x9050] =	vst v6  }
0x1c5: {  	[tilespmem:s11+$0x9060] =	vst v7  }
0x1c6: {  	[tilespmem:s11+$0x9070] =	vst v8  }
0x1c7: {  	[tilespmem:s11+$0x9080] =	vst v9  }
0x1c8: {  	[tilespmem:s11+$0x9090] =	vst v10  }
0x1c9: {  	[tilespmem:s11+$0x90A0] =	vst v11  }
0x1ca: {  	[tilespmem:s11+$0x90B0] =	vst v12  }
0x1cb: {  	[tilespmem:s11+$0x90C0] =	vst v13  }
0x1cc: {  	[tilespmem:s11+$0x90D0] =	vst v14  }
0x1cd: {  	[tilespmem:s11+$0x90E0] =	vst v15  }
0x1ce: {  	[tilespmem:s11+$0x90F0] =	vst v16  }
0x1cf: {  	[tilespmem:s11+$0x9100] =	vst v17  }
0x1d0: {  	[tilespmem:s11+$0x9110] =	vst v18  }
0x1d1: {  	[tilespmem:s11+$0x9120] =	vst v19  }
0x1d2: {  	v1 =	vmax.f32 v21, $0.0e+00;
	[tilespmem:s11+$0x9130] =	vst v20  }
0x1d3: {  	v2 =	vmax.f32 v22, $0.0e+00;
	[tilespmem:s11+$0x9140] =	vst v1  }
0x1d4: {  	v1 =	vmax.f32 v23, $0.0e+00;
	[tilespmem:s11+$0x9150] =	vst v2  }
0x1d5: {  	v2 =	vmax.f32 v24, $0.0e+00;
	[tilespmem:s11+$0x9160] =	vst v1  }
0x1d6: {  	v1 =	vmax.f32 v25, $0.0e+00;
	[tilespmem:s11+$0x9170] =	vst v2  }
0x1d7: {  	v2 =	vmax.f32 v26, $0.0e+00;
	[tilespmem:s11+$0x9180] =	vst v1  }
0x1d8: {  	v1 =	vmax.f32 v27, $0.0e+00;
	[tilespmem:s11+$0x9190] =	vst v2  }
0x1d9: {  	v2 =	vmax.f32 v28, $0.0e+00;
	[tilespmem:s11+$0x91A0] =	vst v1  }
0x1da: {  	p1 =	seq.s32 s22, $0x0;
	v1 =	vmax.f32 v29, $0.0e+00;
	[tilespmem:s11+$0x91B0] =	vst v2  }
.Ltmp8:
0x1db: {  	s12 =	sshrl.u32 s21, $0x2;
	s13 =	sshll.u32 s21, $0xB;
	v2 =	vmax.f32 v30, $0.0e+00;
	[tilespmem:s11+$0x91C0] =	vst v1;
	(pc) =	sbr.rel @p1 .LBB2_15-.Ltmp8, $4  }
0x1dc: {  	s12 =	sadd.s32 s7, s12;
	s13 =	sand.u32 $0x1000, s13;
	v1 =	vmax.f32 v31, $0.0e+00;
	[tilespmem:s11+$0x91D0] =	vst v2  }
0x1dd: {  	s12 =	sshll.u32 s12, $0xD;
	s13 =	sadd.s32 s1, s13;
	v2 =	vmax.f32 v32, $0.0e+00;
	[tilespmem:s11+$0x91E0] =	vst v1  }
0x1de: {  	s13 =	sadd.s32 s12, s13;
	[tilespmem:s11+$0x91F0] =	vst v2  }
0x1df: {  	[hbm4b:s13+s3] =	stream.linear.scatter [tilespmem:s18], [sflag:$0x3], $0x4000, $0x38;
	[tilespmem:$0x19000] =	vst v63  }
.LBB2_10:
0x1e0: {  	p1 =	seq.s32 s21, $0x7F  }
.Ltmp9:
0x1e1: {  	_ = 	snop;
	(pc) =	sbr.rel @p1 .LBB2_12-.Ltmp9, $1  }
0x1e2: {  	_ =	sdelay $0x3  }
0x1e3: {  	s11 =	sadd.s32 $0x1, s21  }
0x1e4: {  	s12 =	sshrl.u32 s11, $0x2  }
0x1e5: {  	s11 =	sshll.u32 s11, $0x7;
	s13 =	sadd.s32 s7, s12;
	s12 =	sshll.u32 s12, $0x4  }
0x1e6: {  	s11 =	sand.u32 $0x180, s11;
	s13 =	sand.u32 $0x600, s13;
	v1 =	vld [tilespmem:s12+$0x800]  }
0x1e7: {  	v2 =	vld [tilespmem:s12+$0xA00];
	s11 =	sor.u32 s11, s13  }
0x1e8: {  	v3 =	vld [tilespmem:s11+$0x0]  }
0x1e9: {  	v4 =	vld [tilespmem:s11+$0x400];
	_ =	sdelay $0x2  }
0x1ea: {  	v5 =	vadd.s32 $0x200, v1  }
0x1eb: {  	v1 =	vadd.s32 $0x600, v1;
	v6 =	vsub.s32 v5, v3  }
0x1ec: {  	v7 =	vadd.s32 $0xA00, v2;
	v44 =	vsub.s32 v1, v4;
	[tilespmem:$0xC00] =	vst v6  }
0x1ed: {  	v2 =	vadd.s32 $0xE00, v2;
	v3 =	vsub.s32 v7, v3;
	[tilespmem:$0xC80] =	vst v44  }
0x1ee: {  	[tilespmem:$0xD00] =	vst v3;
	v3 =	vsub.s32 v2, v4  }
0x1ef: {  	[tilespmem:$0xD80] =	vst v3  }
0x1f0: {  	v3 =	vld [tilespmem:s11+$0x10]  }
0x1f1: {  	v45 =	vld [tilespmem:s11+$0x410];
	_ =	sdelay $0x3  }
0x1f2: {  	v46 =	vsub.s32 v5, v3  }
0x1f3: {  	v47 =	vsub.s32 v1, v45;
	[tilespmem:$0xC10] =	vst v46  }
0x1f4: {  	v3 =	vsub.s32 v7, v3;
	[tilespmem:$0xC90] =	vst v47  }
0x1f5: {  	[tilespmem:$0xD10] =	vst v3;
	v3 =	vsub.s32 v2, v45  }
0x1f6: {  	[tilespmem:$0xD90] =	vst v3  }
0x1f7: {  	v3 =	vld [tilespmem:s11+$0x20]  }
0x1f8: {  	v48 =	vld [tilespmem:s11+$0x420];
	_ =	sdelay $0x3  }
0x1f9: {  	v49 =	vsub.s32 v5, v3  }
0x1fa: {  	v50 =	vsub.s32 v1, v48;
	[tilespmem:$0xC20] =	vst v49  }
0x1fb: {  	v3 =	vsub.s32 v7, v3;
	[tilespmem:$0xCA0] =	vst v50  }
0x1fc: {  	[tilespmem:$0xD20] =	vst v3;
	v3 =	vsub.s32 v2, v48  }
0x1fd: {  	[tilespmem:$0xDA0] =	vst v3  }
0x1fe: {  	v3 =	vld [tilespmem:s11+$0x30]  }
0x1ff: {  	v51 =	vld [tilespmem:s11+$0x430];
	_ =	sdelay $0x3  }
0x200: {  	v52 =	vsub.s32 v5, v3  }
0x201: {  	v53 =	vsub.s32 v1, v51;
	[tilespmem:$0xC30] =	vst v52  }
0x202: {  	v3 =	vsub.s32 v7, v3;
	[tilespmem:$0xCB0] =	vst v53  }
0x203: {  	[tilespmem:$0xD30] =	vst v3;
	v3 =	vsub.s32 v2, v51  }
0x204: {  	[tilespmem:$0xDB0] =	vst v3  }
0x205: {  	v3 =	vld [tilespmem:s11+$0x40]  }
0x206: {  	v54 =	vld [tilespmem:s11+$0x440];
	_ =	sdelay $0x3  }
0x207: {  	v55 =	vsub.s32 v5, v3  }
0x208: {  	v56 =	vsub.s32 v1, v54;
	[tilespmem:$0xC40] =	vst v55  }
0x209: {  	v3 =	vsub.s32 v7, v3;
	[tilespmem:$0xCC0] =	vst v56  }
0x20a: {  	[tilespmem:$0xD40] =	vst v3;
	v3 =	vsub.s32 v2, v54  }
0x20b: {  	[tilespmem:$0xDC0] =	vst v3  }
0x20c: {  	v3 =	vld [tilespmem:s11+$0x50]  }
0x20d: {  	v57 =	vld [tilespmem:s11+$0x450];
	_ =	sdelay $0x3  }
0x20e: {  	v58 =	vsub.s32 v5, v3  }
0x20f: {  	v59 =	vsub.s32 v1, v57;
	[tilespmem:$0xC50] =	vst v58  }
0x210: {  	v3 =	vsub.s32 v7, v3;
	[tilespmem:$0xCD0] =	vst v59  }
0x211: {  	[tilespmem:$0xD50] =	vst v3;
	v3 =	vsub.s32 v2, v57  }
0x212: {  	[tilespmem:$0xDD0] =	vst v3  }
0x213: {  	v3 =	vld [tilespmem:s11+$0x60]  }
0x214: {  	v60 =	vld [tilespmem:s11+$0x460];
	_ =	sdelay $0x3  }
0x215: {  	v61 =	vsub.s32 v5, v3  }
0x216: {  	v62 =	vsub.s32 v1, v60;
	[tilespmem:$0xC60] =	vst v61  }
0x217: {  	v3 =	vsub.s32 v7, v3;
	[tilespmem:$0xCE0] =	vst v62  }
0x218: {  	[tilespmem:$0xD60] =	vst v3;
	v3 =	vsub.s32 v2, v60  }
0x219: {  	[tilespmem:$0xDE0] =	vst v3  }
0x21a: {  	v3 =	vld [tilespmem:s11+$0x70]  }
0x21b: {  	v63 =	vld [tilespmem:s11+$0x470];
	_ =	sdelay $0x3  }
0x21c: {  	v5 =	vsub.s32 v5, v3  }
0x21d: {  	v1 =	vsub.s32 v1, v63;
	[tilespmem:$0xC70] =	vst v5  }
0x21e: {  	[tilespmem:$0xCF0] =	vst v1;
	v1 =	vsub.s32 v7, v3  }
0x21f: {  	[tilespmem:$0xD70] =	vst v1;
	v1 =	vsub.s32 v2, v63  }
0x220: {  	[tilespmem:$0xDF0] =	vst v1  }
0x221: {  	[tilespmem:s26], [sflag:$0x1] =	stream.indirect.gather.add.f32 [spmem:s2], $0x80, s25, s24, $0xb8;
	[tilespmem:$0x19000] =	vst v63  }
0x222: {  	_ = 	snop  }
0x223: {  	[tilespmem:s26], [sflag:$0x1] =	stream.indirect.gather.add.f32 [spmem:s2], $0x80, s28, s24, $0xb8;
	[tilespmem:$0x19000] =	vst v63  }
0x224: {  	_ = 	snop  }
0x225: {  	[tilespmem:s26], [sflag:$0x1] =	stream.indirect.gather.add.f32 [spmem:s2], $0x80, s29, s24, $0xb8;
	[tilespmem:$0x19000] =	vst v63  }
0x226: {  	_ = 	snop  }
0x227: {  	[tilespmem:s26], [sflag:$0x1] =	stream.indirect.gather.add.f32 [spmem:s2], $0x80, s30, s24, $0xb8;
	[tilespmem:$0x19000] =	vst v63  }
.LBB2_12:
0x228: {  	_ =	swait.ge [sflag:s31], $0x4000  }
0x229: {  	[sflag:s31] =	ssyncset.done $0x0  }
0x22a: {  	[sflag:s31] =	ssyncadd.s32 $0xFFFFC000  }
0x22b: {  	_ =	swait.ge [sflag:s31], $0x4000  }
0x22c: {  	[sflag:s31] =	ssyncset.done $0x0  }
0x22d: {  	[sflag:s31] =	ssyncadd.s32 $0xFFFFC000  }
0x22e: {  	_ =	swait.ge [sflag:s31], $0x4000  }
0x22f: {  	[sflag:s31] =	ssyncset.done $0x0  }
0x230: {  	[sflag:s31] =	ssyncadd.s32 $0xFFFFC000  }
0x231: {  	_ =	swait.ge [sflag:s31], $0x4000  }
0x232: {  	p1 =	slt.u32 s21, $0x2;
	[sflag:s31] =	ssyncset.done $0x0  }
0x233: {  	s11 =	simm.s32 @!p1 $0x4;
	[sflag:s31] =	ssyncadd.s32 $0xFFFFC000  }
0x234: {  	_ =	swait.ge @!p1 [sflag:s11], $0x4000  }
0x235: {  	[sflag:s11] =	ssyncset.done @!p1 $0x0  }
0x236: {  	[sflag:s11] =	ssyncadd.s32 @!p1 $0xFFFFC000;
	s11 =	simm.s32 $0x0  }
0x237: {  	v1 =	vld [tilespmem:s11+$0x5000];
	[tilespmem:s11+$0x5000] =	vst v0  }
0x238: {  	v2 =	vld [tilespmem:s11+$0x5010];
	[tilespmem:s11+$0x5010] =	vst v0  }
0x239: {  	v3 =	vld [tilespmem:s11+$0x5020];
	[tilespmem:s11+$0x5020] =	vst v0  }
0x23a: {  	v4 =	vld [tilespmem:s11+$0x5030];
	[tilespmem:s11+$0x5030] =	vst v0  }
0x23b: {  	v5 =	vld [tilespmem:s11+$0x5040];
	[tilespmem:s11+$0x5040] =	vst v0  }
0x23c: {  	v6 =	vld [tilespmem:s11+$0x5050];
	[tilespmem:s11+$0x5050] =	vst v0  }
0x23d: {  	v7 =	vld [tilespmem:s11+$0x5060];
	[tilespmem:s11+$0x5060] =	vst v0  }
0x23e: {  	v8 =	vld [tilespmem:s11+$0x5070];
	[tilespmem:s11+$0x5070] =	vst v0  }
0x23f: {  	v9 =	vld [tilespmem:s11+$0x5080];
	[tilespmem:s11+$0x5080] =	vst v0  }
0x240: {  	v10 =	vld [tilespmem:s11+$0x5090];
	[tilespmem:s11+$0x5090] =	vst v0  }
0x241: {  	v11 =	vld [tilespmem:s11+$0x50A0];
	[tilespmem:s11+$0x50A0] =	vst v0  }
0x242: {  	v12 =	vld [tilespmem:s11+$0x50B0];
	[tilespmem:s11+$0x50B0] =	vst v0  }
0x243: {  	v13 =	vld [tilespmem:s11+$0x50C0];
	[tilespmem:s11+$0x50C0] =	vst v0  }
0x244: {  	v14 =	vld [tilespmem:s11+$0x50D0];
	[tilespmem:s11+$0x50D0] =	vst v0  }
0x245: {  	v15 =	vld [tilespmem:s11+$0x50E0];
	[tilespmem:s11+$0x50E0] =	vst v0  }
0x246: {  	v16 =	vld [tilespmem:s11+$0x50F0];
	[tilespmem:s11+$0x50F0] =	vst v0  }
0x247: {  	v17 =	vld [tilespmem:s11+$0x5100];
	[tilespmem:s11+$0x5100] =	vst v0  }
0x248: {  	v18 =	vld [tilespmem:s11+$0x5110];
	[tilespmem:s11+$0x5110] =	vst v0  }
0x249: {  	v19 =	vld [tilespmem:s11+$0x5120];
	[tilespmem:s11+$0x5120] =	vst v0;
	v1 =	vmax.f32 v1, $0.0e+00;
	v2 =	vmax.f32 v2, $0.0e+00  }
0x24a: {  	v20 =	vld [tilespmem:s11+$0x5130];
	[tilespmem:s11+$0x5130] =	vst v0;
	v3 =	vmax.f32 v3, $0.0e+00;
	v4 =	vmax.f32 v4, $0.0e+00;
	v5 =	vmax.f32 v5, $0.0e+00  }
0x24b: {  	v21 =	vld [tilespmem:s11+$0x5140];
	[tilespmem:s11+$0x5140] =	vst v0;
	v6 =	vmax.f32 v6, $0.0e+00;
	v7 =	vmax.f32 v7, $0.0e+00;
	v8 =	vmax.f32 v8, $0.0e+00  }
0x24c: {  	v22 =	vld [tilespmem:s11+$0x5150];
	[tilespmem:s11+$0x5150] =	vst v0;
	v9 =	vmax.f32 v9, $0.0e+00;
	v10 =	vmax.f32 v10, $0.0e+00;
	v11 =	vmax.f32 v11, $0.0e+00  }
0x24d: {  	v23 =	vld [tilespmem:s11+$0x5160];
	[tilespmem:s11+$0x5160] =	vst v0;
	v12 =	vmax.f32 v12, $0.0e+00;
	v13 =	vmax.f32 v13, $0.0e+00;
	v14 =	vmax.f32 v14, $0.0e+00  }
0x24e: {  	v24 =	vld [tilespmem:s11+$0x5170];
	[tilespmem:s11+$0x5170] =	vst v0;
	v15 =	vmax.f32 v15, $0.0e+00;
	v16 =	vmax.f32 v16, $0.0e+00;
	v17 =	vmax.f32 v17, $0.0e+00  }
0x24f: {  	s12 =	simm.s32 $0x800;
	v25 =	vld [tilespmem:s11+$0x5180];
	[tilespmem:s11+$0x5180] =	vst v0;
	v18 =	vmax.f32 v18, $0.0e+00;
	v19 =	vmax.f32 v19, $0.0e+00;
	v20 =	vmax.f32 v20, $0.0e+00  }
.LBB2_13:
0x250: {  	p1 =	sne.s32 s12, $0xF800;
	v21 =	vmax.f32 v21, $0.0e+00;
	v26 =	vld [tilespmem:s11+$0x5190];
	[tilespmem:s11+$0x5190] =	vst v0  }
0x251: {  	v22 =	vmax.f32 v22, $0.0e+00;
	v27 =	vld [tilespmem:s11+$0x51A0];
	[tilespmem:s11+$0x51A0] =	vst v0  }
0x252: {  	v23 =	vmax.f32 v23, $0.0e+00;
	v28 =	vld [tilespmem:s11+$0x51B0];
	[tilespmem:s11+$0x51B0] =	vst v0  }
0x253: {  	v24 =	vmax.f32 v24, $0.0e+00;
	v29 =	vld [tilespmem:s11+$0x51C0];
	[tilespmem:s11+$0x51C0] =	vst v0  }
0x254: {  	v25 =	vmax.f32 v25, $0.0e+00;
	v30 =	vld [tilespmem:s11+$0x51D0];
	[tilespmem:s11+$0x51D0] =	vst v0  }
0x255: {  	v26 =	vmax.f32 v26, $0.0e+00;
	v31 =	vld [tilespmem:s11+$0x51E0];
	[tilespmem:s11+$0x51E0] =	vst v0  }
0x256: {  	v27 =	vmax.f32 v27, $0.0e+00;
	v32 =	vld [tilespmem:s11+$0x51F0];
	[tilespmem:s11+$0x51F0] =	vst v0  }
0x257: {  	[tilespmem:s11+$0xD000] =	vst v1;
	v1 =	vmax.f32 v28, $0.0e+00  }
0x258: {  	[tilespmem:s11+$0xD010] =	vst v2;
	v2 =	vmax.f32 v29, $0.0e+00  }
0x259: {  	[tilespmem:s11+$0xD020] =	vst v3;
	v3 =	vmax.f32 v30, $0.0e+00  }
0x25a: {  	[tilespmem:s11+$0xD030] =	vst v4;
	v4 =	vmax.f32 v31, $0.0e+00  }
0x25b: {  	[tilespmem:s11+$0xD040] =	vst v5;
	v5 =	vmax.f32 v32, $0.0e+00  }
0x25c: {  	[tilespmem:s11+$0xD050] =	vst v6  }
0x25d: {  	[tilespmem:s11+$0xD060] =	vst v7  }
0x25e: {  	[tilespmem:s11+$0xD070] =	vst v8  }
0x25f: {  	[tilespmem:s11+$0xD080] =	vst v9  }
0x260: {  	[tilespmem:s11+$0xD090] =	vst v10  }
0x261: {  	[tilespmem:s11+$0xD0A0] =	vst v11  }
0x262: {  	[tilespmem:s11+$0xD0B0] =	vst v12  }
0x263: {  	[tilespmem:s11+$0xD0C0] =	vst v13  }
0x264: {  	[tilespmem:s11+$0xD0D0] =	vst v14  }
0x265: {  	[tilespmem:s11+$0xD0E0] =	vst v15  }
0x266: {  	[tilespmem:s11+$0xD0F0] =	vst v16  }
0x267: {  	[tilespmem:s11+$0xD100] =	vst v17  }
0x268: {  	[tilespmem:s11+$0xD110] =	vst v18  }
0x269: {  	[tilespmem:s11+$0xD120] =	vst v19  }
0x26a: {  	[tilespmem:s11+$0xD130] =	vst v20  }
0x26b: {  	[tilespmem:s11+$0xD140] =	vst v21  }
0x26c: {  	[tilespmem:s11+$0xD150] =	vst v22  }
0x26d: {  	[tilespmem:s11+$0xD160] =	vst v23  }
0x26e: {  	[tilespmem:s11+$0xD170] =	vst v24  }
0x26f: {  	[tilespmem:s11+$0xD180] =	vst v25  }
0x270: {  	[tilespmem:s11+$0xD190] =	vst v26  }
0x271: {  	[tilespmem:s11+$0xD1A0] =	vst v27  }
0x272: {  	[tilespmem:s11+$0xD1B0] =	vst v1  }
0x273: {  	[tilespmem:s11+$0xD1C0] =	vst v2  }
0x274: {  	[tilespmem:s11+$0xD1D0] =	vst v3  }
0x275: {  	[tilespmem:s11+$0xD1E0] =	vst v4  }
0x276: {  	[tilespmem:s11+$0xD1F0] =	vst v5;
	s11 =	sshra.s32 s12, $0x2  }
0x277: {  	v1 =	vld [tilespmem:s11+$0x5000];
	[tilespmem:s11+$0x5000] =	vst v0  }
0x278: {  	v2 =	vld [tilespmem:s11+$0x5010];
	[tilespmem:s11+$0x5010] =	vst v0  }
0x279: {  	v3 =	vld [tilespmem:s11+$0x5020];
	[tilespmem:s11+$0x5020] =	vst v0  }
0x27a: {  	v4 =	vld [tilespmem:s11+$0x5030];
	[tilespmem:s11+$0x5030] =	vst v0  }
0x27b: {  	v5 =	vld [tilespmem:s11+$0x5040];
	[tilespmem:s11+$0x5040] =	vst v0  }
0x27c: {  	v1 =	vmax.f32 v1, $0.0e+00;
	v6 =	vld [tilespmem:s11+$0x5050];
	[tilespmem:s11+$0x5050] =	vst v0  }
0x27d: {  	v2 =	vmax.f32 v2, $0.0e+00;
	v7 =	vld [tilespmem:s11+$0x5060];
	[tilespmem:s11+$0x5060] =	vst v0  }
0x27e: {  	v3 =	vmax.f32 v3, $0.0e+00;
	v8 =	vld [tilespmem:s11+$0x5070];
	[tilespmem:s11+$0x5070] =	vst v0  }
0x27f: {  	v4 =	vmax.f32 v4, $0.0e+00;
	v9 =	vld [tilespmem:s11+$0x5080];
	[tilespmem:s11+$0x5080] =	vst v0  }
0x280: {  	v5 =	vmax.f32 v5, $0.0e+00;
	v10 =	vld [tilespmem:s11+$0x5090];
	[tilespmem:s11+$0x5090] =	vst v0  }
0x281: {  	v6 =	vmax.f32 v6, $0.0e+00;
	v11 =	vld [tilespmem:s11+$0x50A0];
	[tilespmem:s11+$0x50A0] =	vst v0  }
0x282: {  	v7 =	vmax.f32 v7, $0.0e+00;
	v12 =	vld [tilespmem:s11+$0x50B0];
	[tilespmem:s11+$0x50B0] =	vst v0  }
0x283: {  	v8 =	vmax.f32 v8, $0.0e+00;
	v13 =	vld [tilespmem:s11+$0x50C0];
	[tilespmem:s11+$0x50C0] =	vst v0  }
0x284: {  	v9 =	vmax.f32 v9, $0.0e+00;
	v14 =	vld [tilespmem:s11+$0x50D0];
	[tilespmem:s11+$0x50D0] =	vst v0  }
0x285: {  	v10 =	vmax.f32 v10, $0.0e+00;
	v15 =	vld [tilespmem:s11+$0x50E0];
	[tilespmem:s11+$0x50E0] =	vst v0  }
0x286: {  	v11 =	vmax.f32 v11, $0.0e+00;
	v16 =	vld [tilespmem:s11+$0x50F0];
	[tilespmem:s11+$0x50F0] =	vst v0  }
0x287: {  	v12 =	vmax.f32 v12, $0.0e+00;
	v17 =	vld [tilespmem:s11+$0x5100];
	[tilespmem:s11+$0x5100] =	vst v0  }
0x288: {  	v13 =	vmax.f32 v13, $0.0e+00;
	v18 =	vld [tilespmem:s11+$0x5110];
	[tilespmem:s11+$0x5110] =	vst v0  }
0x289: {  	v14 =	vmax.f32 v14, $0.0e+00;
	v19 =	vld [tilespmem:s11+$0x5120];
	[tilespmem:s11+$0x5120] =	vst v0  }
0x28a: {  	v15 =	vmax.f32 v15, $0.0e+00;
	v20 =	vld [tilespmem:s11+$0x5130];
	[tilespmem:s11+$0x5130] =	vst v0  }
.Ltmp10:
0x28b: {  	v16 =	vmax.f32 v16, $0.0e+00;
	v21 =	vld [tilespmem:s11+$0x5140];
	[tilespmem:s11+$0x5140] =	vst v0;
	(pc) =	sbr.rel @p1 .LBB2_13-.Ltmp10, $4  }
0x28c: {  	v17 =	vmax.f32 v17, $0.0e+00;
	v22 =	vld [tilespmem:s11+$0x5150];
	[tilespmem:s11+$0x5150] =	vst v0  }
0x28d: {  	v18 =	vmax.f32 v18, $0.0e+00;
	v23 =	vld [tilespmem:s11+$0x5160];
	[tilespmem:s11+$0x5160] =	vst v0  }
0x28e: {  	v19 =	vmax.f32 v19, $0.0e+00;
	v24 =	vld [tilespmem:s11+$0x5170];
	[tilespmem:s11+$0x5170] =	vst v0  }
0x28f: {  	s12 =	sadd.s32 $0x800, s12;
	v20 =	vmax.f32 v20, $0.0e+00;
	v25 =	vld [tilespmem:s11+$0x5180];
	[tilespmem:s11+$0x5180] =	vst v0  }
0x290: {  	v26 =	vld [tilespmem:s11+$0x5190];
	[tilespmem:s11+$0x5190] =	vst v0  }
0x291: {  	v27 =	vld [tilespmem:s11+$0x51A0];
	[tilespmem:s11+$0x51A0] =	vst v0  }
0x292: {  	v28 =	vld [tilespmem:s11+$0x51B0];
	[tilespmem:s11+$0x51B0] =	vst v0  }
0x293: {  	v29 =	vld [tilespmem:s11+$0x51C0];
	[tilespmem:s11+$0x51C0] =	vst v0  }
0x294: {  	v30 =	vld [tilespmem:s11+$0x51D0];
	[tilespmem:s11+$0x51D0] =	vst v0  }
0x295: {  	v31 =	vld [tilespmem:s11+$0x51E0];
	[tilespmem:s11+$0x51E0] =	vst v0  }
0x296: {  	v32 =	vld [tilespmem:s11+$0x51F0];
	[tilespmem:s11+$0x51F0] =	vst v0  }
0x297: {  	[tilespmem:s11+$0xD000] =	vst v1  }
0x298: {  	[tilespmem:s11+$0xD010] =	vst v2  }
0x299: {  	[tilespmem:s11+$0xD020] =	vst v3  }
0x29a: {  	[tilespmem:s11+$0xD030] =	vst v4  }
0x29b: {  	[tilespmem:s11+$0xD040] =	vst v5  }
0x29c: {  	[tilespmem:s11+$0xD050] =	vst v6  }
0x29d: {  	[tilespmem:s11+$0xD060] =	vst v7  }
0x29e: {  	[tilespmem:s11+$0xD070] =	vst v8  }
0x29f: {  	[tilespmem:s11+$0xD080] =	vst v9  }
0x2a0: {  	[tilespmem:s11+$0xD090] =	vst v10  }
0x2a1: {  	[tilespmem:s11+$0xD0A0] =	vst v11  }
0x2a2: {  	[tilespmem:s11+$0xD0B0] =	vst v12  }
0x2a3: {  	[tilespmem:s11+$0xD0C0] =	vst v13  }
0x2a4: {  	[tilespmem:s11+$0xD0D0] =	vst v14  }
0x2a5: {  	[tilespmem:s11+$0xD0E0] =	vst v15  }
0x2a6: {  	[tilespmem:s11+$0xD0F0] =	vst v16  }
0x2a7: {  	[tilespmem:s11+$0xD100] =	vst v17  }
0x2a8: {  	[tilespmem:s11+$0xD110] =	vst v18  }
0x2a9: {  	[tilespmem:s11+$0xD120] =	vst v19  }
0x2aa: {  	v1 =	vmax.f32 v21, $0.0e+00;
	[tilespmem:s11+$0xD130] =	vst v20  }
0x2ab: {  	v2 =	vmax.f32 v22, $0.0e+00;
	[tilespmem:s11+$0xD140] =	vst v1  }
0x2ac: {  	v1 =	vmax.f32 v23, $0.0e+00;
	[tilespmem:s11+$0xD150] =	vst v2  }
0x2ad: {  	v2 =	vmax.f32 v24, $0.0e+00;
	[tilespmem:s11+$0xD160] =	vst v1  }
0x2ae: {  	v1 =	vmax.f32 v25, $0.0e+00;
	[tilespmem:s11+$0xD170] =	vst v2  }
0x2af: {  	v2 =	vmax.f32 v26, $0.0e+00;
	[tilespmem:s11+$0xD180] =	vst v1  }
0x2b0: {  	v1 =	vmax.f32 v27, $0.0e+00;
	[tilespmem:s11+$0xD190] =	vst v2  }
0x2b1: {  	v2 =	vmax.f32 v28, $0.0e+00;
	[tilespmem:s11+$0xD1A0] =	vst v1  }
0x2b2: {  	v1 =	vmax.f32 v29, $0.0e+00;
	[tilespmem:s11+$0xD1B0] =	vst v2  }
.Ltmp11:
0x2b3: {  	s12 =	sshrl.u32 s21, $0x2;
	s13 =	sshll.u32 s21, $0xB;
	v2 =	vmax.f32 v30, $0.0e+00;
	[tilespmem:s11+$0xD1C0] =	vst v1;
	(pc) =	sbr.rel .LBB2_15-.Ltmp11, $4  }
0x2b4: {  	s12 =	sadd.s32 s7, s12;
	s13 =	sand.u32 $0x1800, s13;
	v1 =	vmax.f32 v31, $0.0e+00;
	[tilespmem:s11+$0xD1D0] =	vst v2  }
0x2b5: {  	s12 =	sshll.u32 s12, $0xD;
	s13 =	sadd.s32 s1, s13;
	v2 =	vmax.f32 v32, $0.0e+00;
	[tilespmem:s11+$0xD1E0] =	vst v1  }
0x2b6: {  	s22 =	sadd.s32 s12, s13;
	[tilespmem:s11+$0xD1F0] =	vst v2  }
0x2b7: {  	[hbm4b:s22+s3] =	stream.linear.scatter [tilespmem:s0], [sflag:$0x4], $0x4000, $0x38;
	[tilespmem:$0x19000] =	vst v63  }
.LBB2_17:
0x2b8: {  	_ =	sfence.sel $0x180000  }
0x2b9: {  	[bflag:$0x0] =	sbarrier.arrive $0xFFFF  }
0x2ba: {  	_ =	strace $0x90000047  }
0x2bb: {  	[bflag:$0x2] =	sbarrier.arrive $0xFFFF  }
0x2bc: {  	s0 =	rddreg [dreg:$0x3]  }
0x2bd: {  	s0 =	sadd.s32 @!p0 $0x100000, s0  }
0x2be: {  	[sflag:s0] =	ssyncadd.tile.s32 @!p0 $0x1;
	_ =	shalt  }
.Lfunc_end2:
_tile_overlayer_lowered:
.L_overlay_start_2:
0x2bf: {  	(tag) =	ssettag $0x2  }
0x2c0: {  	s0 =	rddreg [dreg:$0x0];
	s2 =	stileid.u32  }
0x2c1: {  	s1 =	rddreg [dreg:$0x1];
	p0 =	sne.s32 s2, $0x0  }
0x2c2: {  	s3 =	rddreg [dreg:$0x2];
	[bflag:$0x3] =	sbarrier.arrive $0xFFFF;
	s2 =	simm.s32 @!p0 $0x1C05  }
0x2c3: {  	[timem:s3], [sflag:s2] =	dma.local @!p0 [hbm:s0], s1  }
0x2c4: {  	s0 =	simm.s32 @!p0 $0x5  }
0x2c5: {  	_ =	swait.ge @!p0 [sflag:s0], s1  }
0x2c6: {  	s1 =	ssub.s32 @!p0 $0x0, s1;
	[sflag:s0] =	ssyncset.done @!p0 $0x0  }
0x2c7: {  	[sflag:s0] =	ssyncadd.s32 @!p0 s1  }
0x2c8: {  	[bflag:$0x3] =	sbarrier.arrive $0xFFFF  }
0x2c9: {  	_ =	shalt  }

</sc_bundles>
